<compile_context>
chip_gen: v7x
topology: tpu7x:2x2x1
jax: 0.10.2.dev20260603
libtpu: 0.0.44.dev20260713+nightly
codegen_flags: <defaults>
</compile_context>

<pallas_src>
import functools

import jax
import jax.numpy as jnp
from jax import lax
from jax.experimental import pallas as pl
from jax.experimental.pallas import tpu as pltpu
from jax.experimental.pallas import tpu_sc as plsc

N_NODES = 10000
NPAD = 10240
N_EDGES = 320000
NC = 2
NS = 16
NW = NC * NS
CHUNK = 400
PER_W = N_EDGES // NW
NCH = PER_W // CHUNK
PER_S = N_EDGES // NS
NCH1 = PER_S // CHUNK
ROWS_PER_SUB = NPAD // NS
ZR = 64

_MESH = plsc.VectorSubcoreMesh(
    core_axis_name="c", subcore_axis_name="s", num_cores=NC, num_subcores=NS
)


def _fill_zeros(ref, nrows, d):
    per_row = d // 16

    def body(i, _):
        r = i // per_row
        col = (i % per_row) * 16
        ref[r, pl.ds(col, 16)] = jnp.zeros((16,), jnp.float32)
        return 0

    lax.fori_loop(0, nrows * per_row, body, 0)


def _zero_acc(acc_sh, zbuf_v, s, d):
    _fill_zeros(zbuf_v, ZR, d)

    def zcopy(j, _):
        pltpu.sync_copy(zbuf_v, acc_sh.at[pl.ds(s * ROWS_PER_SUB + j * ZR, ZR)])
        return 0

    lax.fori_loop(0, ROWS_PER_SUB // ZR, zcopy, 0)


def _deg_body(dst3_hbm, out_hbm, idx_v, ones_v, zbuf_v, deg_sh):
    c = lax.axis_index("c")
    s = lax.axis_index("s")
    wid = s * NC + c

    def fill_ones(i, _):
        ones_v[pl.ds(i * 16, 16)] = jnp.ones((16,), jnp.float32)
        return 0

    lax.fori_loop(0, CHUNK // 16, fill_ones, 0)

    def fill_z(i, _):
        zbuf_v[pl.ds(i * 16, 16)] = jnp.zeros((16,), jnp.float32)
        return 0

    lax.fori_loop(0, ROWS_PER_SUB // 16, fill_z, 0)
    pltpu.sync_copy(zbuf_v, deg_sh.at[pl.ds(s * ROWS_PER_SUB, ROWS_PER_SUB)])
    plsc.subcore_barrier()

    pltpu.sync_copy(dst3_hbm.at[wid], idx_v)

    def body(k, _):
        pltpu.sync_copy(ones_v, deg_sh.at[idx_v.at[k]], add=True)
        return 0

    lax.fori_loop(0, NCH, body, 0)
    plsc.subcore_barrier()
    sl = pl.ds(s * ROWS_PER_SUB, ROWS_PER_SUB)
    pltpu.sync_copy(deg_sh.at[sl], out_hbm.at[c, sl])


@functools.partial(
    pl.kernel,
    out_type=jax.ShapeDtypeStruct((NC, NPAD), jnp.float32),
    mesh=_MESH,
    compiler_params=pltpu.CompilerParams(use_tc_tiling_on_sc=False),
    scratch_types=[
        pltpu.VMEM((NCH, CHUNK), jnp.int32),
        pltpu.VMEM((CHUNK,), jnp.float32),
        pltpu.VMEM((ROWS_PER_SUB,), jnp.float32),
        pltpu.VMEM_SHARED((NPAD,), jnp.float32),
    ],
    name="gcn_deg",
)
def _deg(dst3_hbm, out_hbm, idx_v, ones_v, zbuf_v, deg_sh):
    _deg_body(dst3_hbm, out_hbm, idx_v, ones_v, zbuf_v, deg_sh)


def _edge_loop(nch, load_idx, wait_idx, start_gather, wait_gather, scatter):
    load_idx(0, 0)
    wait_idx(0)
    start_gather(0)
    load_idx(1, 1)
    n_pairs = (nch - 2) // 2

    def step(k, b):
        wait_gather(b)
        wait_idx(1 - b)
        start_gather(1 - b)
        scatter(b)
        load_idx(k + 2, b)

    def pair(i, _):
        step(i * 2, 0)
        step(i * 2 + 1, 1)
        return 0

    lax.fori_loop(0, n_pairs, pair, 0)
    for k in range(2 * n_pairs, nch):
        b = k % 2
        wait_gather(b)
        if k + 1 < nch:
            wait_idx(1 - b)
            start_gather(1 - b)
        scatter(b)
        if k + 2 < nch:
            load_idx(k + 2, b)


def _prop_common(gather_from, hs_like, src_slab, dst_slab, out_hbm, c, s,
                 nch, idx_sb, idx_db, rows_a, rows_b, zbuf_v, acc_sh,
                 gsem0, gsem1, isem0, isem1, d):
    _zero_acc(acc_sh, zbuf_v, s, d)
    plsc.subcore_barrier()

    rows = (rows_a, rows_b)
    gsems = (gsem0, gsem1)
    isems = (isem0, isem1)

    def load_idx(k, b):
        pltpu.async_copy(src_slab.at[k], idx_sb.at[b], isems[b])
        pltpu.async_copy(dst_slab.at[k], idx_db.at[b], isems[b])

    def wait_idx(b):
        pltpu.make_async_copy(src_slab.at[0], idx_sb.at[b], isems[b]).wait()
        pltpu.make_async_copy(dst_slab.at[0], idx_db.at[b], isems[b]).wait()

    def start_gather(b):
        gather_from(idx_sb.at[b], rows[b], gsems[b])

    def wait_gather(b):
        pltpu.make_async_copy(hs_like.at[idx_sb.at[b]], rows[b],
                              gsems[b]).wait()

    def scatter(b):
        pltpu.sync_copy(rows[b], acc_sh.at[idx_db.at[b]], add=True)

    _edge_loop(nch, load_idx, wait_idx, start_gather, wait_gather, scatter)
    plsc.subcore_barrier()
    sl = pl.ds(s * ROWS_PER_SUB, ROWS_PER_SUB)
    pltpu.sync_copy(acc_sh.at[sl], out_hbm.at[c, sl])


def _prop_scratch(d):
    return [
        pltpu.VMEM((2, CHUNK), jnp.int32),
        pltpu.VMEM((2, CHUNK), jnp.int32),
        pltpu.VMEM((CHUNK, d), jnp.float32),
        pltpu.VMEM((CHUNK, d), jnp.float32),
        pltpu.VMEM((ZR, d), jnp.float32),
        pltpu.VMEM_SHARED((NPAD, d), jnp.float32),
        pltpu.SemaphoreType.DMA,
        pltpu.SemaphoreType.DMA,
        pltpu.SemaphoreType.DMA,
        pltpu.SemaphoreType.DMA,
    ]


@functools.partial(
    pl.kernel,
    out_type=jax.ShapeDtypeStruct((NC, NPAD, 64), jnp.float32),
    mesh=_MESH,
    compiler_params=pltpu.CompilerParams(use_tc_tiling_on_sc=False),
    scratch_types=_prop_scratch(64),
    name="gcn_prop1",
)
def _prop1(hsA, hsB, src16, dst16, out_hbm, idx_sb, idx_db, rows_a, rows_b,
           zbuf_v, acc_sh, gsem0, gsem1, isem0, isem1):
    c = lax.axis_index("c")
    s = lax.axis_index("s")

    def gather_from(idx_ref, dst_ref, sem):
        @pl.when(c == 0)
        def _():
            pltpu.async_copy(hsA.at[idx_ref], dst_ref, sem)

        @pl.when(c == 1)
        def _():
            pltpu.async_copy(hsB.at[idx_ref], dst_ref, sem)

    _prop_common(gather_from, hsA, src16.at[s], dst16.at[s], out_hbm, c, s,
                 NCH1, idx_sb, idx_db, rows_a, rows_b, zbuf_v, acc_sh,
                 gsem0, gsem1, isem0, isem1, 64)


def _make_prop(d):
    @functools.partial(
        pl.kernel,
        out_type=jax.ShapeDtypeStruct((NC, NPAD, d), jnp.float32),
        mesh=_MESH,
        compiler_params=pltpu.CompilerParams(use_tc_tiling_on_sc=False),
        scratch_types=_prop_scratch(d),
        name=f"gcn_prop_{d}",
    )
    def prop(hs_hbm, src3_hbm, dst3_hbm, out_hbm, idx_sb, idx_db, rows_a,
             rows_b, zbuf_v, acc_sh, gsem0, gsem1, isem0, isem1):
        c = lax.axis_index("c")
        s = lax.axis_index("s")
        wid = s * NC + c

        def gather_from(idx_ref, dst_ref, sem):
            pltpu.async_copy(hs_hbm.at[idx_ref], dst_ref, sem)

        _prop_common(gather_from, hs_hbm, src3_hbm.at[wid], dst3_hbm.at[wid],
                     out_hbm, c, s, NCH, idx_sb, idx_db, rows_a, rows_b,
                     zbuf_v, acc_sh, gsem0, gsem1, isem0, isem1, d)

    return prop


_prop64 = _make_prop(64)
_prop16 = _make_prop(16)


BLK = 1024
GRID = NPAD // BLK


def _m1_body(x_ref, w_ref, d0_ref, d1_ref, hsA_ref, hsB_ref, dinv_ref):
    z = jnp.dot(x_ref[...], w_ref[...], preferred_element_type=jnp.float32)
    dinv = lax.rsqrt(d0_ref[...] + d1_ref[...] + 1.0)
    hs = z * dinv
    hsA_ref[...] = hs[:, :64]
    hsB_ref[...] = hs[:, 64:]
    dinv_ref[...] = dinv


def _m1(x, w1, d0, d1):
    din, dout = w1.shape
    return pl.pallas_call(
        _m1_body,
        grid=(GRID,),
        in_specs=[
            pl.BlockSpec((BLK, din), lambda i: (i, 0)),
            pl.BlockSpec((din, dout), lambda i: (0, 0)),
            pl.BlockSpec((BLK, 1), lambda i: (i, 0)),
            pl.BlockSpec((BLK, 1), lambda i: (i, 0)),
        ],
        out_specs=[
            pl.BlockSpec((BLK, 64), lambda i: (i, 0)),
            pl.BlockSpec((BLK, 64), lambda i: (i, 0)),
            pl.BlockSpec((BLK, 1), lambda i: (i, 0)),
        ],
        out_shape=[
            jax.ShapeDtypeStruct((NPAD, 64), jnp.float32),
            jax.ShapeDtypeStruct((NPAD, 64), jnp.float32),
            jax.ShapeDtypeStruct((NPAD, 1), jnp.float32),
        ],
    )(x, w1, d0, d1)


def _m2_body(a0_ref, a1_ref, hsA_ref, hsB_ref, dinv_ref, b_ref, w_ref,
             out_ref):
    dinv = dinv_ref[...]
    preA = dinv * (a0_ref[...] + hsA_ref[...]) + b_ref[:, :64]
    preB = dinv * (a1_ref[...] + hsB_ref[...]) + b_ref[:, 64:]
    h = jnp.concatenate([jnp.maximum(preA, 0.0), jnp.maximum(preB, 0.0)],
                        axis=1)
    z = jnp.dot(h, w_ref[...], preferred_element_type=jnp.float32)
    out_ref[...] = z * dinv


def _m2(a0, a1, hsA, hsB, dinv, b, w):
    din, dout = w.shape
    return pl.pallas_call(
        _m2_body,
        grid=(GRID,),
        in_specs=[
            pl.BlockSpec((BLK, 64), lambda i: (i, 0)),
            pl.BlockSpec((BLK, 64), lambda i: (i, 0)),
            pl.BlockSpec((BLK, 64), lambda i: (i, 0)),
            pl.BlockSpec((BLK, 64), lambda i: (i, 0)),
            pl.BlockSpec((BLK, 1), lambda i: (i, 0)),
            pl.BlockSpec((1, din), lambda i: (0, 0)),
            pl.BlockSpec((din, dout), lambda i: (0, 0)),
        ],
        out_specs=pl.BlockSpec((BLK, dout), lambda i: (i, 0)),
        out_shape=jax.ShapeDtypeStruct((NPAD, dout), jnp.float32),
    )(a0, a1, hsA, hsB, dinv, b, w)


def _m3_body(a0_ref, a1_ref, hs_ref, dinv_ref, b_ref, w_ref, out_ref):
    dinv = dinv_ref[...]
    pre = dinv * (a0_ref[...] + a1_ref[...] + hs_ref[...]) + b_ref[...]
    h = jnp.maximum(pre, 0.0)
    z = jnp.dot(h, w_ref[...], preferred_element_type=jnp.float32)
    out_ref[...] = z * dinv


def _m3(a0, a1, hs, dinv, b, w):
    din, dout = w.shape
    return pl.pallas_call(
        _m3_body,
        grid=(GRID,),
        in_specs=[
            pl.BlockSpec((BLK, din), lambda i: (i, 0)),
            pl.BlockSpec((BLK, din), lambda i: (i, 0)),
            pl.BlockSpec((BLK, din), lambda i: (i, 0)),
            pl.BlockSpec((BLK, 1), lambda i: (i, 0)),
            pl.BlockSpec((1, din), lambda i: (0, 0)),
            pl.BlockSpec((din, dout), lambda i: (0, 0)),
        ],
        out_specs=pl.BlockSpec((BLK, dout), lambda i: (i, 0)),
        out_shape=jax.ShapeDtypeStruct((NPAD, dout), jnp.float32),
    )(a0, a1, hs, dinv, b, w)


def _m4_body(a0_ref, a1_ref, hs_ref, dinv_ref, b_ref, out_ref):
    pre = (dinv_ref[...] * (a0_ref[...] + a1_ref[...] + hs_ref[...])
           + b_ref[...])
    m = jnp.max(pre, axis=1, keepdims=True)
    l = pre - m
    out_ref[...] = l - jnp.log(jnp.sum(jnp.exp(l), axis=1, keepdims=True))


def _m4(a0, a1, hs, dinv, b):
    d = hs.shape[1]
    return pl.pallas_call(
        _m4_body,
        grid=(GRID,),
        in_specs=[
            pl.BlockSpec((BLK, d), lambda i: (i, 0)),
            pl.BlockSpec((BLK, d), lambda i: (i, 0)),
            pl.BlockSpec((BLK, d), lambda i: (i, 0)),
            pl.BlockSpec((BLK, 1), lambda i: (i, 0)),
            pl.BlockSpec((1, d), lambda i: (0, 0)),
        ],
        out_specs=pl.BlockSpec((BLK, d), lambda i: (i, 0)),
        out_shape=jax.ShapeDtypeStruct((NPAD, d), jnp.float32),
    )(a0, a1, hs, dinv, b)


@jax.jit
def kernel(x, edge_index, W1, b1, W2, b2, W4, b4):
    src = edge_index[0]
    dst = edge_index[1]
    src3 = src.reshape(NW, NCH, CHUNK)
    dst3 = dst.reshape(NW, NCH, CHUNK)
    src16 = src.reshape(NS, NCH1, CHUNK)
    dst16 = dst.reshape(NS, NCH1, CHUNK)
    x_pad = jnp.pad(x, ((0, NPAD - N_NODES), (0, 0)))

    deg_p = _deg(dst3)
    d0 = deg_p[0].reshape(NPAD, 1)
    d1 = deg_p[1].reshape(NPAD, 1)

    hsA, hsB, dinv = _m1(x_pad, W1, d0, d1)
    agg1 = _prop1(hsA, hsB, src16, dst16)
    hs2 = _m2(agg1[0], agg1[1], hsA, hsB, dinv, b1.reshape(1, -1), W2)
    agg2 = _prop64(hs2, src3, dst3)
    hs3 = _m3(agg2[0], agg2[1], hs2, dinv, b2.reshape(1, -1), W4)
    agg3 = _prop16(hs3, src3, dst3)
    out = _m4(agg3[0], agg3[1], hs3, dinv, b4.reshape(1, -1))
    return out[:N_NODES]

# --- scband reference (transcript-rebuilt; emitter-appended) ---
"""Pipeline reference for scband-net-7559142441490 (READ-ONLY COPY).

The authoritative reference and input builder live on the scoring server;
editing this copy changes nothing except your own understanding.
"""

import jax, jax.numpy as jnp
import numpy as np

N = 10000
E = 320000
D_IN = 128
D_H1 = 128
D_H2 = 64
D_OUT = 16


def setup_inputs(seed: int = 0) -> dict:
    key = jax.random.key(seed)
    ks = jax.random.split(key, 9)
    x = jax.random.normal(ks[0], (N, D_IN), dtype=jnp.float32)
    edge_index = jax.random.randint(ks[1], (2, E), 0, N, dtype=jnp.int32)
    W1 = jax.random.normal(ks[2], (D_IN, D_H1), dtype=jnp.float32) * (1.0 / np.sqrt(D_IN))
    b1 = jnp.zeros((D_H1,), dtype=jnp.float32)
    W2 = jax.random.normal(ks[3], (D_H1, D_H2), dtype=jnp.float32) * (1.0 / np.sqrt(D_H1))
    b2 = jnp.zeros((D_H2,), dtype=jnp.float32)
    W4 = jax.random.normal(ks[4], (D_H2, D_OUT), dtype=jnp.float32) * (1.0 / np.sqrt(D_H2))
    b4 = jnp.zeros((D_OUT,), dtype=jnp.float32)
    return {"x": x, "edge_index": edge_index, "W1": W1, "b1": b1, "W2": W2, "b2": b2, "W4": W4, "b4": b4}


def reference(x, edge_index, W1, b1, W2, b2, W4, b4):
    n = x.shape[0]
    loop = jnp.arange(n, dtype=edge_index.dtype)
    src = jnp.concatenate([edge_index[0], loop])
    dst = jnp.concatenate([edge_index[1], loop])
    # GCN symmetric normalization with self-loops: D^{-1/2} (A+I) D^{-1/2}
    deg = jax.ops.segment_sum(jnp.ones(src.shape, dtype=x.dtype), dst, num_segments=n)
    dinv = jax.lax.rsqrt(jnp.maximum(deg, 1.0))
    norm = (dinv[src] * dinv[dst])[:, None]

    def gcn_conv(h, W, b):
        h = h @ W
        msg = jnp.take(h, src, axis=0) * norm
        return jax.ops.segment_sum(msg, dst, num_segments=n) + b

    h = jax.nn.relu(gcn_conv(x, W1, b1))
    h = jax.nn.relu(gcn_conv(h, W2, b2))
    h = gcn_conv(h, W4, b4)
    return jax.nn.log_softmax(h, axis=1)

if __name__ == "__main__":
    import jax
    _d = setup_inputs()
    print(jax.jit(kernel)(*tuple(_d.values())))

</pallas_src>

<mosaic_0001>
#map = affine_map<(d0, d1) -> (0, 0)>
#map1 = affine_map<(d0, d1) -> (0, 0, 0)>
module attributes {stable_mosaic.version = 14 : i64} {
  func.func @gcn_prop_64(%arg0: i32, %arg1: i32, %arg2: memref<10240x64xf32, #tpu.memory_space<hbm>>, %arg3: memref<32x25x400xi32, #tpu.memory_space<hbm>>, %arg4: memref<32x25x400xi32, #tpu.memory_space<hbm>>, %arg5: memref<2x10240x64xf32, #tpu.memory_space<hbm>>, %arg6: memref<2x400xi32, #tpu.memory_space<vmem>>, %arg7: memref<2x400xi32, #tpu.memory_space<vmem>>, %arg8: memref<400x64xf32, #tpu.memory_space<vmem>>, %arg9: memref<400x64xf32, #tpu.memory_space<vmem>>, %arg10: memref<64x64xf32, #tpu.memory_space<vmem>>, %arg11: memref<10240x64xf32, #tpu.memory_space<vmem_shared>>, %arg12: memref<!tpu.dma_semaphore, #tpu.memory_space<semaphore_mem>>, %arg13: memref<!tpu.dma_semaphore, #tpu.memory_space<semaphore_mem>>, %arg14: memref<!tpu.dma_semaphore, #tpu.memory_space<semaphore_mem>>, %arg15: memref<!tpu.dma_semaphore, #tpu.memory_space<semaphore_mem>>) attributes {dimension_semantics = [#tpu.dimension_semantics<core_parallel>, #tpu.dimension_semantics<subcore_parallel>], iteration_bounds = array<i64: 2, 16>, scalar_prefetch = 0 : i64, scratch_operands = 10 : i64, tpu.core_type = #tpu.core_type<sc_vector_subcore>, window_params = [{transform_indices = #map}, {transform_indices = #map1}, {transform_indices = #map1}, {transform_indices = #map1}]} {
    %mul3A = arith.constant 2 : i32
    %mul3A_0 = arith.muli %arg1, %mul3A : i32
    %add3A = arith.addi %mul3A_0, %arg0 : i32
    %scan3A = arith.constant 0 : i32
    %scan3A_1 = arith.constant 0 : i32
    %scan3A_2 = arith.constant 256 : i32
    %scan3A_3 = arith.addi %scan3A_1, %scan3A_2 : i32
    %scan3A_4 = arith.constant 1 : i32
    %scan3A_5 = scf.for %scan3A_330 = %scan3A_1 to %scan3A_3 step %scan3A_4 iter_args(%scan3A_331 = %scan3A) -> (i32)  : i32 {
      %jit3A = arith.constant 4 : i32
      %div3A = arith.divsi %scan3A_330, %jit3A : i32
      %sign3A = arith.constant 0 : i32
      %sign3A_332 = arith.cmpi sgt, %scan3A_330, %sign3A : i32
      %sign3A_333 = arith.extui %sign3A_332 : i1 to i32
      %sign3A_334 = arith.constant 0 : i32
      %sign3A_335 = arith.cmpi slt, %scan3A_330, %sign3A_334 : i32
      %sign3A_336 = arith.extui %sign3A_335 : i1 to i32
      %sign3A_337 = arith.subi %sign3A_333, %sign3A_336 : i32
      %sign3A_338 = arith.constant 0 : i32
      %sign3A_339 = arith.cmpi sgt, %jit3A, %sign3A_338 : i32
      %sign3A_340 = arith.extui %sign3A_339 : i1 to i32
      %sign3A_341 = arith.constant 0 : i32
      %sign3A_342 = arith.cmpi slt, %jit3A, %sign3A_341 : i32
      %sign3A_343 = arith.extui %sign3A_342 : i1 to i32
      %sign3A_344 = arith.subi %sign3A_340, %sign3A_343 : i32
      %ne3A = arith.cmpi ne, %sign3A_337, %sign3A_344 : i32
      %rem3A = arith.remsi %scan3A_330, %jit3A : i32
      %ne3A_345 = arith.constant 0 : i32
      %ne3A_346 = arith.cmpi ne, %rem3A, %ne3A_345 : i32
      %and3A = arith.andi %ne3A, %ne3A_346 : i1
      %sub3A = arith.constant 1 : i32
      %sub3A_347 = arith.subi %div3A, %sub3A : i32
      %select_n3A = arith.select %and3A, %sub3A_347, %div3A : i32
      %jit3A_348 = arith.constant 4 : i32
      %eq3A = arith.constant 0 : i32
      %eq3A_349 = arith.cmpi eq, %jit3A_348, %eq3A : i32
      %jit3A_350 = arith.constant 1 : i32
      %select_n3A_351 = arith.select %eq3A_349, %jit3A_350, %jit3A_348 : i32
      %rem3A_352 = arith.remsi %scan3A_330, %select_n3A_351 : i32
      %ne3A_353 = arith.constant 0 : i32
      %ne3A_354 = arith.cmpi ne, %rem3A_352, %ne3A_353 : i32
      %lt3A = arith.constant 0 : i32
      %lt3A_355 = arith.cmpi slt, %rem3A_352, %lt3A : i32
      %lt3A_356 = arith.constant 0 : i32
      %lt3A_357 = arith.cmpi slt, %select_n3A_351, %lt3A_356 : i32
      %ne3A_358 = arith.xori %lt3A_355, %lt3A_357 : i1
      %and3A_359 = arith.andi %ne3A_358, %ne3A_354 : i1
      %add3A_360 = arith.addi %rem3A_352, %select_n3A_351 : i32
      %select_n3A_361 = arith.select %and3A_359, %add3A_360, %rem3A_352 : i32
      %mul3A_362 = arith.constant 16 : i32
      %mul3A_363 = arith.muli %select_n3A_361, %mul3A_362 : i32
      %broadcast_in_dim3A = arith.constant 0.000000e+00 : f32
      %broadcast_in_dim3A_364 = vector.broadcast %broadcast_in_dim3A : f32 to vector<16xf32>
      %swap3A = arith.index_cast %select_n3A : i32 to index
      %swap3A_365 = arith.index_cast %mul3A_363 : i32 to index
      %swap3A_366 = tpu.vector_load %arg10[%swap3A, %swap3A_365] {strides = array<i32>} : memref<64x64xf32, #tpu.memory_space<vmem>>, vector<1x16xf32>,
      %swap3A_367 = vector.shape_cast %swap3A_366 : vector<1x16xf32> to vector<16xf32>
      %swap3A_368 = vector.shape_cast %broadcast_in_dim3A_364 : vector<16xf32> to vector<1x16xf32>
      tpu.vector_store %arg10[%swap3A, %swap3A_365], %swap3A_368 {strides = array<i32>} : memref<64x64xf32, #tpu.memory_space<vmem>>, vector<1x16xf32>,
      %scan3A_369 = arith.constant 0 : i32
      scf.yield %scan3A_369 : i32
    }
    %scan3A_6 = arith.constant 256 : i32
    %scan3A_7 = arith.constant 0 : i32
    %scan3A_8 = arith.constant 0 : i32
    %scan3A_9 = arith.constant 10 : i32
    %scan3A_10 = arith.addi %scan3A_8, %scan3A_9 : i32
    %scan3A_11 = arith.constant 1 : i32
    %scan3A_12 = scf.for %scan3A_330 = %scan3A_8 to %scan3A_10 step %scan3A_11 iter_args(%scan3A_331 = %scan3A_7) -> (i32)  : i32 {
      %mul3A_332 = arith.constant 640 : i32
      %mul3A_333 = arith.muli %arg1, %mul3A_332 : i32
      %mul3A_334 = arith.constant 64 : i32
      %mul3A_335 = arith.muli %scan3A_330, %mul3A_334 : i32
      %add3A_336 = arith.addi %mul3A_333, %mul3A_335 : i32
      "tpu.region"() ({
        %run_scoped3A_338 = tpu.sem_alloc : memref<!tpu.dma_semaphore, #tpu.memory_space<semaphore_mem>>
        %dma_start3A_339 = arith.constant 0 : i32
        %dma_start3A_340 = tpu.memref_slice %arg11[%add3A_336, %dma_start3A_339] : memref<10240x64xf32, #tpu.memory_space<vmem_shared>> -> memref<64x64xf32, #tpu.memory_space<vmem_shared>>
        %dma_start3A_341 = arith.constant 0 : i32
        %dma_start3A_342 = tpu.memref_slice %arg11[%add3A_336, %dma_start3A_341] : memref<10240x64xf32, #tpu.memory_space<vmem_shared>> -> memref<64x64xf32, #tpu.memory_space<vmem_shared>>
        tpu.enqueue_dma source(%arg10 : memref<64x64xf32, #tpu.memory_space<vmem>>) target(%dma_start3A_342 : memref<64x64xf32, #tpu.memory_space<vmem_shared>>) target_semaphore(%run_scoped3A_338 : memref<!tpu.dma_semaphore, #tpu.memory_space<semaphore_mem>>)
        %dma_wait3A_343 = arith.constant 0 : i32
        %dma_wait3A_344 = tpu.memref_slice %arg11[%add3A_336, %dma_wait3A_343] : memref<10240x64xf32, #tpu.memory_space<vmem_shared>> -> memref<64x64xf32, #tpu.memory_space<vmem_shared>>
        %dma_wait3A_345 = arith.constant 0 : i32
        %dma_wait3A_346 = tpu.memref_slice %arg11[%add3A_336, %dma_wait3A_345] : memref<10240x64xf32, #tpu.memory_space<vmem_shared>> -> memref<64x64xf32, #tpu.memory_space<vmem_shared>>
        tpu.wait_dma2 semaphore(%run_scoped3A_338 : memref<!tpu.dma_semaphore, #tpu.memory_space<semaphore_mem>>) src(%arg10 : memref<64x64xf32, #tpu.memory_space<vmem>>) dst(%dma_wait3A_346 : memref<64x64xf32, #tpu.memory_space<vmem_shared>>)
        tpu.yield
      }) : () -> ()
      %scan3A_337 = arith.constant 0 : i32
      scf.yield %scan3A_337 : i32
    }
    %scan3A_13 = arith.constant 10 : i32
    %barrier3A = arith.constant 0 : index
    tpu.barrier barrier_id(%barrier3A)
    %dma_start3A = arith.constant 0 : i32
    %dma_start3A_14 = arith.constant 0 : i32
    %dma_start3A_15 = arith.constant 0 : i32
    %dma_start3A_16 = tpu.memref_slice %arg6[%dma_start3A_14, %dma_start3A_15] : memref<2x400xi32, #tpu.memory_space<vmem>> -> memref<1x400xi32, #tpu.memory_space<vmem>>
    %dma_start3A_17 = tpu.memref_squeeze %dma_start3A_16 : memref<1x400xi32, #tpu.memory_space<vmem>> -> memref<400xi32, #tpu.memory_space<vmem>>
    %dma_start3A_18 = arith.constant 0 : i32
    %dma_start3A_19 = arith.constant 0 : i32
    %dma_start3A_20 = tpu.memref_slice %arg3[%add3A, %dma_start3A_18, %dma_start3A_19] : memref<32x25x400xi32, #tpu.memory_space<hbm>> -> memref<1x25x400xi32, #tpu.memory_space<hbm>>
    %dma_start3A_21 = tpu.memref_squeeze %dma_start3A_20 : memref<1x25x400xi32, #tpu.memory_space<hbm>> -> memref<25x400xi32, #tpu.memory_space<hbm>>
    %dma_start3A_22 = arith.constant 0 : i32
    %dma_start3A_23 = tpu.memref_slice %dma_start3A_21[%dma_start3A, %dma_start3A_22] : memref<25x400xi32, #tpu.memory_space<hbm>> -> memref<1x400xi32, #tpu.memory_space<hbm>>
    %dma_start3A_24 = tpu.memref_squeeze %dma_start3A_23 : memref<1x400xi32, #tpu.memory_space<hbm>> -> memref<400xi32, #tpu.memory_space<hbm>>
    %dma_start3A_25 = arith.constant 0 : i32
    %dma_start3A_26 = tpu.memref_slice %arg6[%dma_start3A_14, %dma_start3A_25] : memref<2x400xi32, #tpu.memory_space<vmem>> -> memref<1x400xi32, #tpu.memory_space<vmem>>
    %dma_start3A_27 = tpu.memref_squeeze %dma_start3A_26 : memref<1x400xi32, #tpu.memory_space<vmem>> -> memref<400xi32, #tpu.memory_space<vmem>>
    %dma_start3A_28 = arith.constant 0 : i32
    %dma_start3A_29 = arith.constant 0 : i32
    %dma_start3A_30 = tpu.memref_slice %arg3[%add3A, %dma_start3A_28, %dma_start3A_29] : memref<32x25x400xi32, #tpu.memory_space<hbm>> -> memref<1x25x400xi32, #tpu.memory_space<hbm>>
    %dma_start3A_31 = tpu.memref_squeeze %dma_start3A_30 : memref<1x25x400xi32, #tpu.memory_space<hbm>> -> memref<25x400xi32, #tpu.memory_space<hbm>>
    %dma_start3A_32 = arith.constant 0 : i32
    %dma_start3A_33 = tpu.memref_slice %dma_start3A_31[%dma_start3A, %dma_start3A_32] : memref<25x400xi32, #tpu.memory_space<hbm>> -> memref<1x400xi32, #tpu.memory_space<hbm>>
    %dma_start3A_34 = tpu.memref_squeeze %dma_start3A_33 : memref<1x400xi32, #tpu.memory_space<hbm>> -> memref<400xi32, #tpu.memory_space<hbm>>
    tpu.enqueue_dma source(%dma_start3A_34 : memref<400xi32, #tpu.memory_space<hbm>>) target(%dma_start3A_27 : memref<400xi32, #tpu.memory_space<vmem>>) target_semaphore(%arg14 : memref<!tpu.dma_semaphore, #tpu.memory_space<semaphore_mem>>)
    %dma_start3A_35 = arith.constant 0 : i32
    %dma_start3A_36 = arith.constant 0 : i32
    %dma_start3A_37 = arith.constant 0 : i32
    %dma_start3A_38 = tpu.memref_slice %arg7[%dma_start3A_36, %dma_start3A_37] : memref<2x400xi32, #tpu.memory_space<vmem>> -> memref<1x400xi32, #tpu.memory_space<vmem>>
    %dma_start3A_39 = tpu.memref_squeeze %dma_start3A_38 : memref<1x400xi32, #tpu.memory_space<vmem>> -> memref<400xi32, #tpu.memory_space<vmem>>
    %dma_start3A_40 = arith.constant 0 : i32
    %dma_start3A_41 = arith.constant 0 : i32
    %dma_start3A_42 = tpu.memref_slice %arg4[%add3A, %dma_start3A_40, %dma_start3A_41] : memref<32x25x400xi32, #tpu.memory_space<hbm>> -> memref<1x25x400xi32, #tpu.memory_space<hbm>>
    %dma_start3A_43 = tpu.memref_squeeze %dma_start3A_42 : memref<1x25x400xi32, #tpu.memory_space<hbm>> -> memref<25x400xi32, #tpu.memory_space<hbm>>
    %dma_start3A_44 = arith.constant 0 : i32
    %dma_start3A_45 = tpu.memref_slice %dma_start3A_43[%dma_start3A_35, %dma_start3A_44] : memref<25x400xi32, #tpu.memory_space<hbm>> -> memref<1x400xi32, #tpu.memory_space<hbm>>
    %dma_start3A_46 = tpu.memref_squeeze %dma_start3A_45 : memref<1x400xi32, #tpu.memory_space<hbm>> -> memref<400xi32, #tpu.memory_space<hbm>>
    %dma_start3A_47 = arith.constant 0 : i32
    %dma_start3A_48 = tpu.memref_slice %arg7[%dma_start3A_36, %dma_start3A_47] : memref<2x400xi32, #tpu.memory_space<vmem>> -> memref<1x400xi32, #tpu.memory_space<vmem>>
    %dma_start3A_49 = tpu.memref_squeeze %dma_start3A_48 : memref<1x400xi32, #tpu.memory_space<vmem>> -> memref<400xi32, #tpu.memory_space<vmem>>
    %dma_start3A_50 = arith.constant 0 : i32
    %dma_start3A_51 = arith.constant 0 : i32
    %dma_start3A_52 = tpu.memref_slice %arg4[%add3A, %dma_start3A_50, %dma_start3A_51] : memref<32x25x400xi32, #tpu.memory_space<hbm>> -> memref<1x25x400xi32, #tpu.memory_space<hbm>>
    %dma_start3A_53 = tpu.memref_squeeze %dma_start3A_52 : memref<1x25x400xi32, #tpu.memory_space<hbm>> -> memref<25x400xi32, #tpu.memory_space<hbm>>
    %dma_start3A_54 = arith.constant 0 : i32
    %dma_start3A_55 = tpu.memref_slice %dma_start3A_53[%dma_start3A_35, %dma_start3A_54] : memref<25x400xi32, #tpu.memory_space<hbm>> -> memref<1x400xi32, #tpu.memory_space<hbm>>
    %dma_start3A_56 = tpu.memref_squeeze %dma_start3A_55 : memref<1x400xi32, #tpu.memory_space<hbm>> -> memref<400xi32, #tpu.memory_space<hbm>>
    tpu.enqueue_dma source(%dma_start3A_56 : memref<400xi32, #tpu.memory_space<hbm>>) target(%dma_start3A_49 : memref<400xi32, #tpu.memory_space<vmem>>) target_semaphore(%arg14 : memref<!tpu.dma_semaphore, #tpu.memory_space<semaphore_mem>>)
    %dma_wait3A = arith.constant 0 : i32
    %dma_wait3A_57 = arith.constant 0 : i32
    %dma_wait3A_58 = arith.constant 0 : i32
    %dma_wait3A_59 = tpu.memref_slice %arg6[%dma_wait3A_57, %dma_wait3A_58] : memref<2x400xi32, #tpu.memory_space<vmem>> -> memref<1x400xi32, #tpu.memory_space<vmem>>
    %dma_wait3A_60 = tpu.memref_squeeze %dma_wait3A_59 : memref<1x400xi32, #tpu.memory_space<vmem>> -> memref<400xi32, #tpu.memory_space<vmem>>
    %dma_wait3A_61 = arith.constant 0 : i32
    %dma_wait3A_62 = arith.constant 0 : i32
    %dma_wait3A_63 = tpu.memref_slice %arg3[%add3A, %dma_wait3A_61, %dma_wait3A_62] : memref<32x25x400xi32, #tpu.memory_space<hbm>> -> memref<1x25x400xi32, #tpu.memory_space<hbm>>
    %dma_wait3A_64 = tpu.memref_squeeze %dma_wait3A_63 : memref<1x25x400xi32, #tpu.memory_space<hbm>> -> memref<25x400xi32, #tpu.memory_space<hbm>>
    %dma_wait3A_65 = arith.constant 0 : i32
    %dma_wait3A_66 = tpu.memref_slice %dma_wait3A_64[%dma_wait3A, %dma_wait3A_65] : memref<25x400xi32, #tpu.memory_space<hbm>> -> memref<1x400xi32, #tpu.memory_space<hbm>>
    %dma_wait3A_67 = tpu.memref_squeeze %dma_wait3A_66 : memref<1x400xi32, #tpu.memory_space<hbm>> -> memref<400xi32, #tpu.memory_space<hbm>>
    %dma_wait3A_68 = arith.constant 0 : i32
    %dma_wait3A_69 = tpu.memref_slice %arg6[%dma_wait3A_57, %dma_wait3A_68] : memref<2x400xi32, #tpu.memory_space<vmem>> -> memref<1x400xi32, #tpu.memory_space<vmem>>
    %dma_wait3A_70 = tpu.memref_squeeze %dma_wait3A_69 : memref<1x400xi32, #tpu.memory_space<vmem>> -> memref<400xi32, #tpu.memory_space<vmem>>
    %dma_wait3A_71 = arith.constant 0 : i32
    %dma_wait3A_72 = arith.constant 0 : i32
    %dma_wait3A_73 = tpu.memref_slice %arg3[%add3A, %dma_wait3A_71, %dma_wait3A_72] : memref<32x25x400xi32, #tpu.memory_space<hbm>> -> memref<1x25x400xi32, #tpu.memory_space<hbm>>
    %dma_wait3A_74 = tpu.memref_squeeze %dma_wait3A_73 : memref<1x25x400xi32, #tpu.memory_space<hbm>> -> memref<25x400xi32, #tpu.memory_space<hbm>>
    %dma_wait3A_75 = arith.constant 0 : i32
    %dma_wait3A_76 = tpu.memref_slice %dma_wait3A_74[%dma_wait3A, %dma_wait3A_75] : memref<25x400xi32, #tpu.memory_space<hbm>> -> memref<1x400xi32, #tpu.memory_space<hbm>>
    %dma_wait3A_77 = tpu.memref_squeeze %dma_wait3A_76 : memref<1x400xi32, #tpu.memory_space<hbm>> -> memref<400xi32, #tpu.memory_space<hbm>>
    tpu.wait_dma2 semaphore(%arg14 : memref<!tpu.dma_semaphore, #tpu.memory_space<semaphore_mem>>) src(%dma_wait3A_77 : memref<400xi32, #tpu.memory_space<hbm>>) dst(%dma_wait3A_70 : memref<400xi32, #tpu.memory_space<vmem>>)
    %dma_wait3A_78 = arith.constant 0 : i32
    %dma_wait3A_79 = arith.constant 0 : i32
    %dma_wait3A_80 = arith.constant 0 : i32
    %dma_wait3A_81 = tpu.memref_slice %arg7[%dma_wait3A_79, %dma_wait3A_80] : memref<2x400xi32, #tpu.memory_space<vmem>> -> memref<1x400xi32, #tpu.memory_space<vmem>>
    %dma_wait3A_82 = tpu.memref_squeeze %dma_wait3A_81 : memref<1x400xi32, #tpu.memory_space<vmem>> -> memref<400xi32, #tpu.memory_space<vmem>>
    %dma_wait3A_83 = arith.constant 0 : i32
    %dma_wait3A_84 = arith.constant 0 : i32
    %dma_wait3A_85 = tpu.memref_slice %arg4[%add3A, %dma_wait3A_83, %dma_wait3A_84] : memref<32x25x400xi32, #tpu.memory_space<hbm>> -> memref<1x25x400xi32, #tpu.memory_space<hbm>>
    %dma_wait3A_86 = tpu.memref_squeeze %dma_wait3A_85 : memref<1x25x400xi32, #tpu.memory_space<hbm>> -> memref<25x400xi32, #tpu.memory_space<hbm>>
    %dma_wait3A_87 = arith.constant 0 : i32
    %dma_wait3A_88 = tpu.memref_slice %dma_wait3A_86[%dma_wait3A_78, %dma_wait3A_87] : memref<25x400xi32, #tpu.memory_space<hbm>> -> memref<1x400xi32, #tpu.memory_space<hbm>>
    %dma_wait3A_89 = tpu.memref_squeeze %dma_wait3A_88 : memref<1x400xi32, #tpu.memory_space<hbm>> -> memref<400xi32, #tpu.memory_space<hbm>>
    %dma_wait3A_90 = arith.constant 0 : i32
    %dma_wait3A_91 = tpu.memref_slice %arg7[%dma_wait3A_79, %dma_wait3A_90] : memref<2x400xi32, #tpu.memory_space<vmem>> -> memref<1x400xi32, #tpu.memory_space<vmem>>
    %dma_wait3A_92 = tpu.memref_squeeze %dma_wait3A_91 : memref<1x400xi32, #tpu.memory_space<vmem>> -> memref<400xi32, #tpu.memory_space<vmem>>
    %dma_wait3A_93 = arith.constant 0 : i32
    %dma_wait3A_94 = arith.constant 0 : i32
    %dma_wait3A_95 = tpu.memref_slice %arg4[%add3A, %dma_wait3A_93, %dma_wait3A_94] : memref<32x25x400xi32, #tpu.memory_space<hbm>> -> memref<1x25x400xi32, #tpu.memory_space<hbm>>
    %dma_wait3A_96 = tpu.memref_squeeze %dma_wait3A_95 : memref<1x25x400xi32, #tpu.memory_space<hbm>> -> memref<25x400xi32, #tpu.memory_space<hbm>>
    %dma_wait3A_97 = arith.constant 0 : i32
    %dma_wait3A_98 = tpu.memref_slice %dma_wait3A_96[%dma_wait3A_78, %dma_wait3A_97] : memref<25x400xi32, #tpu.memory_space<hbm>> -> memref<1x400xi32, #tpu.memory_space<hbm>>
    %dma_wait3A_99 = tpu.memref_squeeze %dma_wait3A_98 : memref<1x400xi32, #tpu.memory_space<hbm>> -> memref<400xi32, #tpu.memory_space<hbm>>
    tpu.wait_dma2 semaphore(%arg14 : memref<!tpu.dma_semaphore, #tpu.memory_space<semaphore_mem>>) src(%dma_wait3A_99 : memref<400xi32, #tpu.memory_space<hbm>>) dst(%dma_wait3A_92 : memref<400xi32, #tpu.memory_space<vmem>>)
    %dma_start3A_100 = arith.constant 0 : i32
    %dma_start3A_101 = arith.constant 0 : i32
    %dma_start3A_102 = tpu.memref_slice %arg6[%dma_start3A_100, %dma_start3A_101] : memref<2x400xi32, #tpu.memory_space<vmem>> -> memref<1x400xi32, #tpu.memory_space<vmem>>
    %dma_start3A_103 = tpu.memref_squeeze %dma_start3A_102 : memref<1x400xi32, #tpu.memory_space<vmem>> -> memref<400xi32, #tpu.memory_space<vmem>>
    %dma_start3A_104 = arith.constant 0 : i32
    %dma_start3A_105 = arith.constant 0 : i32
    %dma_start3A_106 = tpu.memref_slice %arg2[%dma_start3A_104, %dma_start3A_105] : memref<10240x64xf32, #tpu.memory_space<hbm>> -> memref<10240x64xf32, #tpu.memory_space<hbm>>
    tpu.enqueue_indirect_dma source(%dma_start3A_106 : memref<10240x64xf32, #tpu.memory_space<hbm>>) target(%arg8 : memref<400x64xf32, #tpu.memory_space<vmem>>) offsets(%dma_start3A_103 : memref<400xi32, #tpu.memory_space<vmem>>) semaphore(%arg12 : memref<!tpu.dma_semaphore, #tpu.memory_space<semaphore_mem>>)
    %dma_start3A_107 = arith.constant 1 : i32
    %dma_start3A_108 = arith.constant 1 : i32
    %dma_start3A_109 = arith.constant 0 : i32
    %dma_start3A_110 = tpu.memref_slice %arg6[%dma_start3A_108, %dma_start3A_109] : memref<2x400xi32, #tpu.memory_space<vmem>> -> memref<1x400xi32, #tpu.memory_space<vmem>>
    %dma_start3A_111 = tpu.memref_squeeze %dma_start3A_110 : memref<1x400xi32, #tpu.memory_space<vmem>> -> memref<400xi32, #tpu.memory_space<vmem>>
    %dma_start3A_112 = arith.constant 0 : i32
    %dma_start3A_113 = arith.constant 0 : i32
    %dma_start3A_114 = tpu.memref_slice %arg3[%add3A, %dma_start3A_112, %dma_start3A_113] : memref<32x25x400xi32, #tpu.memory_space<hbm>> -> memref<1x25x400xi32, #tpu.memory_space<hbm>>
    %dma_start3A_115 = tpu.memref_squeeze %dma_start3A_114 : memref<1x25x400xi32, #tpu.memory_space<hbm>> -> memref<25x400xi32, #tpu.memory_space<hbm>>
    %dma_start3A_116 = arith.constant 0 : i32
    %dma_start3A_117 = tpu.memref_slice %dma_start3A_115[%dma_start3A_107, %dma_start3A_116] : memref<25x400xi32, #tpu.memory_space<hbm>> -> memref<1x400xi32, #tpu.memory_space<hbm>>
    %dma_start3A_118 = tpu.memref_squeeze %dma_start3A_117 : memref<1x400xi32, #tpu.memory_space<hbm>> -> memref<400xi32, #tpu.memory_space<hbm>>
    %dma_start3A_119 = arith.constant 0 : i32
    %dma_start3A_120 = tpu.memref_slice %arg6[%dma_start3A_108, %dma_start3A_119] : memref<2x400xi32, #tpu.memory_space<vmem>> -> memref<1x400xi32, #tpu.memory_space<vmem>>
    %dma_start3A_121 = tpu.memref_squeeze %dma_start3A_120 : memref<1x400xi32, #tpu.memory_space<vmem>> -> memref<400xi32, #tpu.memory_space<vmem>>
    %dma_start3A_122 = arith.constant 0 : i32
    %dma_start3A_123 = arith.constant 0 : i32
    %dma_start3A_124 = tpu.memref_slice %arg3[%add3A, %dma_start3A_122, %dma_start3A_123] : memref<32x25x400xi32, #tpu.memory_space<hbm>> -> memref<1x25x400xi32, #tpu.memory_space<hbm>>
    %dma_start3A_125 = tpu.memref_squeeze %dma_start3A_124 : memref<1x25x400xi32, #tpu.memory_space<hbm>> -> memref<25x400xi32, #tpu.memory_space<hbm>>
    %dma_start3A_126 = arith.constant 0 : i32
    %dma_start3A_127 = tpu.memref_slice %dma_start3A_125[%dma_start3A_107, %dma_start3A_126] : memref<25x400xi32, #tpu.memory_space<hbm>> -> memref<1x400xi32, #tpu.memory_space<hbm>>
    %dma_start3A_128 = tpu.memref_squeeze %dma_start3A_127 : memref<1x400xi32, #tpu.memory_space<hbm>> -> memref<400xi32, #tpu.memory_space<hbm>>
    tpu.enqueue_dma source(%dma_start3A_128 : memref<400xi32, #tpu.memory_space<hbm>>) target(%dma_start3A_121 : memref<400xi32, #tpu.memory_space<vmem>>) target_semaphore(%arg15 : memref<!tpu.dma_semaphore, #tpu.memory_space<semaphore_mem>>)
    %dma_start3A_129 = arith.constant 1 : i32
    %dma_start3A_130 = arith.constant 1 : i32
    %dma_start3A_131 = arith.constant 0 : i32
    %dma_start3A_132 = tpu.memref_slice %arg7[%dma_start3A_130, %dma_start3A_131] : memref<2x400xi32, #tpu.memory_space<vmem>> -> memref<1x400xi32, #tpu.memory_space<vmem>>
    %dma_start3A_133 = tpu.memref_squeeze %dma_start3A_132 : memref<1x400xi32, #tpu.memory_space<vmem>> -> memref<400xi32, #tpu.memory_space<vmem>>
    %dma_start3A_134 = arith.constant 0 : i32
    %dma_start3A_135 = arith.constant 0 : i32
    %dma_start3A_136 = tpu.memref_slice %arg4[%add3A, %dma_start3A_134, %dma_start3A_135] : memref<32x25x400xi32, #tpu.memory_space<hbm>> -> memref<1x25x400xi32, #tpu.memory_space<hbm>>
    %dma_start3A_137 = tpu.memref_squeeze %dma_start3A_136 : memref<1x25x400xi32, #tpu.memory_space<hbm>> -> memref<25x400xi32, #tpu.memory_space<hbm>>
    %dma_start3A_138 = arith.constant 0 : i32
    %dma_start3A_139 = tpu.memref_slice %dma_start3A_137[%dma_start3A_129, %dma_start3A_138] : memref<25x400xi32, #tpu.memory_space<hbm>> -> memref<1x400xi32, #tpu.memory_space<hbm>>
    %dma_start3A_140 = tpu.memref_squeeze %dma_start3A_139 : memref<1x400xi32, #tpu.memory_space<hbm>> -> memref<400xi32, #tpu.memory_space<hbm>>
    %dma_start3A_141 = arith.constant 0 : i32
    %dma_start3A_142 = tpu.memref_slice %arg7[%dma_start3A_130, %dma_start3A_141] : memref<2x400xi32, #tpu.memory_space<vmem>> -> memref<1x400xi32, #tpu.memory_space<vmem>>
    %dma_start3A_143 = tpu.memref_squeeze %dma_start3A_142 : memref<1x400xi32, #tpu.memory_space<vmem>> -> memref<400xi32, #tpu.memory_space<vmem>>
    %dma_start3A_144 = arith.constant 0 : i32
    %dma_start3A_145 = arith.constant 0 : i32
    %dma_start3A_146 = tpu.memref_slice %arg4[%add3A, %dma_start3A_144, %dma_start3A_145] : memref<32x25x400xi32, #tpu.memory_space<hbm>> -> memref<1x25x400xi32, #tpu.memory_space<hbm>>
    %dma_start3A_147 = tpu.memref_squeeze %dma_start3A_146 : memref<1x25x400xi32, #tpu.memory_space<hbm>> -> memref<25x400xi32, #tpu.memory_space<hbm>>
    %dma_start3A_148 = arith.constant 0 : i32
    %dma_start3A_149 = tpu.memref_slice %dma_start3A_147[%dma_start3A_129, %dma_start3A_148] : memref<25x400xi32, #tpu.memory_space<hbm>> -> memref<1x400xi32, #tpu.memory_space<hbm>>
    %dma_start3A_150 = tpu.memref_squeeze %dma_start3A_149 : memref<1x400xi32, #tpu.memory_space<hbm>> -> memref<400xi32, #tpu.memory_space<hbm>>
    tpu.enqueue_dma source(%dma_start3A_150 : memref<400xi32, #tpu.memory_space<hbm>>) target(%dma_start3A_143 : memref<400xi32, #tpu.memory_space<vmem>>) target_semaphore(%arg15 : memref<!tpu.dma_semaphore, #tpu.memory_space<semaphore_mem>>)
    %scan3A_151 = arith.constant 0 : i32
    %scan3A_152 = arith.constant 0 : i32
    %scan3A_153 = arith.constant 11 : i32
    %scan3A_154 = arith.addi %scan3A_152, %scan3A_153 : i32
    %scan3A_155 = arith.constant 1 : i32
    %scan3A_156 = scf.for %scan3A_330 = %scan3A_152 to %scan3A_154 step %scan3A_155 iter_args(%scan3A_331 = %scan3A_151) -> (i32)  : i32 {
      %mul3A_332 = arith.constant 2 : i32
      %mul3A_333 = arith.muli %scan3A_330, %mul3A_332 : i32
      %dma_wait3A_334 = arith.constant 0 : i32
      %dma_wait3A_335 = arith.constant 0 : i32
      %dma_wait3A_336 = tpu.memref_slice %arg6[%dma_wait3A_334, %dma_wait3A_335] : memref<2x400xi32, #tpu.memory_space<vmem>> -> memref<1x400xi32, #tpu.memory_space<vmem>>
      %dma_wait3A_337 = tpu.memref_squeeze %dma_wait3A_336 : memref<1x400xi32, #tpu.memory_space<vmem>> -> memref<400xi32, #tpu.memory_space<vmem>>
      %dma_wait3A_338 = arith.constant 0 : i32
      %dma_wait3A_339 = arith.constant 0 : i32
      %dma_wait3A_340 = tpu.memref_slice %arg2[%dma_wait3A_338, %dma_wait3A_339] : memref<10240x64xf32, #tpu.memory_space<hbm>> -> memref<10240x64xf32, #tpu.memory_space<hbm>>
      tpu.wait_indirect_dma semaphore(%arg12 : memref<!tpu.dma_semaphore, #tpu.memory_space<semaphore_mem>>) src(%dma_wait3A_340 : memref<10240x64xf32, #tpu.memory_space<hbm>>) dst(%arg8 : memref<400x64xf32, #tpu.memory_space<vmem>>)
      %dma_wait3A_341 = arith.constant 0 : i32
      %dma_wait3A_342 = arith.constant 1 : i32
      %dma_wait3A_343 = arith.constant 0 : i32
      %dma_wait3A_344 = tpu.memref_slice %arg6[%dma_wait3A_342, %dma_wait3A_343] : memref<2x400xi32, #tpu.memory_space<vmem>> -> memref<1x400xi32, #tpu.memory_space<vmem>>
      %dma_wait3A_345 = tpu.memref_squeeze %dma_wait3A_344 : memref<1x400xi32, #tpu.memory_space<vmem>> -> memref<400xi32, #tpu.memory_space<vmem>>
      %dma_wait3A_346 = arith.constant 0 : i32
      %dma_wait3A_347 = arith.constant 0 : i32
      %dma_wait3A_348 = tpu.memref_slice %arg3[%add3A, %dma_wait3A_346, %dma_wait3A_347] : memref<32x25x400xi32, #tpu.memory_space<hbm>> -> memref<1x25x400xi32, #tpu.memory_space<hbm>>
      %dma_wait3A_349 = tpu.memref_squeeze %dma_wait3A_348 : memref<1x25x400xi32, #tpu.memory_space<hbm>> -> memref<25x400xi32, #tpu.memory_space<hbm>>
      %dma_wait3A_350 = arith.constant 0 : i32
      %dma_wait3A_351 = tpu.memref_slice %dma_wait3A_349[%dma_wait3A_341, %dma_wait3A_350] : memref<25x400xi32, #tpu.memory_space<hbm>> -> memref<1x400xi32, #tpu.memory_space<hbm>>
      %dma_wait3A_352 = tpu.memref_squeeze %dma_wait3A_351 : memref<1x400xi32, #tpu.memory_space<hbm>> -> memref<400xi32, #tpu.memory_space<hbm>>
      %dma_wait3A_353 = arith.constant 0 : i32
      %dma_wait3A_354 = tpu.memref_slice %arg6[%dma_wait3A_342, %dma_wait3A_353] : memref<2x400xi32, #tpu.memory_space<vmem>> -> memref<1x400xi32, #tpu.memory_space<vmem>>
      %dma_wait3A_355 = tpu.memref_squeeze %dma_wait3A_354 : memref<1x400xi32, #tpu.memory_space<vmem>> -> memref<400xi32, #tpu.memory_space<vmem>>
      %dma_wait3A_356 = arith.constant 0 : i32
      %dma_wait3A_357 = arith.constant 0 : i32
      %dma_wait3A_358 = tpu.memref_slice %arg3[%add3A, %dma_wait3A_356, %dma_wait3A_357] : memref<32x25x400xi32, #tpu.memory_space<hbm>> -> memref<1x25x400xi32, #tpu.memory_space<hbm>>
      %dma_wait3A_359 = tpu.memref_squeeze %dma_wait3A_358 : memref<1x25x400xi32, #tpu.memory_space<hbm>> -> memref<25x400xi32, #tpu.memory_space<hbm>>
      %dma_wait3A_360 = arith.constant 0 : i32
      %dma_wait3A_361 = tpu.memref_slice %dma_wait3A_359[%dma_wait3A_341, %dma_wait3A_360] : memref<25x400xi32, #tpu.memory_space<hbm>> -> memref<1x400xi32, #tpu.memory_space<hbm>>
      %dma_wait3A_362 = tpu.memref_squeeze %dma_wait3A_361 : memref<1x400xi32, #tpu.memory_space<hbm>> -> memref<400xi32, #tpu.memory_space<hbm>>
      tpu.wait_dma2 semaphore(%arg15 : memref<!tpu.dma_semaphore, #tpu.memory_space<semaphore_mem>>) src(%dma_wait3A_362 : memref<400xi32, #tpu.memory_space<hbm>>) dst(%dma_wait3A_355 : memref<400xi32, #tpu.memory_space<vmem>>)
      %dma_wait3A_363 = arith.constant 0 : i32
      %dma_wait3A_364 = arith.constant 1 : i32
      %dma_wait3A_365 = arith.constant 0 : i32
      %dma_wait3A_366 = tpu.memref_slice %arg7[%dma_wait3A_364, %dma_wait3A_365] : memref<2x400xi32, #tpu.memory_space<vmem>> -> memref<1x400xi32, #tpu.memory_space<vmem>>
      %dma_wait3A_367 = tpu.memref_squeeze %dma_wait3A_366 : memref<1x400xi32, #tpu.memory_space<vmem>> -> memref<400xi32, #tpu.memory_space<vmem>>
      %dma_wait3A_368 = arith.constant 0 : i32
      %dma_wait3A_369 = arith.constant 0 : i32
      %dma_wait3A_370 = tpu.memref_slice %arg4[%add3A, %dma_wait3A_368, %dma_wait3A_369] : memref<32x25x400xi32, #tpu.memory_space<hbm>> -> memref<1x25x400xi32, #tpu.memory_space<hbm>>
      %dma_wait3A_371 = tpu.memref_squeeze %dma_wait3A_370 : memref<1x25x400xi32, #tpu.memory_space<hbm>> -> memref<25x400xi32, #tpu.memory_space<hbm>>
      %dma_wait3A_372 = arith.constant 0 : i32
      %dma_wait3A_373 = tpu.memref_slice %dma_wait3A_371[%dma_wait3A_363, %dma_wait3A_372] : memref<25x400xi32, #tpu.memory_space<hbm>> -> memref<1x400xi32, #tpu.memory_space<hbm>>
      %dma_wait3A_374 = tpu.memref_squeeze %dma_wait3A_373 : memref<1x400xi32, #tpu.memory_space<hbm>> -> memref<400xi32, #tpu.memory_space<hbm>>
      %dma_wait3A_375 = arith.constant 0 : i32
      %dma_wait3A_376 = tpu.memref_slice %arg7[%dma_wait3A_364, %dma_wait3A_375] : memref<2x400xi32, #tpu.memory_space<vmem>> -> memref<1x400xi32, #tpu.memory_space<vmem>>
      %dma_wait3A_377 = tpu.memref_squeeze %dma_wait3A_376 : memref<1x400xi32, #tpu.memory_space<vmem>> -> memref<400xi32, #tpu.memory_space<vmem>>
      %dma_wait3A_378 = arith.constant 0 : i32
      %dma_wait3A_379 = arith.constant 0 : i32
      %dma_wait3A_380 = tpu.memref_slice %arg4[%add3A, %dma_wait3A_378, %dma_wait3A_379] : memref<32x25x400xi32, #tpu.memory_space<hbm>> -> memref<1x25x400xi32, #tpu.memory_space<hbm>>
      %dma_wait3A_381 = tpu.memref_squeeze %dma_wait3A_380 : memref<1x25x400xi32, #tpu.memory_space<hbm>> -> memref<25x400xi32, #tpu.memory_space<hbm>>
      %dma_wait3A_382 = arith.constant 0 : i32
      %dma_wait3A_383 = tpu.memref_slice %dma_wait3A_381[%dma_wait3A_363, %dma_wait3A_382] : memref<25x400xi32, #tpu.memory_space<hbm>> -> memref<1x400xi32, #tpu.memory_space<hbm>>
      %dma_wait3A_384 = tpu.memref_squeeze %dma_wait3A_383 : memref<1x400xi32, #tpu.memory_space<hbm>> -> memref<400xi32, #tpu.memory_space<hbm>>
      tpu.wait_dma2 semaphore(%arg15 : memref<!tpu.dma_semaphore, #tpu.memory_space<semaphore_mem>>) src(%dma_wait3A_384 : memref<400xi32, #tpu.memory_space<hbm>>) dst(%dma_wait3A_377 : memref<400xi32, #tpu.memory_space<vmem>>)
      %dma_start3A_385 = arith.constant 1 : i32
      %dma_start3A_386 = arith.constant 0 : i32
      %dma_start3A_387 = tpu.memref_slice %arg6[%dma_start3A_385, %dma_start3A_386] : memref<2x400xi32, #tpu.memory_space<vmem>> -> memref<1x400xi32, #tpu.memory_space<vmem>>
      %dma_start3A_388 = tpu.memref_squeeze %dma_start3A_387 : memref<1x400xi32, #tpu.memory_space<vmem>> -> memref<400xi32, #tpu.memory_space<vmem>>
      %dma_start3A_389 = arith.constant 0 : i32
      %dma_start3A_390 = arith.constant 0 : i32
      %dma_start3A_391 = tpu.memref_slice %arg2[%dma_start3A_389, %dma_start3A_390] : memref<10240x64xf32, #tpu.memory_space<hbm>> -> memref<10240x64xf32, #tpu.memory_space<hbm>>
      tpu.enqueue_indirect_dma source(%dma_start3A_391 : memref<10240x64xf32, #tpu.memory_space<hbm>>) target(%arg9 : memref<400x64xf32, #tpu.memory_space<vmem>>) offsets(%dma_start3A_388 : memref<400xi32, #tpu.memory_space<vmem>>) semaphore(%arg13 : memref<!tpu.dma_semaphore, #tpu.memory_space<semaphore_mem>>)
      %run_scoped3A_392 = arith.constant 0 : i32
      "tpu.region"() ({
        %run_scoped3A_545 = tpu.sem_alloc : memref<!tpu.dma_semaphore, #tpu.memory_space<semaphore_mem>>
        %dma_start3A_546 = arith.constant 0 : i32
        %dma_start3A_547 = tpu.memref_slice %arg7[%run_scoped3A_392, %dma_start3A_546] : memref<2x400xi32, #tpu.memory_space<vmem>> -> memref<1x400xi32, #tpu.memory_space<vmem>>
        %dma_start3A_548 = tpu.memref_squeeze %dma_start3A_547 : memref<1x400xi32, #tpu.memory_space<vmem>> -> memref<400xi32, #tpu.memory_space<vmem>>
        %dma_start3A_549 = arith.constant 0 : i32
        %dma_start3A_550 = arith.constant 0 : i32
        %dma_start3A_551 = tpu.memref_slice %arg11[%dma_start3A_549, %dma_start3A_550] : memref<10240x64xf32, #tpu.memory_space<vmem_shared>> -> memref<10240x64xf32, #tpu.memory_space<vmem_shared>>
        tpu.enqueue_indirect_dma source(%arg8 : memref<400x64xf32, #tpu.memory_space<vmem>>) target(%dma_start3A_551 : memref<10240x64xf32, #tpu.memory_space<vmem_shared>>) offsets(%dma_start3A_548 : memref<400xi32, #tpu.memory_space<vmem>>) semaphore(%run_scoped3A_545 : memref<!tpu.dma_semaphore, #tpu.memory_space<semaphore_mem>>) {add = true}
        %dma_wait3A_552 = arith.constant 0 : i32
        %dma_wait3A_553 = tpu.memref_slice %arg7[%run_scoped3A_392, %dma_wait3A_552] : memref<2x400xi32, #tpu.memory_space<vmem>> -> memref<1x400xi32, #tpu.memory_space<vmem>>
        %dma_wait3A_554 = tpu.memref_squeeze %dma_wait3A_553 : memref<1x400xi32, #tpu.memory_space<vmem>> -> memref<400xi32, #tpu.memory_space<vmem>>
        %dma_wait3A_555 = arith.constant 0 : i32
        %dma_wait3A_556 = arith.constant 0 : i32
        %dma_wait3A_557 = tpu.memref_slice %arg11[%dma_wait3A_555, %dma_wait3A_556] : memref<10240x64xf32, #tpu.memory_space<vmem_shared>> -> memref<10240x64xf32, #tpu.memory_space<vmem_shared>>
        tpu.wait_indirect_dma semaphore(%run_scoped3A_545 : memref<!tpu.dma_semaphore, #tpu.memory_space<semaphore_mem>>) src(%arg8 : memref<400x64xf32, #tpu.memory_space<vmem>>) dst(%dma_wait3A_557 : memref<10240x64xf32, #tpu.memory_space<vmem_shared>>)
        tpu.yield
      }) : () -> ()
      %add3A_393 = arith.constant 2 : i32
      %add3A_394 = arith.addi %mul3A_333, %add3A_393 : i32
      %dma_start3A_395 = arith.constant 0 : i32
      %dma_start3A_396 = arith.constant 0 : i32
      %dma_start3A_397 = tpu.memref_slice %arg6[%dma_start3A_395, %dma_start3A_396] : memref<2x400xi32, #tpu.memory_space<vmem>> -> memref<1x400xi32, #tpu.memory_space<vmem>>
      %dma_start3A_398 = tpu.memref_squeeze %dma_start3A_397 : memref<1x400xi32, #tpu.memory_space<vmem>> -> memref<400xi32, #tpu.memory_space<vmem>>
      %dma_start3A_399 = arith.constant 0 : i32
      %dma_start3A_400 = arith.constant 0 : i32
      %dma_start3A_401 = tpu.memref_slice %arg3[%add3A, %dma_start3A_399, %dma_start3A_400] : memref<32x25x400xi32, #tpu.memory_space<hbm>> -> memref<1x25x400xi32, #tpu.memory_space<hbm>>
      %dma_start3A_402 = tpu.memref_squeeze %dma_start3A_401 : memref<1x25x400xi32, #tpu.memory_space<hbm>> -> memref<25x400xi32, #tpu.memory_space<hbm>>
      %dma_start3A_403 = arith.constant 0 : i32
      %dma_start3A_404 = tpu.memref_slice %dma_start3A_402[%add3A_394, %dma_start3A_403] : memref<25x400xi32, #tpu.memory_space<hbm>> -> memref<1x400xi32, #tpu.memory_space<hbm>>
      %dma_start3A_405 = tpu.memref_squeeze %dma_start3A_404 : memref<1x400xi32, #tpu.memory_space<hbm>> -> memref<400xi32, #tpu.memory_space<hbm>>
      %dma_start3A_406 = arith.constant 0 : i32
      %dma_start3A_407 = tpu.memref_slice %arg6[%dma_start3A_395, %dma_start3A_406] : memref<2x400xi32, #tpu.memory_space<vmem>> -> memref<1x400xi32, #tpu.memory_space<vmem>>
      %dma_start3A_408 = tpu.memref_squeeze %dma_start3A_407 : memref<1x400xi32, #tpu.memory_space<vmem>> -> memref<400xi32, #tpu.memory_space<vmem>>
      %dma_start3A_409 = arith.constant 0 : i32
      %dma_start3A_410 = arith.constant 0 : i32
      %dma_start3A_411 = tpu.memref_slice %arg3[%add3A, %dma_start3A_409, %dma_start3A_410] : memref<32x25x400xi32, #tpu.memory_space<hbm>> -> memref<1x25x400xi32, #tpu.memory_space<hbm>>
      %dma_start3A_412 = tpu.memref_squeeze %dma_start3A_411 : memref<1x25x400xi32, #tpu.memory_space<hbm>> -> memref<25x400xi32, #tpu.memory_space<hbm>>
      %dma_start3A_413 = arith.constant 0 : i32
      %dma_start3A_414 = tpu.memref_slice %dma_start3A_412[%add3A_394, %dma_start3A_413] : memref<25x400xi32, #tpu.memory_space<hbm>> -> memref<1x400xi32, #tpu.memory_space<hbm>>
      %dma_start3A_415 = tpu.memref_squeeze %dma_start3A_414 : memref<1x400xi32, #tpu.memory_space<hbm>> -> memref<400xi32, #tpu.memory_space<hbm>>
      tpu.enqueue_dma source(%dma_start3A_415 : memref<400xi32, #tpu.memory_space<hbm>>) target(%dma_start3A_408 : memref<400xi32, #tpu.memory_space<vmem>>) target_semaphore(%arg14 : memref<!tpu.dma_semaphore, #tpu.memory_space<semaphore_mem>>)
      %dma_start3A_416 = arith.constant 0 : i32
      %dma_start3A_417 = arith.constant 0 : i32
      %dma_start3A_418 = tpu.memref_slice %arg7[%dma_start3A_416, %dma_start3A_417] : memref<2x400xi32, #tpu.memory_space<vmem>> -> memref<1x400xi32, #tpu.memory_space<vmem>>
      %dma_start3A_419 = tpu.memref_squeeze %dma_start3A_418 : memref<1x400xi32, #tpu.memory_space<vmem>> -> memref<400xi32, #tpu.memory_space<vmem>>
      %dma_start3A_420 = arith.constant 0 : i32
      %dma_start3A_421 = arith.constant 0 : i32
      %dma_start3A_422 = tpu.memref_slice %arg4[%add3A, %dma_start3A_420, %dma_start3A_421] : memref<32x25x400xi32, #tpu.memory_space<hbm>> -> memref<1x25x400xi32, #tpu.memory_space<hbm>>
      %dma_start3A_423 = tpu.memref_squeeze %dma_start3A_422 : memref<1x25x400xi32, #tpu.memory_space<hbm>> -> memref<25x400xi32, #tpu.memory_space<hbm>>
      %dma_start3A_424 = arith.constant 0 : i32
      %dma_start3A_425 = tpu.memref_slice %dma_start3A_423[%add3A_394, %dma_start3A_424] : memref<25x400xi32, #tpu.memory_space<hbm>> -> memref<1x400xi32, #tpu.memory_space<hbm>>
      %dma_start3A_426 = tpu.memref_squeeze %dma_start3A_425 : memref<1x400xi32, #tpu.memory_space<hbm>> -> memref<400xi32, #tpu.memory_space<hbm>>
      %dma_start3A_427 = arith.constant 0 : i32
      %dma_start3A_428 = tpu.memref_slice %arg7[%dma_start3A_416, %dma_start3A_427] : memref<2x400xi32, #tpu.memory_space<vmem>> -> memref<1x400xi32, #tpu.memory_space<vmem>>
      %dma_start3A_429 = tpu.memref_squeeze %dma_start3A_428 : memref<1x400xi32, #tpu.memory_space<vmem>> -> memref<400xi32, #tpu.memory_space<vmem>>
      %dma_start3A_430 = arith.constant 0 : i32
      %dma_start3A_431 = arith.constant 0 : i32
      %dma_start3A_432 = tpu.memref_slice %arg4[%add3A, %dma_start3A_430, %dma_start3A_431] : memref<32x25x400xi32, #tpu.memory_space<hbm>> -> memref<1x25x400xi32, #tpu.memory_space<hbm>>
      %dma_start3A_433 = tpu.memref_squeeze %dma_start3A_432 : memref<1x25x400xi32, #tpu.memory_space<hbm>> -> memref<25x400xi32, #tpu.memory_space<hbm>>
      %dma_start3A_434 = arith.constant 0 : i32
      %dma_start3A_435 = tpu.memref_slice %dma_start3A_433[%add3A_394, %dma_start3A_434] : memref<25x400xi32, #tpu.memory_space<hbm>> -> memref<1x400xi32, #tpu.memory_space<hbm>>
      %dma_start3A_436 = tpu.memref_squeeze %dma_start3A_435 : memref<1x400xi32, #tpu.memory_space<hbm>> -> memref<400xi32, #tpu.memory_space<hbm>>
      tpu.enqueue_dma source(%dma_start3A_436 : memref<400xi32, #tpu.memory_space<hbm>>) target(%dma_start3A_429 : memref<400xi32, #tpu.memory_space<vmem>>) target_semaphore(%arg14 : memref<!tpu.dma_semaphore, #tpu.memory_space<semaphore_mem>>)
      %mul3A_437 = arith.constant 2 : i32
      %mul3A_438 = arith.muli %scan3A_330, %mul3A_437 : i32
      %add3A_439 = arith.constant 1 : i32
      %add3A_440 = arith.addi %mul3A_438, %add3A_439 : i32
      %dma_wait3A_441 = arith.constant 1 : i32
      %dma_wait3A_442 = arith.constant 0 : i32
      %dma_wait3A_443 = tpu.memref_slice %arg6[%dma_wait3A_441, %dma_wait3A_442] : memref<2x400xi32, #tpu.memory_space<vmem>> -> memref<1x400xi32, #tpu.memory_space<vmem>>
      %dma_wait3A_444 = tpu.memref_squeeze %dma_wait3A_443 : memref<1x400xi32, #tpu.memory_space<vmem>> -> memref<400xi32, #tpu.memory_space<vmem>>
      %dma_wait3A_445 = arith.constant 0 : i32
      %dma_wait3A_446 = arith.constant 0 : i32
      %dma_wait3A_447 = tpu.memref_slice %arg2[%dma_wait3A_445, %dma_wait3A_446] : memref<10240x64xf32, #tpu.memory_space<hbm>> -> memref<10240x64xf32, #tpu.memory_space<hbm>>
      tpu.wait_indirect_dma semaphore(%arg13 : memref<!tpu.dma_semaphore, #tpu.memory_space<semaphore_mem>>) src(%dma_wait3A_447 : memref<10240x64xf32, #tpu.memory_space<hbm>>) dst(%arg9 : memref<400x64xf32, #tpu.memory_space<vmem>>)
      %dma_wait3A_448 = arith.constant 0 : i32
      %dma_wait3A_449 = arith.constant 0 : i32
      %dma_wait3A_450 = arith.constant 0 : i32
      %dma_wait3A_451 = tpu.memref_slice %arg6[%dma_wait3A_449, %dma_wait3A_450] : memref<2x400xi32, #tpu.memory_space<vmem>> -> memref<1x400xi32, #tpu.memory_space<vmem>>
      %dma_wait3A_452 = tpu.memref_squeeze %dma_wait3A_451 : memref<1x400xi32, #tpu.memory_space<vmem>> -> memref<400xi32, #tpu.memory_space<vmem>>
      %dma_wait3A_453 = arith.constant 0 : i32
      %dma_wait3A_454 = arith.constant 0 : i32
      %dma_wait3A_455 = tpu.memref_slice %arg3[%add3A, %dma_wait3A_453, %dma_wait3A_454] : memref<32x25x400xi32, #tpu.memory_space<hbm>> -> memref<1x25x400xi32, #tpu.memory_space<hbm>>
      %dma_wait3A_456 = tpu.memref_squeeze %dma_wait3A_455 : memref<1x25x400xi32, #tpu.memory_space<hbm>> -> memref<25x400xi32, #tpu.memory_space<hbm>>
      %dma_wait3A_457 = arith.constant 0 : i32
      %dma_wait3A_458 = tpu.memref_slice %dma_wait3A_456[%dma_wait3A_448, %dma_wait3A_457] : memref<25x400xi32, #tpu.memory_space<hbm>> -> memref<1x400xi32, #tpu.memory_space<hbm>>
      %dma_wait3A_459 = tpu.memref_squeeze %dma_wait3A_458 : memref<1x400xi32, #tpu.memory_space<hbm>> -> memref<400xi32, #tpu.memory_space<hbm>>
      %dma_wait3A_460 = arith.constant 0 : i32
      %dma_wait3A_461 = tpu.memref_slice %arg6[%dma_wait3A_449, %dma_wait3A_460] : memref<2x400xi32, #tpu.memory_space<vmem>> -> memref<1x400xi32, #tpu.memory_space<vmem>>
      %dma_wait3A_462 = tpu.memref_squeeze %dma_wait3A_461 : memref<1x400xi32, #tpu.memory_space<vmem>> -> memref<400xi32, #tpu.memory_space<vmem>>
      %dma_wait3A_463 = arith.constant 0 : i32
      %dma_wait3A_464 = arith.constant 0 : i32
      %dma_wait3A_465 = tpu.memref_slice %arg3[%add3A, %dma_wait3A_463, %dma_wait3A_464] : memref<32x25x400xi32, #tpu.memory_space<hbm>> -> memref<1x25x400xi32, #tpu.memory_space<hbm>>
      %dma_wait3A_466 = tpu.memref_squeeze %dma_wait3A_465 : memref<1x25x400xi32, #tpu.memory_space<hbm>> -> memref<25x400xi32, #tpu.memory_space<hbm>>
      %dma_wait3A_467 = arith.constant 0 : i32
      %dma_wait3A_468 = tpu.memref_slice %dma_wait3A_466[%dma_wait3A_448, %dma_wait3A_467] : memref<25x400xi32, #tpu.memory_space<hbm>> -> memref<1x400xi32, #tpu.memory_space<hbm>>
      %dma_wait3A_469 = tpu.memref_squeeze %dma_wait3A_468 : memref<1x400xi32, #tpu.memory_space<hbm>> -> memref<400xi32, #tpu.memory_space<hbm>>
      tpu.wait_dma2 semaphore(%arg14 : memref<!tpu.dma_semaphore, #tpu.memory_space<semaphore_mem>>) src(%dma_wait3A_469 : memref<400xi32, #tpu.memory_space<hbm>>) dst(%dma_wait3A_462 : memref<400xi32, #tpu.memory_space<vmem>>)
      %dma_wait3A_470 = arith.constant 0 : i32
      %dma_wait3A_471 = arith.constant 0 : i32
      %dma_wait3A_472 = arith.constant 0 : i32
      %dma_wait3A_473 = tpu.memref_slice %arg7[%dma_wait3A_471, %dma_wait3A_472] : memref<2x400xi32, #tpu.memory_space<vmem>> -> memref<1x400xi32, #tpu.memory_space<vmem>>
      %dma_wait3A_474 = tpu.memref_squeeze %dma_wait3A_473 : memref<1x400xi32, #tpu.memory_space<vmem>> -> memref<400xi32, #tpu.memory_space<vmem>>
      %dma_wait3A_475 = arith.constant 0 : i32
      %dma_wait3A_476 = arith.constant 0 : i32
      %dma_wait3A_477 = tpu.memref_slice %arg4[%add3A, %dma_wait3A_475, %dma_wait3A_476] : memref<32x25x400xi32, #tpu.memory_space<hbm>> -> memref<1x25x400xi32, #tpu.memory_space<hbm>>
      %dma_wait3A_478 = tpu.memref_squeeze %dma_wait3A_477 : memref<1x25x400xi32, #tpu.memory_space<hbm>> -> memref<25x400xi32, #tpu.memory_space<hbm>>
      %dma_wait3A_479 = arith.constant 0 : i32
      %dma_wait3A_480 = tpu.memref_slice %dma_wait3A_478[%dma_wait3A_470, %dma_wait3A_479] : memref<25x400xi32, #tpu.memory_space<hbm>> -> memref<1x400xi32, #tpu.memory_space<hbm>>
      %dma_wait3A_481 = tpu.memref_squeeze %dma_wait3A_480 : memref<1x400xi32, #tpu.memory_space<hbm>> -> memref<400xi32, #tpu.memory_space<hbm>>
      %dma_wait3A_482 = arith.constant 0 : i32
      %dma_wait3A_483 = tpu.memref_slice %arg7[%dma_wait3A_471, %dma_wait3A_482] : memref<2x400xi32, #tpu.memory_space<vmem>> -> memref<1x400xi32, #tpu.memory_space<vmem>>
      %dma_wait3A_484 = tpu.memref_squeeze %dma_wait3A_483 : memref<1x400xi32, #tpu.memory_space<vmem>> -> memref<400xi32, #tpu.memory_space<vmem>>
      %dma_wait3A_485 = arith.constant 0 : i32
      %dma_wait3A_486 = arith.constant 0 : i32
      %dma_wait3A_487 = tpu.memref_slice %arg4[%add3A, %dma_wait3A_485, %dma_wait3A_486] : memref<32x25x400xi32, #tpu.memory_space<hbm>> -> memref<1x25x400xi32, #tpu.memory_space<hbm>>
      %dma_wait3A_488 = tpu.memref_squeeze %dma_wait3A_487 : memref<1x25x400xi32, #tpu.memory_space<hbm>> -> memref<25x400xi32, #tpu.memory_space<hbm>>
      %dma_wait3A_489 = arith.constant 0 : i32
      %dma_wait3A_490 = tpu.memref_slice %dma_wait3A_488[%dma_wait3A_470, %dma_wait3A_489] : memref<25x400xi32, #tpu.memory_space<hbm>> -> memref<1x400xi32, #tpu.memory_space<hbm>>
      %dma_wait3A_491 = tpu.memref_squeeze %dma_wait3A_490 : memref<1x400xi32, #tpu.memory_space<hbm>> -> memref<400xi32, #tpu.memory_space<hbm>>
      tpu.wait_dma2 semaphore(%arg14 : memref<!tpu.dma_semaphore, #tpu.memory_space<semaphore_mem>>) src(%dma_wait3A_491 : memref<400xi32, #tpu.memory_space<hbm>>) dst(%dma_wait3A_484 : memref<400xi32, #tpu.memory_space<vmem>>)
      %dma_start3A_492 = arith.constant 0 : i32
      %dma_start3A_493 = arith.constant 0 : i32
      %dma_start3A_494 = tpu.memref_slice %arg6[%dma_start3A_492, %dma_start3A_493] : memref<2x400xi32, #tpu.memory_space<vmem>> -> memref<1x400xi32, #tpu.memory_space<vmem>>
      %dma_start3A_495 = tpu.memref_squeeze %dma_start3A_494 : memref<1x400xi32, #tpu.memory_space<vmem>> -> memref<400xi32, #tpu.memory_space<vmem>>
      %dma_start3A_496 = arith.constant 0 : i32
      %dma_start3A_497 = arith.constant 0 : i32
      %dma_start3A_498 = tpu.memref_slice %arg2[%dma_start3A_496, %dma_start3A_497] : memref<10240x64xf32, #tpu.memory_space<hbm>> -> memref<10240x64xf32, #tpu.memory_space<hbm>>
      tpu.enqueue_indirect_dma source(%dma_start3A_498 : memref<10240x64xf32, #tpu.memory_space<hbm>>) target(%arg8 : memref<400x64xf32, #tpu.memory_space<vmem>>) offsets(%dma_start3A_495 : memref<400xi32, #tpu.memory_space<vmem>>) semaphore(%arg12 : memref<!tpu.dma_semaphore, #tpu.memory_space<semaphore_mem>>)
      %run_scoped3A_499 = arith.constant 1 : i32
      "tpu.region"() ({
        %run_scoped3A_545 = tpu.sem_alloc : memref<!tpu.dma_semaphore, #tpu.memory_space<semaphore_mem>>
        %dma_start3A_546 = arith.constant 0 : i32
        %dma_start3A_547 = tpu.memref_slice %arg7[%run_scoped3A_499, %dma_start3A_546] : memref<2x400xi32, #tpu.memory_space<vmem>> -> memref<1x400xi32, #tpu.memory_space<vmem>>
        %dma_start3A_548 = tpu.memref_squeeze %dma_start3A_547 : memref<1x400xi32, #tpu.memory_space<vmem>> -> memref<400xi32, #tpu.memory_space<vmem>>
        %dma_start3A_549 = arith.constant 0 : i32
        %dma_start3A_550 = arith.constant 0 : i32
        %dma_start3A_551 = tpu.memref_slice %arg11[%dma_start3A_549, %dma_start3A_550] : memref<10240x64xf32, #tpu.memory_space<vmem_shared>> -> memref<10240x64xf32, #tpu.memory_space<vmem_shared>>
        tpu.enqueue_indirect_dma source(%arg9 : memref<400x64xf32, #tpu.memory_space<vmem>>) target(%dma_start3A_551 : memref<10240x64xf32, #tpu.memory_space<vmem_shared>>) offsets(%dma_start3A_548 : memref<400xi32, #tpu.memory_space<vmem>>) semaphore(%run_scoped3A_545 : memref<!tpu.dma_semaphore, #tpu.memory_space<semaphore_mem>>) {add = true}
        %dma_wait3A_552 = arith.constant 0 : i32
        %dma_wait3A_553 = tpu.memref_slice %arg7[%run_scoped3A_499, %dma_wait3A_552] : memref<2x400xi32, #tpu.memory_space<vmem>> -> memref<1x400xi32, #tpu.memory_space<vmem>>
        %dma_wait3A_554 = tpu.memref_squeeze %dma_wait3A_553 : memref<1x400xi32, #tpu.memory_space<vmem>> -> memref<400xi32, #tpu.memory_space<vmem>>
        %dma_wait3A_555 = arith.constant 0 : i32
        %dma_wait3A_556 = arith.constant 0 : i32
        %dma_wait3A_557 = tpu.memref_slice %arg11[%dma_wait3A_555, %dma_wait3A_556] : memref<10240x64xf32, #tpu.memory_space<vmem_shared>> -> memref<10240x64xf32, #tpu.memory_space<vmem_shared>>
        tpu.wait_indirect_dma semaphore(%run_scoped3A_545 : memref<!tpu.dma_semaphore, #tpu.memory_space<semaphore_mem>>) src(%arg9 : memref<400x64xf32, #tpu.memory_space<vmem>>) dst(%dma_wait3A_557 : memref<10240x64xf32, #tpu.memory_space<vmem_shared>>)
        tpu.yield
      }) : () -> ()
      %add3A_500 = arith.constant 2 : i32
      %add3A_501 = arith.addi %add3A_440, %add3A_500 : i32
      %dma_start3A_502 = arith.constant 1 : i32
      %dma_start3A_503 = arith.constant 0 : i32
      %dma_start3A_504 = tpu.memref_slice %arg6[%dma_start3A_502, %dma_start3A_503] : memref<2x400xi32, #tpu.memory_space<vmem>> -> memref<1x400xi32, #tpu.memory_space<vmem>>
      %dma_start3A_505 = tpu.memref_squeeze %dma_start3A_504 : memref<1x400xi32, #tpu.memory_space<vmem>> -> memref<400xi32, #tpu.memory_space<vmem>>
      %dma_start3A_506 = arith.constant 0 : i32
      %dma_start3A_507 = arith.constant 0 : i32
      %dma_start3A_508 = tpu.memref_slice %arg3[%add3A, %dma_start3A_506, %dma_start3A_507] : memref<32x25x400xi32, #tpu.memory_space<hbm>> -> memref<1x25x400xi32, #tpu.memory_space<hbm>>
      %dma_start3A_509 = tpu.memref_squeeze %dma_start3A_508 : memref<1x25x400xi32, #tpu.memory_space<hbm>> -> memref<25x400xi32, #tpu.memory_space<hbm>>
      %dma_start3A_510 = arith.constant 0 : i32
      %dma_start3A_511 = tpu.memref_slice %dma_start3A_509[%add3A_501, %dma_start3A_510] : memref<25x400xi32, #tpu.memory_space<hbm>> -> memref<1x400xi32, #tpu.memory_space<hbm>>
      %dma_start3A_512 = tpu.memref_squeeze %dma_start3A_511 : memref<1x400xi32, #tpu.memory_space<hbm>> -> memref<400xi32, #tpu.memory_space<hbm>>
      %dma_start3A_513 = arith.constant 0 : i32
      %dma_start3A_514 = tpu.memref_slice %arg6[%dma_start3A_502, %dma_start3A_513] : memref<2x400xi32, #tpu.memory_space<vmem>> -> memref<1x400xi32, #tpu.memory_space<vmem>>
      %dma_start3A_515 = tpu.memref_squeeze %dma_start3A_514 : memref<1x400xi32, #tpu.memory_space<vmem>> -> memref<400xi32, #tpu.memory_space<vmem>>
      %dma_start3A_516 = arith.constant 0 : i32
      %dma_start3A_517 = arith.constant 0 : i32
      %dma_start3A_518 = tpu.memref_slice %arg3[%add3A, %dma_start3A_516, %dma_start3A_517] : memref<32x25x400xi32, #tpu.memory_space<hbm>> -> memref<1x25x400xi32, #tpu.memory_space<hbm>>
      %dma_start3A_519 = tpu.memref_squeeze %dma_start3A_518 : memref<1x25x400xi32, #tpu.memory_space<hbm>> -> memref<25x400xi32, #tpu.memory_space<hbm>>
      %dma_start3A_520 = arith.constant 0 : i32
      %dma_start3A_521 = tpu.memref_slice %dma_start3A_519[%add3A_501, %dma_start3A_520] : memref<25x400xi32, #tpu.memory_space<hbm>> -> memref<1x400xi32, #tpu.memory_space<hbm>>
      %dma_start3A_522 = tpu.memref_squeeze %dma_start3A_521 : memref<1x400xi32, #tpu.memory_space<hbm>> -> memref<400xi32, #tpu.memory_space<hbm>>
      tpu.enqueue_dma source(%dma_start3A_522 : memref<400xi32, #tpu.memory_space<hbm>>) target(%dma_start3A_515 : memref<400xi32, #tpu.memory_space<vmem>>) target_semaphore(%arg15 : memref<!tpu.dma_semaphore, #tpu.memory_space<semaphore_mem>>)
      %dma_start3A_523 = arith.constant 1 : i32
      %dma_start3A_524 = arith.constant 0 : i32
      %dma_start3A_525 = tpu.memref_slice %arg7[%dma_start3A_523, %dma_start3A_524] : memref<2x400xi32, #tpu.memory_space<vmem>> -> memref<1x400xi32, #tpu.memory_space<vmem>>
      %dma_start3A_526 = tpu.memref_squeeze %dma_start3A_525 : memref<1x400xi32, #tpu.memory_space<vmem>> -> memref<400xi32, #tpu.memory_space<vmem>>
      %dma_start3A_527 = arith.constant 0 : i32
      %dma_start3A_528 = arith.constant 0 : i32
      %dma_start3A_529 = tpu.memref_slice %arg4[%add3A, %dma_start3A_527, %dma_start3A_528] : memref<32x25x400xi32, #tpu.memory_space<hbm>> -> memref<1x25x400xi32, #tpu.memory_space<hbm>>
      %dma_start3A_530 = tpu.memref_squeeze %dma_start3A_529 : memref<1x25x400xi32, #tpu.memory_space<hbm>> -> memref<25x400xi32, #tpu.memory_space<hbm>>
      %dma_start3A_531 = arith.constant 0 : i32
      %dma_start3A_532 = tpu.memref_slice %dma_start3A_530[%add3A_501, %dma_start3A_531] : memref<25x400xi32, #tpu.memory_space<hbm>> -> memref<1x400xi32, #tpu.memory_space<hbm>>
      %dma_start3A_533 = tpu.memref_squeeze %dma_start3A_532 : memref<1x400xi32, #tpu.memory_space<hbm>> -> memref<400xi32, #tpu.memory_space<hbm>>
      %dma_start3A_534 = arith.constant 0 : i32
      %dma_start3A_535 = tpu.memref_slice %arg7[%dma_start3A_523, %dma_start3A_534] : memref<2x400xi32, #tpu.memory_space<vmem>> -> memref<1x400xi32, #tpu.memory_space<vmem>>
      %dma_start3A_536 = tpu.memref_squeeze %dma_start3A_535 : memref<1x400xi32, #tpu.memory_space<vmem>> -> memref<400xi32, #tpu.memory_space<vmem>>
      %dma_start3A_537 = arith.constant 0 : i32
      %dma_start3A_538 = arith.constant 0 : i32
      %dma_start3A_539 = tpu.memref_slice %arg4[%add3A, %dma_start3A_537, %dma_start3A_538] : memref<32x25x400xi32, #tpu.memory_space<hbm>> -> memref<1x25x400xi32, #tpu.memory_space<hbm>>
      %dma_start3A_540 = tpu.memref_squeeze %dma_start3A_539 : memref<1x25x400xi32, #tpu.memory_space<hbm>> -> memref<25x400xi32, #tpu.memory_space<hbm>>
      %dma_start3A_541 = arith.constant 0 : i32
      %dma_start3A_542 = tpu.memref_slice %dma_start3A_540[%add3A_501, %dma_start3A_541] : memref<25x400xi32, #tpu.memory_space<hbm>> -> memref<1x400xi32, #tpu.memory_space<hbm>>
      %dma_start3A_543 = tpu.memref_squeeze %dma_start3A_542 : memref<1x400xi32, #tpu.memory_space<hbm>> -> memref<400xi32, #tpu.memory_space<hbm>>
      tpu.enqueue_dma source(%dma_start3A_543 : memref<400xi32, #tpu.memory_space<hbm>>) target(%dma_start3A_536 : memref<400xi32, #tpu.memory_space<vmem>>) target_semaphore(%arg15 : memref<!tpu.dma_semaphore, #tpu.memory_space<semaphore_mem>>)
      %scan3A_544 = arith.constant 0 : i32
      scf.yield %scan3A_544 : i32
    }
    %scan3A_157 = arith.constant 11 : i32
    %dma_wait3A_158 = arith.constant 0 : i32
    %dma_wait3A_159 = arith.constant 0 : i32
    %dma_wait3A_160 = tpu.memref_slice %arg6[%dma_wait3A_158, %dma_wait3A_159] : memref<2x400xi32, #tpu.memory_space<vmem>> -> memref<1x400xi32, #tpu.memory_space<vmem>>
    %dma_wait3A_161 = tpu.memref_squeeze %dma_wait3A_160 : memref<1x400xi32, #tpu.memory_space<vmem>> -> memref<400xi32, #tpu.memory_space<vmem>>
    %dma_wait3A_162 = arith.constant 0 : i32
    %dma_wait3A_163 = arith.constant 0 : i32
    %dma_wait3A_164 = tpu.memref_slice %arg2[%dma_wait3A_162, %dma_wait3A_163] : memref<10240x64xf32, #tpu.memory_space<hbm>> -> memref<10240x64xf32, #tpu.memory_space<hbm>>
    tpu.wait_indirect_dma semaphore(%arg12 : memref<!tpu.dma_semaphore, #tpu.memory_space<semaphore_mem>>) src(%dma_wait3A_164 : memref<10240x64xf32, #tpu.memory_space<hbm>>) dst(%arg8 : memref<400x64xf32, #tpu.memory_space<vmem>>)
    %dma_wait3A_165 = arith.constant 0 : i32
    %dma_wait3A_166 = arith.constant 1 : i32
    %dma_wait3A_167 = arith.constant 0 : i32
    %dma_wait3A_168 = tpu.memref_slice %arg6[%dma_wait3A_166, %dma_wait3A_167] : memref<2x400xi32, #tpu.memory_space<vmem>> -> memref<1x400xi32, #tpu.memory_space<vmem>>
    %dma_wait3A_169 = tpu.memref_squeeze %dma_wait3A_168 : memref<1x400xi32, #tpu.memory_space<vmem>> -> memref<400xi32, #tpu.memory_space<vmem>>
    %dma_wait3A_170 = arith.constant 0 : i32
    %dma_wait3A_171 = arith.constant 0 : i32
    %dma_wait3A_172 = tpu.memref_slice %arg3[%add3A, %dma_wait3A_170, %dma_wait3A_171] : memref<32x25x400xi32, #tpu.memory_space<hbm>> -> memref<1x25x400xi32, #tpu.memory_space<hbm>>
    %dma_wait3A_173 = tpu.memref_squeeze %dma_wait3A_172 : memref<1x25x400xi32, #tpu.memory_space<hbm>> -> memref<25x400xi32, #tpu.memory_space<hbm>>
    %dma_wait3A_174 = arith.constant 0 : i32
    %dma_wait3A_175 = tpu.memref_slice %dma_wait3A_173[%dma_wait3A_165, %dma_wait3A_174] : memref<25x400xi32, #tpu.memory_space<hbm>> -> memref<1x400xi32, #tpu.memory_space<hbm>>
    %dma_wait3A_176 = tpu.memref_squeeze %dma_wait3A_175 : memref<1x400xi32, #tpu.memory_space<hbm>> -> memref<400xi32, #tpu.memory_space<hbm>>
    %dma_wait3A_177 = arith.constant 0 : i32
    %dma_wait3A_178 = tpu.memref_slice %arg6[%dma_wait3A_166, %dma_wait3A_177] : memref<2x400xi32, #tpu.memory_space<vmem>> -> memref<1x400xi32, #tpu.memory_space<vmem>>
    %dma_wait3A_179 = tpu.memref_squeeze %dma_wait3A_178 : memref<1x400xi32, #tpu.memory_space<vmem>> -> memref<400xi32, #tpu.memory_space<vmem>>
    %dma_wait3A_180 = arith.constant 0 : i32
    %dma_wait3A_181 = arith.constant 0 : i32
    %dma_wait3A_182 = tpu.memref_slice %arg3[%add3A, %dma_wait3A_180, %dma_wait3A_181] : memref<32x25x400xi32, #tpu.memory_space<hbm>> -> memref<1x25x400xi32, #tpu.memory_space<hbm>>
    %dma_wait3A_183 = tpu.memref_squeeze %dma_wait3A_182 : memref<1x25x400xi32, #tpu.memory_space<hbm>> -> memref<25x400xi32, #tpu.memory_space<hbm>>
    %dma_wait3A_184 = arith.constant 0 : i32
    %dma_wait3A_185 = tpu.memref_slice %dma_wait3A_183[%dma_wait3A_165, %dma_wait3A_184] : memref<25x400xi32, #tpu.memory_space<hbm>> -> memref<1x400xi32, #tpu.memory_space<hbm>>
    %dma_wait3A_186 = tpu.memref_squeeze %dma_wait3A_185 : memref<1x400xi32, #tpu.memory_space<hbm>> -> memref<400xi32, #tpu.memory_space<hbm>>
    tpu.wait_dma2 semaphore(%arg15 : memref<!tpu.dma_semaphore, #tpu.memory_space<semaphore_mem>>) src(%dma_wait3A_186 : memref<400xi32, #tpu.memory_space<hbm>>) dst(%dma_wait3A_179 : memref<400xi32, #tpu.memory_space<vmem>>)
    %dma_wait3A_187 = arith.constant 0 : i32
    %dma_wait3A_188 = arith.constant 1 : i32
    %dma_wait3A_189 = arith.constant 0 : i32
    %dma_wait3A_190 = tpu.memref_slice %arg7[%dma_wait3A_188, %dma_wait3A_189] : memref<2x400xi32, #tpu.memory_space<vmem>> -> memref<1x400xi32, #tpu.memory_space<vmem>>
    %dma_wait3A_191 = tpu.memref_squeeze %dma_wait3A_190 : memref<1x400xi32, #tpu.memory_space<vmem>> -> memref<400xi32, #tpu.memory_space<vmem>>
    %dma_wait3A_192 = arith.constant 0 : i32
    %dma_wait3A_193 = arith.constant 0 : i32
    %dma_wait3A_194 = tpu.memref_slice %arg4[%add3A, %dma_wait3A_192, %dma_wait3A_193] : memref<32x25x400xi32, #tpu.memory_space<hbm>> -> memref<1x25x400xi32, #tpu.memory_space<hbm>>
    %dma_wait3A_195 = tpu.memref_squeeze %dma_wait3A_194 : memref<1x25x400xi32, #tpu.memory_space<hbm>> -> memref<25x400xi32, #tpu.memory_space<hbm>>
    %dma_wait3A_196 = arith.constant 0 : i32
    %dma_wait3A_197 = tpu.memref_slice %dma_wait3A_195[%dma_wait3A_187, %dma_wait3A_196] : memref<25x400xi32, #tpu.memory_space<hbm>> -> memref<1x400xi32, #tpu.memory_space<hbm>>
    %dma_wait3A_198 = tpu.memref_squeeze %dma_wait3A_197 : memref<1x400xi32, #tpu.memory_space<hbm>> -> memref<400xi32, #tpu.memory_space<hbm>>
    %dma_wait3A_199 = arith.constant 0 : i32
    %dma_wait3A_200 = tpu.memref_slice %arg7[%dma_wait3A_188, %dma_wait3A_199] : memref<2x400xi32, #tpu.memory_space<vmem>> -> memref<1x400xi32, #tpu.memory_space<vmem>>
    %dma_wait3A_201 = tpu.memref_squeeze %dma_wait3A_200 : memref<1x400xi32, #tpu.memory_space<vmem>> -> memref<400xi32, #tpu.memory_space<vmem>>
    %dma_wait3A_202 = arith.constant 0 : i32
    %dma_wait3A_203 = arith.constant 0 : i32
    %dma_wait3A_204 = tpu.memref_slice %arg4[%add3A, %dma_wait3A_202, %dma_wait3A_203] : memref<32x25x400xi32, #tpu.memory_space<hbm>> -> memref<1x25x400xi32, #tpu.memory_space<hbm>>
    %dma_wait3A_205 = tpu.memref_squeeze %dma_wait3A_204 : memref<1x25x400xi32, #tpu.memory_space<hbm>> -> memref<25x400xi32, #tpu.memory_space<hbm>>
    %dma_wait3A_206 = arith.constant 0 : i32
    %dma_wait3A_207 = tpu.memref_slice %dma_wait3A_205[%dma_wait3A_187, %dma_wait3A_206] : memref<25x400xi32, #tpu.memory_space<hbm>> -> memref<1x400xi32, #tpu.memory_space<hbm>>
    %dma_wait3A_208 = tpu.memref_squeeze %dma_wait3A_207 : memref<1x400xi32, #tpu.memory_space<hbm>> -> memref<400xi32, #tpu.memory_space<hbm>>
    tpu.wait_dma2 semaphore(%arg15 : memref<!tpu.dma_semaphore, #tpu.memory_space<semaphore_mem>>) src(%dma_wait3A_208 : memref<400xi32, #tpu.memory_space<hbm>>) dst(%dma_wait3A_201 : memref<400xi32, #tpu.memory_space<vmem>>)
    %dma_start3A_209 = arith.constant 1 : i32
    %dma_start3A_210 = arith.constant 0 : i32
    %dma_start3A_211 = tpu.memref_slice %arg6[%dma_start3A_209, %dma_start3A_210] : memref<2x400xi32, #tpu.memory_space<vmem>> -> memref<1x400xi32, #tpu.memory_space<vmem>>
    %dma_start3A_212 = tpu.memref_squeeze %dma_start3A_211 : memref<1x400xi32, #tpu.memory_space<vmem>> -> memref<400xi32, #tpu.memory_space<vmem>>
    %dma_start3A_213 = arith.constant 0 : i32
    %dma_start3A_214 = arith.constant 0 : i32
    %dma_start3A_215 = tpu.memref_slice %arg2[%dma_start3A_213, %dma_start3A_214] : memref<10240x64xf32, #tpu.memory_space<hbm>> -> memref<10240x64xf32, #tpu.memory_space<hbm>>
    tpu.enqueue_indirect_dma source(%dma_start3A_215 : memref<10240x64xf32, #tpu.memory_space<hbm>>) target(%arg9 : memref<400x64xf32, #tpu.memory_space<vmem>>) offsets(%dma_start3A_212 : memref<400xi32, #tpu.memory_space<vmem>>) semaphore(%arg13 : memref<!tpu.dma_semaphore, #tpu.memory_space<semaphore_mem>>)
    %run_scoped3A = arith.constant 0 : i32
    "tpu.region"() ({
      %run_scoped3A_330 = tpu.sem_alloc : memref<!tpu.dma_semaphore, #tpu.memory_space<semaphore_mem>>
      %dma_start3A_331 = arith.constant 0 : i32
      %dma_start3A_332 = tpu.memref_slice %arg7[%run_scoped3A, %dma_start3A_331] : memref<2x400xi32, #tpu.memory_space<vmem>> -> memref<1x400xi32, #tpu.memory_space<vmem>>
      %dma_start3A_333 = tpu.memref_squeeze %dma_start3A_332 : memref<1x400xi32, #tpu.memory_space<vmem>> -> memref<400xi32, #tpu.memory_space<vmem>>
      %dma_start3A_334 = arith.constant 0 : i32
      %dma_start3A_335 = arith.constant 0 : i32
      %dma_start3A_336 = tpu.memref_slice %arg11[%dma_start3A_334, %dma_start3A_335] : memref<10240x64xf32, #tpu.memory_space<vmem_shared>> -> memref<10240x64xf32, #tpu.memory_space<vmem_shared>>
      tpu.enqueue_indirect_dma source(%arg8 : memref<400x64xf32, #tpu.memory_space<vmem>>) target(%dma_start3A_336 : memref<10240x64xf32, #tpu.memory_space<vmem_shared>>) offsets(%dma_start3A_333 : memref<400xi32, #tpu.memory_space<vmem>>) semaphore(%run_scoped3A_330 : memref<!tpu.dma_semaphore, #tpu.memory_space<semaphore_mem>>) {add = true}
      %dma_wait3A_337 = arith.constant 0 : i32
      %dma_wait3A_338 = tpu.memref_slice %arg7[%run_scoped3A, %dma_wait3A_337] : memref<2x400xi32, #tpu.memory_space<vmem>> -> memref<1x400xi32, #tpu.memory_space<vmem>>
      %dma_wait3A_339 = tpu.memref_squeeze %dma_wait3A_338 : memref<1x400xi32, #tpu.memory_space<vmem>> -> memref<400xi32, #tpu.memory_space<vmem>>
      %dma_wait3A_340 = arith.constant 0 : i32
      %dma_wait3A_341 = arith.constant 0 : i32
      %dma_wait3A_342 = tpu.memref_slice %arg11[%dma_wait3A_340, %dma_wait3A_341] : memref<10240x64xf32, #tpu.memory_space<vmem_shared>> -> memref<10240x64xf32, #tpu.memory_space<vmem_shared>>
      tpu.wait_indirect_dma semaphore(%run_scoped3A_330 : memref<!tpu.dma_semaphore, #tpu.memory_space<semaphore_mem>>) src(%arg8 : memref<400x64xf32, #tpu.memory_space<vmem>>) dst(%dma_wait3A_342 : memref<10240x64xf32, #tpu.memory_space<vmem_shared>>)
      tpu.yield
    }) : () -> ()
    %dma_start3A_216 = arith.constant 24 : i32
    %dma_start3A_217 = arith.constant 0 : i32
    %dma_start3A_218 = arith.constant 0 : i32
    %dma_start3A_219 = tpu.memref_slice %arg6[%dma_start3A_217, %dma_start3A_218] : memref<2x400xi32, #tpu.memory_space<vmem>> -> memref<1x400xi32, #tpu.memory_space<vmem>>
    %dma_start3A_220 = tpu.memref_squeeze %dma_start3A_219 : memref<1x400xi32, #tpu.memory_space<vmem>> -> memref<400xi32, #tpu.memory_space<vmem>>
    %dma_start3A_221 = arith.constant 0 : i32
    %dma_start3A_222 = arith.constant 0 : i32
    %dma_start3A_223 = tpu.memref_slice %arg3[%add3A, %dma_start3A_221, %dma_start3A_222] : memref<32x25x400xi32, #tpu.memory_space<hbm>> -> memref<1x25x400xi32, #tpu.memory_space<hbm>>
    %dma_start3A_224 = tpu.memref_squeeze %dma_start3A_223 : memref<1x25x400xi32, #tpu.memory_space<hbm>> -> memref<25x400xi32, #tpu.memory_space<hbm>>
    %dma_start3A_225 = arith.constant 0 : i32
    %dma_start3A_226 = tpu.memref_slice %dma_start3A_224[%dma_start3A_216, %dma_start3A_225] : memref<25x400xi32, #tpu.memory_space<hbm>> -> memref<1x400xi32, #tpu.memory_space<hbm>>
    %dma_start3A_227 = tpu.memref_squeeze %dma_start3A_226 : memref<1x400xi32, #tpu.memory_space<hbm>> -> memref<400xi32, #tpu.memory_space<hbm>>
    %dma_start3A_228 = arith.constant 0 : i32
    %dma_start3A_229 = tpu.memref_slice %arg6[%dma_start3A_217, %dma_start3A_228] : memref<2x400xi32, #tpu.memory_space<vmem>> -> memref<1x400xi32, #tpu.memory_space<vmem>>
    %dma_start3A_230 = tpu.memref_squeeze %dma_start3A_229 : memref<1x400xi32, #tpu.memory_space<vmem>> -> memref<400xi32, #tpu.memory_space<vmem>>
    %dma_start3A_231 = arith.constant 0 : i32
    %dma_start3A_232 = arith.constant 0 : i32
    %dma_start3A_233 = tpu.memref_slice %arg3[%add3A, %dma_start3A_231, %dma_start3A_232] : memref<32x25x400xi32, #tpu.memory_space<hbm>> -> memref<1x25x400xi32, #tpu.memory_space<hbm>>
    %dma_start3A_234 = tpu.memref_squeeze %dma_start3A_233 : memref<1x25x400xi32, #tpu.memory_space<hbm>> -> memref<25x400xi32, #tpu.memory_space<hbm>>
    %dma_start3A_235 = arith.constant 0 : i32
    %dma_start3A_236 = tpu.memref_slice %dma_start3A_234[%dma_start3A_216, %dma_start3A_235] : memref<25x400xi32, #tpu.memory_space<hbm>> -> memref<1x400xi32, #tpu.memory_space<hbm>>
    %dma_start3A_237 = tpu.memref_squeeze %dma_start3A_236 : memref<1x400xi32, #tpu.memory_space<hbm>> -> memref<400xi32, #tpu.memory_space<hbm>>
    tpu.enqueue_dma source(%dma_start3A_237 : memref<400xi32, #tpu.memory_space<hbm>>) target(%dma_start3A_230 : memref<400xi32, #tpu.memory_space<vmem>>) target_semaphore(%arg14 : memref<!tpu.dma_semaphore, #tpu.memory_space<semaphore_mem>>)
    %dma_start3A_238 = arith.constant 24 : i32
    %dma_start3A_239 = arith.constant 0 : i32
    %dma_start3A_240 = arith.constant 0 : i32
    %dma_start3A_241 = tpu.memref_slice %arg7[%dma_start3A_239, %dma_start3A_240] : memref<2x400xi32, #tpu.memory_space<vmem>> -> memref<1x400xi32, #tpu.memory_space<vmem>>
    %dma_start3A_242 = tpu.memref_squeeze %dma_start3A_241 : memref<1x400xi32, #tpu.memory_space<vmem>> -> memref<400xi32, #tpu.memory_space<vmem>>
    %dma_start3A_243 = arith.constant 0 : i32
    %dma_start3A_244 = arith.constant 0 : i32
    %dma_start3A_245 = tpu.memref_slice %arg4[%add3A, %dma_start3A_243, %dma_start3A_244] : memref<32x25x400xi32, #tpu.memory_space<hbm>> -> memref<1x25x400xi32, #tpu.memory_space<hbm>>
    %dma_start3A_246 = tpu.memref_squeeze %dma_start3A_245 : memref<1x25x400xi32, #tpu.memory_space<hbm>> -> memref<25x400xi32, #tpu.memory_space<hbm>>
    %dma_start3A_247 = arith.constant 0 : i32
    %dma_start3A_248 = tpu.memref_slice %dma_start3A_246[%dma_start3A_238, %dma_start3A_247] : memref<25x400xi32, #tpu.memory_space<hbm>> -> memref<1x400xi32, #tpu.memory_space<hbm>>
    %dma_start3A_249 = tpu.memref_squeeze %dma_start3A_248 : memref<1x400xi32, #tpu.memory_space<hbm>> -> memref<400xi32, #tpu.memory_space<hbm>>
    %dma_start3A_250 = arith.constant 0 : i32
    %dma_start3A_251 = tpu.memref_slice %arg7[%dma_start3A_239, %dma_start3A_250] : memref<2x400xi32, #tpu.memory_space<vmem>> -> memref<1x400xi32, #tpu.memory_space<vmem>>
    %dma_start3A_252 = tpu.memref_squeeze %dma_start3A_251 : memref<1x400xi32, #tpu.memory_space<vmem>> -> memref<400xi32, #tpu.memory_space<vmem>>
    %dma_start3A_253 = arith.constant 0 : i32
    %dma_start3A_254 = arith.constant 0 : i32
    %dma_start3A_255 = tpu.memref_slice %arg4[%add3A, %dma_start3A_253, %dma_start3A_254] : memref<32x25x400xi32, #tpu.memory_space<hbm>> -> memref<1x25x400xi32, #tpu.memory_space<hbm>>
    %dma_start3A_256 = tpu.memref_squeeze %dma_start3A_255 : memref<1x25x400xi32, #tpu.memory_space<hbm>> -> memref<25x400xi32, #tpu.memory_space<hbm>>
    %dma_start3A_257 = arith.constant 0 : i32
    %dma_start3A_258 = tpu.memref_slice %dma_start3A_256[%dma_start3A_238, %dma_start3A_257] : memref<25x400xi32, #tpu.memory_space<hbm>> -> memref<1x400xi32, #tpu.memory_space<hbm>>
    %dma_start3A_259 = tpu.memref_squeeze %dma_start3A_258 : memref<1x400xi32, #tpu.memory_space<hbm>> -> memref<400xi32, #tpu.memory_space<hbm>>
    tpu.enqueue_dma source(%dma_start3A_259 : memref<400xi32, #tpu.memory_space<hbm>>) target(%dma_start3A_252 : memref<400xi32, #tpu.memory_space<vmem>>) target_semaphore(%arg14 : memref<!tpu.dma_semaphore, #tpu.memory_space<semaphore_mem>>)
    %dma_wait3A_260 = arith.constant 1 : i32
    %dma_wait3A_261 = arith.constant 0 : i32
    %dma_wait3A_262 = tpu.memref_slice %arg6[%dma_wait3A_260, %dma_wait3A_261] : memref<2x400xi32, #tpu.memory_space<vmem>> -> memref<1x400xi32, #tpu.memory_space<vmem>>
    %dma_wait3A_263 = tpu.memref_squeeze %dma_wait3A_262 : memref<1x400xi32, #tpu.memory_space<vmem>> -> memref<400xi32, #tpu.memory_space<vmem>>
    %dma_wait3A_264 = arith.constant 0 : i32
    %dma_wait3A_265 = arith.constant 0 : i32
    %dma_wait3A_266 = tpu.memref_slice %arg2[%dma_wait3A_264, %dma_wait3A_265] : memref<10240x64xf32, #tpu.memory_space<hbm>> -> memref<10240x64xf32, #tpu.memory_space<hbm>>
    tpu.wait_indirect_dma semaphore(%arg13 : memref<!tpu.dma_semaphore, #tpu.memory_space<semaphore_mem>>) src(%dma_wait3A_266 : memref<10240x64xf32, #tpu.memory_space<hbm>>) dst(%arg9 : memref<400x64xf32, #tpu.memory_space<vmem>>)
    %dma_wait3A_267 = arith.constant 0 : i32
    %dma_wait3A_268 = arith.constant 0 : i32
    %dma_wait3A_269 = arith.constant 0 : i32
    %dma_wait3A_270 = tpu.memref_slice %arg6[%dma_wait3A_268, %dma_wait3A_269] : memref<2x400xi32, #tpu.memory_space<vmem>> -> memref<1x400xi32, #tpu.memory_space<vmem>>
    %dma_wait3A_271 = tpu.memref_squeeze %dma_wait3A_270 : memref<1x400xi32, #tpu.memory_space<vmem>> -> memref<400xi32, #tpu.memory_space<vmem>>
    %dma_wait3A_272 = arith.constant 0 : i32
    %dma_wait3A_273 = arith.constant 0 : i32
    %dma_wait3A_274 = tpu.memref_slice %arg3[%add3A, %dma_wait3A_272, %dma_wait3A_273] : memref<32x25x400xi32, #tpu.memory_space<hbm>> -> memref<1x25x400xi32, #tpu.memory_space<hbm>>
    %dma_wait3A_275 = tpu.memref_squeeze %dma_wait3A_274 : memref<1x25x400xi32, #tpu.memory_space<hbm>> -> memref<25x400xi32, #tpu.memory_space<hbm>>
    %dma_wait3A_276 = arith.constant 0 : i32
    %dma_wait3A_277 = tpu.memref_slice %dma_wait3A_275[%dma_wait3A_267, %dma_wait3A_276] : memref<25x400xi32, #tpu.memory_space<hbm>> -> memref<1x400xi32, #tpu.memory_space<hbm>>
    %dma_wait3A_278 = tpu.memref_squeeze %dma_wait3A_277 : memref<1x400xi32, #tpu.memory_space<hbm>> -> memref<400xi32, #tpu.memory_space<hbm>>
    %dma_wait3A_279 = arith.constant 0 : i32
    %dma_wait3A_280 = tpu.memref_slice %arg6[%dma_wait3A_268, %dma_wait3A_279] : memref<2x400xi32, #tpu.memory_space<vmem>> -> memref<1x400xi32, #tpu.memory_space<vmem>>
    %dma_wait3A_281 = tpu.memref_squeeze %dma_wait3A_280 : memref<1x400xi32, #tpu.memory_space<vmem>> -> memref<400xi32, #tpu.memory_space<vmem>>
    %dma_wait3A_282 = arith.constant 0 : i32
    %dma_wait3A_283 = arith.constant 0 : i32
    %dma_wait3A_284 = tpu.memref_slice %arg3[%add3A, %dma_wait3A_282, %dma_wait3A_283] : memref<32x25x400xi32, #tpu.memory_space<hbm>> -> memref<1x25x400xi32, #tpu.memory_space<hbm>>
    %dma_wait3A_285 = tpu.memref_squeeze %dma_wait3A_284 : memref<1x25x400xi32, #tpu.memory_space<hbm>> -> memref<25x400xi32, #tpu.memory_space<hbm>>
    %dma_wait3A_286 = arith.constant 0 : i32
    %dma_wait3A_287 = tpu.memref_slice %dma_wait3A_285[%dma_wait3A_267, %dma_wait3A_286] : memref<25x400xi32, #tpu.memory_space<hbm>> -> memref<1x400xi32, #tpu.memory_space<hbm>>
    %dma_wait3A_288 = tpu.memref_squeeze %dma_wait3A_287 : memref<1x400xi32, #tpu.memory_space<hbm>> -> memref<400xi32, #tpu.memory_space<hbm>>
    tpu.wait_dma2 semaphore(%arg14 : memref<!tpu.dma_semaphore, #tpu.memory_space<semaphore_mem>>) src(%dma_wait3A_288 : memref<400xi32, #tpu.memory_space<hbm>>) dst(%dma_wait3A_281 : memref<400xi32, #tpu.memory_space<vmem>>)
    %dma_wait3A_289 = arith.constant 0 : i32
    %dma_wait3A_290 = arith.constant 0 : i32
    %dma_wait3A_291 = arith.constant 0 : i32
    %dma_wait3A_292 = tpu.memref_slice %arg7[%dma_wait3A_290, %dma_wait3A_291] : memref<2x400xi32, #tpu.memory_space<vmem>> -> memref<1x400xi32, #tpu.memory_space<vmem>>
    %dma_wait3A_293 = tpu.memref_squeeze %dma_wait3A_292 : memref<1x400xi32, #tpu.memory_space<vmem>> -> memref<400xi32, #tpu.memory_space<vmem>>
    %dma_wait3A_294 = arith.constant 0 : i32
    %dma_wait3A_295 = arith.constant 0 : i32
    %dma_wait3A_296 = tpu.memref_slice %arg4[%add3A, %dma_wait3A_294, %dma_wait3A_295] : memref<32x25x400xi32, #tpu.memory_space<hbm>> -> memref<1x25x400xi32, #tpu.memory_space<hbm>>
    %dma_wait3A_297 = tpu.memref_squeeze %dma_wait3A_296 : memref<1x25x400xi32, #tpu.memory_space<hbm>> -> memref<25x400xi32, #tpu.memory_space<hbm>>
    %dma_wait3A_298 = arith.constant 0 : i32
    %dma_wait3A_299 = tpu.memref_slice %dma_wait3A_297[%dma_wait3A_289, %dma_wait3A_298] : memref<25x400xi32, #tpu.memory_space<hbm>> -> memref<1x400xi32, #tpu.memory_space<hbm>>
    %dma_wait3A_300 = tpu.memref_squeeze %dma_wait3A_299 : memref<1x400xi32, #tpu.memory_space<hbm>> -> memref<400xi32, #tpu.memory_space<hbm>>
    %dma_wait3A_301 = arith.constant 0 : i32
    %dma_wait3A_302 = tpu.memref_slice %arg7[%dma_wait3A_290, %dma_wait3A_301] : memref<2x400xi32, #tpu.memory_space<vmem>> -> memref<1x400xi32, #tpu.memory_space<vmem>>
    %dma_wait3A_303 = tpu.memref_squeeze %dma_wait3A_302 : memref<1x400xi32, #tpu.memory_space<vmem>> -> memref<400xi32, #tpu.memory_space<vmem>>
    %dma_wait3A_304 = arith.constant 0 : i32
    %dma_wait3A_305 = arith.constant 0 : i32
    %dma_wait3A_306 = tpu.memref_slice %arg4[%add3A, %dma_wait3A_304, %dma_wait3A_305] : memref<32x25x400xi32, #tpu.memory_space<hbm>> -> memref<1x25x400xi32, #tpu.memory_space<hbm>>
    %dma_wait3A_307 = tpu.memref_squeeze %dma_wait3A_306 : memref<1x25x400xi32, #tpu.memory_space<hbm>> -> memref<25x400xi32, #tpu.memory_space<hbm>>
    %dma_wait3A_308 = arith.constant 0 : i32
    %dma_wait3A_309 = tpu.memref_slice %dma_wait3A_307[%dma_wait3A_289, %dma_wait3A_308] : memref<25x400xi32, #tpu.memory_space<hbm>> -> memref<1x400xi32, #tpu.memory_space<hbm>>
    %dma_wait3A_310 = tpu.memref_squeeze %dma_wait3A_309 : memref<1x400xi32, #tpu.memory_space<hbm>> -> memref<400xi32, #tpu.memory_space<hbm>>
    tpu.wait_dma2 semaphore(%arg14 : memref<!tpu.dma_semaphore, #tpu.memory_space<semaphore_mem>>) src(%dma_wait3A_310 : memref<400xi32, #tpu.memory_space<hbm>>) dst(%dma_wait3A_303 : memref<400xi32, #tpu.memory_space<vmem>>)
    %dma_start3A_311 = arith.constant 0 : i32
    %dma_start3A_312 = arith.constant 0 : i32
    %dma_start3A_313 = tpu.memref_slice %arg6[%dma_start3A_311, %dma_start3A_312] : memref<2x400xi32, #tpu.memory_space<vmem>> -> memref<1x400xi32, #tpu.memory_space<vmem>>
    %dma_start3A_314 = tpu.memref_squeeze %dma_start3A_313 : memref<1x400xi32, #tpu.memory_space<vmem>> -> memref<400xi32, #tpu.memory_space<vmem>>
    %dma_start3A_315 = arith.constant 0 : i32
    %dma_start3A_316 = arith.constant 0 : i32
    %dma_start3A_317 = tpu.memref_slice %arg2[%dma_start3A_315, %dma_start3A_316] : memref<10240x64xf32, #tpu.memory_space<hbm>> -> memref<10240x64xf32, #tpu.memory_space<hbm>>
    tpu.enqueue_indirect_dma source(%dma_start3A_317 : memref<10240x64xf32, #tpu.memory_space<hbm>>) target(%arg8 : memref<400x64xf32, #tpu.memory_space<vmem>>) offsets(%dma_start3A_314 : memref<400xi32, #tpu.memory_space<vmem>>) semaphore(%arg12 : memref<!tpu.dma_semaphore, #tpu.memory_space<semaphore_mem>>)
    %run_scoped3A_318 = arith.constant 1 : i32
    "tpu.region"() ({
      %run_scoped3A_330 = tpu.sem_alloc : memref<!tpu.dma_semaphore, #tpu.memory_space<semaphore_mem>>
      %dma_start3A_331 = arith.constant 0 : i32
      %dma_start3A_332 = tpu.memref_slice %arg7[%run_scoped3A_318, %dma_start3A_331] : memref<2x400xi32, #tpu.memory_space<vmem>> -> memref<1x400xi32, #tpu.memory_space<vmem>>
      %dma_start3A_333 = tpu.memref_squeeze %dma_start3A_332 : memref<1x400xi32, #tpu.memory_space<vmem>> -> memref<400xi32, #tpu.memory_space<vmem>>
      %dma_start3A_334 = arith.constant 0 : i32
      %dma_start3A_335 = arith.constant 0 : i32
      %dma_start3A_336 = tpu.memref_slice %arg11[%dma_start3A_334, %dma_start3A_335] : memref<10240x64xf32, #tpu.memory_space<vmem_shared>> -> memref<10240x64xf32, #tpu.memory_space<vmem_shared>>
      tpu.enqueue_indirect_dma source(%arg9 : memref<400x64xf32, #tpu.memory_space<vmem>>) target(%dma_start3A_336 : memref<10240x64xf32, #tpu.memory_space<vmem_shared>>) offsets(%dma_start3A_333 : memref<400xi32, #tpu.memory_space<vmem>>) semaphore(%run_scoped3A_330 : memref<!tpu.dma_semaphore, #tpu.memory_space<semaphore_mem>>) {add = true}
      %dma_wait3A_337 = arith.constant 0 : i32
      %dma_wait3A_338 = tpu.memref_slice %arg7[%run_scoped3A_318, %dma_wait3A_337] : memref<2x400xi32, #tpu.memory_space<vmem>> -> memref<1x400xi32, #tpu.memory_space<vmem>>
      %dma_wait3A_339 = tpu.memref_squeeze %dma_wait3A_338 : memref<1x400xi32, #tpu.memory_space<vmem>> -> memref<400xi32, #tpu.memory_space<vmem>>
      %dma_wait3A_340 = arith.constant 0 : i32
      %dma_wait3A_341 = arith.constant 0 : i32
      %dma_wait3A_342 = tpu.memref_slice %arg11[%dma_wait3A_340, %dma_wait3A_341] : memref<10240x64xf32, #tpu.memory_space<vmem_shared>> -> memref<10240x64xf32, #tpu.memory_space<vmem_shared>>
      tpu.wait_indirect_dma semaphore(%run_scoped3A_330 : memref<!tpu.dma_semaphore, #tpu.memory_space<semaphore_mem>>) src(%arg9 : memref<400x64xf32, #tpu.memory_space<vmem>>) dst(%dma_wait3A_342 : memref<10240x64xf32, #tpu.memory_space<vmem_shared>>)
      tpu.yield
    }) : () -> ()
    %dma_wait3A_319 = arith.constant 0 : i32
    %dma_wait3A_320 = arith.constant 0 : i32
    %dma_wait3A_321 = tpu.memref_slice %arg6[%dma_wait3A_319, %dma_wait3A_320] : memref<2x400xi32, #tpu.memory_space<vmem>> -> memref<1x400xi32, #tpu.memory_space<vmem>>
    %dma_wait3A_322 = tpu.memref_squeeze %dma_wait3A_321 : memref<1x400xi32, #tpu.memory_space<vmem>> -> memref<400xi32, #tpu.memory_space<vmem>>
    %dma_wait3A_323 = arith.constant 0 : i32
    %dma_wait3A_324 = arith.constant 0 : i32
    %dma_wait3A_325 = tpu.memref_slice %arg2[%dma_wait3A_323, %dma_wait3A_324] : memref<10240x64xf32, #tpu.memory_space<hbm>> -> memref<10240x64xf32, #tpu.memory_space<hbm>>
    tpu.wait_indirect_dma semaphore(%arg12 : memref<!tpu.dma_semaphore, #tpu.memory_space<semaphore_mem>>) src(%dma_wait3A_325 : memref<10240x64xf32, #tpu.memory_space<hbm>>) dst(%arg8 : memref<400x64xf32, #tpu.memory_space<vmem>>)
    %run_scoped3A_326 = arith.constant 0 : i32
    "tpu.region"() ({
      %run_scoped3A_330 = tpu.sem_alloc : memref<!tpu.dma_semaphore, #tpu.memory_space<semaphore_mem>>
      %dma_start3A_331 = arith.constant 0 : i32
      %dma_start3A_332 = tpu.memref_slice %arg7[%run_scoped3A_326, %dma_start3A_331] : memref<2x400xi32, #tpu.memory_space<vmem>> -> memref<1x400xi32, #tpu.memory_space<vmem>>
      %dma_start3A_333 = tpu.memref_squeeze %dma_start3A_332 : memref<1x400xi32, #tpu.memory_space<vmem>> -> memref<400xi32, #tpu.memory_space<vmem>>
      %dma_start3A_334 = arith.constant 0 : i32
      %dma_start3A_335 = arith.constant 0 : i32
      %dma_start3A_336 = tpu.memref_slice %arg11[%dma_start3A_334, %dma_start3A_335] : memref<10240x64xf32, #tpu.memory_space<vmem_shared>> -> memref<10240x64xf32, #tpu.memory_space<vmem_shared>>
      tpu.enqueue_indirect_dma source(%arg8 : memref<400x64xf32, #tpu.memory_space<vmem>>) target(%dma_start3A_336 : memref<10240x64xf32, #tpu.memory_space<vmem_shared>>) offsets(%dma_start3A_333 : memref<400xi32, #tpu.memory_space<vmem>>) semaphore(%run_scoped3A_330 : memref<!tpu.dma_semaphore, #tpu.memory_space<semaphore_mem>>) {add = true}
      %dma_wait3A_337 = arith.constant 0 : i32
      %dma_wait3A_338 = tpu.memref_slice %arg7[%run_scoped3A_326, %dma_wait3A_337] : memref<2x400xi32, #tpu.memory_space<vmem>> -> memref<1x400xi32, #tpu.memory_space<vmem>>
      %dma_wait3A_339 = tpu.memref_squeeze %dma_wait3A_338 : memref<1x400xi32, #tpu.memory_space<vmem>> -> memref<400xi32, #tpu.memory_space<vmem>>
      %dma_wait3A_340 = arith.constant 0 : i32
      %dma_wait3A_341 = arith.constant 0 : i32
      %dma_wait3A_342 = tpu.memref_slice %arg11[%dma_wait3A_340, %dma_wait3A_341] : memref<10240x64xf32, #tpu.memory_space<vmem_shared>> -> memref<10240x64xf32, #tpu.memory_space<vmem_shared>>
      tpu.wait_indirect_dma semaphore(%run_scoped3A_330 : memref<!tpu.dma_semaphore, #tpu.memory_space<semaphore_mem>>) src(%arg8 : memref<400x64xf32, #tpu.memory_space<vmem>>) dst(%dma_wait3A_342 : memref<10240x64xf32, #tpu.memory_space<vmem_shared>>)
      tpu.yield
    }) : () -> ()
    %barrier3A_327 = arith.constant 0 : index
    tpu.barrier barrier_id(%barrier3A_327)
    %mul3A_328 = arith.constant 640 : i32
    %mul3A_329 = arith.muli %arg1, %mul3A_328 : i32
    "tpu.region"() ({
      %run_scoped3A_330 = tpu.sem_alloc : memref<!tpu.dma_semaphore, #tpu.memory_space<semaphore_mem>>
      %dma_start3A_331 = arith.constant 0 : i32
      %dma_start3A_332 = tpu.memref_slice %arg5[%arg0, %mul3A_329, %dma_start3A_331] : memref<2x10240x64xf32, #tpu.memory_space<hbm>> -> memref<1x640x64xf32, #tpu.memory_space<hbm>>
      %dma_start3A_333 = tpu.memref_squeeze %dma_start3A_332 : memref<1x640x64xf32, #tpu.memory_space<hbm>> -> memref<640x64xf32, #tpu.memory_space<hbm>>
      %dma_start3A_334 = arith.constant 0 : i32
      %dma_start3A_335 = tpu.memref_slice %arg11[%mul3A_329, %dma_start3A_334] : memref<10240x64xf32, #tpu.memory_space<vmem_shared>> -> memref<640x64xf32, #tpu.memory_space<vmem_shared>>
      tpu.enqueue_dma source(%dma_start3A_335 : memref<640x64xf32, #tpu.memory_space<vmem_shared>>) target(%dma_start3A_333 : memref<640x64xf32, #tpu.memory_space<hbm>>) target_semaphore(%run_scoped3A_330 : memref<!tpu.dma_semaphore, #tpu.memory_space<semaphore_mem>>)
      %dma_wait3A_336 = arith.constant 0 : i32
      %dma_wait3A_337 = tpu.memref_slice %arg5[%arg0, %mul3A_329, %dma_wait3A_336] : memref<2x10240x64xf32, #tpu.memory_space<hbm>> -> memref<1x640x64xf32, #tpu.memory_space<hbm>>
      %dma_wait3A_338 = tpu.memref_squeeze %dma_wait3A_337 : memref<1x640x64xf32, #tpu.memory_space<hbm>> -> memref<640x64xf32, #tpu.memory_space<hbm>>
      %dma_wait3A_339 = arith.constant 0 : i32
      %dma_wait3A_340 = tpu.memref_slice %arg11[%mul3A_329, %dma_wait3A_339] : memref<10240x64xf32, #tpu.memory_space<vmem_shared>> -> memref<640x64xf32, #tpu.memory_space<vmem_shared>>
      tpu.wait_dma2 semaphore(%run_scoped3A_330 : memref<!tpu.dma_semaphore, #tpu.memory_space<semaphore_mem>>) src(%dma_wait3A_340 : memref<640x64xf32, #tpu.memory_space<vmem_shared>>) dst(%dma_wait3A_338 : memref<640x64xf32, #tpu.memory_space<hbm>>)
      tpu.yield
    }) : () -> ()
    return
  }
}

#map = affine_map<(d0, d1) -> (0, 0, 0)>
#map1 = affine_map<(d0, d1) -> (0, 0)>
module attributes {stable_mosaic.version = 14 : i64} {
  func.func @gcn_deg(%arg0: i32, %arg1: i32, %arg2: memref<32x25x400xi32, #tpu.memory_space<hbm>>, %arg3: memref<2x10240xf32, #tpu.memory_space<hbm>>, %arg4: memref<25x400xi32, #tpu.memory_space<vmem>>, %arg5: memref<400xf32, #tpu.memory_space<vmem>>, %arg6: memref<640xf32, #tpu.memory_space<vmem>>, %arg7: memref<10240xf32, #tpu.memory_space<vmem_shared>>) attributes {dimension_semantics = [#tpu.dimension_semantics<core_parallel>, #tpu.dimension_semantics<subcore_parallel>], iteration_bounds = array<i64: 2, 16>, scalar_prefetch = 0 : i64, scratch_operands = 4 : i64, tpu.core_type = #tpu.core_type<sc_vector_subcore>, window_params = [{transform_indices = #map}, {transform_indices = #map1}]} {
    %mul3A = arith.constant 2 : i32
    %mul3A_0 = arith.muli %arg1, %mul3A : i32
    %add3A = arith.addi %mul3A_0, %arg0 : i32
    %scan3A = arith.constant 0 : i32
    %scan3A_1 = arith.constant 0 : i32
    %scan3A_2 = arith.constant 25 : i32
    %scan3A_3 = arith.addi %scan3A_1, %scan3A_2 : i32
    %scan3A_4 = arith.constant 1 : i32
    %scan3A_5 = scf.for %scan3A_26 = %scan3A_1 to %scan3A_3 step %scan3A_4 iter_args(%scan3A_27 = %scan3A) -> (i32)  : i32 {
      %broadcast_in_dim3A = arith.constant 1.000000e+00 : f32
      %broadcast_in_dim3A_28 = vector.broadcast %broadcast_in_dim3A : f32 to vector<16xf32>
      %mul3A_29 = arith.constant 16 : i32
      %mul3A_30 = arith.muli %scan3A_26, %mul3A_29 : i32
      %swap3A = arith.index_cast %mul3A_30 : i32 to index
      %swap3A_31 = tpu.vector_load %arg5[%swap3A] {strides = array<i32>} : memref<400xf32, #tpu.memory_space<vmem>>, vector<16xf32>,
      %swap3A_32 = vector.shape_cast %swap3A_31 : vector<16xf32> to vector<16xf32>
      %swap3A_33 = vector.shape_cast %broadcast_in_dim3A_28 : vector<16xf32> to vector<16xf32>
      tpu.vector_store %arg5[%swap3A], %swap3A_33 {strides = array<i32>} : memref<400xf32, #tpu.memory_space<vmem>>, vector<16xf32>,
      %scan3A_34 = arith.constant 0 : i32
      scf.yield %scan3A_34 : i32
    }
    %scan3A_6 = arith.constant 25 : i32
    %scan3A_7 = arith.constant 0 : i32
    %scan3A_8 = arith.constant 0 : i32
    %scan3A_9 = arith.constant 40 : i32
    %scan3A_10 = arith.addi %scan3A_8, %scan3A_9 : i32
    %scan3A_11 = arith.constant 1 : i32
    %scan3A_12 = scf.for %scan3A_26 = %scan3A_8 to %scan3A_10 step %scan3A_11 iter_args(%scan3A_27 = %scan3A_7) -> (i32)  : i32 {
      %broadcast_in_dim3A = arith.constant 0.000000e+00 : f32
      %broadcast_in_dim3A_28 = vector.broadcast %broadcast_in_dim3A : f32 to vector<16xf32>
      %mul3A_29 = arith.constant 16 : i32
      %mul3A_30 = arith.muli %scan3A_26, %mul3A_29 : i32
      %swap3A = arith.index_cast %mul3A_30 : i32 to index
      %swap3A_31 = tpu.vector_load %arg6[%swap3A] {strides = array<i32>} : memref<640xf32, #tpu.memory_space<vmem>>, vector<16xf32>,
      %swap3A_32 = vector.shape_cast %swap3A_31 : vector<16xf32> to vector<16xf32>
      %swap3A_33 = vector.shape_cast %broadcast_in_dim3A_28 : vector<16xf32> to vector<16xf32>
      tpu.vector_store %arg6[%swap3A], %swap3A_33 {strides = array<i32>} : memref<640xf32, #tpu.memory_space<vmem>>, vector<16xf32>,
      %scan3A_34 = arith.constant 0 : i32
      scf.yield %scan3A_34 : i32
    }
    %scan3A_13 = arith.constant 40 : i32
    %mul3A_14 = arith.constant 640 : i32
    %mul3A_15 = arith.muli %arg1, %mul3A_14 : i32
    "tpu.region"() ({
      %run_scoped3A = tpu.sem_alloc : memref<!tpu.dma_semaphore, #tpu.memory_space<semaphore_mem>>
      %dma_start3A = tpu.memref_slice %arg7[%mul3A_15] : memref<10240xf32, #tpu.memory_space<vmem_shared>> -> memref<640xf32, #tpu.memory_space<vmem_shared>>
      %dma_start3A_26 = tpu.memref_slice %arg7[%mul3A_15] : memref<10240xf32, #tpu.memory_space<vmem_shared>> -> memref<640xf32, #tpu.memory_space<vmem_shared>>
      tpu.enqueue_dma source(%arg6 : memref<640xf32, #tpu.memory_space<vmem>>) target(%dma_start3A_26 : memref<640xf32, #tpu.memory_space<vmem_shared>>) target_semaphore(%run_scoped3A : memref<!tpu.dma_semaphore, #tpu.memory_space<semaphore_mem>>)
      %dma_wait3A = tpu.memref_slice %arg7[%mul3A_15] : memref<10240xf32, #tpu.memory_space<vmem_shared>> -> memref<640xf32, #tpu.memory_space<vmem_shared>>
      %dma_wait3A_27 = tpu.memref_slice %arg7[%mul3A_15] : memref<10240xf32, #tpu.memory_space<vmem_shared>> -> memref<640xf32, #tpu.memory_space<vmem_shared>>
      tpu.wait_dma2 semaphore(%run_scoped3A : memref<!tpu.dma_semaphore, #tpu.memory_space<semaphore_mem>>) src(%arg6 : memref<640xf32, #tpu.memory_space<vmem>>) dst(%dma_wait3A_27 : memref<640xf32, #tpu.memory_space<vmem_shared>>)
      tpu.yield
    }) : () -> ()
    %barrier3A = arith.constant 0 : index
    tpu.barrier barrier_id(%barrier3A)
    "tpu.region"() ({
      %run_scoped3A = tpu.sem_alloc : memref<!tpu.dma_semaphore, #tpu.memory_space<semaphore_mem>>
      %dma_start3A = arith.constant 0 : i32
      %dma_start3A_26 = arith.constant 0 : i32
      %dma_start3A_27 = tpu.memref_slice %arg2[%add3A, %dma_start3A, %dma_start3A_26] : memref<32x25x400xi32, #tpu.memory_space<hbm>> -> memref<1x25x400xi32, #tpu.memory_space<hbm>>
      %dma_start3A_28 = tpu.memref_squeeze %dma_start3A_27 : memref<1x25x400xi32, #tpu.memory_space<hbm>> -> memref<25x400xi32, #tpu.memory_space<hbm>>
      %dma_start3A_29 = arith.constant 0 : i32
      %dma_start3A_30 = arith.constant 0 : i32
      %dma_start3A_31 = tpu.memref_slice %arg2[%add3A, %dma_start3A_29, %dma_start3A_30] : memref<32x25x400xi32, #tpu.memory_space<hbm>> -> memref<1x25x400xi32, #tpu.memory_space<hbm>>
      %dma_start3A_32 = tpu.memref_squeeze %dma_start3A_31 : memref<1x25x400xi32, #tpu.memory_space<hbm>> -> memref<25x400xi32, #tpu.memory_space<hbm>>
      tpu.enqueue_dma source(%dma_start3A_32 : memref<25x400xi32, #tpu.memory_space<hbm>>) target(%arg4 : memref<25x400xi32, #tpu.memory_space<vmem>>) target_semaphore(%run_scoped3A : memref<!tpu.dma_semaphore, #tpu.memory_space<semaphore_mem>>)
      %dma_wait3A = arith.constant 0 : i32
      %dma_wait3A_33 = arith.constant 0 : i32
      %dma_wait3A_34 = tpu.memref_slice %arg2[%add3A, %dma_wait3A, %dma_wait3A_33] : memref<32x25x400xi32, #tpu.memory_space<hbm>> -> memref<1x25x400xi32, #tpu.memory_space<hbm>>
      %dma_wait3A_35 = tpu.memref_squeeze %dma_wait3A_34 : memref<1x25x400xi32, #tpu.memory_space<hbm>> -> memref<25x400xi32, #tpu.memory_space<hbm>>
      %dma_wait3A_36 = arith.constant 0 : i32
      %dma_wait3A_37 = arith.constant 0 : i32
      %dma_wait3A_38 = tpu.memref_slice %arg2[%add3A, %dma_wait3A_36, %dma_wait3A_37] : memref<32x25x400xi32, #tpu.memory_space<hbm>> -> memref<1x25x400xi32, #tpu.memory_space<hbm>>
      %dma_wait3A_39 = tpu.memref_squeeze %dma_wait3A_38 : memref<1x25x400xi32, #tpu.memory_space<hbm>> -> memref<25x400xi32, #tpu.memory_space<hbm>>
      tpu.wait_dma2 semaphore(%run_scoped3A : memref<!tpu.dma_semaphore, #tpu.memory_space<semaphore_mem>>) src(%dma_wait3A_39 : memref<25x400xi32, #tpu.memory_space<hbm>>) dst(%arg4 : memref<25x400xi32, #tpu.memory_space<vmem>>)
      tpu.yield
    }) : () -> ()
    %scan3A_16 = arith.constant 0 : i32
    %scan3A_17 = arith.constant 0 : i32
    %scan3A_18 = arith.constant 25 : i32
    %scan3A_19 = arith.addi %scan3A_17, %scan3A_18 : i32
    %scan3A_20 = arith.constant 1 : i32
    %scan3A_21 = scf.for %scan3A_26 = %scan3A_17 to %scan3A_19 step %scan3A_20 iter_args(%scan3A_27 = %scan3A_16) -> (i32)  : i32 {
      "tpu.region"() ({
        %run_scoped3A = tpu.sem_alloc : memref<!tpu.dma_semaphore, #tpu.memory_space<semaphore_mem>>
        %dma_start3A = arith.constant 0 : i32
        %dma_start3A_29 = tpu.memref_slice %arg4[%scan3A_26, %dma_start3A] : memref<25x400xi32, #tpu.memory_space<vmem>> -> memref<1x400xi32, #tpu.memory_space<vmem>>
        %dma_start3A_30 = tpu.memref_squeeze %dma_start3A_29 : memref<1x400xi32, #tpu.memory_space<vmem>> -> memref<400xi32, #tpu.memory_space<vmem>>
        %dma_start3A_31 = arith.constant 0 : i32
        %dma_start3A_32 = tpu.memref_slice %arg7[%dma_start3A_31] : memref<10240xf32, #tpu.memory_space<vmem_shared>> -> memref<10240xf32, #tpu.memory_space<vmem_shared>>
        tpu.enqueue_indirect_dma source(%arg5 : memref<400xf32, #tpu.memory_space<vmem>>) target(%dma_start3A_32 : memref<10240xf32, #tpu.memory_space<vmem_shared>>) offsets(%dma_start3A_30 : memref<400xi32, #tpu.memory_space<vmem>>) semaphore(%run_scoped3A : memref<!tpu.dma_semaphore, #tpu.memory_space<semaphore_mem>>) {add = true}
        %dma_wait3A = arith.constant 0 : i32
        %dma_wait3A_33 = tpu.memref_slice %arg4[%scan3A_26, %dma_wait3A] : memref<25x400xi32, #tpu.memory_space<vmem>> -> memref<1x400xi32, #tpu.memory_space<vmem>>
        %dma_wait3A_34 = tpu.memref_squeeze %dma_wait3A_33 : memref<1x400xi32, #tpu.memory_space<vmem>> -> memref<400xi32, #tpu.memory_space<vmem>>
        %dma_wait3A_35 = arith.constant 0 : i32
        %dma_wait3A_36 = tpu.memref_slice %arg7[%dma_wait3A_35] : memref<10240xf32, #tpu.memory_space<vmem_shared>> -> memref<10240xf32, #tpu.memory_space<vmem_shared>>
        tpu.wait_indirect_dma semaphore(%run_scoped3A : memref<!tpu.dma_semaphore, #tpu.memory_space<semaphore_mem>>) src(%arg5 : memref<400xf32, #tpu.memory_space<vmem>>) dst(%dma_wait3A_36 : memref<10240xf32, #tpu.memory_space<vmem_shared>>)
        tpu.yield
      }) : () -> ()
      %scan3A_28 = arith.constant 0 : i32
      scf.yield %scan3A_28 : i32
    }
    %scan3A_22 = arith.constant 25 : i32
    %barrier3A_23 = arith.constant 0 : index
    tpu.barrier barrier_id(%barrier3A_23)
    %mul3A_24 = arith.constant 640 : i32
    %mul3A_25 = arith.muli %arg1, %mul3A_24 : i32
    "tpu.region"() ({
      %run_scoped3A = tpu.sem_alloc : memref<!tpu.dma_semaphore, #tpu.memory_space<semaphore_mem>>
      %dma_start3A = tpu.memref_slice %arg3[%arg0, %mul3A_25] : memref<2x10240xf32, #tpu.memory_space<hbm>> -> memref<1x640xf32, #tpu.memory_space<hbm>>
      %dma_start3A_26 = tpu.memref_squeeze %dma_start3A : memref<1x640xf32, #tpu.memory_space<hbm>> -> memref<640xf32, #tpu.memory_space<hbm>>
      %dma_start3A_27 = tpu.memref_slice %arg7[%mul3A_25] : memref<10240xf32, #tpu.memory_space<vmem_shared>> -> memref<640xf32, #tpu.memory_space<vmem_shared>>
      tpu.enqueue_dma source(%dma_start3A_27 : memref<640xf32, #tpu.memory_space<vmem_shared>>) target(%dma_start3A_26 : memref<640xf32, #tpu.memory_space<hbm>>) target_semaphore(%run_scoped3A : memref<!tpu.dma_semaphore, #tpu.memory_space<semaphore_mem>>)
      %dma_wait3A = tpu.memref_slice %arg3[%arg0, %mul3A_25] : memref<2x10240xf32, #tpu.memory_space<hbm>> -> memref<1x640xf32, #tpu.memory_space<hbm>>
      %dma_wait3A_28 = tpu.memref_squeeze %dma_wait3A : memref<1x640xf32, #tpu.memory_space<hbm>> -> memref<640xf32, #tpu.memory_space<hbm>>
      %dma_wait3A_29 = tpu.memref_slice %arg7[%mul3A_25] : memref<10240xf32, #tpu.memory_space<vmem_shared>> -> memref<640xf32, #tpu.memory_space<vmem_shared>>
      tpu.wait_dma2 semaphore(%run_scoped3A : memref<!tpu.dma_semaphore, #tpu.memory_space<semaphore_mem>>) src(%dma_wait3A_29 : memref<640xf32, #tpu.memory_space<vmem_shared>>) dst(%dma_wait3A_28 : memref<640xf32, #tpu.memory_space<hbm>>)
      tpu.yield
    }) : () -> ()
    return
  }
}

#map = affine_map<(d0, d1) -> (0, 0)>
#map1 = affine_map<(d0, d1) -> (0, 0, 0)>
module attributes {stable_mosaic.version = 14 : i64} {
  func.func @gcn_prop_16(%arg0: i32, %arg1: i32, %arg2: memref<10240x16xf32, #tpu.memory_space<hbm>>, %arg3: memref<32x25x400xi32, #tpu.memory_space<hbm>>, %arg4: memref<32x25x400xi32, #tpu.memory_space<hbm>>, %arg5: memref<2x10240x16xf32, #tpu.memory_space<hbm>>, %arg6: memref<2x400xi32, #tpu.memory_space<vmem>>, %arg7: memref<2x400xi32, #tpu.memory_space<vmem>>, %arg8: memref<400x16xf32, #tpu.memory_space<vmem>>, %arg9: memref<400x16xf32, #tpu.memory_space<vmem>>, %arg10: memref<64x16xf32, #tpu.memory_space<vmem>>, %arg11: memref<10240x16xf32, #tpu.memory_space<vmem_shared>>, %arg12: memref<!tpu.dma_semaphore, #tpu.memory_space<semaphore_mem>>, %arg13: memref<!tpu.dma_semaphore, #tpu.memory_space<semaphore_mem>>, %arg14: memref<!tpu.dma_semaphore, #tpu.memory_space<semaphore_mem>>, %arg15: memref<!tpu.dma_semaphore, #tpu.memory_space<semaphore_mem>>) attributes {dimension_semantics = [#tpu.dimension_semantics<core_parallel>, #tpu.dimension_semantics<subcore_parallel>], iteration_bounds = array<i64: 2, 16>, scalar_prefetch = 0 : i64, scratch_operands = 10 : i64, tpu.core_type = #tpu.core_type<sc_vector_subcore>, window_params = [{transform_indices = #map}, {transform_indices = #map1}, {transform_indices = #map1}, {transform_indices = #map1}]} {
    %mul3A = arith.constant 2 : i32
    %mul3A_0 = arith.muli %arg1, %mul3A : i32
    %add3A = arith.addi %mul3A_0, %arg0 : i32
    %scan3A = arith.constant 0 : i32
    %scan3A_1 = arith.constant 0 : i32
    %scan3A_2 = arith.constant 64 : i32
    %scan3A_3 = arith.addi %scan3A_1, %scan3A_2 : i32
    %scan3A_4 = arith.constant 1 : i32
    %scan3A_5 = scf.for %scan3A_330 = %scan3A_1 to %scan3A_3 step %scan3A_4 iter_args(%scan3A_331 = %scan3A) -> (i32)  : i32 {
      %jit3A = arith.constant 1 : i32
      %div3A = arith.divsi %scan3A_330, %jit3A : i32
      %sign3A = arith.constant 0 : i32
      %sign3A_332 = arith.cmpi sgt, %scan3A_330, %sign3A : i32
      %sign3A_333 = arith.extui %sign3A_332 : i1 to i32
      %sign3A_334 = arith.constant 0 : i32
      %sign3A_335 = arith.cmpi slt, %scan3A_330, %sign3A_334 : i32
      %sign3A_336 = arith.extui %sign3A_335 : i1 to i32
      %sign3A_337 = arith.subi %sign3A_333, %sign3A_336 : i32
      %sign3A_338 = arith.constant 0 : i32
      %sign3A_339 = arith.cmpi sgt, %jit3A, %sign3A_338 : i32
      %sign3A_340 = arith.extui %sign3A_339 : i1 to i32
      %sign3A_341 = arith.constant 0 : i32
      %sign3A_342 = arith.cmpi slt, %jit3A, %sign3A_341 : i32
      %sign3A_343 = arith.extui %sign3A_342 : i1 to i32
      %sign3A_344 = arith.subi %sign3A_340, %sign3A_343 : i32
      %ne3A = arith.cmpi ne, %sign3A_337, %sign3A_344 : i32
      %rem3A = arith.remsi %scan3A_330, %jit3A : i32
      %ne3A_345 = arith.constant 0 : i32
      %ne3A_346 = arith.cmpi ne, %rem3A, %ne3A_345 : i32
      %and3A = arith.andi %ne3A, %ne3A_346 : i1
      %sub3A = arith.constant 1 : i32
      %sub3A_347 = arith.subi %div3A, %sub3A : i32
      %select_n3A = arith.select %and3A, %sub3A_347, %div3A : i32
      %jit3A_348 = arith.constant 1 : i32
      %eq3A = arith.constant 0 : i32
      %eq3A_349 = arith.cmpi eq, %jit3A_348, %eq3A : i32
      %jit3A_350 = arith.constant 1 : i32
      %select_n3A_351 = arith.select %eq3A_349, %jit3A_350, %jit3A_348 : i32
      %rem3A_352 = arith.remsi %scan3A_330, %select_n3A_351 : i32
      %ne3A_353 = arith.constant 0 : i32
      %ne3A_354 = arith.cmpi ne, %rem3A_352, %ne3A_353 : i32
      %lt3A = arith.constant 0 : i32
      %lt3A_355 = arith.cmpi slt, %rem3A_352, %lt3A : i32
      %lt3A_356 = arith.constant 0 : i32
      %lt3A_357 = arith.cmpi slt, %select_n3A_351, %lt3A_356 : i32
      %ne3A_358 = arith.xori %lt3A_355, %lt3A_357 : i1
      %and3A_359 = arith.andi %ne3A_358, %ne3A_354 : i1
      %add3A_360 = arith.addi %rem3A_352, %select_n3A_351 : i32
      %select_n3A_361 = arith.select %and3A_359, %add3A_360, %rem3A_352 : i32
      %mul3A_362 = arith.constant 16 : i32
      %mul3A_363 = arith.muli %select_n3A_361, %mul3A_362 : i32
      %broadcast_in_dim3A = arith.constant 0.000000e+00 : f32
      %broadcast_in_dim3A_364 = vector.broadcast %broadcast_in_dim3A : f32 to vector<16xf32>
      %swap3A = arith.index_cast %select_n3A : i32 to index
      %swap3A_365 = arith.index_cast %mul3A_363 : i32 to index
      %swap3A_366 = tpu.vector_load %arg10[%swap3A, %swap3A_365] {strides = array<i32>} : memref<64x16xf32, #tpu.memory_space<vmem>>, vector<1x16xf32>,
      %swap3A_367 = vector.shape_cast %swap3A_366 : vector<1x16xf32> to vector<16xf32>
      %swap3A_368 = vector.shape_cast %broadcast_in_dim3A_364 : vector<16xf32> to vector<1x16xf32>
      tpu.vector_store %arg10[%swap3A, %swap3A_365], %swap3A_368 {strides = array<i32>} : memref<64x16xf32, #tpu.memory_space<vmem>>, vector<1x16xf32>,
      %scan3A_369 = arith.constant 0 : i32
      scf.yield %scan3A_369 : i32
    }
    %scan3A_6 = arith.constant 64 : i32
    %scan3A_7 = arith.constant 0 : i32
    %scan3A_8 = arith.constant 0 : i32
    %scan3A_9 = arith.constant 10 : i32
    %scan3A_10 = arith.addi %scan3A_8, %scan3A_9 : i32
    %scan3A_11 = arith.constant 1 : i32
    %scan3A_12 = scf.for %scan3A_330 = %scan3A_8 to %scan3A_10 step %scan3A_11 iter_args(%scan3A_331 = %scan3A_7) -> (i32)  : i32 {
      %mul3A_332 = arith.constant 640 : i32
      %mul3A_333 = arith.muli %arg1, %mul3A_332 : i32
      %mul3A_334 = arith.constant 64 : i32
      %mul3A_335 = arith.muli %scan3A_330, %mul3A_334 : i32
      %add3A_336 = arith.addi %mul3A_333, %mul3A_335 : i32
      "tpu.region"() ({
        %run_scoped3A_338 = tpu.sem_alloc : memref<!tpu.dma_semaphore, #tpu.memory_space<semaphore_mem>>
        %dma_start3A_339 = arith.constant 0 : i32
        %dma_start3A_340 = tpu.memref_slice %arg11[%add3A_336, %dma_start3A_339] : memref<10240x16xf32, #tpu.memory_space<vmem_shared>> -> memref<64x16xf32, #tpu.memory_space<vmem_shared>>
        %dma_start3A_341 = arith.constant 0 : i32
        %dma_start3A_342 = tpu.memref_slice %arg11[%add3A_336, %dma_start3A_341] : memref<10240x16xf32, #tpu.memory_space<vmem_shared>> -> memref<64x16xf32, #tpu.memory_space<vmem_shared>>
        tpu.enqueue_dma source(%arg10 : memref<64x16xf32, #tpu.memory_space<vmem>>) target(%dma_start3A_342 : memref<64x16xf32, #tpu.memory_space<vmem_shared>>) target_semaphore(%run_scoped3A_338 : memref<!tpu.dma_semaphore, #tpu.memory_space<semaphore_mem>>)
        %dma_wait3A_343 = arith.constant 0 : i32
        %dma_wait3A_344 = tpu.memref_slice %arg11[%add3A_336, %dma_wait3A_343] : memref<10240x16xf32, #tpu.memory_space<vmem_shared>> -> memref<64x16xf32, #tpu.memory_space<vmem_shared>>
        %dma_wait3A_345 = arith.constant 0 : i32
        %dma_wait3A_346 = tpu.memref_slice %arg11[%add3A_336, %dma_wait3A_345] : memref<10240x16xf32, #tpu.memory_space<vmem_shared>> -> memref<64x16xf32, #tpu.memory_space<vmem_shared>>
        tpu.wait_dma2 semaphore(%run_scoped3A_338 : memref<!tpu.dma_semaphore, #tpu.memory_space<semaphore_mem>>) src(%arg10 : memref<64x16xf32, #tpu.memory_space<vmem>>) dst(%dma_wait3A_346 : memref<64x16xf32, #tpu.memory_space<vmem_shared>>)
        tpu.yield
      }) : () -> ()
      %scan3A_337 = arith.constant 0 : i32
      scf.yield %scan3A_337 : i32
    }
    %scan3A_13 = arith.constant 10 : i32
    %barrier3A = arith.constant 0 : index
    tpu.barrier barrier_id(%barrier3A)
    %dma_start3A = arith.constant 0 : i32
    %dma_start3A_14 = arith.constant 0 : i32
    %dma_start3A_15 = arith.constant 0 : i32
    %dma_start3A_16 = tpu.memref_slice %arg6[%dma_start3A_14, %dma_start3A_15] : memref<2x400xi32, #tpu.memory_space<vmem>> -> memref<1x400xi32, #tpu.memory_space<vmem>>
    %dma_start3A_17 = tpu.memref_squeeze %dma_start3A_16 : memref<1x400xi32, #tpu.memory_space<vmem>> -> memref<400xi32, #tpu.memory_space<vmem>>
    %dma_start3A_18 = arith.constant 0 : i32
    %dma_start3A_19 = arith.constant 0 : i32
    %dma_start3A_20 = tpu.memref_slice %arg3[%add3A, %dma_start3A_18, %dma_start3A_19] : memref<32x25x400xi32, #tpu.memory_space<hbm>> -> memref<1x25x400xi32, #tpu.memory_space<hbm>>
    %dma_start3A_21 = tpu.memref_squeeze %dma_start3A_20 : memref<1x25x400xi32, #tpu.memory_space<hbm>> -> memref<25x400xi32, #tpu.memory_space<hbm>>
    %dma_start3A_22 = arith.constant 0 : i32
    %dma_start3A_23 = tpu.memref_slice %dma_start3A_21[%dma_start3A, %dma_start3A_22] : memref<25x400xi32, #tpu.memory_space<hbm>> -> memref<1x400xi32, #tpu.memory_space<hbm>>
    %dma_start3A_24 = tpu.memref_squeeze %dma_start3A_23 : memref<1x400xi32, #tpu.memory_space<hbm>> -> memref<400xi32, #tpu.memory_space<hbm>>
    %dma_start3A_25 = arith.constant 0 : i32
    %dma_start3A_26 = tpu.memref_slice %arg6[%dma_start3A_14, %dma_start3A_25] : memref<2x400xi32, #tpu.memory_space<vmem>> -> memref<1x400xi32, #tpu.memory_space<vmem>>
    %dma_start3A_27 = tpu.memref_squeeze %dma_start3A_26 : memref<1x400xi32, #tpu.memory_space<vmem>> -> memref<400xi32, #tpu.memory_space<vmem>>
    %dma_start3A_28 = arith.constant 0 : i32
    %dma_start3A_29 = arith.constant 0 : i32
    %dma_start3A_30 = tpu.memref_slice %arg3[%add3A, %dma_start3A_28, %dma_start3A_29] : memref<32x25x400xi32, #tpu.memory_space<hbm>> -> memref<1x25x400xi32, #tpu.memory_space<hbm>>
    %dma_start3A_31 = tpu.memref_squeeze %dma_start3A_30 : memref<1x25x400xi32, #tpu.memory_space<hbm>> -> memref<25x400xi32, #tpu.memory_space<hbm>>
    %dma_start3A_32 = arith.constant 0 : i32
    %dma_start3A_33 = tpu.memref_slice %dma_start3A_31[%dma_start3A, %dma_start3A_32] : memref<25x400xi32, #tpu.memory_space<hbm>> -> memref<1x400xi32, #tpu.memory_space<hbm>>
    %dma_start3A_34 = tpu.memref_squeeze %dma_start3A_33 : memref<1x400xi32, #tpu.memory_space<hbm>> -> memref<400xi32, #tpu.memory_space<hbm>>
    tpu.enqueue_dma source(%dma_start3A_34 : memref<400xi32, #tpu.memory_space<hbm>>) target(%dma_start3A_27 : memref<400xi32, #tpu.memory_space<vmem>>) target_semaphore(%arg14 : memref<!tpu.dma_semaphore, #tpu.memory_space<semaphore_mem>>)
    %dma_start3A_35 = arith.constant 0 : i32
    %dma_start3A_36 = arith.constant 0 : i32
    %dma_start3A_37 = arith.constant 0 : i32
    %dma_start3A_38 = tpu.memref_slice %arg7[%dma_start3A_36, %dma_start3A_37] : memref<2x400xi32, #tpu.memory_space<vmem>> -> memref<1x400xi32, #tpu.memory_space<vmem>>
    %dma_start3A_39 = tpu.memref_squeeze %dma_start3A_38 : memref<1x400xi32, #tpu.memory_space<vmem>> -> memref<400xi32, #tpu.memory_space<vmem>>
    %dma_start3A_40 = arith.constant 0 : i32
    %dma_start3A_41 = arith.constant 0 : i32
    %dma_start3A_42 = tpu.memref_slice %arg4[%add3A, %dma_start3A_40, %dma_start3A_41] : memref<32x25x400xi32, #tpu.memory_space<hbm>> -> memref<1x25x400xi32, #tpu.memory_space<hbm>>
    %dma_start3A_43 = tpu.memref_squeeze %dma_start3A_42 : memref<1x25x400xi32, #tpu.memory_space<hbm>> -> memref<25x400xi32, #tpu.memory_space<hbm>>
    %dma_start3A_44 = arith.constant 0 : i32
    %dma_start3A_45 = tpu.memref_slice %dma_start3A_43[%dma_start3A_35, %dma_start3A_44] : memref<25x400xi32, #tpu.memory_space<hbm>> -> memref<1x400xi32, #tpu.memory_space<hbm>>
    %dma_start3A_46 = tpu.memref_squeeze %dma_start3A_45 : memref<1x400xi32, #tpu.memory_space<hbm>> -> memref<400xi32, #tpu.memory_space<hbm>>
    %dma_start3A_47 = arith.constant 0 : i32
    %dma_start3A_48 = tpu.memref_slice %arg7[%dma_start3A_36, %dma_start3A_47] : memref<2x400xi32, #tpu.memory_space<vmem>> -> memref<1x400xi32, #tpu.memory_space<vmem>>
    %dma_start3A_49 = tpu.memref_squeeze %dma_start3A_48 : memref<1x400xi32, #tpu.memory_space<vmem>> -> memref<400xi32, #tpu.memory_space<vmem>>
    %dma_start3A_50 = arith.constant 0 : i32
    %dma_start3A_51 = arith.constant 0 : i32
    %dma_start3A_52 = tpu.memref_slice %arg4[%add3A, %dma_start3A_50, %dma_start3A_51] : memref<32x25x400xi32, #tpu.memory_space<hbm>> -> memref<1x25x400xi32, #tpu.memory_space<hbm>>
    %dma_start3A_53 = tpu.memref_squeeze %dma_start3A_52 : memref<1x25x400xi32, #tpu.memory_space<hbm>> -> memref<25x400xi32, #tpu.memory_space<hbm>>
    %dma_start3A_54 = arith.constant 0 : i32
    %dma_start3A_55 = tpu.memref_slice %dma_start3A_53[%dma_start3A_35, %dma_start3A_54] : memref<25x400xi32, #tpu.memory_space<hbm>> -> memref<1x400xi32, #tpu.memory_space<hbm>>
    %dma_start3A_56 = tpu.memref_squeeze %dma_start3A_55 : memref<1x400xi32, #tpu.memory_space<hbm>> -> memref<400xi32, #tpu.memory_space<hbm>>
    tpu.enqueue_dma source(%dma_start3A_56 : memref<400xi32, #tpu.memory_space<hbm>>) target(%dma_start3A_49 : memref<400xi32, #tpu.memory_space<vmem>>) target_semaphore(%arg14 : memref<!tpu.dma_semaphore, #tpu.memory_space<semaphore_mem>>)
    %dma_wait3A = arith.constant 0 : i32
    %dma_wait3A_57 = arith.constant 0 : i32
    %dma_wait3A_58 = arith.constant 0 : i32
    %dma_wait3A_59 = tpu.memref_slice %arg6[%dma_wait3A_57, %dma_wait3A_58] : memref<2x400xi32, #tpu.memory_space<vmem>> -> memref<1x400xi32, #tpu.memory_space<vmem>>
    %dma_wait3A_60 = tpu.memref_squeeze %dma_wait3A_59 : memref<1x400xi32, #tpu.memory_space<vmem>> -> memref<400xi32, #tpu.memory_space<vmem>>
    %dma_wait3A_61 = arith.constant 0 : i32
    %dma_wait3A_62 = arith.constant 0 : i32
    %dma_wait3A_63 = tpu.memref_slice %arg3[%add3A, %dma_wait3A_61, %dma_wait3A_62] : memref<32x25x400xi32, #tpu.memory_space<hbm>> -> memref<1x25x400xi32, #tpu.memory_space<hbm>>
    %dma_wait3A_64 = tpu.memref_squeeze %dma_wait3A_63 : memref<1x25x400xi32, #tpu.memory_space<hbm>> -> memref<25x400xi32, #tpu.memory_space<hbm>>
    %dma_wait3A_65 = arith.constant 0 : i32
    %dma_wait3A_66 = tpu.memref_slice %dma_wait3A_64[%dma_wait3A, %dma_wait3A_65] : memref<25x400xi32, #tpu.memory_space<hbm>> -> memref<1x400xi32, #tpu.memory_space<hbm>>
    %dma_wait3A_67 = tpu.memref_squeeze %dma_wait3A_66 : memref<1x400xi32, #tpu.memory_space<hbm>> -> memref<400xi32, #tpu.memory_space<hbm>>
    %dma_wait3A_68 = arith.constant 0 : i32
    %dma_wait3A_69 = tpu.memref_slice %arg6[%dma_wait3A_57, %dma_wait3A_68] : memref<2x400xi32, #tpu.memory_space<vmem>> -> memref<1x400xi32, #tpu.memory_space<vmem>>
    %dma_wait3A_70 = tpu.memref_squeeze %dma_wait3A_69 : memref<1x400xi32, #tpu.memory_space<vmem>> -> memref<400xi32, #tpu.memory_space<vmem>>
    %dma_wait3A_71 = arith.constant 0 : i32
    %dma_wait3A_72 = arith.constant 0 : i32
    %dma_wait3A_73 = tpu.memref_slice %arg3[%add3A, %dma_wait3A_71, %dma_wait3A_72] : memref<32x25x400xi32, #tpu.memory_space<hbm>> -> memref<1x25x400xi32, #tpu.memory_space<hbm>>
    %dma_wait3A_74 = tpu.memref_squeeze %dma_wait3A_73 : memref<1x25x400xi32, #tpu.memory_space<hbm>> -> memref<25x400xi32, #tpu.memory_space<hbm>>
    %dma_wait3A_75 = arith.constant 0 : i32
    %dma_wait3A_76 = tpu.memref_slice %dma_wait3A_74[%dma_wait3A, %dma_wait3A_75] : memref<25x400xi32, #tpu.memory_space<hbm>> -> memref<1x400xi32, #tpu.memory_space<hbm>>
    %dma_wait3A_77 = tpu.memref_squeeze %dma_wait3A_76 : memref<1x400xi32, #tpu.memory_space<hbm>> -> memref<400xi32, #tpu.memory_space<hbm>>
    tpu.wait_dma2 semaphore(%arg14 : memref<!tpu.dma_semaphore, #tpu.memory_space<semaphore_mem>>) src(%dma_wait3A_77 : memref<400xi32, #tpu.memory_space<hbm>>) dst(%dma_wait3A_70 : memref<400xi32, #tpu.memory_space<vmem>>)
    %dma_wait3A_78 = arith.constant 0 : i32
    %dma_wait3A_79 = arith.constant 0 : i32
    %dma_wait3A_80 = arith.constant 0 : i32
    %dma_wait3A_81 = tpu.memref_slice %arg7[%dma_wait3A_79, %dma_wait3A_80] : memref<2x400xi32, #tpu.memory_space<vmem>> -> memref<1x400xi32, #tpu.memory_space<vmem>>
    %dma_wait3A_82 = tpu.memref_squeeze %dma_wait3A_81 : memref<1x400xi32, #tpu.memory_space<vmem>> -> memref<400xi32, #tpu.memory_space<vmem>>
    %dma_wait3A_83 = arith.constant 0 : i32
    %dma_wait3A_84 = arith.constant 0 : i32
    %dma_wait3A_85 = tpu.memref_slice %arg4[%add3A, %dma_wait3A_83, %dma_wait3A_84] : memref<32x25x400xi32, #tpu.memory_space<hbm>> -> memref<1x25x400xi32, #tpu.memory_space<hbm>>
    %dma_wait3A_86 = tpu.memref_squeeze %dma_wait3A_85 : memref<1x25x400xi32, #tpu.memory_space<hbm>> -> memref<25x400xi32, #tpu.memory_space<hbm>>
    %dma_wait3A_87 = arith.constant 0 : i32
    %dma_wait3A_88 = tpu.memref_slice %dma_wait3A_86[%dma_wait3A_78, %dma_wait3A_87] : memref<25x400xi32, #tpu.memory_space<hbm>> -> memref<1x400xi32, #tpu.memory_space<hbm>>
    %dma_wait3A_89 = tpu.memref_squeeze %dma_wait3A_88 : memref<1x400xi32, #tpu.memory_space<hbm>> -> memref<400xi32, #tpu.memory_space<hbm>>
    %dma_wait3A_90 = arith.constant 0 : i32
    %dma_wait3A_91 = tpu.memref_slice %arg7[%dma_wait3A_79, %dma_wait3A_90] : memref<2x400xi32, #tpu.memory_space<vmem>> -> memref<1x400xi32, #tpu.memory_space<vmem>>
    %dma_wait3A_92 = tpu.memref_squeeze %dma_wait3A_91 : memref<1x400xi32, #tpu.memory_space<vmem>> -> memref<400xi32, #tpu.memory_space<vmem>>
    %dma_wait3A_93 = arith.constant 0 : i32
    %dma_wait3A_94 = arith.constant 0 : i32
    %dma_wait3A_95 = tpu.memref_slice %arg4[%add3A, %dma_wait3A_93, %dma_wait3A_94] : memref<32x25x400xi32, #tpu.memory_space<hbm>> -> memref<1x25x400xi32, #tpu.memory_space<hbm>>
    %dma_wait3A_96 = tpu.memref_squeeze %dma_wait3A_95 : memref<1x25x400xi32, #tpu.memory_space<hbm>> -> memref<25x400xi32, #tpu.memory_space<hbm>>
    %dma_wait3A_97 = arith.constant 0 : i32
    %dma_wait3A_98 = tpu.memref_slice %dma_wait3A_96[%dma_wait3A_78, %dma_wait3A_97] : memref<25x400xi32, #tpu.memory_space<hbm>> -> memref<1x400xi32, #tpu.memory_space<hbm>>
    %dma_wait3A_99 = tpu.memref_squeeze %dma_wait3A_98 : memref<1x400xi32, #tpu.memory_space<hbm>> -> memref<400xi32, #tpu.memory_space<hbm>>
    tpu.wait_dma2 semaphore(%arg14 : memref<!tpu.dma_semaphore, #tpu.memory_space<semaphore_mem>>) src(%dma_wait3A_99 : memref<400xi32, #tpu.memory_space<hbm>>) dst(%dma_wait3A_92 : memref<400xi32, #tpu.memory_space<vmem>>)
    %dma_start3A_100 = arith.constant 0 : i32
    %dma_start3A_101 = arith.constant 0 : i32
    %dma_start3A_102 = tpu.memref_slice %arg6[%dma_start3A_100, %dma_start3A_101] : memref<2x400xi32, #tpu.memory_space<vmem>> -> memref<1x400xi32, #tpu.memory_space<vmem>>
    %dma_start3A_103 = tpu.memref_squeeze %dma_start3A_102 : memref<1x400xi32, #tpu.memory_space<vmem>> -> memref<400xi32, #tpu.memory_space<vmem>>
    %dma_start3A_104 = arith.constant 0 : i32
    %dma_start3A_105 = arith.constant 0 : i32
    %dma_start3A_106 = tpu.memref_slice %arg2[%dma_start3A_104, %dma_start3A_105] : memref<10240x16xf32, #tpu.memory_space<hbm>> -> memref<10240x16xf32, #tpu.memory_space<hbm>>
    tpu.enqueue_indirect_dma source(%dma_start3A_106 : memref<10240x16xf32, #tpu.memory_space<hbm>>) target(%arg8 : memref<400x16xf32, #tpu.memory_space<vmem>>) offsets(%dma_start3A_103 : memref<400xi32, #tpu.memory_space<vmem>>) semaphore(%arg12 : memref<!tpu.dma_semaphore, #tpu.memory_space<semaphore_mem>>)
    %dma_start3A_107 = arith.constant 1 : i32
    %dma_start3A_108 = arith.constant 1 : i32
    %dma_start3A_109 = arith.constant 0 : i32
    %dma_start3A_110 = tpu.memref_slice %arg6[%dma_start3A_108, %dma_start3A_109] : memref<2x400xi32, #tpu.memory_space<vmem>> -> memref<1x400xi32, #tpu.memory_space<vmem>>
    %dma_start3A_111 = tpu.memref_squeeze %dma_start3A_110 : memref<1x400xi32, #tpu.memory_space<vmem>> -> memref<400xi32, #tpu.memory_space<vmem>>
    %dma_start3A_112 = arith.constant 0 : i32
    %dma_start3A_113 = arith.constant 0 : i32
    %dma_start3A_114 = tpu.memref_slice %arg3[%add3A, %dma_start3A_112, %dma_start3A_113] : memref<32x25x400xi32, #tpu.memory_space<hbm>> -> memref<1x25x400xi32, #tpu.memory_space<hbm>>
    %dma_start3A_115 = tpu.memref_squeeze %dma_start3A_114 : memref<1x25x400xi32, #tpu.memory_space<hbm>> -> memref<25x400xi32, #tpu.memory_space<hbm>>
    %dma_start3A_116 = arith.constant 0 : i32
    %dma_start3A_117 = tpu.memref_slice %dma_start3A_115[%dma_start3A_107, %dma_start3A_116] : memref<25x400xi32, #tpu.memory_space<hbm>> -> memref<1x400xi32, #tpu.memory_space<hbm>>
    %dma_start3A_118 = tpu.memref_squeeze %dma_start3A_117 : memref<1x400xi32, #tpu.memory_space<hbm>> -> memref<400xi32, #tpu.memory_space<hbm>>
    %dma_start3A_119 = arith.constant 0 : i32
    %dma_start3A_120 = tpu.memref_slice %arg6[%dma_start3A_108, %dma_start3A_119] : memref<2x400xi32, #tpu.memory_space<vmem>> -> memref<1x400xi32, #tpu.memory_space<vmem>>
    %dma_start3A_121 = tpu.memref_squeeze %dma_start3A_120 : memref<1x400xi32, #tpu.memory_space<vmem>> -> memref<400xi32, #tpu.memory_space<vmem>>
    %dma_start3A_122 = arith.constant 0 : i32
    %dma_start3A_123 = arith.constant 0 : i32
    %dma_start3A_124 = tpu.memref_slice %arg3[%add3A, %dma_start3A_122, %dma_start3A_123] : memref<32x25x400xi32, #tpu.memory_space<hbm>> -> memref<1x25x400xi32, #tpu.memory_space<hbm>>
    %dma_start3A_125 = tpu.memref_squeeze %dma_start3A_124 : memref<1x25x400xi32, #tpu.memory_space<hbm>> -> memref<25x400xi32, #tpu.memory_space<hbm>>
    %dma_start3A_126 = arith.constant 0 : i32
    %dma_start3A_127 = tpu.memref_slice %dma_start3A_125[%dma_start3A_107, %dma_start3A_126] : memref<25x400xi32, #tpu.memory_space<hbm>> -> memref<1x400xi32, #tpu.memory_space<hbm>>
    %dma_start3A_128 = tpu.memref_squeeze %dma_start3A_127 : memref<1x400xi32, #tpu.memory_space<hbm>> -> memref<400xi32, #tpu.memory_space<hbm>>
    tpu.enqueue_dma source(%dma_start3A_128 : memref<400xi32, #tpu.memory_space<hbm>>) target(%dma_start3A_121 : memref<400xi32, #tpu.memory_space<vmem>>) target_semaphore(%arg15 : memref<!tpu.dma_semaphore, #tpu.memory_space<semaphore_mem>>)
    %dma_start3A_129 = arith.constant 1 : i32
    %dma_start3A_130 = arith.constant 1 : i32
    %dma_start3A_131 = arith.constant 0 : i32
    %dma_start3A_132 = tpu.memref_slice %arg7[%dma_start3A_130, %dma_start3A_131] : memref<2x400xi32, #tpu.memory_space<vmem>> -> memref<1x400xi32, #tpu.memory_space<vmem>>
    %dma_start3A_133 = tpu.memref_squeeze %dma_start3A_132 : memref<1x400xi32, #tpu.memory_space<vmem>> -> memref<400xi32, #tpu.memory_space<vmem>>
    %dma_start3A_134 = arith.constant 0 : i32
    %dma_start3A_135 = arith.constant 0 : i32
    %dma_start3A_136 = tpu.memref_slice %arg4[%add3A, %dma_start3A_134, %dma_start3A_135] : memref<32x25x400xi32, #tpu.memory_space<hbm>> -> memref<1x25x400xi32, #tpu.memory_space<hbm>>
    %dma_start3A_137 = tpu.memref_squeeze %dma_start3A_136 : memref<1x25x400xi32, #tpu.memory_space<hbm>> -> memref<25x400xi32, #tpu.memory_space<hbm>>
    %dma_start3A_138 = arith.constant 0 : i32
    %dma_start3A_139 = tpu.memref_slice %dma_start3A_137[%dma_start3A_129, %dma_start3A_138] : memref<25x400xi32, #tpu.memory_space<hbm>> -> memref<1x400xi32, #tpu.memory_space<hbm>>
    %dma_start3A_140 = tpu.memref_squeeze %dma_start3A_139 : memref<1x400xi32, #tpu.memory_space<hbm>> -> memref<400xi32, #tpu.memory_space<hbm>>
    %dma_start3A_141 = arith.constant 0 : i32
    %dma_start3A_142 = tpu.memref_slice %arg7[%dma_start3A_130, %dma_start3A_141] : memref<2x400xi32, #tpu.memory_space<vmem>> -> memref<1x400xi32, #tpu.memory_space<vmem>>
    %dma_start3A_143 = tpu.memref_squeeze %dma_start3A_142 : memref<1x400xi32, #tpu.memory_space<vmem>> -> memref<400xi32, #tpu.memory_space<vmem>>
    %dma_start3A_144 = arith.constant 0 : i32
    %dma_start3A_145 = arith.constant 0 : i32
    %dma_start3A_146 = tpu.memref_slice %arg4[%add3A, %dma_start3A_144, %dma_start3A_145] : memref<32x25x400xi32, #tpu.memory_space<hbm>> -> memref<1x25x400xi32, #tpu.memory_space<hbm>>
    %dma_start3A_147 = tpu.memref_squeeze %dma_start3A_146 : memref<1x25x400xi32, #tpu.memory_space<hbm>> -> memref<25x400xi32, #tpu.memory_space<hbm>>
    %dma_start3A_148 = arith.constant 0 : i32
    %dma_start3A_149 = tpu.memref_slice %dma_start3A_147[%dma_start3A_129, %dma_start3A_148] : memref<25x400xi32, #tpu.memory_space<hbm>> -> memref<1x400xi32, #tpu.memory_space<hbm>>
    %dma_start3A_150 = tpu.memref_squeeze %dma_start3A_149 : memref<1x400xi32, #tpu.memory_space<hbm>> -> memref<400xi32, #tpu.memory_space<hbm>>
    tpu.enqueue_dma source(%dma_start3A_150 : memref<400xi32, #tpu.memory_space<hbm>>) target(%dma_start3A_143 : memref<400xi32, #tpu.memory_space<vmem>>) target_semaphore(%arg15 : memref<!tpu.dma_semaphore, #tpu.memory_space<semaphore_mem>>)
    %scan3A_151 = arith.constant 0 : i32
    %scan3A_152 = arith.constant 0 : i32
    %scan3A_153 = arith.constant 11 : i32
    %scan3A_154 = arith.addi %scan3A_152, %scan3A_153 : i32
    %scan3A_155 = arith.constant 1 : i32
    %scan3A_156 = scf.for %scan3A_330 = %scan3A_152 to %scan3A_154 step %scan3A_155 iter_args(%scan3A_331 = %scan3A_151) -> (i32)  : i32 {
      %mul3A_332 = arith.constant 2 : i32
      %mul3A_333 = arith.muli %scan3A_330, %mul3A_332 : i32
      %dma_wait3A_334 = arith.constant 0 : i32
      %dma_wait3A_335 = arith.constant 0 : i32
      %dma_wait3A_336 = tpu.memref_slice %arg6[%dma_wait3A_334, %dma_wait3A_335] : memref<2x400xi32, #tpu.memory_space<vmem>> -> memref<1x400xi32, #tpu.memory_space<vmem>>
      %dma_wait3A_337 = tpu.memref_squeeze %dma_wait3A_336 : memref<1x400xi32, #tpu.memory_space<vmem>> -> memref<400xi32, #tpu.memory_space<vmem>>
      %dma_wait3A_338 = arith.constant 0 : i32
      %dma_wait3A_339 = arith.constant 0 : i32
      %dma_wait3A_340 = tpu.memref_slice %arg2[%dma_wait3A_338, %dma_wait3A_339] : memref<10240x16xf32, #tpu.memory_space<hbm>> -> memref<10240x16xf32, #tpu.memory_space<hbm>>
      tpu.wait_indirect_dma semaphore(%arg12 : memref<!tpu.dma_semaphore, #tpu.memory_space<semaphore_mem>>) src(%dma_wait3A_340 : memref<10240x16xf32, #tpu.memory_space<hbm>>) dst(%arg8 : memref<400x16xf32, #tpu.memory_space<vmem>>)
      %dma_wait3A_341 = arith.constant 0 : i32
      %dma_wait3A_342 = arith.constant 1 : i32
      %dma_wait3A_343 = arith.constant 0 : i32
      %dma_wait3A_344 = tpu.memref_slice %arg6[%dma_wait3A_342, %dma_wait3A_343] : memref<2x400xi32, #tpu.memory_space<vmem>> -> memref<1x400xi32, #tpu.memory_space<vmem>>
      %dma_wait3A_345 = tpu.memref_squeeze %dma_wait3A_344 : memref<1x400xi32, #tpu.memory_space<vmem>> -> memref<400xi32, #tpu.memory_space<vmem>>
      %dma_wait3A_346 = arith.constant 0 : i32
      %dma_wait3A_347 = arith.constant 0 : i32
      %dma_wait3A_348 = tpu.memref_slice %arg3[%add3A, %dma_wait3A_346, %dma_wait3A_347] : memref<32x25x400xi32, #tpu.memory_space<hbm>> -> memref<1x25x400xi32, #tpu.memory_space<hbm>>
      %dma_wait3A_349 = tpu.memref_squeeze %dma_wait3A_348 : memref<1x25x400xi32, #tpu.memory_space<hbm>> -> memref<25x400xi32, #tpu.memory_space<hbm>>
      %dma_wait3A_350 = arith.constant 0 : i32
      %dma_wait3A_351 = tpu.memref_slice %dma_wait3A_349[%dma_wait3A_341, %dma_wait3A_350] : memref<25x400xi32, #tpu.memory_space<hbm>> -> memref<1x400xi32, #tpu.memory_space<hbm>>
      %dma_wait3A_352 = tpu.memref_squeeze %dma_wait3A_351 : memref<1x400xi32, #tpu.memory_space<hbm>> -> memref<400xi32, #tpu.memory_space<hbm>>
      %dma_wait3A_353 = arith.constant 0 : i32
      %dma_wait3A_354 = tpu.memref_slice %arg6[%dma_wait3A_342, %dma_wait3A_353] : memref<2x400xi32, #tpu.memory_space<vmem>> -> memref<1x400xi32, #tpu.memory_space<vmem>>
      %dma_wait3A_355 = tpu.memref_squeeze %dma_wait3A_354 : memref<1x400xi32, #tpu.memory_space<vmem>> -> memref<400xi32, #tpu.memory_space<vmem>>
      %dma_wait3A_356 = arith.constant 0 : i32
      %dma_wait3A_357 = arith.constant 0 : i32
      %dma_wait3A_358 = tpu.memref_slice %arg3[%add3A, %dma_wait3A_356, %dma_wait3A_357] : memref<32x25x400xi32, #tpu.memory_space<hbm>> -> memref<1x25x400xi32, #tpu.memory_space<hbm>>
      %dma_wait3A_359 = tpu.memref_squeeze %dma_wait3A_358 : memref<1x25x400xi32, #tpu.memory_space<hbm>> -> memref<25x400xi32, #tpu.memory_space<hbm>>
      %dma_wait3A_360 = arith.constant 0 : i32
      %dma_wait3A_361 = tpu.memref_slice %dma_wait3A_359[%dma_wait3A_341, %dma_wait3A_360] : memref<25x400xi32, #tpu.memory_space<hbm>> -> memref<1x400xi32, #tpu.memory_space<hbm>>
      %dma_wait3A_362 = tpu.memref_squeeze %dma_wait3A_361 : memref<1x400xi32, #tpu.memory_space<hbm>> -> memref<400xi32, #tpu.memory_space<hbm>>
      tpu.wait_dma2 semaphore(%arg15 : memref<!tpu.dma_semaphore, #tpu.memory_space<semaphore_mem>>) src(%dma_wait3A_362 : memref<400xi32, #tpu.memory_space<hbm>>) dst(%dma_wait3A_355 : memref<400xi32, #tpu.memory_space<vmem>>)
      %dma_wait3A_363 = arith.constant 0 : i32
      %dma_wait3A_364 = arith.constant 1 : i32
      %dma_wait3A_365 = arith.constant 0 : i32
      %dma_wait3A_366 = tpu.memref_slice %arg7[%dma_wait3A_364, %dma_wait3A_365] : memref<2x400xi32, #tpu.memory_space<vmem>> -> memref<1x400xi32, #tpu.memory_space<vmem>>
      %dma_wait3A_367 = tpu.memref_squeeze %dma_wait3A_366 : memref<1x400xi32, #tpu.memory_space<vmem>> -> memref<400xi32, #tpu.memory_space<vmem>>
      %dma_wait3A_368 = arith.constant 0 : i32
      %dma_wait3A_369 = arith.constant 0 : i32
      %dma_wait3A_370 = tpu.memref_slice %arg4[%add3A, %dma_wait3A_368, %dma_wait3A_369] : memref<32x25x400xi32, #tpu.memory_space<hbm>> -> memref<1x25x400xi32, #tpu.memory_space<hbm>>
      %dma_wait3A_371 = tpu.memref_squeeze %dma_wait3A_370 : memref<1x25x400xi32, #tpu.memory_space<hbm>> -> memref<25x400xi32, #tpu.memory_space<hbm>>
      %dma_wait3A_372 = arith.constant 0 : i32
      %dma_wait3A_373 = tpu.memref_slice %dma_wait3A_371[%dma_wait3A_363, %dma_wait3A_372] : memref<25x400xi32, #tpu.memory_space<hbm>> -> memref<1x400xi32, #tpu.memory_space<hbm>>
      %dma_wait3A_374 = tpu.memref_squeeze %dma_wait3A_373 : memref<1x400xi32, #tpu.memory_space<hbm>> -> memref<400xi32, #tpu.memory_space<hbm>>
      %dma_wait3A_375 = arith.constant 0 : i32
      %dma_wait3A_376 = tpu.memref_slice %arg7[%dma_wait3A_364, %dma_wait3A_375] : memref<2x400xi32, #tpu.memory_space<vmem>> -> memref<1x400xi32, #tpu.memory_space<vmem>>
      %dma_wait3A_377 = tpu.memref_squeeze %dma_wait3A_376 : memref<1x400xi32, #tpu.memory_space<vmem>> -> memref<400xi32, #tpu.memory_space<vmem>>
      %dma_wait3A_378 = arith.constant 0 : i32
      %dma_wait3A_379 = arith.constant 0 : i32
      %dma_wait3A_380 = tpu.memref_slice %arg4[%add3A, %dma_wait3A_378, %dma_wait3A_379] : memref<32x25x400xi32, #tpu.memory_space<hbm>> -> memref<1x25x400xi32, #tpu.memory_space<hbm>>
      %dma_wait3A_381 = tpu.memref_squeeze %dma_wait3A_380 : memref<1x25x400xi32, #tpu.memory_space<hbm>> -> memref<25x400xi32, #tpu.memory_space<hbm>>
      %dma_wait3A_382 = arith.constant 0 : i32
      %dma_wait3A_383 = tpu.memref_slice %dma_wait3A_381[%dma_wait3A_363, %dma_wait3A_382] : memref<25x400xi32, #tpu.memory_space<hbm>> -> memref<1x400xi32, #tpu.memory_space<hbm>>
      %dma_wait3A_384 = tpu.memref_squeeze %dma_wait3A_383 : memref<1x400xi32, #tpu.memory_space<hbm>> -> memref<400xi32, #tpu.memory_space<hbm>>
      tpu.wait_dma2 semaphore(%arg15 : memref<!tpu.dma_semaphore, #tpu.memory_space<semaphore_mem>>) src(%dma_wait3A_384 : memref<400xi32, #tpu.memory_space<hbm>>) dst(%dma_wait3A_377 : memref<400xi32, #tpu.memory_space<vmem>>)
      %dma_start3A_385 = arith.constant 1 : i32
      %dma_start3A_386 = arith.constant 0 : i32
      %dma_start3A_387 = tpu.memref_slice %arg6[%dma_start3A_385, %dma_start3A_386] : memref<2x400xi32, #tpu.memory_space<vmem>> -> memref<1x400xi32, #tpu.memory_space<vmem>>
      %dma_start3A_388 = tpu.memref_squeeze %dma_start3A_387 : memref<1x400xi32, #tpu.memory_space<vmem>> -> memref<400xi32, #tpu.memory_space<vmem>>
      %dma_start3A_389 = arith.constant 0 : i32
      %dma_start3A_390 = arith.constant 0 : i32
      %dma_start3A_391 = tpu.memref_slice %arg2[%dma_start3A_389, %dma_start3A_390] : memref<10240x16xf32, #tpu.memory_space<hbm>> -> memref<10240x16xf32, #tpu.memory_space<hbm>>
      tpu.enqueue_indirect_dma source(%dma_start3A_391 : memref<10240x16xf32, #tpu.memory_space<hbm>>) target(%arg9 : memref<400x16xf32, #tpu.memory_space<vmem>>) offsets(%dma_start3A_388 : memref<400xi32, #tpu.memory_space<vmem>>) semaphore(%arg13 : memref<!tpu.dma_semaphore, #tpu.memory_space<semaphore_mem>>)
      %run_scoped3A_392 = arith.constant 0 : i32
      "tpu.region"() ({
        %run_scoped3A_545 = tpu.sem_alloc : memref<!tpu.dma_semaphore, #tpu.memory_space<semaphore_mem>>
        %dma_start3A_546 = arith.constant 0 : i32
        %dma_start3A_547 = tpu.memref_slice %arg7[%run_scoped3A_392, %dma_start3A_546] : memref<2x400xi32, #tpu.memory_space<vmem>> -> memref<1x400xi32, #tpu.memory_space<vmem>>
        %dma_start3A_548 = tpu.memref_squeeze %dma_start3A_547 : memref<1x400xi32, #tpu.memory_space<vmem>> -> memref<400xi32, #tpu.memory_space<vmem>>
        %dma_start3A_549 = arith.constant 0 : i32
        %dma_start3A_550 = arith.constant 0 : i32
        %dma_start3A_551 = tpu.memref_slice %arg11[%dma_start3A_549, %dma_start3A_550] : memref<10240x16xf32, #tpu.memory_space<vmem_shared>> -> memref<10240x16xf32, #tpu.memory_space<vmem_shared>>
        tpu.enqueue_indirect_dma source(%arg8 : memref<400x16xf32, #tpu.memory_space<vmem>>) target(%dma_start3A_551 : memref<10240x16xf32, #tpu.memory_space<vmem_shared>>) offsets(%dma_start3A_548 : memref<400xi32, #tpu.memory_space<vmem>>) semaphore(%run_scoped3A_545 : memref<!tpu.dma_semaphore, #tpu.memory_space<semaphore_mem>>) {add = true}
        %dma_wait3A_552 = arith.constant 0 : i32
        %dma_wait3A_553 = tpu.memref_slice %arg7[%run_scoped3A_392, %dma_wait3A_552] : memref<2x400xi32, #tpu.memory_space<vmem>> -> memref<1x400xi32, #tpu.memory_space<vmem>>
        %dma_wait3A_554 = tpu.memref_squeeze %dma_wait3A_553 : memref<1x400xi32, #tpu.memory_space<vmem>> -> memref<400xi32, #tpu.memory_space<vmem>>
        %dma_wait3A_555 = arith.constant 0 : i32
        %dma_wait3A_556 = arith.constant 0 : i32
        %dma_wait3A_557 = tpu.memref_slice %arg11[%dma_wait3A_555, %dma_wait3A_556] : memref<10240x16xf32, #tpu.memory_space<vmem_shared>> -> memref<10240x16xf32, #tpu.memory_space<vmem_shared>>
        tpu.wait_indirect_dma semaphore(%run_scoped3A_545 : memref<!tpu.dma_semaphore, #tpu.memory_space<semaphore_mem>>) src(%arg8 : memref<400x16xf32, #tpu.memory_space<vmem>>) dst(%dma_wait3A_557 : memref<10240x16xf32, #tpu.memory_space<vmem_shared>>)
        tpu.yield
      }) : () -> ()
      %add3A_393 = arith.constant 2 : i32
      %add3A_394 = arith.addi %mul3A_333, %add3A_393 : i32
      %dma_start3A_395 = arith.constant 0 : i32
      %dma_start3A_396 = arith.constant 0 : i32
      %dma_start3A_397 = tpu.memref_slice %arg6[%dma_start3A_395, %dma_start3A_396] : memref<2x400xi32, #tpu.memory_space<vmem>> -> memref<1x400xi32, #tpu.memory_space<vmem>>
      %dma_start3A_398 = tpu.memref_squeeze %dma_start3A_397 : memref<1x400xi32, #tpu.memory_space<vmem>> -> memref<400xi32, #tpu.memory_space<vmem>>
      %dma_start3A_399 = arith.constant 0 : i32
      %dma_start3A_400 = arith.constant 0 : i32
      %dma_start3A_401 = tpu.memref_slice %arg3[%add3A, %dma_start3A_399, %dma_start3A_400] : memref<32x25x400xi32, #tpu.memory_space<hbm>> -> memref<1x25x400xi32, #tpu.memory_space<hbm>>
      %dma_start3A_402 = tpu.memref_squeeze %dma_start3A_401 : memref<1x25x400xi32, #tpu.memory_space<hbm>> -> memref<25x400xi32, #tpu.memory_space<hbm>>
      %dma_start3A_403 = arith.constant 0 : i32
      %dma_start3A_404 = tpu.memref_slice %dma_start3A_402[%add3A_394, %dma_start3A_403] : memref<25x400xi32, #tpu.memory_space<hbm>> -> memref<1x400xi32, #tpu.memory_space<hbm>>
      %dma_start3A_405 = tpu.memref_squeeze %dma_start3A_404 : memref<1x400xi32, #tpu.memory_space<hbm>> -> memref<400xi32, #tpu.memory_space<hbm>>
      %dma_start3A_406 = arith.constant 0 : i32
      %dma_start3A_407 = tpu.memref_slice %arg6[%dma_start3A_395, %dma_start3A_406] : memref<2x400xi32, #tpu.memory_space<vmem>> -> memref<1x400xi32, #tpu.memory_space<vmem>>
      %dma_start3A_408 = tpu.memref_squeeze %dma_start3A_407 : memref<1x400xi32, #tpu.memory_space<vmem>> -> memref<400xi32, #tpu.memory_space<vmem>>
      %dma_start3A_409 = arith.constant 0 : i32
      %dma_start3A_410 = arith.constant 0 : i32
      %dma_start3A_411 = tpu.memref_slice %arg3[%add3A, %dma_start3A_409, %dma_start3A_410] : memref<32x25x400xi32, #tpu.memory_space<hbm>> -> memref<1x25x400xi32, #tpu.memory_space<hbm>>
      %dma_start3A_412 = tpu.memref_squeeze %dma_start3A_411 : memref<1x25x400xi32, #tpu.memory_space<hbm>> -> memref<25x400xi32, #tpu.memory_space<hbm>>
      %dma_start3A_413 = arith.constant 0 : i32
      %dma_start3A_414 = tpu.memref_slice %dma_start3A_412[%add3A_394, %dma_start3A_413] : memref<25x400xi32, #tpu.memory_space<hbm>> -> memref<1x400xi32, #tpu.memory_space<hbm>>
      %dma_start3A_415 = tpu.memref_squeeze %dma_start3A_414 : memref<1x400xi32, #tpu.memory_space<hbm>> -> memref<400xi32, #tpu.memory_space<hbm>>
      tpu.enqueue_dma source(%dma_start3A_415 : memref<400xi32, #tpu.memory_space<hbm>>) target(%dma_start3A_408 : memref<400xi32, #tpu.memory_space<vmem>>) target_semaphore(%arg14 : memref<!tpu.dma_semaphore, #tpu.memory_space<semaphore_mem>>)
      %dma_start3A_416 = arith.constant 0 : i32
      %dma_start3A_417 = arith.constant 0 : i32
      %dma_start3A_418 = tpu.memref_slice %arg7[%dma_start3A_416, %dma_start3A_417] : memref<2x400xi32, #tpu.memory_space<vmem>> -> memref<1x400xi32, #tpu.memory_space<vmem>>
      %dma_start3A_419 = tpu.memref_squeeze %dma_start3A_418 : memref<1x400xi32, #tpu.memory_space<vmem>> -> memref<400xi32, #tpu.memory_space<vmem>>
      %dma_start3A_420 = arith.constant 0 : i32
      %dma_start3A_421 = arith.constant 0 : i32
      %dma_start3A_422 = tpu.memref_slice %arg4[%add3A, %dma_start3A_420, %dma_start3A_421] : memref<32x25x400xi32, #tpu.memory_space<hbm>> -> memref<1x25x400xi32, #tpu.memory_space<hbm>>
      %dma_start3A_423 = tpu.memref_squeeze %dma_start3A_422 : memref<1x25x400xi32, #tpu.memory_space<hbm>> -> memref<25x400xi32, #tpu.memory_space<hbm>>
      %dma_start3A_424 = arith.constant 0 : i32
      %dma_start3A_425 = tpu.memref_slice %dma_start3A_423[%add3A_394, %dma_start3A_424] : memref<25x400xi32, #tpu.memory_space<hbm>> -> memref<1x400xi32, #tpu.memory_space<hbm>>
      %dma_start3A_426 = tpu.memref_squeeze %dma_start3A_425 : memref<1x400xi32, #tpu.memory_space<hbm>> -> memref<400xi32, #tpu.memory_space<hbm>>
      %dma_start3A_427 = arith.constant 0 : i32
      %dma_start3A_428 = tpu.memref_slice %arg7[%dma_start3A_416, %dma_start3A_427] : memref<2x400xi32, #tpu.memory_space<vmem>> -> memref<1x400xi32, #tpu.memory_space<vmem>>
      %dma_start3A_429 = tpu.memref_squeeze %dma_start3A_428 : memref<1x400xi32, #tpu.memory_space<vmem>> -> memref<400xi32, #tpu.memory_space<vmem>>
      %dma_start3A_430 = arith.constant 0 : i32
      %dma_start3A_431 = arith.constant 0 : i32
      %dma_start3A_432 = tpu.memref_slice %arg4[%add3A, %dma_start3A_430, %dma_start3A_431] : memref<32x25x400xi32, #tpu.memory_space<hbm>> -> memref<1x25x400xi32, #tpu.memory_space<hbm>>
      %dma_start3A_433 = tpu.memref_squeeze %dma_start3A_432 : memref<1x25x400xi32, #tpu.memory_space<hbm>> -> memref<25x400xi32, #tpu.memory_space<hbm>>
      %dma_start3A_434 = arith.constant 0 : i32
      %dma_start3A_435 = tpu.memref_slice %dma_start3A_433[%add3A_394, %dma_start3A_434] : memref<25x400xi32, #tpu.memory_space<hbm>> -> memref<1x400xi32, #tpu.memory_space<hbm>>
      %dma_start3A_436 = tpu.memref_squeeze %dma_start3A_435 : memref<1x400xi32, #tpu.memory_space<hbm>> -> memref<400xi32, #tpu.memory_space<hbm>>
      tpu.enqueue_dma source(%dma_start3A_436 : memref<400xi32, #tpu.memory_space<hbm>>) target(%dma_start3A_429 : memref<400xi32, #tpu.memory_space<vmem>>) target_semaphore(%arg14 : memref<!tpu.dma_semaphore, #tpu.memory_space<semaphore_mem>>)
      %mul3A_437 = arith.constant 2 : i32
      %mul3A_438 = arith.muli %scan3A_330, %mul3A_437 : i32
      %add3A_439 = arith.constant 1 : i32
      %add3A_440 = arith.addi %mul3A_438, %add3A_439 : i32
      %dma_wait3A_441 = arith.constant 1 : i32
      %dma_wait3A_442 = arith.constant 0 : i32
      %dma_wait3A_443 = tpu.memref_slice %arg6[%dma_wait3A_441, %dma_wait3A_442] : memref<2x400xi32, #tpu.memory_space<vmem>> -> memref<1x400xi32, #tpu.memory_space<vmem>>
      %dma_wait3A_444 = tpu.memref_squeeze %dma_wait3A_443 : memref<1x400xi32, #tpu.memory_space<vmem>> -> memref<400xi32, #tpu.memory_space<vmem>>
      %dma_wait3A_445 = arith.constant 0 : i32
      %dma_wait3A_446 = arith.constant 0 : i32
      %dma_wait3A_447 = tpu.memref_slice %arg2[%dma_wait3A_445, %dma_wait3A_446] : memref<10240x16xf32, #tpu.memory_space<hbm>> -> memref<10240x16xf32, #tpu.memory_space<hbm>>
      tpu.wait_indirect_dma semaphore(%arg13 : memref<!tpu.dma_semaphore, #tpu.memory_space<semaphore_mem>>) src(%dma_wait3A_447 : memref<10240x16xf32, #tpu.memory_space<hbm>>) dst(%arg9 : memref<400x16xf32, #tpu.memory_space<vmem>>)
      %dma_wait3A_448 = arith.constant 0 : i32
      %dma_wait3A_449 = arith.constant 0 : i32
      %dma_wait3A_450 = arith.constant 0 : i32
      %dma_wait3A_451 = tpu.memref_slice %arg6[%dma_wait3A_449, %dma_wait3A_450] : memref<2x400xi32, #tpu.memory_space<vmem>> -> memref<1x400xi32, #tpu.memory_space<vmem>>
      %dma_wait3A_452 = tpu.memref_squeeze %dma_wait3A_451 : memref<1x400xi32, #tpu.memory_space<vmem>> -> memref<400xi32, #tpu.memory_space<vmem>>
      %dma_wait3A_453 = arith.constant 0 : i32
      %dma_wait3A_454 = arith.constant 0 : i32
      %dma_wait3A_455 = tpu.memref_slice %arg3[%add3A, %dma_wait3A_453, %dma_wait3A_454] : memref<32x25x400xi32, #tpu.memory_space<hbm>> -> memref<1x25x400xi32, #tpu.memory_space<hbm>>
      %dma_wait3A_456 = tpu.memref_squeeze %dma_wait3A_455 : memref<1x25x400xi32, #tpu.memory_space<hbm>> -> memref<25x400xi32, #tpu.memory_space<hbm>>
      %dma_wait3A_457 = arith.constant 0 : i32
      %dma_wait3A_458 = tpu.memref_slice %dma_wait3A_456[%dma_wait3A_448, %dma_wait3A_457] : memref<25x400xi32, #tpu.memory_space<hbm>> -> memref<1x400xi32, #tpu.memory_space<hbm>>
      %dma_wait3A_459 = tpu.memref_squeeze %dma_wait3A_458 : memref<1x400xi32, #tpu.memory_space<hbm>> -> memref<400xi32, #tpu.memory_space<hbm>>
      %dma_wait3A_460 = arith.constant 0 : i32
      %dma_wait3A_461 = tpu.memref_slice %arg6[%dma_wait3A_449, %dma_wait3A_460] : memref<2x400xi32, #tpu.memory_space<vmem>> -> memref<1x400xi32, #tpu.memory_space<vmem>>
      %dma_wait3A_462 = tpu.memref_squeeze %dma_wait3A_461 : memref<1x400xi32, #tpu.memory_space<vmem>> -> memref<400xi32, #tpu.memory_space<vmem>>
      %dma_wait3A_463 = arith.constant 0 : i32
      %dma_wait3A_464 = arith.constant 0 : i32
      %dma_wait3A_465 = tpu.memref_slice %arg3[%add3A, %dma_wait3A_463, %dma_wait3A_464] : memref<32x25x400xi32, #tpu.memory_space<hbm>> -> memref<1x25x400xi32, #tpu.memory_space<hbm>>
      %dma_wait3A_466 = tpu.memref_squeeze %dma_wait3A_465 : memref<1x25x400xi32, #tpu.memory_space<hbm>> -> memref<25x400xi32, #tpu.memory_space<hbm>>
      %dma_wait3A_467 = arith.constant 0 : i32
      %dma_wait3A_468 = tpu.memref_slice %dma_wait3A_466[%dma_wait3A_448, %dma_wait3A_467] : memref<25x400xi32, #tpu.memory_space<hbm>> -> memref<1x400xi32, #tpu.memory_space<hbm>>
      %dma_wait3A_469 = tpu.memref_squeeze %dma_wait3A_468 : memref<1x400xi32, #tpu.memory_space<hbm>> -> memref<400xi32, #tpu.memory_space<hbm>>
      tpu.wait_dma2 semaphore(%arg14 : memref<!tpu.dma_semaphore, #tpu.memory_space<semaphore_mem>>) src(%dma_wait3A_469 : memref<400xi32, #tpu.memory_space<hbm>>) dst(%dma_wait3A_462 : memref<400xi32, #tpu.memory_space<vmem>>)
      %dma_wait3A_470 = arith.constant 0 : i32
      %dma_wait3A_471 = arith.constant 0 : i32
      %dma_wait3A_472 = arith.constant 0 : i32
      %dma_wait3A_473 = tpu.memref_slice %arg7[%dma_wait3A_471, %dma_wait3A_472] : memref<2x400xi32, #tpu.memory_space<vmem>> -> memref<1x400xi32, #tpu.memory_space<vmem>>
      %dma_wait3A_474 = tpu.memref_squeeze %dma_wait3A_473 : memref<1x400xi32, #tpu.memory_space<vmem>> -> memref<400xi32, #tpu.memory_space<vmem>>
      %dma_wait3A_475 = arith.constant 0 : i32
      %dma_wait3A_476 = arith.constant 0 : i32
      %dma_wait3A_477 = tpu.memref_slice %arg4[%add3A, %dma_wait3A_475, %dma_wait3A_476] : memref<32x25x400xi32, #tpu.memory_space<hbm>> -> memref<1x25x400xi32, #tpu.memory_space<hbm>>
      %dma_wait3A_478 = tpu.memref_squeeze %dma_wait3A_477 : memref<1x25x400xi32, #tpu.memory_space<hbm>> -> memref<25x400xi32, #tpu.memory_space<hbm>>
      %dma_wait3A_479 = arith.constant 0 : i32
      %dma_wait3A_480 = tpu.memref_slice %dma_wait3A_478[%dma_wait3A_470, %dma_wait3A_479] : memref<25x400xi32, #tpu.memory_space<hbm>> -> memref<1x400xi32, #tpu.memory_space<hbm>>
      %dma_wait3A_481 = tpu.memref_squeeze %dma_wait3A_480 : memref<1x400xi32, #tpu.memory_space<hbm>> -> memref<400xi32, #tpu.memory_space<hbm>>
      %dma_wait3A_482 = arith.constant 0 : i32
      %dma_wait3A_483 = tpu.memref_slice %arg7[%dma_wait3A_471, %dma_wait3A_482] : memref<2x400xi32, #tpu.memory_space<vmem>> -> memref<1x400xi32, #tpu.memory_space<vmem>>
      %dma_wait3A_484 = tpu.memref_squeeze %dma_wait3A_483 : memref<1x400xi32, #tpu.memory_space<vmem>> -> memref<400xi32, #tpu.memory_space<vmem>>
      %dma_wait3A_485 = arith.constant 0 : i32
      %dma_wait3A_486 = arith.constant 0 : i32
      %dma_wait3A_487 = tpu.memref_slice %arg4[%add3A, %dma_wait3A_485, %dma_wait3A_486] : memref<32x25x400xi32, #tpu.memory_space<hbm>> -> memref<1x25x400xi32, #tpu.memory_space<hbm>>
      %dma_wait3A_488 = tpu.memref_squeeze %dma_wait3A_487 : memref<1x25x400xi32, #tpu.memory_space<hbm>> -> memref<25x400xi32, #tpu.memory_space<hbm>>
      %dma_wait3A_489 = arith.constant 0 : i32
      %dma_wait3A_490 = tpu.memref_slice %dma_wait3A_488[%dma_wait3A_470, %dma_wait3A_489] : memref<25x400xi32, #tpu.memory_space<hbm>> -> memref<1x400xi32, #tpu.memory_space<hbm>>
      %dma_wait3A_491 = tpu.memref_squeeze %dma_wait3A_490 : memref<1x400xi32, #tpu.memory_space<hbm>> -> memref<400xi32, #tpu.memory_space<hbm>>
      tpu.wait_dma2 semaphore(%arg14 : memref<!tpu.dma_semaphore, #tpu.memory_space<semaphore_mem>>) src(%dma_wait3A_491 : memref<400xi32, #tpu.memory_space<hbm>>) dst(%dma_wait3A_484 : memref<400xi32, #tpu.memory_space<vmem>>)
      %dma_start3A_492 = arith.constant 0 : i32
      %dma_start3A_493 = arith.constant 0 : i32
      %dma_start3A_494 = tpu.memref_slice %arg6[%dma_start3A_492, %dma_start3A_493] : memref<2x400xi32, #tpu.memory_space<vmem>> -> memref<1x400xi32, #tpu.memory_space<vmem>>
      %dma_start3A_495 = tpu.memref_squeeze %dma_start3A_494 : memref<1x400xi32, #tpu.memory_space<vmem>> -> memref<400xi32, #tpu.memory_space<vmem>>
      %dma_start3A_496 = arith.constant 0 : i32
      %dma_start3A_497 = arith.constant 0 : i32
      %dma_start3A_498 = tpu.memref_slice %arg2[%dma_start3A_496, %dma_start3A_497] : memref<10240x16xf32, #tpu.memory_space<hbm>> -> memref<10240x16xf32, #tpu.memory_space<hbm>>
      tpu.enqueue_indirect_dma source(%dma_start3A_498 : memref<10240x16xf32, #tpu.memory_space<hbm>>) target(%arg8 : memref<400x16xf32, #tpu.memory_space<vmem>>) offsets(%dma_start3A_495 : memref<400xi32, #tpu.memory_space<vmem>>) semaphore(%arg12 : memref<!tpu.dma_semaphore, #tpu.memory_space<semaphore_mem>>)
      %run_scoped3A_499 = arith.constant 1 : i32
      "tpu.region"() ({
        %run_scoped3A_545 = tpu.sem_alloc : memref<!tpu.dma_semaphore, #tpu.memory_space<semaphore_mem>>
        %dma_start3A_546 = arith.constant 0 : i32
        %dma_start3A_547 = tpu.memref_slice %arg7[%run_scoped3A_499, %dma_start3A_546] : memref<2x400xi32, #tpu.memory_space<vmem>> -> memref<1x400xi32, #tpu.memory_space<vmem>>
        %dma_start3A_548 = tpu.memref_squeeze %dma_start3A_547 : memref<1x400xi32, #tpu.memory_space<vmem>> -> memref<400xi32, #tpu.memory_space<vmem>>
        %dma_start3A_549 = arith.constant 0 : i32
        %dma_start3A_550 = arith.constant 0 : i32
        %dma_start3A_551 = tpu.memref_slice %arg11[%dma_start3A_549, %dma_start3A_550] : memref<10240x16xf32, #tpu.memory_space<vmem_shared>> -> memref<10240x16xf32, #tpu.memory_space<vmem_shared>>
        tpu.enqueue_indirect_dma source(%arg9 : memref<400x16xf32, #tpu.memory_space<vmem>>) target(%dma_start3A_551 : memref<10240x16xf32, #tpu.memory_space<vmem_shared>>) offsets(%dma_start3A_548 : memref<400xi32, #tpu.memory_space<vmem>>) semaphore(%run_scoped3A_545 : memref<!tpu.dma_semaphore, #tpu.memory_space<semaphore_mem>>) {add = true}
        %dma_wait3A_552 = arith.constant 0 : i32
        %dma_wait3A_553 = tpu.memref_slice %arg7[%run_scoped3A_499, %dma_wait3A_552] : memref<2x400xi32, #tpu.memory_space<vmem>> -> memref<1x400xi32, #tpu.memory_space<vmem>>
        %dma_wait3A_554 = tpu.memref_squeeze %dma_wait3A_553 : memref<1x400xi32, #tpu.memory_space<vmem>> -> memref<400xi32, #tpu.memory_space<vmem>>
        %dma_wait3A_555 = arith.constant 0 : i32
        %dma_wait3A_556 = arith.constant 0 : i32
        %dma_wait3A_557 = tpu.memref_slice %arg11[%dma_wait3A_555, %dma_wait3A_556] : memref<10240x16xf32, #tpu.memory_space<vmem_shared>> -> memref<10240x16xf32, #tpu.memory_space<vmem_shared>>
        tpu.wait_indirect_dma semaphore(%run_scoped3A_545 : memref<!tpu.dma_semaphore, #tpu.memory_space<semaphore_mem>>) src(%arg9 : memref<400x16xf32, #tpu.memory_space<vmem>>) dst(%dma_wait3A_557 : memref<10240x16xf32, #tpu.memory_space<vmem_shared>>)
        tpu.yield
      }) : () -> ()
      %add3A_500 = arith.constant 2 : i32
      %add3A_501 = arith.addi %add3A_440, %add3A_500 : i32
      %dma_start3A_502 = arith.constant 1 : i32
      %dma_start3A_503 = arith.constant 0 : i32
      %dma_start3A_504 = tpu.memref_slice %arg6[%dma_start3A_502, %dma_start3A_503] : memref<2x400xi32, #tpu.memory_space<vmem>> -> memref<1x400xi32, #tpu.memory_space<vmem>>
      %dma_start3A_505 = tpu.memref_squeeze %dma_start3A_504 : memref<1x400xi32, #tpu.memory_space<vmem>> -> memref<400xi32, #tpu.memory_space<vmem>>
      %dma_start3A_506 = arith.constant 0 : i32
      %dma_start3A_507 = arith.constant 0 : i32
      %dma_start3A_508 = tpu.memref_slice %arg3[%add3A, %dma_start3A_506, %dma_start3A_507] : memref<32x25x400xi32, #tpu.memory_space<hbm>> -> memref<1x25x400xi32, #tpu.memory_space<hbm>>
      %dma_start3A_509 = tpu.memref_squeeze %dma_start3A_508 : memref<1x25x400xi32, #tpu.memory_space<hbm>> -> memref<25x400xi32, #tpu.memory_space<hbm>>
      %dma_start3A_510 = arith.constant 0 : i32
      %dma_start3A_511 = tpu.memref_slice %dma_start3A_509[%add3A_501, %dma_start3A_510] : memref<25x400xi32, #tpu.memory_space<hbm>> -> memref<1x400xi32, #tpu.memory_space<hbm>>
      %dma_start3A_512 = tpu.memref_squeeze %dma_start3A_511 : memref<1x400xi32, #tpu.memory_space<hbm>> -> memref<400xi32, #tpu.memory_space<hbm>>
      %dma_start3A_513 = arith.constant 0 : i32
      %dma_start3A_514 = tpu.memref_slice %arg6[%dma_start3A_502, %dma_start3A_513] : memref<2x400xi32, #tpu.memory_space<vmem>> -> memref<1x400xi32, #tpu.memory_space<vmem>>
      %dma_start3A_515 = tpu.memref_squeeze %dma_start3A_514 : memref<1x400xi32, #tpu.memory_space<vmem>> -> memref<400xi32, #tpu.memory_space<vmem>>
      %dma_start3A_516 = arith.constant 0 : i32
      %dma_start3A_517 = arith.constant 0 : i32
      %dma_start3A_518 = tpu.memref_slice %arg3[%add3A, %dma_start3A_516, %dma_start3A_517] : memref<32x25x400xi32, #tpu.memory_space<hbm>> -> memref<1x25x400xi32, #tpu.memory_space<hbm>>
      %dma_start3A_519 = tpu.memref_squeeze %dma_start3A_518 : memref<1x25x400xi32, #tpu.memory_space<hbm>> -> memref<25x400xi32, #tpu.memory_space<hbm>>
      %dma_start3A_520 = arith.constant 0 : i32
      %dma_start3A_521 = tpu.memref_slice %dma_start3A_519[%add3A_501, %dma_start3A_520] : memref<25x400xi32, #tpu.memory_space<hbm>> -> memref<1x400xi32, #tpu.memory_space<hbm>>
      %dma_start3A_522 = tpu.memref_squeeze %dma_start3A_521 : memref<1x400xi32, #tpu.memory_space<hbm>> -> memref<400xi32, #tpu.memory_space<hbm>>
      tpu.enqueue_dma source(%dma_start3A_522 : memref<400xi32, #tpu.memory_space<hbm>>) target(%dma_start3A_515 : memref<400xi32, #tpu.memory_space<vmem>>) target_semaphore(%arg15 : memref<!tpu.dma_semaphore, #tpu.memory_space<semaphore_mem>>)
      %dma_start3A_523 = arith.constant 1 : i32
      %dma_start3A_524 = arith.constant 0 : i32
      %dma_start3A_525 = tpu.memref_slice %arg7[%dma_start3A_523, %dma_start3A_524] : memref<2x400xi32, #tpu.memory_space<vmem>> -> memref<1x400xi32, #tpu.memory_space<vmem>>
      %dma_start3A_526 = tpu.memref_squeeze %dma_start3A_525 : memref<1x400xi32, #tpu.memory_space<vmem>> -> memref<400xi32, #tpu.memory_space<vmem>>
      %dma_start3A_527 = arith.constant 0 : i32
      %dma_start3A_528 = arith.constant 0 : i32
      %dma_start3A_529 = tpu.memref_slice %arg4[%add3A, %dma_start3A_527, %dma_start3A_528] : memref<32x25x400xi32, #tpu.memory_space<hbm>> -> memref<1x25x400xi32, #tpu.memory_space<hbm>>
      %dma_start3A_530 = tpu.memref_squeeze %dma_start3A_529 : memref<1x25x400xi32, #tpu.memory_space<hbm>> -> memref<25x400xi32, #tpu.memory_space<hbm>>
      %dma_start3A_531 = arith.constant 0 : i32
      %dma_start3A_532 = tpu.memref_slice %dma_start3A_530[%add3A_501, %dma_start3A_531] : memref<25x400xi32, #tpu.memory_space<hbm>> -> memref<1x400xi32, #tpu.memory_space<hbm>>
      %dma_start3A_533 = tpu.memref_squeeze %dma_start3A_532 : memref<1x400xi32, #tpu.memory_space<hbm>> -> memref<400xi32, #tpu.memory_space<hbm>>
      %dma_start3A_534 = arith.constant 0 : i32
      %dma_start3A_535 = tpu.memref_slice %arg7[%dma_start3A_523, %dma_start3A_534] : memref<2x400xi32, #tpu.memory_space<vmem>> -> memref<1x400xi32, #tpu.memory_space<vmem>>
      %dma_start3A_536 = tpu.memref_squeeze %dma_start3A_535 : memref<1x400xi32, #tpu.memory_space<vmem>> -> memref<400xi32, #tpu.memory_space<vmem>>
      %dma_start3A_537 = arith.constant 0 : i32
      %dma_start3A_538 = arith.constant 0 : i32
      %dma_start3A_539 = tpu.memref_slice %arg4[%add3A, %dma_start3A_537, %dma_start3A_538] : memref<32x25x400xi32, #tpu.memory_space<hbm>> -> memref<1x25x400xi32, #tpu.memory_space<hbm>>
      %dma_start3A_540 = tpu.memref_squeeze %dma_start3A_539 : memref<1x25x400xi32, #tpu.memory_space<hbm>> -> memref<25x400xi32, #tpu.memory_space<hbm>>
      %dma_start3A_541 = arith.constant 0 : i32
      %dma_start3A_542 = tpu.memref_slice %dma_start3A_540[%add3A_501, %dma_start3A_541] : memref<25x400xi32, #tpu.memory_space<hbm>> -> memref<1x400xi32, #tpu.memory_space<hbm>>
      %dma_start3A_543 = tpu.memref_squeeze %dma_start3A_542 : memref<1x400xi32, #tpu.memory_space<hbm>> -> memref<400xi32, #tpu.memory_space<hbm>>
      tpu.enqueue_dma source(%dma_start3A_543 : memref<400xi32, #tpu.memory_space<hbm>>) target(%dma_start3A_536 : memref<400xi32, #tpu.memory_space<vmem>>) target_semaphore(%arg15 : memref<!tpu.dma_semaphore, #tpu.memory_space<semaphore_mem>>)
      %scan3A_544 = arith.constant 0 : i32
      scf.yield %scan3A_544 : i32
    }
    %scan3A_157 = arith.constant 11 : i32
    %dma_wait3A_158 = arith.constant 0 : i32
    %dma_wait3A_159 = arith.constant 0 : i32
    %dma_wait3A_160 = tpu.memref_slice %arg6[%dma_wait3A_158, %dma_wait3A_159] : memref<2x400xi32, #tpu.memory_space<vmem>> -> memref<1x400xi32, #tpu.memory_space<vmem>>
    %dma_wait3A_161 = tpu.memref_squeeze %dma_wait3A_160 : memref<1x400xi32, #tpu.memory_space<vmem>> -> memref<400xi32, #tpu.memory_space<vmem>>
    %dma_wait3A_162 = arith.constant 0 : i32
    %dma_wait3A_163 = arith.constant 0 : i32
    %dma_wait3A_164 = tpu.memref_slice %arg2[%dma_wait3A_162, %dma_wait3A_163] : memref<10240x16xf32, #tpu.memory_space<hbm>> -> memref<10240x16xf32, #tpu.memory_space<hbm>>
    tpu.wait_indirect_dma semaphore(%arg12 : memref<!tpu.dma_semaphore, #tpu.memory_space<semaphore_mem>>) src(%dma_wait3A_164 : memref<10240x16xf32, #tpu.memory_space<hbm>>) dst(%arg8 : memref<400x16xf32, #tpu.memory_space<vmem>>)
    %dma_wait3A_165 = arith.constant 0 : i32
    %dma_wait3A_166 = arith.constant 1 : i32
    %dma_wait3A_167 = arith.constant 0 : i32
    %dma_wait3A_168 = tpu.memref_slice %arg6[%dma_wait3A_166, %dma_wait3A_167] : memref<2x400xi32, #tpu.memory_space<vmem>> -> memref<1x400xi32, #tpu.memory_space<vmem>>
    %dma_wait3A_169 = tpu.memref_squeeze %dma_wait3A_168 : memref<1x400xi32, #tpu.memory_space<vmem>> -> memref<400xi32, #tpu.memory_space<vmem>>
    %dma_wait3A_170 = arith.constant 0 : i32
    %dma_wait3A_171 = arith.constant 0 : i32
    %dma_wait3A_172 = tpu.memref_slice %arg3[%add3A, %dma_wait3A_170, %dma_wait3A_171] : memref<32x25x400xi32, #tpu.memory_space<hbm>> -> memref<1x25x400xi32, #tpu.memory_space<hbm>>
    %dma_wait3A_173 = tpu.memref_squeeze %dma_wait3A_172 : memref<1x25x400xi32, #tpu.memory_space<hbm>> -> memref<25x400xi32, #tpu.memory_space<hbm>>
    %dma_wait3A_174 = arith.constant 0 : i32
    %dma_wait3A_175 = tpu.memref_slice %dma_wait3A_173[%dma_wait3A_165, %dma_wait3A_174] : memref<25x400xi32, #tpu.memory_space<hbm>> -> memref<1x400xi32, #tpu.memory_space<hbm>>
    %dma_wait3A_176 = tpu.memref_squeeze %dma_wait3A_175 : memref<1x400xi32, #tpu.memory_space<hbm>> -> memref<400xi32, #tpu.memory_space<hbm>>
    %dma_wait3A_177 = arith.constant 0 : i32
    %dma_wait3A_178 = tpu.memref_slice %arg6[%dma_wait3A_166, %dma_wait3A_177] : memref<2x400xi32, #tpu.memory_space<vmem>> -> memref<1x400xi32, #tpu.memory_space<vmem>>
    %dma_wait3A_179 = tpu.memref_squeeze %dma_wait3A_178 : memref<1x400xi32, #tpu.memory_space<vmem>> -> memref<400xi32, #tpu.memory_space<vmem>>
    %dma_wait3A_180 = arith.constant 0 : i32
    %dma_wait3A_181 = arith.constant 0 : i32
    %dma_wait3A_182 = tpu.memref_slice %arg3[%add3A, %dma_wait3A_180, %dma_wait3A_181] : memref<32x25x400xi32, #tpu.memory_space<hbm>> -> memref<1x25x400xi32, #tpu.memory_space<hbm>>
    %dma_wait3A_183 = tpu.memref_squeeze %dma_wait3A_182 : memref<1x25x400xi32, #tpu.memory_space<hbm>> -> memref<25x400xi32, #tpu.memory_space<hbm>>
    %dma_wait3A_184 = arith.constant 0 : i32
    %dma_wait3A_185 = tpu.memref_slice %dma_wait3A_183[%dma_wait3A_165, %dma_wait3A_184] : memref<25x400xi32, #tpu.memory_space<hbm>> -> memref<1x400xi32, #tpu.memory_space<hbm>>
    %dma_wait3A_186 = tpu.memref_squeeze %dma_wait3A_185 : memref<1x400xi32, #tpu.memory_space<hbm>> -> memref<400xi32, #tpu.memory_space<hbm>>
    tpu.wait_dma2 semaphore(%arg15 : memref<!tpu.dma_semaphore, #tpu.memory_space<semaphore_mem>>) src(%dma_wait3A_186 : memref<400xi32, #tpu.memory_space<hbm>>) dst(%dma_wait3A_179 : memref<400xi32, #tpu.memory_space<vmem>>)
    %dma_wait3A_187 = arith.constant 0 : i32
    %dma_wait3A_188 = arith.constant 1 : i32
    %dma_wait3A_189 = arith.constant 0 : i32
    %dma_wait3A_190 = tpu.memref_slice %arg7[%dma_wait3A_188, %dma_wait3A_189] : memref<2x400xi32, #tpu.memory_space<vmem>> -> memref<1x400xi32, #tpu.memory_space<vmem>>
    %dma_wait3A_191 = tpu.memref_squeeze %dma_wait3A_190 : memref<1x400xi32, #tpu.memory_space<vmem>> -> memref<400xi32, #tpu.memory_space<vmem>>
    %dma_wait3A_192 = arith.constant 0 : i32
    %dma_wait3A_193 = arith.constant 0 : i32
    %dma_wait3A_194 = tpu.memref_slice %arg4[%add3A, %dma_wait3A_192, %dma_wait3A_193] : memref<32x25x400xi32, #tpu.memory_space<hbm>> -> memref<1x25x400xi32, #tpu.memory_space<hbm>>
    %dma_wait3A_195 = tpu.memref_squeeze %dma_wait3A_194 : memref<1x25x400xi32, #tpu.memory_space<hbm>> -> memref<25x400xi32, #tpu.memory_space<hbm>>
    %dma_wait3A_196 = arith.constant 0 : i32
    %dma_wait3A_197 = tpu.memref_slice %dma_wait3A_195[%dma_wait3A_187, %dma_wait3A_196] : memref<25x400xi32, #tpu.memory_space<hbm>> -> memref<1x400xi32, #tpu.memory_space<hbm>>
    %dma_wait3A_198 = tpu.memref_squeeze %dma_wait3A_197 : memref<1x400xi32, #tpu.memory_space<hbm>> -> memref<400xi32, #tpu.memory_space<hbm>>
    %dma_wait3A_199 = arith.constant 0 : i32
    %dma_wait3A_200 = tpu.memref_slice %arg7[%dma_wait3A_188, %dma_wait3A_199] : memref<2x400xi32, #tpu.memory_space<vmem>> -> memref<1x400xi32, #tpu.memory_space<vmem>>
    %dma_wait3A_201 = tpu.memref_squeeze %dma_wait3A_200 : memref<1x400xi32, #tpu.memory_space<vmem>> -> memref<400xi32, #tpu.memory_space<vmem>>
    %dma_wait3A_202 = arith.constant 0 : i32
    %dma_wait3A_203 = arith.constant 0 : i32
    %dma_wait3A_204 = tpu.memref_slice %arg4[%add3A, %dma_wait3A_202, %dma_wait3A_203] : memref<32x25x400xi32, #tpu.memory_space<hbm>> -> memref<1x25x400xi32, #tpu.memory_space<hbm>>
    %dma_wait3A_205 = tpu.memref_squeeze %dma_wait3A_204 : memref<1x25x400xi32, #tpu.memory_space<hbm>> -> memref<25x400xi32, #tpu.memory_space<hbm>>
    %dma_wait3A_206 = arith.constant 0 : i32
    %dma_wait3A_207 = tpu.memref_slice %dma_wait3A_205[%dma_wait3A_187, %dma_wait3A_206] : memref<25x400xi32, #tpu.memory_space<hbm>> -> memref<1x400xi32, #tpu.memory_space<hbm>>
    %dma_wait3A_208 = tpu.memref_squeeze %dma_wait3A_207 : memref<1x400xi32, #tpu.memory_space<hbm>> -> memref<400xi32, #tpu.memory_space<hbm>>
    tpu.wait_dma2 semaphore(%arg15 : memref<!tpu.dma_semaphore, #tpu.memory_space<semaphore_mem>>) src(%dma_wait3A_208 : memref<400xi32, #tpu.memory_space<hbm>>) dst(%dma_wait3A_201 : memref<400xi32, #tpu.memory_space<vmem>>)
    %dma_start3A_209 = arith.constant 1 : i32
    %dma_start3A_210 = arith.constant 0 : i32
    %dma_start3A_211 = tpu.memref_slice %arg6[%dma_start3A_209, %dma_start3A_210] : memref<2x400xi32, #tpu.memory_space<vmem>> -> memref<1x400xi32, #tpu.memory_space<vmem>>
    %dma_start3A_212 = tpu.memref_squeeze %dma_start3A_211 : memref<1x400xi32, #tpu.memory_space<vmem>> -> memref<400xi32, #tpu.memory_space<vmem>>
    %dma_start3A_213 = arith.constant 0 : i32
    %dma_start3A_214 = arith.constant 0 : i32
    %dma_start3A_215 = tpu.memref_slice %arg2[%dma_start3A_213, %dma_start3A_214] : memref<10240x16xf32, #tpu.memory_space<hbm>> -> memref<10240x16xf32, #tpu.memory_space<hbm>>
    tpu.enqueue_indirect_dma source(%dma_start3A_215 : memref<10240x16xf32, #tpu.memory_space<hbm>>) target(%arg9 : memref<400x16xf32, #tpu.memory_space<vmem>>) offsets(%dma_start3A_212 : memref<400xi32, #tpu.memory_space<vmem>>) semaphore(%arg13 : memref<!tpu.dma_semaphore, #tpu.memory_space<semaphore_mem>>)
    %run_scoped3A = arith.constant 0 : i32
    "tpu.region"() ({
      %run_scoped3A_330 = tpu.sem_alloc : memref<!tpu.dma_semaphore, #tpu.memory_space<semaphore_mem>>
      %dma_start3A_331 = arith.constant 0 : i32
      %dma_start3A_332 = tpu.memref_slice %arg7[%run_scoped3A, %dma_start3A_331] : memref<2x400xi32, #tpu.memory_space<vmem>> -> memref<1x400xi32, #tpu.memory_space<vmem>>
      %dma_start3A_333 = tpu.memref_squeeze %dma_start3A_332 : memref<1x400xi32, #tpu.memory_space<vmem>> -> memref<400xi32, #tpu.memory_space<vmem>>
      %dma_start3A_334 = arith.constant 0 : i32
      %dma_start3A_335 = arith.constant 0 : i32
      %dma_start3A_336 = tpu.memref_slice %arg11[%dma_start3A_334, %dma_start3A_335] : memref<10240x16xf32, #tpu.memory_space<vmem_shared>> -> memref<10240x16xf32, #tpu.memory_space<vmem_shared>>
      tpu.enqueue_indirect_dma source(%arg8 : memref<400x16xf32, #tpu.memory_space<vmem>>) target(%dma_start3A_336 : memref<10240x16xf32, #tpu.memory_space<vmem_shared>>) offsets(%dma_start3A_333 : memref<400xi32, #tpu.memory_space<vmem>>) semaphore(%run_scoped3A_330 : memref<!tpu.dma_semaphore, #tpu.memory_space<semaphore_mem>>) {add = true}
      %dma_wait3A_337 = arith.constant 0 : i32
      %dma_wait3A_338 = tpu.memref_slice %arg7[%run_scoped3A, %dma_wait3A_337] : memref<2x400xi32, #tpu.memory_space<vmem>> -> memref<1x400xi32, #tpu.memory_space<vmem>>
      %dma_wait3A_339 = tpu.memref_squeeze %dma_wait3A_338 : memref<1x400xi32, #tpu.memory_space<vmem>> -> memref<400xi32, #tpu.memory_space<vmem>>
      %dma_wait3A_340 = arith.constant 0 : i32
      %dma_wait3A_341 = arith.constant 0 : i32
      %dma_wait3A_342 = tpu.memref_slice %arg11[%dma_wait3A_340, %dma_wait3A_341] : memref<10240x16xf32, #tpu.memory_space<vmem_shared>> -> memref<10240x16xf32, #tpu.memory_space<vmem_shared>>
      tpu.wait_indirect_dma semaphore(%run_scoped3A_330 : memref<!tpu.dma_semaphore, #tpu.memory_space<semaphore_mem>>) src(%arg8 : memref<400x16xf32, #tpu.memory_space<vmem>>) dst(%dma_wait3A_342 : memref<10240x16xf32, #tpu.memory_space<vmem_shared>>)
      tpu.yield
    }) : () -> ()
    %dma_start3A_216 = arith.constant 24 : i32
    %dma_start3A_217 = arith.constant 0 : i32
    %dma_start3A_218 = arith.constant 0 : i32
    %dma_start3A_219 = tpu.memref_slice %arg6[%dma_start3A_217, %dma_start3A_218] : memref<2x400xi32, #tpu.memory_space<vmem>> -> memref<1x400xi32, #tpu.memory_space<vmem>>
    %dma_start3A_220 = tpu.memref_squeeze %dma_start3A_219 : memref<1x400xi32, #tpu.memory_space<vmem>> -> memref<400xi32, #tpu.memory_space<vmem>>
    %dma_start3A_221 = arith.constant 0 : i32
    %dma_start3A_222 = arith.constant 0 : i32
    %dma_start3A_223 = tpu.memref_slice %arg3[%add3A, %dma_start3A_221, %dma_start3A_222] : memref<32x25x400xi32, #tpu.memory_space<hbm>> -> memref<1x25x400xi32, #tpu.memory_space<hbm>>
    %dma_start3A_224 = tpu.memref_squeeze %dma_start3A_223 : memref<1x25x400xi32, #tpu.memory_space<hbm>> -> memref<25x400xi32, #tpu.memory_space<hbm>>
    %dma_start3A_225 = arith.constant 0 : i32
    %dma_start3A_226 = tpu.memref_slice %dma_start3A_224[%dma_start3A_216, %dma_start3A_225] : memref<25x400xi32, #tpu.memory_space<hbm>> -> memref<1x400xi32, #tpu.memory_space<hbm>>
    %dma_start3A_227 = tpu.memref_squeeze %dma_start3A_226 : memref<1x400xi32, #tpu.memory_space<hbm>> -> memref<400xi32, #tpu.memory_space<hbm>>
    %dma_start3A_228 = arith.constant 0 : i32
    %dma_start3A_229 = tpu.memref_slice %arg6[%dma_start3A_217, %dma_start3A_228] : memref<2x400xi32, #tpu.memory_space<vmem>> -> memref<1x400xi32, #tpu.memory_space<vmem>>
    %dma_start3A_230 = tpu.memref_squeeze %dma_start3A_229 : memref<1x400xi32, #tpu.memory_space<vmem>> -> memref<400xi32, #tpu.memory_space<vmem>>
    %dma_start3A_231 = arith.constant 0 : i32
    %dma_start3A_232 = arith.constant 0 : i32
    %dma_start3A_233 = tpu.memref_slice %arg3[%add3A, %dma_start3A_231, %dma_start3A_232] : memref<32x25x400xi32, #tpu.memory_space<hbm>> -> memref<1x25x400xi32, #tpu.memory_space<hbm>>
    %dma_start3A_234 = tpu.memref_squeeze %dma_start3A_233 : memref<1x25x400xi32, #tpu.memory_space<hbm>> -> memref<25x400xi32, #tpu.memory_space<hbm>>
    %dma_start3A_235 = arith.constant 0 : i32
    %dma_start3A_236 = tpu.memref_slice %dma_start3A_234[%dma_start3A_216, %dma_start3A_235] : memref<25x400xi32, #tpu.memory_space<hbm>> -> memref<1x400xi32, #tpu.memory_space<hbm>>
    %dma_start3A_237 = tpu.memref_squeeze %dma_start3A_236 : memref<1x400xi32, #tpu.memory_space<hbm>> -> memref<400xi32, #tpu.memory_space<hbm>>
    tpu.enqueue_dma source(%dma_start3A_237 : memref<400xi32, #tpu.memory_space<hbm>>) target(%dma_start3A_230 : memref<400xi32, #tpu.memory_space<vmem>>) target_semaphore(%arg14 : memref<!tpu.dma_semaphore, #tpu.memory_space<semaphore_mem>>)
    %dma_start3A_238 = arith.constant 24 : i32
    %dma_start3A_239 = arith.constant 0 : i32
    %dma_start3A_240 = arith.constant 0 : i32
    %dma_start3A_241 = tpu.memref_slice %arg7[%dma_start3A_239, %dma_start3A_240] : memref<2x400xi32, #tpu.memory_space<vmem>> -> memref<1x400xi32, #tpu.memory_space<vmem>>
    %dma_start3A_242 = tpu.memref_squeeze %dma_start3A_241 : memref<1x400xi32, #tpu.memory_space<vmem>> -> memref<400xi32, #tpu.memory_space<vmem>>
    %dma_start3A_243 = arith.constant 0 : i32
    %dma_start3A_244 = arith.constant 0 : i32
    %dma_start3A_245 = tpu.memref_slice %arg4[%add3A, %dma_start3A_243, %dma_start3A_244] : memref<32x25x400xi32, #tpu.memory_space<hbm>> -> memref<1x25x400xi32, #tpu.memory_space<hbm>>
    %dma_start3A_246 = tpu.memref_squeeze %dma_start3A_245 : memref<1x25x400xi32, #tpu.memory_space<hbm>> -> memref<25x400xi32, #tpu.memory_space<hbm>>
    %dma_start3A_247 = arith.constant 0 : i32
    %dma_start3A_248 = tpu.memref_slice %dma_start3A_246[%dma_start3A_238, %dma_start3A_247] : memref<25x400xi32, #tpu.memory_space<hbm>> -> memref<1x400xi32, #tpu.memory_space<hbm>>
    %dma_start3A_249 = tpu.memref_squeeze %dma_start3A_248 : memref<1x400xi32, #tpu.memory_space<hbm>> -> memref<400xi32, #tpu.memory_space<hbm>>
    %dma_start3A_250 = arith.constant 0 : i32
    %dma_start3A_251 = tpu.memref_slice %arg7[%dma_start3A_239, %dma_start3A_250] : memref<2x400xi32, #tpu.memory_space<vmem>> -> memref<1x400xi32, #tpu.memory_space<vmem>>
    %dma_start3A_252 = tpu.memref_squeeze %dma_start3A_251 : memref<1x400xi32, #tpu.memory_space<vmem>> -> memref<400xi32, #tpu.memory_space<vmem>>
    %dma_start3A_253 = arith.constant 0 : i32
    %dma_start3A_254 = arith.constant 0 : i32
    %dma_start3A_255 = tpu.memref_slice %arg4[%add3A, %dma_start3A_253, %dma_start3A_254] : memref<32x25x400xi32, #tpu.memory_space<hbm>> -> memref<1x25x400xi32, #tpu.memory_space<hbm>>
    %dma_start3A_256 = tpu.memref_squeeze %dma_start3A_255 : memref<1x25x400xi32, #tpu.memory_space<hbm>> -> memref<25x400xi32, #tpu.memory_space<hbm>>
    %dma_start3A_257 = arith.constant 0 : i32
    %dma_start3A_258 = tpu.memref_slice %dma_start3A_256[%dma_start3A_238, %dma_start3A_257] : memref<25x400xi32, #tpu.memory_space<hbm>> -> memref<1x400xi32, #tpu.memory_space<hbm>>
    %dma_start3A_259 = tpu.memref_squeeze %dma_start3A_258 : memref<1x400xi32, #tpu.memory_space<hbm>> -> memref<400xi32, #tpu.memory_space<hbm>>
    tpu.enqueue_dma source(%dma_start3A_259 : memref<400xi32, #tpu.memory_space<hbm>>) target(%dma_start3A_252 : memref<400xi32, #tpu.memory_space<vmem>>) target_semaphore(%arg14 : memref<!tpu.dma_semaphore, #tpu.memory_space<semaphore_mem>>)
    %dma_wait3A_260 = arith.constant 1 : i32
    %dma_wait3A_261 = arith.constant 0 : i32
    %dma_wait3A_262 = tpu.memref_slice %arg6[%dma_wait3A_260, %dma_wait3A_261] : memref<2x400xi32, #tpu.memory_space<vmem>> -> memref<1x400xi32, #tpu.memory_space<vmem>>
    %dma_wait3A_263 = tpu.memref_squeeze %dma_wait3A_262 : memref<1x400xi32, #tpu.memory_space<vmem>> -> memref<400xi32, #tpu.memory_space<vmem>>
    %dma_wait3A_264 = arith.constant 0 : i32
    %dma_wait3A_265 = arith.constant 0 : i32
    %dma_wait3A_266 = tpu.memref_slice %arg2[%dma_wait3A_264, %dma_wait3A_265] : memref<10240x16xf32, #tpu.memory_space<hbm>> -> memref<10240x16xf32, #tpu.memory_space<hbm>>
    tpu.wait_indirect_dma semaphore(%arg13 : memref<!tpu.dma_semaphore, #tpu.memory_space<semaphore_mem>>) src(%dma_wait3A_266 : memref<10240x16xf32, #tpu.memory_space<hbm>>) dst(%arg9 : memref<400x16xf32, #tpu.memory_space<vmem>>)
    %dma_wait3A_267 = arith.constant 0 : i32
    %dma_wait3A_268 = arith.constant 0 : i32
    %dma_wait3A_269 = arith.constant 0 : i32
    %dma_wait3A_270 = tpu.memref_slice %arg6[%dma_wait3A_268, %dma_wait3A_269] : memref<2x400xi32, #tpu.memory_space<vmem>> -> memref<1x400xi32, #tpu.memory_space<vmem>>
    %dma_wait3A_271 = tpu.memref_squeeze %dma_wait3A_270 : memref<1x400xi32, #tpu.memory_space<vmem>> -> memref<400xi32, #tpu.memory_space<vmem>>
    %dma_wait3A_272 = arith.constant 0 : i32
    %dma_wait3A_273 = arith.constant 0 : i32
    %dma_wait3A_274 = tpu.memref_slice %arg3[%add3A, %dma_wait3A_272, %dma_wait3A_273] : memref<32x25x400xi32, #tpu.memory_space<hbm>> -> memref<1x25x400xi32, #tpu.memory_space<hbm>>
    %dma_wait3A_275 = tpu.memref_squeeze %dma_wait3A_274 : memref<1x25x400xi32, #tpu.memory_space<hbm>> -> memref<25x400xi32, #tpu.memory_space<hbm>>
    %dma_wait3A_276 = arith.constant 0 : i32
    %dma_wait3A_277 = tpu.memref_slice %dma_wait3A_275[%dma_wait3A_267, %dma_wait3A_276] : memref<25x400xi32, #tpu.memory_space<hbm>> -> memref<1x400xi32, #tpu.memory_space<hbm>>
    %dma_wait3A_278 = tpu.memref_squeeze %dma_wait3A_277 : memref<1x400xi32, #tpu.memory_space<hbm>> -> memref<400xi32, #tpu.memory_space<hbm>>
    %dma_wait3A_279 = arith.constant 0 : i32
    %dma_wait3A_280 = tpu.memref_slice %arg6[%dma_wait3A_268, %dma_wait3A_279] : memref<2x400xi32, #tpu.memory_space<vmem>> -> memref<1x400xi32, #tpu.memory_space<vmem>>
    %dma_wait3A_281 = tpu.memref_squeeze %dma_wait3A_280 : memref<1x400xi32, #tpu.memory_space<vmem>> -> memref<400xi32, #tpu.memory_space<vmem>>
    %dma_wait3A_282 = arith.constant 0 : i32
    %dma_wait3A_283 = arith.constant 0 : i32
    %dma_wait3A_284 = tpu.memref_slice %arg3[%add3A, %dma_wait3A_282, %dma_wait3A_283] : memref<32x25x400xi32, #tpu.memory_space<hbm>> -> memref<1x25x400xi32, #tpu.memory_space<hbm>>
    %dma_wait3A_285 = tpu.memref_squeeze %dma_wait3A_284 : memref<1x25x400xi32, #tpu.memory_space<hbm>> -> memref<25x400xi32, #tpu.memory_space<hbm>>
    %dma_wait3A_286 = arith.constant 0 : i32
    %dma_wait3A_287 = tpu.memref_slice %dma_wait3A_285[%dma_wait3A_267, %dma_wait3A_286] : memref<25x400xi32, #tpu.memory_space<hbm>> -> memref<1x400xi32, #tpu.memory_space<hbm>>
    %dma_wait3A_288 = tpu.memref_squeeze %dma_wait3A_287 : memref<1x400xi32, #tpu.memory_space<hbm>> -> memref<400xi32, #tpu.memory_space<hbm>>
    tpu.wait_dma2 semaphore(%arg14 : memref<!tpu.dma_semaphore, #tpu.memory_space<semaphore_mem>>) src(%dma_wait3A_288 : memref<400xi32, #tpu.memory_space<hbm>>) dst(%dma_wait3A_281 : memref<400xi32, #tpu.memory_space<vmem>>)
    %dma_wait3A_289 = arith.constant 0 : i32
    %dma_wait3A_290 = arith.constant 0 : i32
    %dma_wait3A_291 = arith.constant 0 : i32
    %dma_wait3A_292 = tpu.memref_slice %arg7[%dma_wait3A_290, %dma_wait3A_291] : memref<2x400xi32, #tpu.memory_space<vmem>> -> memref<1x400xi32, #tpu.memory_space<vmem>>
    %dma_wait3A_293 = tpu.memref_squeeze %dma_wait3A_292 : memref<1x400xi32, #tpu.memory_space<vmem>> -> memref<400xi32, #tpu.memory_space<vmem>>
    %dma_wait3A_294 = arith.constant 0 : i32
    %dma_wait3A_295 = arith.constant 0 : i32
    %dma_wait3A_296 = tpu.memref_slice %arg4[%add3A, %dma_wait3A_294, %dma_wait3A_295] : memref<32x25x400xi32, #tpu.memory_space<hbm>> -> memref<1x25x400xi32, #tpu.memory_space<hbm>>
    %dma_wait3A_297 = tpu.memref_squeeze %dma_wait3A_296 : memref<1x25x400xi32, #tpu.memory_space<hbm>> -> memref<25x400xi32, #tpu.memory_space<hbm>>
    %dma_wait3A_298 = arith.constant 0 : i32
    %dma_wait3A_299 = tpu.memref_slice %dma_wait3A_297[%dma_wait3A_289, %dma_wait3A_298] : memref<25x400xi32, #tpu.memory_space<hbm>> -> memref<1x400xi32, #tpu.memory_space<hbm>>
    %dma_wait3A_300 = tpu.memref_squeeze %dma_wait3A_299 : memref<1x400xi32, #tpu.memory_space<hbm>> -> memref<400xi32, #tpu.memory_space<hbm>>
    %dma_wait3A_301 = arith.constant 0 : i32
    %dma_wait3A_302 = tpu.memref_slice %arg7[%dma_wait3A_290, %dma_wait3A_301] : memref<2x400xi32, #tpu.memory_space<vmem>> -> memref<1x400xi32, #tpu.memory_space<vmem>>
    %dma_wait3A_303 = tpu.memref_squeeze %dma_wait3A_302 : memref<1x400xi32, #tpu.memory_space<vmem>> -> memref<400xi32, #tpu.memory_space<vmem>>
    %dma_wait3A_304 = arith.constant 0 : i32
    %dma_wait3A_305 = arith.constant 0 : i32
    %dma_wait3A_306 = tpu.memref_slice %arg4[%add3A, %dma_wait3A_304, %dma_wait3A_305] : memref<32x25x400xi32, #tpu.memory_space<hbm>> -> memref<1x25x400xi32, #tpu.memory_space<hbm>>
    %dma_wait3A_307 = tpu.memref_squeeze %dma_wait3A_306 : memref<1x25x400xi32, #tpu.memory_space<hbm>> -> memref<25x400xi32, #tpu.memory_space<hbm>>
    %dma_wait3A_308 = arith.constant 0 : i32
    %dma_wait3A_309 = tpu.memref_slice %dma_wait3A_307[%dma_wait3A_289, %dma_wait3A_308] : memref<25x400xi32, #tpu.memory_space<hbm>> -> memref<1x400xi32, #tpu.memory_space<hbm>>
    %dma_wait3A_310 = tpu.memref_squeeze %dma_wait3A_309 : memref<1x400xi32, #tpu.memory_space<hbm>> -> memref<400xi32, #tpu.memory_space<hbm>>
    tpu.wait_dma2 semaphore(%arg14 : memref<!tpu.dma_semaphore, #tpu.memory_space<semaphore_mem>>) src(%dma_wait3A_310 : memref<400xi32, #tpu.memory_space<hbm>>) dst(%dma_wait3A_303 : memref<400xi32, #tpu.memory_space<vmem>>)
    %dma_start3A_311 = arith.constant 0 : i32
    %dma_start3A_312 = arith.constant 0 : i32
    %dma_start3A_313 = tpu.memref_slice %arg6[%dma_start3A_311, %dma_start3A_312] : memref<2x400xi32, #tpu.memory_space<vmem>> -> memref<1x400xi32, #tpu.memory_space<vmem>>
    %dma_start3A_314 = tpu.memref_squeeze %dma_start3A_313 : memref<1x400xi32, #tpu.memory_space<vmem>> -> memref<400xi32, #tpu.memory_space<vmem>>
    %dma_start3A_315 = arith.constant 0 : i32
    %dma_start3A_316 = arith.constant 0 : i32
    %dma_start3A_317 = tpu.memref_slice %arg2[%dma_start3A_315, %dma_start3A_316] : memref<10240x16xf32, #tpu.memory_space<hbm>> -> memref<10240x16xf32, #tpu.memory_space<hbm>>
    tpu.enqueue_indirect_dma source(%dma_start3A_317 : memref<10240x16xf32, #tpu.memory_space<hbm>>) target(%arg8 : memref<400x16xf32, #tpu.memory_space<vmem>>) offsets(%dma_start3A_314 : memref<400xi32, #tpu.memory_space<vmem>>) semaphore(%arg12 : memref<!tpu.dma_semaphore, #tpu.memory_space<semaphore_mem>>)
    %run_scoped3A_318 = arith.constant 1 : i32
    "tpu.region"() ({
      %run_scoped3A_330 = tpu.sem_alloc : memref<!tpu.dma_semaphore, #tpu.memory_space<semaphore_mem>>
      %dma_start3A_331 = arith.constant 0 : i32
      %dma_start3A_332 = tpu.memref_slice %arg7[%run_scoped3A_318, %dma_start3A_331] : memref<2x400xi32, #tpu.memory_space<vmem>> -> memref<1x400xi32, #tpu.memory_space<vmem>>
      %dma_start3A_333 = tpu.memref_squeeze %dma_start3A_332 : memref<1x400xi32, #tpu.memory_space<vmem>> -> memref<400xi32, #tpu.memory_space<vmem>>
      %dma_start3A_334 = arith.constant 0 : i32
      %dma_start3A_335 = arith.constant 0 : i32
      %dma_start3A_336 = tpu.memref_slice %arg11[%dma_start3A_334, %dma_start3A_335] : memref<10240x16xf32, #tpu.memory_space<vmem_shared>> -> memref<10240x16xf32, #tpu.memory_space<vmem_shared>>
      tpu.enqueue_indirect_dma source(%arg9 : memref<400x16xf32, #tpu.memory_space<vmem>>) target(%dma_start3A_336 : memref<10240x16xf32, #tpu.memory_space<vmem_shared>>) offsets(%dma_start3A_333 : memref<400xi32, #tpu.memory_space<vmem>>) semaphore(%run_scoped3A_330 : memref<!tpu.dma_semaphore, #tpu.memory_space<semaphore_mem>>) {add = true}
      %dma_wait3A_337 = arith.constant 0 : i32
      %dma_wait3A_338 = tpu.memref_slice %arg7[%run_scoped3A_318, %dma_wait3A_337] : memref<2x400xi32, #tpu.memory_space<vmem>> -> memref<1x400xi32, #tpu.memory_space<vmem>>
      %dma_wait3A_339 = tpu.memref_squeeze %dma_wait3A_338 : memref<1x400xi32, #tpu.memory_space<vmem>> -> memref<400xi32, #tpu.memory_space<vmem>>
      %dma_wait3A_340 = arith.constant 0 : i32
      %dma_wait3A_341 = arith.constant 0 : i32
      %dma_wait3A_342 = tpu.memref_slice %arg11[%dma_wait3A_340, %dma_wait3A_341] : memref<10240x16xf32, #tpu.memory_space<vmem_shared>> -> memref<10240x16xf32, #tpu.memory_space<vmem_shared>>
      tpu.wait_indirect_dma semaphore(%run_scoped3A_330 : memref<!tpu.dma_semaphore, #tpu.memory_space<semaphore_mem>>) src(%arg9 : memref<400x16xf32, #tpu.memory_space<vmem>>) dst(%dma_wait3A_342 : memref<10240x16xf32, #tpu.memory_space<vmem_shared>>)
      tpu.yield
    }) : () -> ()
    %dma_wait3A_319 = arith.constant 0 : i32
    %dma_wait3A_320 = arith.constant 0 : i32
    %dma_wait3A_321 = tpu.memref_slice %arg6[%dma_wait3A_319, %dma_wait3A_320] : memref<2x400xi32, #tpu.memory_space<vmem>> -> memref<1x400xi32, #tpu.memory_space<vmem>>
    %dma_wait3A_322 = tpu.memref_squeeze %dma_wait3A_321 : memref<1x400xi32, #tpu.memory_space<vmem>> -> memref<400xi32, #tpu.memory_space<vmem>>
    %dma_wait3A_323 = arith.constant 0 : i32
    %dma_wait3A_324 = arith.constant 0 : i32
    %dma_wait3A_325 = tpu.memref_slice %arg2[%dma_wait3A_323, %dma_wait3A_324] : memref<10240x16xf32, #tpu.memory_space<hbm>> -> memref<10240x16xf32, #tpu.memory_space<hbm>>
    tpu.wait_indirect_dma semaphore(%arg12 : memref<!tpu.dma_semaphore, #tpu.memory_space<semaphore_mem>>) src(%dma_wait3A_325 : memref<10240x16xf32, #tpu.memory_space<hbm>>) dst(%arg8 : memref<400x16xf32, #tpu.memory_space<vmem>>)
    %run_scoped3A_326 = arith.constant 0 : i32
    "tpu.region"() ({
      %run_scoped3A_330 = tpu.sem_alloc : memref<!tpu.dma_semaphore, #tpu.memory_space<semaphore_mem>>
      %dma_start3A_331 = arith.constant 0 : i32
      %dma_start3A_332 = tpu.memref_slice %arg7[%run_scoped3A_326, %dma_start3A_331] : memref<2x400xi32, #tpu.memory_space<vmem>> -> memref<1x400xi32, #tpu.memory_space<vmem>>
      %dma_start3A_333 = tpu.memref_squeeze %dma_start3A_332 : memref<1x400xi32, #tpu.memory_space<vmem>> -> memref<400xi32, #tpu.memory_space<vmem>>
      %dma_start3A_334 = arith.constant 0 : i32
      %dma_start3A_335 = arith.constant 0 : i32
      %dma_start3A_336 = tpu.memref_slice %arg11[%dma_start3A_334, %dma_start3A_335] : memref<10240x16xf32, #tpu.memory_space<vmem_shared>> -> memref<10240x16xf32, #tpu.memory_space<vmem_shared>>
      tpu.enqueue_indirect_dma source(%arg8 : memref<400x16xf32, #tpu.memory_space<vmem>>) target(%dma_start3A_336 : memref<10240x16xf32, #tpu.memory_space<vmem_shared>>) offsets(%dma_start3A_333 : memref<400xi32, #tpu.memory_space<vmem>>) semaphore(%run_scoped3A_330 : memref<!tpu.dma_semaphore, #tpu.memory_space<semaphore_mem>>) {add = true}
      %dma_wait3A_337 = arith.constant 0 : i32
      %dma_wait3A_338 = tpu.memref_slice %arg7[%run_scoped3A_326, %dma_wait3A_337] : memref<2x400xi32, #tpu.memory_space<vmem>> -> memref<1x400xi32, #tpu.memory_space<vmem>>
      %dma_wait3A_339 = tpu.memref_squeeze %dma_wait3A_338 : memref<1x400xi32, #tpu.memory_space<vmem>> -> memref<400xi32, #tpu.memory_space<vmem>>
      %dma_wait3A_340 = arith.constant 0 : i32
      %dma_wait3A_341 = arith.constant 0 : i32
      %dma_wait3A_342 = tpu.memref_slice %arg11[%dma_wait3A_340, %dma_wait3A_341] : memref<10240x16xf32, #tpu.memory_space<vmem_shared>> -> memref<10240x16xf32, #tpu.memory_space<vmem_shared>>
      tpu.wait_indirect_dma semaphore(%run_scoped3A_330 : memref<!tpu.dma_semaphore, #tpu.memory_space<semaphore_mem>>) src(%arg8 : memref<400x16xf32, #tpu.memory_space<vmem>>) dst(%dma_wait3A_342 : memref<10240x16xf32, #tpu.memory_space<vmem_shared>>)
      tpu.yield
    }) : () -> ()
    %barrier3A_327 = arith.constant 0 : index
    tpu.barrier barrier_id(%barrier3A_327)
    %mul3A_328 = arith.constant 640 : i32
    %mul3A_329 = arith.muli %arg1, %mul3A_328 : i32
    "tpu.region"() ({
      %run_scoped3A_330 = tpu.sem_alloc : memref<!tpu.dma_semaphore, #tpu.memory_space<semaphore_mem>>
      %dma_start3A_331 = arith.constant 0 : i32
      %dma_start3A_332 = tpu.memref_slice %arg5[%arg0, %mul3A_329, %dma_start3A_331] : memref<2x10240x16xf32, #tpu.memory_space<hbm>> -> memref<1x640x16xf32, #tpu.memory_space<hbm>>
      %dma_start3A_333 = tpu.memref_squeeze %dma_start3A_332 : memref<1x640x16xf32, #tpu.memory_space<hbm>> -> memref<640x16xf32, #tpu.memory_space<hbm>>
      %dma_start3A_334 = arith.constant 0 : i32
      %dma_start3A_335 = tpu.memref_slice %arg11[%mul3A_329, %dma_start3A_334] : memref<10240x16xf32, #tpu.memory_space<vmem_shared>> -> memref<640x16xf32, #tpu.memory_space<vmem_shared>>
      tpu.enqueue_dma source(%dma_start3A_335 : memref<640x16xf32, #tpu.memory_space<vmem_shared>>) target(%dma_start3A_333 : memref<640x16xf32, #tpu.memory_space<hbm>>) target_semaphore(%run_scoped3A_330 : memref<!tpu.dma_semaphore, #tpu.memory_space<semaphore_mem>>)
      %dma_wait3A_336 = arith.constant 0 : i32
      %dma_wait3A_337 = tpu.memref_slice %arg5[%arg0, %mul3A_329, %dma_wait3A_336] : memref<2x10240x16xf32, #tpu.memory_space<hbm>> -> memref<1x640x16xf32, #tpu.memory_space<hbm>>
      %dma_wait3A_338 = tpu.memref_squeeze %dma_wait3A_337 : memref<1x640x16xf32, #tpu.memory_space<hbm>> -> memref<640x16xf32, #tpu.memory_space<hbm>>
      %dma_wait3A_339 = arith.constant 0 : i32
      %dma_wait3A_340 = tpu.memref_slice %arg11[%mul3A_329, %dma_wait3A_339] : memref<10240x16xf32, #tpu.memory_space<vmem_shared>> -> memref<640x16xf32, #tpu.memory_space<vmem_shared>>
      tpu.wait_dma2 semaphore(%run_scoped3A_330 : memref<!tpu.dma_semaphore, #tpu.memory_space<semaphore_mem>>) src(%dma_wait3A_340 : memref<640x16xf32, #tpu.memory_space<vmem_shared>>) dst(%dma_wait3A_338 : memref<640x16xf32, #tpu.memory_space<hbm>>)
      tpu.yield
    }) : () -> ()
    return
  }
}

#map = affine_map<(d0, d1) -> (0, 0)>
#map1 = affine_map<(d0, d1) -> (0, 0, 0)>
module attributes {stable_mosaic.version = 14 : i64} {
  func.func @gcn_prop1(%arg0: i32, %arg1: i32, %arg2: memref<10240x64xf32, #tpu.memory_space<hbm>>, %arg3: memref<10240x64xf32, #tpu.memory_space<hbm>>, %arg4: memref<16x50x400xi32, #tpu.memory_space<hbm>>, %arg5: memref<16x50x400xi32, #tpu.memory_space<hbm>>, %arg6: memref<2x10240x64xf32, #tpu.memory_space<hbm>>, %arg7: memref<2x400xi32, #tpu.memory_space<vmem>>, %arg8: memref<2x400xi32, #tpu.memory_space<vmem>>, %arg9: memref<400x64xf32, #tpu.memory_space<vmem>>, %arg10: memref<400x64xf32, #tpu.memory_space<vmem>>, %arg11: memref<64x64xf32, #tpu.memory_space<vmem>>, %arg12: memref<10240x64xf32, #tpu.memory_space<vmem_shared>>, %arg13: memref<!tpu.dma_semaphore, #tpu.memory_space<semaphore_mem>>, %arg14: memref<!tpu.dma_semaphore, #tpu.memory_space<semaphore_mem>>, %arg15: memref<!tpu.dma_semaphore, #tpu.memory_space<semaphore_mem>>, %arg16: memref<!tpu.dma_semaphore, #tpu.memory_space<semaphore_mem>>) attributes {dimension_semantics = [#tpu.dimension_semantics<core_parallel>, #tpu.dimension_semantics<subcore_parallel>], iteration_bounds = array<i64: 2, 16>, scalar_prefetch = 0 : i64, scratch_operands = 10 : i64, tpu.core_type = #tpu.core_type<sc_vector_subcore>, window_params = [{transform_indices = #map}, {transform_indices = #map}, {transform_indices = #map1}, {transform_indices = #map1}, {transform_indices = #map1}]} {
    %scan3A = arith.constant 0 : i32
    %scan3A_0 = arith.constant 0 : i32
    %scan3A_1 = arith.constant 256 : i32
    %scan3A_2 = arith.addi %scan3A_0, %scan3A_1 : i32
    %scan3A_3 = arith.constant 1 : i32
    %scan3A_4 = scf.for %scan3A_232 = %scan3A_0 to %scan3A_2 step %scan3A_3 iter_args(%scan3A_233 = %scan3A) -> (i32)  : i32 {
      %jit3A = arith.constant 4 : i32
      %div3A = arith.divsi %scan3A_232, %jit3A : i32
      %sign3A = arith.constant 0 : i32
      %sign3A_234 = arith.cmpi sgt, %scan3A_232, %sign3A : i32
      %sign3A_235 = arith.extui %sign3A_234 : i1 to i32
      %sign3A_236 = arith.constant 0 : i32
      %sign3A_237 = arith.cmpi slt, %scan3A_232, %sign3A_236 : i32
      %sign3A_238 = arith.extui %sign3A_237 : i1 to i32
      %sign3A_239 = arith.subi %sign3A_235, %sign3A_238 : i32
      %sign3A_240 = arith.constant 0 : i32
      %sign3A_241 = arith.cmpi sgt, %jit3A, %sign3A_240 : i32
      %sign3A_242 = arith.extui %sign3A_241 : i1 to i32
      %sign3A_243 = arith.constant 0 : i32
      %sign3A_244 = arith.cmpi slt, %jit3A, %sign3A_243 : i32
      %sign3A_245 = arith.extui %sign3A_244 : i1 to i32
      %sign3A_246 = arith.subi %sign3A_242, %sign3A_245 : i32
      %ne3A = arith.cmpi ne, %sign3A_239, %sign3A_246 : i32
      %rem3A = arith.remsi %scan3A_232, %jit3A : i32
      %ne3A_247 = arith.constant 0 : i32
      %ne3A_248 = arith.cmpi ne, %rem3A, %ne3A_247 : i32
      %and3A = arith.andi %ne3A, %ne3A_248 : i1
      %sub3A = arith.constant 1 : i32
      %sub3A_249 = arith.subi %div3A, %sub3A : i32
      %select_n3A = arith.select %and3A, %sub3A_249, %div3A : i32
      %jit3A_250 = arith.constant 4 : i32
      %eq3A_251 = arith.constant 0 : i32
      %eq3A_252 = arith.cmpi eq, %jit3A_250, %eq3A_251 : i32
      %jit3A_253 = arith.constant 1 : i32
      %select_n3A_254 = arith.select %eq3A_252, %jit3A_253, %jit3A_250 : i32
      %rem3A_255 = arith.remsi %scan3A_232, %select_n3A_254 : i32
      %ne3A_256 = arith.constant 0 : i32
      %ne3A_257 = arith.cmpi ne, %rem3A_255, %ne3A_256 : i32
      %lt3A = arith.constant 0 : i32
      %lt3A_258 = arith.cmpi slt, %rem3A_255, %lt3A : i32
      %lt3A_259 = arith.constant 0 : i32
      %lt3A_260 = arith.cmpi slt, %select_n3A_254, %lt3A_259 : i32
      %ne3A_261 = arith.xori %lt3A_258, %lt3A_260 : i1
      %and3A_262 = arith.andi %ne3A_261, %ne3A_257 : i1
      %add3A = arith.addi %rem3A_255, %select_n3A_254 : i32
      %select_n3A_263 = arith.select %and3A_262, %add3A, %rem3A_255 : i32
      %mul3A_264 = arith.constant 16 : i32
      %mul3A_265 = arith.muli %select_n3A_263, %mul3A_264 : i32
      %broadcast_in_dim3A = arith.constant 0.000000e+00 : f32
      %broadcast_in_dim3A_266 = vector.broadcast %broadcast_in_dim3A : f32 to vector<16xf32>
      %swap3A = arith.index_cast %select_n3A : i32 to index
      %swap3A_267 = arith.index_cast %mul3A_265 : i32 to index
      %swap3A_268 = tpu.vector_load %arg11[%swap3A, %swap3A_267] {strides = array<i32>} : memref<64x64xf32, #tpu.memory_space<vmem>>, vector<1x16xf32>,
      %swap3A_269 = vector.shape_cast %swap3A_268 : vector<1x16xf32> to vector<16xf32>
      %swap3A_270 = vector.shape_cast %broadcast_in_dim3A_266 : vector<16xf32> to vector<1x16xf32>
      tpu.vector_store %arg11[%swap3A, %swap3A_267], %swap3A_270 {strides = array<i32>} : memref<64x64xf32, #tpu.memory_space<vmem>>, vector<1x16xf32>,
      %scan3A_271 = arith.constant 0 : i32
      scf.yield %scan3A_271 : i32
    }
    %scan3A_5 = arith.constant 256 : i32
    %scan3A_6 = arith.constant 0 : i32
    %scan3A_7 = arith.constant 0 : i32
    %scan3A_8 = arith.constant 10 : i32
    %scan3A_9 = arith.addi %scan3A_7, %scan3A_8 : i32
    %scan3A_10 = arith.constant 1 : i32
    %scan3A_11 = scf.for %scan3A_232 = %scan3A_7 to %scan3A_9 step %scan3A_10 iter_args(%scan3A_233 = %scan3A_6) -> (i32)  : i32 {
      %mul3A_234 = arith.constant 640 : i32
      %mul3A_235 = arith.muli %arg1, %mul3A_234 : i32
      %mul3A_236 = arith.constant 64 : i32
      %mul3A_237 = arith.muli %scan3A_232, %mul3A_236 : i32
      %add3A = arith.addi %mul3A_235, %mul3A_237 : i32
      "tpu.region"() ({
        %run_scoped3A_239 = tpu.sem_alloc : memref<!tpu.dma_semaphore, #tpu.memory_space<semaphore_mem>>
        %dma_start3A_240 = arith.constant 0 : i32
        %dma_start3A_241 = tpu.memref_slice %arg12[%add3A, %dma_start3A_240] : memref<10240x64xf32, #tpu.memory_space<vmem_shared>> -> memref<64x64xf32, #tpu.memory_space<vmem_shared>>
        %dma_start3A_242 = arith.constant 0 : i32
        %dma_start3A_243 = tpu.memref_slice %arg12[%add3A, %dma_start3A_242] : memref<10240x64xf32, #tpu.memory_space<vmem_shared>> -> memref<64x64xf32, #tpu.memory_space<vmem_shared>>
        tpu.enqueue_dma source(%arg11 : memref<64x64xf32, #tpu.memory_space<vmem>>) target(%dma_start3A_243 : memref<64x64xf32, #tpu.memory_space<vmem_shared>>) target_semaphore(%run_scoped3A_239 : memref<!tpu.dma_semaphore, #tpu.memory_space<semaphore_mem>>)
        %dma_wait3A_244 = arith.constant 0 : i32
        %dma_wait3A_245 = tpu.memref_slice %arg12[%add3A, %dma_wait3A_244] : memref<10240x64xf32, #tpu.memory_space<vmem_shared>> -> memref<64x64xf32, #tpu.memory_space<vmem_shared>>
        %dma_wait3A_246 = arith.constant 0 : i32
        %dma_wait3A_247 = tpu.memref_slice %arg12[%add3A, %dma_wait3A_246] : memref<10240x64xf32, #tpu.memory_space<vmem_shared>> -> memref<64x64xf32, #tpu.memory_space<vmem_shared>>
        tpu.wait_dma2 semaphore(%run_scoped3A_239 : memref<!tpu.dma_semaphore, #tpu.memory_space<semaphore_mem>>) src(%arg11 : memref<64x64xf32, #tpu.memory_space<vmem>>) dst(%dma_wait3A_247 : memref<64x64xf32, #tpu.memory_space<vmem_shared>>)
        tpu.yield
      }) : () -> ()
      %scan3A_238 = arith.constant 0 : i32
      scf.yield %scan3A_238 : i32
    }
    %scan3A_12 = arith.constant 10 : i32
    %barrier3A = arith.constant 0 : index
    tpu.barrier barrier_id(%barrier3A)
    %dma_start3A = arith.constant 0 : i32
    %dma_start3A_13 = arith.constant 0 : i32
    %dma_start3A_14 = arith.constant 0 : i32
    %dma_start3A_15 = tpu.memref_slice %arg7[%dma_start3A_13, %dma_start3A_14] : memref<2x400xi32, #tpu.memory_space<vmem>> -> memref<1x400xi32, #tpu.memory_space<vmem>>
    %dma_start3A_16 = tpu.memref_squeeze %dma_start3A_15 : memref<1x400xi32, #tpu.memory_space<vmem>> -> memref<400xi32, #tpu.memory_space<vmem>>
    %dma_start3A_17 = arith.constant 0 : i32
    %dma_start3A_18 = arith.constant 0 : i32
    %dma_start3A_19 = tpu.memref_slice %arg4[%arg1, %dma_start3A_17, %dma_start3A_18] : memref<16x50x400xi32, #tpu.memory_space<hbm>> -> memref<1x50x400xi32, #tpu.memory_space<hbm>>
    %dma_start3A_20 = tpu.memref_squeeze %dma_start3A_19 : memref<1x50x400xi32, #tpu.memory_space<hbm>> -> memref<50x400xi32, #tpu.memory_space<hbm>>
    %dma_start3A_21 = arith.constant 0 : i32
    %dma_start3A_22 = tpu.memref_slice %dma_start3A_20[%dma_start3A, %dma_start3A_21] : memref<50x400xi32, #tpu.memory_space<hbm>> -> memref<1x400xi32, #tpu.memory_space<hbm>>
    %dma_start3A_23 = tpu.memref_squeeze %dma_start3A_22 : memref<1x400xi32, #tpu.memory_space<hbm>> -> memref<400xi32, #tpu.memory_space<hbm>>
    %dma_start3A_24 = arith.constant 0 : i32
    %dma_start3A_25 = tpu.memref_slice %arg7[%dma_start3A_13, %dma_start3A_24] : memref<2x400xi32, #tpu.memory_space<vmem>> -> memref<1x400xi32, #tpu.memory_space<vmem>>
    %dma_start3A_26 = tpu.memref_squeeze %dma_start3A_25 : memref<1x400xi32, #tpu.memory_space<vmem>> -> memref<400xi32, #tpu.memory_space<vmem>>
    %dma_start3A_27 = arith.constant 0 : i32
    %dma_start3A_28 = arith.constant 0 : i32
    %dma_start3A_29 = tpu.memref_slice %arg4[%arg1, %dma_start3A_27, %dma_start3A_28] : memref<16x50x400xi32, #tpu.memory_space<hbm>> -> memref<1x50x400xi32, #tpu.memory_space<hbm>>
    %dma_start3A_30 = tpu.memref_squeeze %dma_start3A_29 : memref<1x50x400xi32, #tpu.memory_space<hbm>> -> memref<50x400xi32, #tpu.memory_space<hbm>>
    %dma_start3A_31 = arith.constant 0 : i32
    %dma_start3A_32 = tpu.memref_slice %dma_start3A_30[%dma_start3A, %dma_start3A_31] : memref<50x400xi32, #tpu.memory_space<hbm>> -> memref<1x400xi32, #tpu.memory_space<hbm>>
    %dma_start3A_33 = tpu.memref_squeeze %dma_start3A_32 : memref<1x400xi32, #tpu.memory_space<hbm>> -> memref<400xi32, #tpu.memory_space<hbm>>
    tpu.enqueue_dma source(%dma_start3A_33 : memref<400xi32, #tpu.memory_space<hbm>>) target(%dma_start3A_26 : memref<400xi32, #tpu.memory_space<vmem>>) target_semaphore(%arg15 : memref<!tpu.dma_semaphore, #tpu.memory_space<semaphore_mem>>)
    %dma_start3A_34 = arith.constant 0 : i32
    %dma_start3A_35 = arith.constant 0 : i32
    %dma_start3A_36 = arith.constant 0 : i32
    %dma_start3A_37 = tpu.memref_slice %arg8[%dma_start3A_35, %dma_start3A_36] : memref<2x400xi32, #tpu.memory_space<vmem>> -> memref<1x400xi32, #tpu.memory_space<vmem>>
    %dma_start3A_38 = tpu.memref_squeeze %dma_start3A_37 : memref<1x400xi32, #tpu.memory_space<vmem>> -> memref<400xi32, #tpu.memory_space<vmem>>
    %dma_start3A_39 = arith.constant 0 : i32
    %dma_start3A_40 = arith.constant 0 : i32
    %dma_start3A_41 = tpu.memref_slice %arg5[%arg1, %dma_start3A_39, %dma_start3A_40] : memref<16x50x400xi32, #tpu.memory_space<hbm>> -> memref<1x50x400xi32, #tpu.memory_space<hbm>>
    %dma_start3A_42 = tpu.memref_squeeze %dma_start3A_41 : memref<1x50x400xi32, #tpu.memory_space<hbm>> -> memref<50x400xi32, #tpu.memory_space<hbm>>
    %dma_start3A_43 = arith.constant 0 : i32
    %dma_start3A_44 = tpu.memref_slice %dma_start3A_42[%dma_start3A_34, %dma_start3A_43] : memref<50x400xi32, #tpu.memory_space<hbm>> -> memref<1x400xi32, #tpu.memory_space<hbm>>
    %dma_start3A_45 = tpu.memref_squeeze %dma_start3A_44 : memref<1x400xi32, #tpu.memory_space<hbm>> -> memref<400xi32, #tpu.memory_space<hbm>>
    %dma_start3A_46 = arith.constant 0 : i32
    %dma_start3A_47 = tpu.memref_slice %arg8[%dma_start3A_35, %dma_start3A_46] : memref<2x400xi32, #tpu.memory_space<vmem>> -> memref<1x400xi32, #tpu.memory_space<vmem>>
    %dma_start3A_48 = tpu.memref_squeeze %dma_start3A_47 : memref<1x400xi32, #tpu.memory_space<vmem>> -> memref<400xi32, #tpu.memory_space<vmem>>
    %dma_start3A_49 = arith.constant 0 : i32
    %dma_start3A_50 = arith.constant 0 : i32
    %dma_start3A_51 = tpu.memref_slice %arg5[%arg1, %dma_start3A_49, %dma_start3A_50] : memref<16x50x400xi32, #tpu.memory_space<hbm>> -> memref<1x50x400xi32, #tpu.memory_space<hbm>>
    %dma_start3A_52 = tpu.memref_squeeze %dma_start3A_51 : memref<1x50x400xi32, #tpu.memory_space<hbm>> -> memref<50x400xi32, #tpu.memory_space<hbm>>
    %dma_start3A_53 = arith.constant 0 : i32
    %dma_start3A_54 = tpu.memref_slice %dma_start3A_52[%dma_start3A_34, %dma_start3A_53] : memref<50x400xi32, #tpu.memory_space<hbm>> -> memref<1x400xi32, #tpu.memory_space<hbm>>
    %dma_start3A_55 = tpu.memref_squeeze %dma_start3A_54 : memref<1x400xi32, #tpu.memory_space<hbm>> -> memref<400xi32, #tpu.memory_space<hbm>>
    tpu.enqueue_dma source(%dma_start3A_55 : memref<400xi32, #tpu.memory_space<hbm>>) target(%dma_start3A_48 : memref<400xi32, #tpu.memory_space<vmem>>) target_semaphore(%arg15 : memref<!tpu.dma_semaphore, #tpu.memory_space<semaphore_mem>>)
    %dma_wait3A = arith.constant 0 : i32
    %dma_wait3A_56 = arith.constant 0 : i32
    %dma_wait3A_57 = arith.constant 0 : i32
    %dma_wait3A_58 = tpu.memref_slice %arg7[%dma_wait3A_56, %dma_wait3A_57] : memref<2x400xi32, #tpu.memory_space<vmem>> -> memref<1x400xi32, #tpu.memory_space<vmem>>
    %dma_wait3A_59 = tpu.memref_squeeze %dma_wait3A_58 : memref<1x400xi32, #tpu.memory_space<vmem>> -> memref<400xi32, #tpu.memory_space<vmem>>
    %dma_wait3A_60 = arith.constant 0 : i32
    %dma_wait3A_61 = arith.constant 0 : i32
    %dma_wait3A_62 = tpu.memref_slice %arg4[%arg1, %dma_wait3A_60, %dma_wait3A_61] : memref<16x50x400xi32, #tpu.memory_space<hbm>> -> memref<1x50x400xi32, #tpu.memory_space<hbm>>
    %dma_wait3A_63 = tpu.memref_squeeze %dma_wait3A_62 : memref<1x50x400xi32, #tpu.memory_space<hbm>> -> memref<50x400xi32, #tpu.memory_space<hbm>>
    %dma_wait3A_64 = arith.constant 0 : i32
    %dma_wait3A_65 = tpu.memref_slice %dma_wait3A_63[%dma_wait3A, %dma_wait3A_64] : memref<50x400xi32, #tpu.memory_space<hbm>> -> memref<1x400xi32, #tpu.memory_space<hbm>>
    %dma_wait3A_66 = tpu.memref_squeeze %dma_wait3A_65 : memref<1x400xi32, #tpu.memory_space<hbm>> -> memref<400xi32, #tpu.memory_space<hbm>>
    %dma_wait3A_67 = arith.constant 0 : i32
    %dma_wait3A_68 = tpu.memref_slice %arg7[%dma_wait3A_56, %dma_wait3A_67] : memref<2x400xi32, #tpu.memory_space<vmem>> -> memref<1x400xi32, #tpu.memory_space<vmem>>
    %dma_wait3A_69 = tpu.memref_squeeze %dma_wait3A_68 : memref<1x400xi32, #tpu.memory_space<vmem>> -> memref<400xi32, #tpu.memory_space<vmem>>
    %dma_wait3A_70 = arith.constant 0 : i32
    %dma_wait3A_71 = arith.constant 0 : i32
    %dma_wait3A_72 = tpu.memref_slice %arg4[%arg1, %dma_wait3A_70, %dma_wait3A_71] : memref<16x50x400xi32, #tpu.memory_space<hbm>> -> memref<1x50x400xi32, #tpu.memory_space<hbm>>
    %dma_wait3A_73 = tpu.memref_squeeze %dma_wait3A_72 : memref<1x50x400xi32, #tpu.memory_space<hbm>> -> memref<50x400xi32, #tpu.memory_space<hbm>>
    %dma_wait3A_74 = arith.constant 0 : i32
    %dma_wait3A_75 = tpu.memref_slice %dma_wait3A_73[%dma_wait3A, %dma_wait3A_74] : memref<50x400xi32, #tpu.memory_space<hbm>> -> memref<1x400xi32, #tpu.memory_space<hbm>>
    %dma_wait3A_76 = tpu.memref_squeeze %dma_wait3A_75 : memref<1x400xi32, #tpu.memory_space<hbm>> -> memref<400xi32, #tpu.memory_space<hbm>>
    tpu.wait_dma2 semaphore(%arg15 : memref<!tpu.dma_semaphore, #tpu.memory_space<semaphore_mem>>) src(%dma_wait3A_76 : memref<400xi32, #tpu.memory_space<hbm>>) dst(%dma_wait3A_69 : memref<400xi32, #tpu.memory_space<vmem>>)
    %dma_wait3A_77 = arith.constant 0 : i32
    %dma_wait3A_78 = arith.constant 0 : i32
    %dma_wait3A_79 = arith.constant 0 : i32
    %dma_wait3A_80 = tpu.memref_slice %arg8[%dma_wait3A_78, %dma_wait3A_79] : memref<2x400xi32, #tpu.memory_space<vmem>> -> memref<1x400xi32, #tpu.memory_space<vmem>>
    %dma_wait3A_81 = tpu.memref_squeeze %dma_wait3A_80 : memref<1x400xi32, #tpu.memory_space<vmem>> -> memref<400xi32, #tpu.memory_space<vmem>>
    %dma_wait3A_82 = arith.constant 0 : i32
    %dma_wait3A_83 = arith.constant 0 : i32
    %dma_wait3A_84 = tpu.memref_slice %arg5[%arg1, %dma_wait3A_82, %dma_wait3A_83] : memref<16x50x400xi32, #tpu.memory_space<hbm>> -> memref<1x50x400xi32, #tpu.memory_space<hbm>>
    %dma_wait3A_85 = tpu.memref_squeeze %dma_wait3A_84 : memref<1x50x400xi32, #tpu.memory_space<hbm>> -> memref<50x400xi32, #tpu.memory_space<hbm>>
    %dma_wait3A_86 = arith.constant 0 : i32
    %dma_wait3A_87 = tpu.memref_slice %dma_wait3A_85[%dma_wait3A_77, %dma_wait3A_86] : memref<50x400xi32, #tpu.memory_space<hbm>> -> memref<1x400xi32, #tpu.memory_space<hbm>>
    %dma_wait3A_88 = tpu.memref_squeeze %dma_wait3A_87 : memref<1x400xi32, #tpu.memory_space<hbm>> -> memref<400xi32, #tpu.memory_space<hbm>>
    %dma_wait3A_89 = arith.constant 0 : i32
    %dma_wait3A_90 = tpu.memref_slice %arg8[%dma_wait3A_78, %dma_wait3A_89] : memref<2x400xi32, #tpu.memory_space<vmem>> -> memref<1x400xi32, #tpu.memory_space<vmem>>
    %dma_wait3A_91 = tpu.memref_squeeze %dma_wait3A_90 : memref<1x400xi32, #tpu.memory_space<vmem>> -> memref<400xi32, #tpu.memory_space<vmem>>
    %dma_wait3A_92 = arith.constant 0 : i32
    %dma_wait3A_93 = arith.constant 0 : i32
    %dma_wait3A_94 = tpu.memref_slice %arg5[%arg1, %dma_wait3A_92, %dma_wait3A_93] : memref<16x50x400xi32, #tpu.memory_space<hbm>> -> memref<1x50x400xi32, #tpu.memory_space<hbm>>
    %dma_wait3A_95 = tpu.memref_squeeze %dma_wait3A_94 : memref<1x50x400xi32, #tpu.memory_space<hbm>> -> memref<50x400xi32, #tpu.memory_space<hbm>>
    %dma_wait3A_96 = arith.constant 0 : i32
    %dma_wait3A_97 = tpu.memref_slice %dma_wait3A_95[%dma_wait3A_77, %dma_wait3A_96] : memref<50x400xi32, #tpu.memory_space<hbm>> -> memref<1x400xi32, #tpu.memory_space<hbm>>
    %dma_wait3A_98 = tpu.memref_squeeze %dma_wait3A_97 : memref<1x400xi32, #tpu.memory_space<hbm>> -> memref<400xi32, #tpu.memory_space<hbm>>
    tpu.wait_dma2 semaphore(%arg15 : memref<!tpu.dma_semaphore, #tpu.memory_space<semaphore_mem>>) src(%dma_wait3A_98 : memref<400xi32, #tpu.memory_space<hbm>>) dst(%dma_wait3A_91 : memref<400xi32, #tpu.memory_space<vmem>>)
    %eq3A = arith.constant 0 : i32
    %eq3A_99 = arith.cmpi eq, %arg0, %eq3A : i32
    %convert_element_type3A = arith.extui %eq3A_99 : i1 to i32
    %cond3A = arith.constant 0 : i32
    %cond3A_100 = arith.constant 0 : i32
    %cond3A_101 = arith.cmpi ne, %convert_element_type3A, %cond3A_100 : i32
    scf.if %cond3A_101 {
      %dma_start3A_232 = arith.constant 0 : i32
      %dma_start3A_233 = tpu.memref_slice %arg7[%cond3A, %dma_start3A_232] : memref<2x400xi32, #tpu.memory_space<vmem>> -> memref<1x400xi32, #tpu.memory_space<vmem>>
      %dma_start3A_234 = tpu.memref_squeeze %dma_start3A_233 : memref<1x400xi32, #tpu.memory_space<vmem>> -> memref<400xi32, #tpu.memory_space<vmem>>
      %dma_start3A_235 = arith.constant 0 : i32
      %dma_start3A_236 = arith.constant 0 : i32
      %dma_start3A_237 = tpu.memref_slice %arg2[%dma_start3A_235, %dma_start3A_236] : memref<10240x64xf32, #tpu.memory_space<hbm>> -> memref<10240x64xf32, #tpu.memory_space<hbm>>
      tpu.enqueue_indirect_dma source(%dma_start3A_237 : memref<10240x64xf32, #tpu.memory_space<hbm>>) target(%arg9 : memref<400x64xf32, #tpu.memory_space<vmem>>) offsets(%dma_start3A_234 : memref<400xi32, #tpu.memory_space<vmem>>) semaphore(%arg13 : memref<!tpu.dma_semaphore, #tpu.memory_space<semaphore_mem>>)
    } else {
    }
    %eq3A_102 = arith.constant 1 : i32
    %eq3A_103 = arith.cmpi eq, %arg0, %eq3A_102 : i32
    %convert_element_type3A_104 = arith.extui %eq3A_103 : i1 to i32
    %cond3A_105 = arith.constant 0 : i32
    %cond3A_106 = arith.constant 0 : i32
    %cond3A_107 = arith.cmpi ne, %convert_element_type3A_104, %cond3A_106 : i32
    scf.if %cond3A_107 {
      %dma_start3A_232 = arith.constant 0 : i32
      %dma_start3A_233 = tpu.memref_slice %arg7[%cond3A_105, %dma_start3A_232] : memref<2x400xi32, #tpu.memory_space<vmem>> -> memref<1x400xi32, #tpu.memory_space<vmem>>
      %dma_start3A_234 = tpu.memref_squeeze %dma_start3A_233 : memref<1x400xi32, #tpu.memory_space<vmem>> -> memref<400xi32, #tpu.memory_space<vmem>>
      %dma_start3A_235 = arith.constant 0 : i32
      %dma_start3A_236 = arith.constant 0 : i32
      %dma_start3A_237 = tpu.memref_slice %arg3[%dma_start3A_235, %dma_start3A_236] : memref<10240x64xf32, #tpu.memory_space<hbm>> -> memref<10240x64xf32, #tpu.memory_space<hbm>>
      tpu.enqueue_indirect_dma source(%dma_start3A_237 : memref<10240x64xf32, #tpu.memory_space<hbm>>) target(%arg9 : memref<400x64xf32, #tpu.memory_space<vmem>>) offsets(%dma_start3A_234 : memref<400xi32, #tpu.memory_space<vmem>>) semaphore(%arg13 : memref<!tpu.dma_semaphore, #tpu.memory_space<semaphore_mem>>)
    } else {
    }
    %dma_start3A_108 = arith.constant 1 : i32
    %dma_start3A_109 = arith.constant 1 : i32
    %dma_start3A_110 = arith.constant 0 : i32
    %dma_start3A_111 = tpu.memref_slice %arg7[%dma_start3A_109, %dma_start3A_110] : memref<2x400xi32, #tpu.memory_space<vmem>> -> memref<1x400xi32, #tpu.memory_space<vmem>>
    %dma_start3A_112 = tpu.memref_squeeze %dma_start3A_111 : memref<1x400xi32, #tpu.memory_space<vmem>> -> memref<400xi32, #tpu.memory_space<vmem>>
    %dma_start3A_113 = arith.constant 0 : i32
    %dma_start3A_114 = arith.constant 0 : i32
    %dma_start3A_115 = tpu.memref_slice %arg4[%arg1, %dma_start3A_113, %dma_start3A_114] : memref<16x50x400xi32, #tpu.memory_space<hbm>> -> memref<1x50x400xi32, #tpu.memory_space<hbm>>
    %dma_start3A_116 = tpu.memref_squeeze %dma_start3A_115 : memref<1x50x400xi32, #tpu.memory_space<hbm>> -> memref<50x400xi32, #tpu.memory_space<hbm>>
    %dma_start3A_117 = arith.constant 0 : i32
    %dma_start3A_118 = tpu.memref_slice %dma_start3A_116[%dma_start3A_108, %dma_start3A_117] : memref<50x400xi32, #tpu.memory_space<hbm>> -> memref<1x400xi32, #tpu.memory_space<hbm>>
    %dma_start3A_119 = tpu.memref_squeeze %dma_start3A_118 : memref<1x400xi32, #tpu.memory_space<hbm>> -> memref<400xi32, #tpu.memory_space<hbm>>
    %dma_start3A_120 = arith.constant 0 : i32
    %dma_start3A_121 = tpu.memref_slice %arg7[%dma_start3A_109, %dma_start3A_120] : memref<2x400xi32, #tpu.memory_space<vmem>> -> memref<1x400xi32, #tpu.memory_space<vmem>>
    %dma_start3A_122 = tpu.memref_squeeze %dma_start3A_121 : memref<1x400xi32, #tpu.memory_space<vmem>> -> memref<400xi32, #tpu.memory_space<vmem>>
    %dma_start3A_123 = arith.constant 0 : i32
    %dma_start3A_124 = arith.constant 0 : i32
    %dma_start3A_125 = tpu.memref_slice %arg4[%arg1, %dma_start3A_123, %dma_start3A_124] : memref<16x50x400xi32, #tpu.memory_space<hbm>> -> memref<1x50x400xi32, #tpu.memory_space<hbm>>
    %dma_start3A_126 = tpu.memref_squeeze %dma_start3A_125 : memref<1x50x400xi32, #tpu.memory_space<hbm>> -> memref<50x400xi32, #tpu.memory_space<hbm>>
    %dma_start3A_127 = arith.constant 0 : i32
    %dma_start3A_128 = tpu.memref_slice %dma_start3A_126[%dma_start3A_108, %dma_start3A_127] : memref<50x400xi32, #tpu.memory_space<hbm>> -> memref<1x400xi32, #tpu.memory_space<hbm>>
    %dma_start3A_129 = tpu.memref_squeeze %dma_start3A_128 : memref<1x400xi32, #tpu.memory_space<hbm>> -> memref<400xi32, #tpu.memory_space<hbm>>
    tpu.enqueue_dma source(%dma_start3A_129 : memref<400xi32, #tpu.memory_space<hbm>>) target(%dma_start3A_122 : memref<400xi32, #tpu.memory_space<vmem>>) target_semaphore(%arg16 : memref<!tpu.dma_semaphore, #tpu.memory_space<semaphore_mem>>)
    %dma_start3A_130 = arith.constant 1 : i32
    %dma_start3A_131 = arith.constant 1 : i32
    %dma_start3A_132 = arith.constant 0 : i32
    %dma_start3A_133 = tpu.memref_slice %arg8[%dma_start3A_131, %dma_start3A_132] : memref<2x400xi32, #tpu.memory_space<vmem>> -> memref<1x400xi32, #tpu.memory_space<vmem>>
    %dma_start3A_134 = tpu.memref_squeeze %dma_start3A_133 : memref<1x400xi32, #tpu.memory_space<vmem>> -> memref<400xi32, #tpu.memory_space<vmem>>
    %dma_start3A_135 = arith.constant 0 : i32
    %dma_start3A_136 = arith.constant 0 : i32
    %dma_start3A_137 = tpu.memref_slice %arg5[%arg1, %dma_start3A_135, %dma_start3A_136] : memref<16x50x400xi32, #tpu.memory_space<hbm>> -> memref<1x50x400xi32, #tpu.memory_space<hbm>>
    %dma_start3A_138 = tpu.memref_squeeze %dma_start3A_137 : memref<1x50x400xi32, #tpu.memory_space<hbm>> -> memref<50x400xi32, #tpu.memory_space<hbm>>
    %dma_start3A_139 = arith.constant 0 : i32
    %dma_start3A_140 = tpu.memref_slice %dma_start3A_138[%dma_start3A_130, %dma_start3A_139] : memref<50x400xi32, #tpu.memory_space<hbm>> -> memref<1x400xi32, #tpu.memory_space<hbm>>
    %dma_start3A_141 = tpu.memref_squeeze %dma_start3A_140 : memref<1x400xi32, #tpu.memory_space<hbm>> -> memref<400xi32, #tpu.memory_space<hbm>>
    %dma_start3A_142 = arith.constant 0 : i32
    %dma_start3A_143 = tpu.memref_slice %arg8[%dma_start3A_131, %dma_start3A_142] : memref<2x400xi32, #tpu.memory_space<vmem>> -> memref<1x400xi32, #tpu.memory_space<vmem>>
    %dma_start3A_144 = tpu.memref_squeeze %dma_start3A_143 : memref<1x400xi32, #tpu.memory_space<vmem>> -> memref<400xi32, #tpu.memory_space<vmem>>
    %dma_start3A_145 = arith.constant 0 : i32
    %dma_start3A_146 = arith.constant 0 : i32
    %dma_start3A_147 = tpu.memref_slice %arg5[%arg1, %dma_start3A_145, %dma_start3A_146] : memref<16x50x400xi32, #tpu.memory_space<hbm>> -> memref<1x50x400xi32, #tpu.memory_space<hbm>>
    %dma_start3A_148 = tpu.memref_squeeze %dma_start3A_147 : memref<1x50x400xi32, #tpu.memory_space<hbm>> -> memref<50x400xi32, #tpu.memory_space<hbm>>
    %dma_start3A_149 = arith.constant 0 : i32
    %dma_start3A_150 = tpu.memref_slice %dma_start3A_148[%dma_start3A_130, %dma_start3A_149] : memref<50x400xi32, #tpu.memory_space<hbm>> -> memref<1x400xi32, #tpu.memory_space<hbm>>
    %dma_start3A_151 = tpu.memref_squeeze %dma_start3A_150 : memref<1x400xi32, #tpu.memory_space<hbm>> -> memref<400xi32, #tpu.memory_space<hbm>>
    tpu.enqueue_dma source(%dma_start3A_151 : memref<400xi32, #tpu.memory_space<hbm>>) target(%dma_start3A_144 : memref<400xi32, #tpu.memory_space<vmem>>) target_semaphore(%arg16 : memref<!tpu.dma_semaphore, #tpu.memory_space<semaphore_mem>>)
    %scan3A_152 = arith.constant 0 : i32
    %scan3A_153 = arith.constant 0 : i32
    %scan3A_154 = arith.constant 24 : i32
    %scan3A_155 = arith.addi %scan3A_153, %scan3A_154 : i32
    %scan3A_156 = arith.constant 1 : i32
    %scan3A_157 = scf.for %scan3A_232 = %scan3A_153 to %scan3A_155 step %scan3A_156 iter_args(%scan3A_233 = %scan3A_152) -> (i32)  : i32 {
      %mul3A_234 = arith.constant 2 : i32
      %mul3A_235 = arith.muli %scan3A_232, %mul3A_234 : i32
      %dma_wait3A_236 = arith.constant 0 : i32
      %dma_wait3A_237 = arith.constant 0 : i32
      %dma_wait3A_238 = tpu.memref_slice %arg7[%dma_wait3A_236, %dma_wait3A_237] : memref<2x400xi32, #tpu.memory_space<vmem>> -> memref<1x400xi32, #tpu.memory_space<vmem>>
      %dma_wait3A_239 = tpu.memref_squeeze %dma_wait3A_238 : memref<1x400xi32, #tpu.memory_space<vmem>> -> memref<400xi32, #tpu.memory_space<vmem>>
      %dma_wait3A_240 = arith.constant 0 : i32
      %dma_wait3A_241 = arith.constant 0 : i32
      %dma_wait3A_242 = tpu.memref_slice %arg2[%dma_wait3A_240, %dma_wait3A_241] : memref<10240x64xf32, #tpu.memory_space<hbm>> -> memref<10240x64xf32, #tpu.memory_space<hbm>>
      tpu.wait_indirect_dma semaphore(%arg13 : memref<!tpu.dma_semaphore, #tpu.memory_space<semaphore_mem>>) src(%dma_wait3A_242 : memref<10240x64xf32, #tpu.memory_space<hbm>>) dst(%arg9 : memref<400x64xf32, #tpu.memory_space<vmem>>)
      %dma_wait3A_243 = arith.constant 0 : i32
      %dma_wait3A_244 = arith.constant 1 : i32
      %dma_wait3A_245 = arith.constant 0 : i32
      %dma_wait3A_246 = tpu.memref_slice %arg7[%dma_wait3A_244, %dma_wait3A_245] : memref<2x400xi32, #tpu.memory_space<vmem>> -> memref<1x400xi32, #tpu.memory_space<vmem>>
      %dma_wait3A_247 = tpu.memref_squeeze %dma_wait3A_246 : memref<1x400xi32, #tpu.memory_space<vmem>> -> memref<400xi32, #tpu.memory_space<vmem>>
      %dma_wait3A_248 = arith.constant 0 : i32
      %dma_wait3A_249 = arith.constant 0 : i32
      %dma_wait3A_250 = tpu.memref_slice %arg4[%arg1, %dma_wait3A_248, %dma_wait3A_249] : memref<16x50x400xi32, #tpu.memory_space<hbm>> -> memref<1x50x400xi32, #tpu.memory_space<hbm>>
      %dma_wait3A_251 = tpu.memref_squeeze %dma_wait3A_250 : memref<1x50x400xi32, #tpu.memory_space<hbm>> -> memref<50x400xi32, #tpu.memory_space<hbm>>
      %dma_wait3A_252 = arith.constant 0 : i32
      %dma_wait3A_253 = tpu.memref_slice %dma_wait3A_251[%dma_wait3A_243, %dma_wait3A_252] : memref<50x400xi32, #tpu.memory_space<hbm>> -> memref<1x400xi32, #tpu.memory_space<hbm>>
      %dma_wait3A_254 = tpu.memref_squeeze %dma_wait3A_253 : memref<1x400xi32, #tpu.memory_space<hbm>> -> memref<400xi32, #tpu.memory_space<hbm>>
      %dma_wait3A_255 = arith.constant 0 : i32
      %dma_wait3A_256 = tpu.memref_slice %arg7[%dma_wait3A_244, %dma_wait3A_255] : memref<2x400xi32, #tpu.memory_space<vmem>> -> memref<1x400xi32, #tpu.memory_space<vmem>>
      %dma_wait3A_257 = tpu.memref_squeeze %dma_wait3A_256 : memref<1x400xi32, #tpu.memory_space<vmem>> -> memref<400xi32, #tpu.memory_space<vmem>>
      %dma_wait3A_258 = arith.constant 0 : i32
      %dma_wait3A_259 = arith.constant 0 : i32
      %dma_wait3A_260 = tpu.memref_slice %arg4[%arg1, %dma_wait3A_258, %dma_wait3A_259] : memref<16x50x400xi32, #tpu.memory_space<hbm>> -> memref<1x50x400xi32, #tpu.memory_space<hbm>>
      %dma_wait3A_261 = tpu.memref_squeeze %dma_wait3A_260 : memref<1x50x400xi32, #tpu.memory_space<hbm>> -> memref<50x400xi32, #tpu.memory_space<hbm>>
      %dma_wait3A_262 = arith.constant 0 : i32
      %dma_wait3A_263 = tpu.memref_slice %dma_wait3A_261[%dma_wait3A_243, %dma_wait3A_262] : memref<50x400xi32, #tpu.memory_space<hbm>> -> memref<1x400xi32, #tpu.memory_space<hbm>>
      %dma_wait3A_264 = tpu.memref_squeeze %dma_wait3A_263 : memref<1x400xi32, #tpu.memory_space<hbm>> -> memref<400xi32, #tpu.memory_space<hbm>>
      tpu.wait_dma2 semaphore(%arg16 : memref<!tpu.dma_semaphore, #tpu.memory_space<semaphore_mem>>) src(%dma_wait3A_264 : memref<400xi32, #tpu.memory_space<hbm>>) dst(%dma_wait3A_257 : memref<400xi32, #tpu.memory_space<vmem>>)
      %dma_wait3A_265 = arith.constant 0 : i32
      %dma_wait3A_266 = arith.constant 1 : i32
      %dma_wait3A_267 = arith.constant 0 : i32
      %dma_wait3A_268 = tpu.memref_slice %arg8[%dma_wait3A_266, %dma_wait3A_267] : memref<2x400xi32, #tpu.memory_space<vmem>> -> memref<1x400xi32, #tpu.memory_space<vmem>>
      %dma_wait3A_269 = tpu.memref_squeeze %dma_wait3A_268 : memref<1x400xi32, #tpu.memory_space<vmem>> -> memref<400xi32, #tpu.memory_space<vmem>>
      %dma_wait3A_270 = arith.constant 0 : i32
      %dma_wait3A_271 = arith.constant 0 : i32
      %dma_wait3A_272 = tpu.memref_slice %arg5[%arg1, %dma_wait3A_270, %dma_wait3A_271] : memref<16x50x400xi32, #tpu.memory_space<hbm>> -> memref<1x50x400xi32, #tpu.memory_space<hbm>>
      %dma_wait3A_273 = tpu.memref_squeeze %dma_wait3A_272 : memref<1x50x400xi32, #tpu.memory_space<hbm>> -> memref<50x400xi32, #tpu.memory_space<hbm>>
      %dma_wait3A_274 = arith.constant 0 : i32
      %dma_wait3A_275 = tpu.memref_slice %dma_wait3A_273[%dma_wait3A_265, %dma_wait3A_274] : memref<50x400xi32, #tpu.memory_space<hbm>> -> memref<1x400xi32, #tpu.memory_space<hbm>>
      %dma_wait3A_276 = tpu.memref_squeeze %dma_wait3A_275 : memref<1x400xi32, #tpu.memory_space<hbm>> -> memref<400xi32, #tpu.memory_space<hbm>>
      %dma_wait3A_277 = arith.constant 0 : i32
      %dma_wait3A_278 = tpu.memref_slice %arg8[%dma_wait3A_266, %dma_wait3A_277] : memref<2x400xi32, #tpu.memory_space<vmem>> -> memref<1x400xi32, #tpu.memory_space<vmem>>
      %dma_wait3A_279 = tpu.memref_squeeze %dma_wait3A_278 : memref<1x400xi32, #tpu.memory_space<vmem>> -> memref<400xi32, #tpu.memory_space<vmem>>
      %dma_wait3A_280 = arith.constant 0 : i32
      %dma_wait3A_281 = arith.constant 0 : i32
      %dma_wait3A_282 = tpu.memref_slice %arg5[%arg1, %dma_wait3A_280, %dma_wait3A_281] : memref<16x50x400xi32, #tpu.memory_space<hbm>> -> memref<1x50x400xi32, #tpu.memory_space<hbm>>
      %dma_wait3A_283 = tpu.memref_squeeze %dma_wait3A_282 : memref<1x50x400xi32, #tpu.memory_space<hbm>> -> memref<50x400xi32, #tpu.memory_space<hbm>>
      %dma_wait3A_284 = arith.constant 0 : i32
      %dma_wait3A_285 = tpu.memref_slice %dma_wait3A_283[%dma_wait3A_265, %dma_wait3A_284] : memref<50x400xi32, #tpu.memory_space<hbm>> -> memref<1x400xi32, #tpu.memory_space<hbm>>
      %dma_wait3A_286 = tpu.memref_squeeze %dma_wait3A_285 : memref<1x400xi32, #tpu.memory_space<hbm>> -> memref<400xi32, #tpu.memory_space<hbm>>
      tpu.wait_dma2 semaphore(%arg16 : memref<!tpu.dma_semaphore, #tpu.memory_space<semaphore_mem>>) src(%dma_wait3A_286 : memref<400xi32, #tpu.memory_space<hbm>>) dst(%dma_wait3A_279 : memref<400xi32, #tpu.memory_space<vmem>>)
      %eq3A_287 = arith.constant 0 : i32
      %eq3A_288 = arith.cmpi eq, %arg0, %eq3A_287 : i32
      %convert_element_type3A_289 = arith.extui %eq3A_288 : i1 to i32
      %cond3A_290 = arith.constant 1 : i32
      %cond3A_291 = arith.constant 0 : i32
      %cond3A_292 = arith.cmpi ne, %convert_element_type3A_289, %cond3A_291 : i32
      scf.if %cond3A_292 {
        %dma_start3A_456 = arith.constant 0 : i32
        %dma_start3A_457 = tpu.memref_slice %arg7[%cond3A_290, %dma_start3A_456] : memref<2x400xi32, #tpu.memory_space<vmem>> -> memref<1x400xi32, #tpu.memory_space<vmem>>
        %dma_start3A_458 = tpu.memref_squeeze %dma_start3A_457 : memref<1x400xi32, #tpu.memory_space<vmem>> -> memref<400xi32, #tpu.memory_space<vmem>>
        %dma_start3A_459 = arith.constant 0 : i32
        %dma_start3A_460 = arith.constant 0 : i32
        %dma_start3A_461 = tpu.memref_slice %arg2[%dma_start3A_459, %dma_start3A_460] : memref<10240x64xf32, #tpu.memory_space<hbm>> -> memref<10240x64xf32, #tpu.memory_space<hbm>>
        tpu.enqueue_indirect_dma source(%dma_start3A_461 : memref<10240x64xf32, #tpu.memory_space<hbm>>) target(%arg10 : memref<400x64xf32, #tpu.memory_space<vmem>>) offsets(%dma_start3A_458 : memref<400xi32, #tpu.memory_space<vmem>>) semaphore(%arg14 : memref<!tpu.dma_semaphore, #tpu.memory_space<semaphore_mem>>)
      } else {
      }
      %eq3A_293 = arith.constant 1 : i32
      %eq3A_294 = arith.cmpi eq, %arg0, %eq3A_293 : i32
      %convert_element_type3A_295 = arith.extui %eq3A_294 : i1 to i32
      %cond3A_296 = arith.constant 1 : i32
      %cond3A_297 = arith.constant 0 : i32
      %cond3A_298 = arith.cmpi ne, %convert_element_type3A_295, %cond3A_297 : i32
      scf.if %cond3A_298 {
        %dma_start3A_456 = arith.constant 0 : i32
        %dma_start3A_457 = tpu.memref_slice %arg7[%cond3A_296, %dma_start3A_456] : memref<2x400xi32, #tpu.memory_space<vmem>> -> memref<1x400xi32, #tpu.memory_space<vmem>>
        %dma_start3A_458 = tpu.memref_squeeze %dma_start3A_457 : memref<1x400xi32, #tpu.memory_space<vmem>> -> memref<400xi32, #tpu.memory_space<vmem>>
        %dma_start3A_459 = arith.constant 0 : i32
        %dma_start3A_460 = arith.constant 0 : i32
        %dma_start3A_461 = tpu.memref_slice %arg3[%dma_start3A_459, %dma_start3A_460] : memref<10240x64xf32, #tpu.memory_space<hbm>> -> memref<10240x64xf32, #tpu.memory_space<hbm>>
        tpu.enqueue_indirect_dma source(%dma_start3A_461 : memref<10240x64xf32, #tpu.memory_space<hbm>>) target(%arg10 : memref<400x64xf32, #tpu.memory_space<vmem>>) offsets(%dma_start3A_458 : memref<400xi32, #tpu.memory_space<vmem>>) semaphore(%arg14 : memref<!tpu.dma_semaphore, #tpu.memory_space<semaphore_mem>>)
      } else {
      }
      %run_scoped3A_299 = arith.constant 0 : i32
      "tpu.region"() ({
        %run_scoped3A_456 = tpu.sem_alloc : memref<!tpu.dma_semaphore, #tpu.memory_space<semaphore_mem>>
        %dma_start3A_457 = arith.constant 0 : i32
        %dma_start3A_458 = tpu.memref_slice %arg8[%run_scoped3A_299, %dma_start3A_457] : memref<2x400xi32, #tpu.memory_space<vmem>> -> memref<1x400xi32, #tpu.memory_space<vmem>>
        %dma_start3A_459 = tpu.memref_squeeze %dma_start3A_458 : memref<1x400xi32, #tpu.memory_space<vmem>> -> memref<400xi32, #tpu.memory_space<vmem>>
        %dma_start3A_460 = arith.constant 0 : i32
        %dma_start3A_461 = arith.constant 0 : i32
        %dma_start3A_462 = tpu.memref_slice %arg12[%dma_start3A_460, %dma_start3A_461] : memref<10240x64xf32, #tpu.memory_space<vmem_shared>> -> memref<10240x64xf32, #tpu.memory_space<vmem_shared>>
        tpu.enqueue_indirect_dma source(%arg9 : memref<400x64xf32, #tpu.memory_space<vmem>>) target(%dma_start3A_462 : memref<10240x64xf32, #tpu.memory_space<vmem_shared>>) offsets(%dma_start3A_459 : memref<400xi32, #tpu.memory_space<vmem>>) semaphore(%run_scoped3A_456 : memref<!tpu.dma_semaphore, #tpu.memory_space<semaphore_mem>>) {add = true}
        %dma_wait3A_463 = arith.constant 0 : i32
        %dma_wait3A_464 = tpu.memref_slice %arg8[%run_scoped3A_299, %dma_wait3A_463] : memref<2x400xi32, #tpu.memory_space<vmem>> -> memref<1x400xi32, #tpu.memory_space<vmem>>
        %dma_wait3A_465 = tpu.memref_squeeze %dma_wait3A_464 : memref<1x400xi32, #tpu.memory_space<vmem>> -> memref<400xi32, #tpu.memory_space<vmem>>
        %dma_wait3A_466 = arith.constant 0 : i32
        %dma_wait3A_467 = arith.constant 0 : i32
        %dma_wait3A_468 = tpu.memref_slice %arg12[%dma_wait3A_466, %dma_wait3A_467] : memref<10240x64xf32, #tpu.memory_space<vmem_shared>> -> memref<10240x64xf32, #tpu.memory_space<vmem_shared>>
        tpu.wait_indirect_dma semaphore(%run_scoped3A_456 : memref<!tpu.dma_semaphore, #tpu.memory_space<semaphore_mem>>) src(%arg9 : memref<400x64xf32, #tpu.memory_space<vmem>>) dst(%dma_wait3A_468 : memref<10240x64xf32, #tpu.memory_space<vmem_shared>>)
        tpu.yield
      }) : () -> ()
      %add3A = arith.constant 2 : i32
      %add3A_300 = arith.addi %mul3A_235, %add3A : i32
      %dma_start3A_301 = arith.constant 0 : i32
      %dma_start3A_302 = arith.constant 0 : i32
      %dma_start3A_303 = tpu.memref_slice %arg7[%dma_start3A_301, %dma_start3A_302] : memref<2x400xi32, #tpu.memory_space<vmem>> -> memref<1x400xi32, #tpu.memory_space<vmem>>
      %dma_start3A_304 = tpu.memref_squeeze %dma_start3A_303 : memref<1x400xi32, #tpu.memory_space<vmem>> -> memref<400xi32, #tpu.memory_space<vmem>>
      %dma_start3A_305 = arith.constant 0 : i32
      %dma_start3A_306 = arith.constant 0 : i32
      %dma_start3A_307 = tpu.memref_slice %arg4[%arg1, %dma_start3A_305, %dma_start3A_306] : memref<16x50x400xi32, #tpu.memory_space<hbm>> -> memref<1x50x400xi32, #tpu.memory_space<hbm>>
      %dma_start3A_308 = tpu.memref_squeeze %dma_start3A_307 : memref<1x50x400xi32, #tpu.memory_space<hbm>> -> memref<50x400xi32, #tpu.memory_space<hbm>>
      %dma_start3A_309 = arith.constant 0 : i32
      %dma_start3A_310 = tpu.memref_slice %dma_start3A_308[%add3A_300, %dma_start3A_309] : memref<50x400xi32, #tpu.memory_space<hbm>> -> memref<1x400xi32, #tpu.memory_space<hbm>>
      %dma_start3A_311 = tpu.memref_squeeze %dma_start3A_310 : memref<1x400xi32, #tpu.memory_space<hbm>> -> memref<400xi32, #tpu.memory_space<hbm>>
      %dma_start3A_312 = arith.constant 0 : i32
      %dma_start3A_313 = tpu.memref_slice %arg7[%dma_start3A_301, %dma_start3A_312] : memref<2x400xi32, #tpu.memory_space<vmem>> -> memref<1x400xi32, #tpu.memory_space<vmem>>
      %dma_start3A_314 = tpu.memref_squeeze %dma_start3A_313 : memref<1x400xi32, #tpu.memory_space<vmem>> -> memref<400xi32, #tpu.memory_space<vmem>>
      %dma_start3A_315 = arith.constant 0 : i32
      %dma_start3A_316 = arith.constant 0 : i32
      %dma_start3A_317 = tpu.memref_slice %arg4[%arg1, %dma_start3A_315, %dma_start3A_316] : memref<16x50x400xi32, #tpu.memory_space<hbm>> -> memref<1x50x400xi32, #tpu.memory_space<hbm>>
      %dma_start3A_318 = tpu.memref_squeeze %dma_start3A_317 : memref<1x50x400xi32, #tpu.memory_space<hbm>> -> memref<50x400xi32, #tpu.memory_space<hbm>>
      %dma_start3A_319 = arith.constant 0 : i32
      %dma_start3A_320 = tpu.memref_slice %dma_start3A_318[%add3A_300, %dma_start3A_319] : memref<50x400xi32, #tpu.memory_space<hbm>> -> memref<1x400xi32, #tpu.memory_space<hbm>>
      %dma_start3A_321 = tpu.memref_squeeze %dma_start3A_320 : memref<1x400xi32, #tpu.memory_space<hbm>> -> memref<400xi32, #tpu.memory_space<hbm>>
      tpu.enqueue_dma source(%dma_start3A_321 : memref<400xi32, #tpu.memory_space<hbm>>) target(%dma_start3A_314 : memref<400xi32, #tpu.memory_space<vmem>>) target_semaphore(%arg15 : memref<!tpu.dma_semaphore, #tpu.memory_space<semaphore_mem>>)
      %dma_start3A_322 = arith.constant 0 : i32
      %dma_start3A_323 = arith.constant 0 : i32
      %dma_start3A_324 = tpu.memref_slice %arg8[%dma_start3A_322, %dma_start3A_323] : memref<2x400xi32, #tpu.memory_space<vmem>> -> memref<1x400xi32, #tpu.memory_space<vmem>>
      %dma_start3A_325 = tpu.memref_squeeze %dma_start3A_324 : memref<1x400xi32, #tpu.memory_space<vmem>> -> memref<400xi32, #tpu.memory_space<vmem>>
      %dma_start3A_326 = arith.constant 0 : i32
      %dma_start3A_327 = arith.constant 0 : i32
      %dma_start3A_328 = tpu.memref_slice %arg5[%arg1, %dma_start3A_326, %dma_start3A_327] : memref<16x50x400xi32, #tpu.memory_space<hbm>> -> memref<1x50x400xi32, #tpu.memory_space<hbm>>
      %dma_start3A_329 = tpu.memref_squeeze %dma_start3A_328 : memref<1x50x400xi32, #tpu.memory_space<hbm>> -> memref<50x400xi32, #tpu.memory_space<hbm>>
      %dma_start3A_330 = arith.constant 0 : i32
      %dma_start3A_331 = tpu.memref_slice %dma_start3A_329[%add3A_300, %dma_start3A_330] : memref<50x400xi32, #tpu.memory_space<hbm>> -> memref<1x400xi32, #tpu.memory_space<hbm>>
      %dma_start3A_332 = tpu.memref_squeeze %dma_start3A_331 : memref<1x400xi32, #tpu.memory_space<hbm>> -> memref<400xi32, #tpu.memory_space<hbm>>
      %dma_start3A_333 = arith.constant 0 : i32
      %dma_start3A_334 = tpu.memref_slice %arg8[%dma_start3A_322, %dma_start3A_333] : memref<2x400xi32, #tpu.memory_space<vmem>> -> memref<1x400xi32, #tpu.memory_space<vmem>>
      %dma_start3A_335 = tpu.memref_squeeze %dma_start3A_334 : memref<1x400xi32, #tpu.memory_space<vmem>> -> memref<400xi32, #tpu.memory_space<vmem>>
      %dma_start3A_336 = arith.constant 0 : i32
      %dma_start3A_337 = arith.constant 0 : i32
      %dma_start3A_338 = tpu.memref_slice %arg5[%arg1, %dma_start3A_336, %dma_start3A_337] : memref<16x50x400xi32, #tpu.memory_space<hbm>> -> memref<1x50x400xi32, #tpu.memory_space<hbm>>
      %dma_start3A_339 = tpu.memref_squeeze %dma_start3A_338 : memref<1x50x400xi32, #tpu.memory_space<hbm>> -> memref<50x400xi32, #tpu.memory_space<hbm>>
      %dma_start3A_340 = arith.constant 0 : i32
      %dma_start3A_341 = tpu.memref_slice %dma_start3A_339[%add3A_300, %dma_start3A_340] : memref<50x400xi32, #tpu.memory_space<hbm>> -> memref<1x400xi32, #tpu.memory_space<hbm>>
      %dma_start3A_342 = tpu.memref_squeeze %dma_start3A_341 : memref<1x400xi32, #tpu.memory_space<hbm>> -> memref<400xi32, #tpu.memory_space<hbm>>
      tpu.enqueue_dma source(%dma_start3A_342 : memref<400xi32, #tpu.memory_space<hbm>>) target(%dma_start3A_335 : memref<400xi32, #tpu.memory_space<vmem>>) target_semaphore(%arg15 : memref<!tpu.dma_semaphore, #tpu.memory_space<semaphore_mem>>)
      %mul3A_343 = arith.constant 2 : i32
      %mul3A_344 = arith.muli %scan3A_232, %mul3A_343 : i32
      %add3A_345 = arith.constant 1 : i32
      %add3A_346 = arith.addi %mul3A_344, %add3A_345 : i32
      %dma_wait3A_347 = arith.constant 1 : i32
      %dma_wait3A_348 = arith.constant 0 : i32
      %dma_wait3A_349 = tpu.memref_slice %arg7[%dma_wait3A_347, %dma_wait3A_348] : memref<2x400xi32, #tpu.memory_space<vmem>> -> memref<1x400xi32, #tpu.memory_space<vmem>>
      %dma_wait3A_350 = tpu.memref_squeeze %dma_wait3A_349 : memref<1x400xi32, #tpu.memory_space<vmem>> -> memref<400xi32, #tpu.memory_space<vmem>>
      %dma_wait3A_351 = arith.constant 0 : i32
      %dma_wait3A_352 = arith.constant 0 : i32
      %dma_wait3A_353 = tpu.memref_slice %arg2[%dma_wait3A_351, %dma_wait3A_352] : memref<10240x64xf32, #tpu.memory_space<hbm>> -> memref<10240x64xf32, #tpu.memory_space<hbm>>
      tpu.wait_indirect_dma semaphore(%arg14 : memref<!tpu.dma_semaphore, #tpu.memory_space<semaphore_mem>>) src(%dma_wait3A_353 : memref<10240x64xf32, #tpu.memory_space<hbm>>) dst(%arg10 : memref<400x64xf32, #tpu.memory_space<vmem>>)
      %dma_wait3A_354 = arith.constant 0 : i32
      %dma_wait3A_355 = arith.constant 0 : i32
      %dma_wait3A_356 = arith.constant 0 : i32
      %dma_wait3A_357 = tpu.memref_slice %arg7[%dma_wait3A_355, %dma_wait3A_356] : memref<2x400xi32, #tpu.memory_space<vmem>> -> memref<1x400xi32, #tpu.memory_space<vmem>>
      %dma_wait3A_358 = tpu.memref_squeeze %dma_wait3A_357 : memref<1x400xi32, #tpu.memory_space<vmem>> -> memref<400xi32, #tpu.memory_space<vmem>>
      %dma_wait3A_359 = arith.constant 0 : i32
      %dma_wait3A_360 = arith.constant 0 : i32
      %dma_wait3A_361 = tpu.memref_slice %arg4[%arg1, %dma_wait3A_359, %dma_wait3A_360] : memref<16x50x400xi32, #tpu.memory_space<hbm>> -> memref<1x50x400xi32, #tpu.memory_space<hbm>>
      %dma_wait3A_362 = tpu.memref_squeeze %dma_wait3A_361 : memref<1x50x400xi32, #tpu.memory_space<hbm>> -> memref<50x400xi32, #tpu.memory_space<hbm>>
      %dma_wait3A_363 = arith.constant 0 : i32
      %dma_wait3A_364 = tpu.memref_slice %dma_wait3A_362[%dma_wait3A_354, %dma_wait3A_363] : memref<50x400xi32, #tpu.memory_space<hbm>> -> memref<1x400xi32, #tpu.memory_space<hbm>>
      %dma_wait3A_365 = tpu.memref_squeeze %dma_wait3A_364 : memref<1x400xi32, #tpu.memory_space<hbm>> -> memref<400xi32, #tpu.memory_space<hbm>>
      %dma_wait3A_366 = arith.constant 0 : i32
      %dma_wait3A_367 = tpu.memref_slice %arg7[%dma_wait3A_355, %dma_wait3A_366] : memref<2x400xi32, #tpu.memory_space<vmem>> -> memref<1x400xi32, #tpu.memory_space<vmem>>
      %dma_wait3A_368 = tpu.memref_squeeze %dma_wait3A_367 : memref<1x400xi32, #tpu.memory_space<vmem>> -> memref<400xi32, #tpu.memory_space<vmem>>
      %dma_wait3A_369 = arith.constant 0 : i32
      %dma_wait3A_370 = arith.constant 0 : i32
      %dma_wait3A_371 = tpu.memref_slice %arg4[%arg1, %dma_wait3A_369, %dma_wait3A_370] : memref<16x50x400xi32, #tpu.memory_space<hbm>> -> memref<1x50x400xi32, #tpu.memory_space<hbm>>
      %dma_wait3A_372 = tpu.memref_squeeze %dma_wait3A_371 : memref<1x50x400xi32, #tpu.memory_space<hbm>> -> memref<50x400xi32, #tpu.memory_space<hbm>>
      %dma_wait3A_373 = arith.constant 0 : i32
      %dma_wait3A_374 = tpu.memref_slice %dma_wait3A_372[%dma_wait3A_354, %dma_wait3A_373] : memref<50x400xi32, #tpu.memory_space<hbm>> -> memref<1x400xi32, #tpu.memory_space<hbm>>
      %dma_wait3A_375 = tpu.memref_squeeze %dma_wait3A_374 : memref<1x400xi32, #tpu.memory_space<hbm>> -> memref<400xi32, #tpu.memory_space<hbm>>
      tpu.wait_dma2 semaphore(%arg15 : memref<!tpu.dma_semaphore, #tpu.memory_space<semaphore_mem>>) src(%dma_wait3A_375 : memref<400xi32, #tpu.memory_space<hbm>>) dst(%dma_wait3A_368 : memref<400xi32, #tpu.memory_space<vmem>>)
      %dma_wait3A_376 = arith.constant 0 : i32
      %dma_wait3A_377 = arith.constant 0 : i32
      %dma_wait3A_378 = arith.constant 0 : i32
      %dma_wait3A_379 = tpu.memref_slice %arg8[%dma_wait3A_377, %dma_wait3A_378] : memref<2x400xi32, #tpu.memory_space<vmem>> -> memref<1x400xi32, #tpu.memory_space<vmem>>
      %dma_wait3A_380 = tpu.memref_squeeze %dma_wait3A_379 : memref<1x400xi32, #tpu.memory_space<vmem>> -> memref<400xi32, #tpu.memory_space<vmem>>
      %dma_wait3A_381 = arith.constant 0 : i32
      %dma_wait3A_382 = arith.constant 0 : i32
      %dma_wait3A_383 = tpu.memref_slice %arg5[%arg1, %dma_wait3A_381, %dma_wait3A_382] : memref<16x50x400xi32, #tpu.memory_space<hbm>> -> memref<1x50x400xi32, #tpu.memory_space<hbm>>
      %dma_wait3A_384 = tpu.memref_squeeze %dma_wait3A_383 : memref<1x50x400xi32, #tpu.memory_space<hbm>> -> memref<50x400xi32, #tpu.memory_space<hbm>>
      %dma_wait3A_385 = arith.constant 0 : i32
      %dma_wait3A_386 = tpu.memref_slice %dma_wait3A_384[%dma_wait3A_376, %dma_wait3A_385] : memref<50x400xi32, #tpu.memory_space<hbm>> -> memref<1x400xi32, #tpu.memory_space<hbm>>
      %dma_wait3A_387 = tpu.memref_squeeze %dma_wait3A_386 : memref<1x400xi32, #tpu.memory_space<hbm>> -> memref<400xi32, #tpu.memory_space<hbm>>
      %dma_wait3A_388 = arith.constant 0 : i32
      %dma_wait3A_389 = tpu.memref_slice %arg8[%dma_wait3A_377, %dma_wait3A_388] : memref<2x400xi32, #tpu.memory_space<vmem>> -> memref<1x400xi32, #tpu.memory_space<vmem>>
      %dma_wait3A_390 = tpu.memref_squeeze %dma_wait3A_389 : memref<1x400xi32, #tpu.memory_space<vmem>> -> memref<400xi32, #tpu.memory_space<vmem>>
      %dma_wait3A_391 = arith.constant 0 : i32
      %dma_wait3A_392 = arith.constant 0 : i32
      %dma_wait3A_393 = tpu.memref_slice %arg5[%arg1, %dma_wait3A_391, %dma_wait3A_392] : memref<16x50x400xi32, #tpu.memory_space<hbm>> -> memref<1x50x400xi32, #tpu.memory_space<hbm>>
      %dma_wait3A_394 = tpu.memref_squeeze %dma_wait3A_393 : memref<1x50x400xi32, #tpu.memory_space<hbm>> -> memref<50x400xi32, #tpu.memory_space<hbm>>
      %dma_wait3A_395 = arith.constant 0 : i32
      %dma_wait3A_396 = tpu.memref_slice %dma_wait3A_394[%dma_wait3A_376, %dma_wait3A_395] : memref<50x400xi32, #tpu.memory_space<hbm>> -> memref<1x400xi32, #tpu.memory_space<hbm>>
      %dma_wait3A_397 = tpu.memref_squeeze %dma_wait3A_396 : memref<1x400xi32, #tpu.memory_space<hbm>> -> memref<400xi32, #tpu.memory_space<hbm>>
      tpu.wait_dma2 semaphore(%arg15 : memref<!tpu.dma_semaphore, #tpu.memory_space<semaphore_mem>>) src(%dma_wait3A_397 : memref<400xi32, #tpu.memory_space<hbm>>) dst(%dma_wait3A_390 : memref<400xi32, #tpu.memory_space<vmem>>)
      %eq3A_398 = arith.constant 0 : i32
      %eq3A_399 = arith.cmpi eq, %arg0, %eq3A_398 : i32
      %convert_element_type3A_400 = arith.extui %eq3A_399 : i1 to i32
      %cond3A_401 = arith.constant 0 : i32
      %cond3A_402 = arith.constant 0 : i32
      %cond3A_403 = arith.cmpi ne, %convert_element_type3A_400, %cond3A_402 : i32
      scf.if %cond3A_403 {
        %dma_start3A_456 = arith.constant 0 : i32
        %dma_start3A_457 = tpu.memref_slice %arg7[%cond3A_401, %dma_start3A_456] : memref<2x400xi32, #tpu.memory_space<vmem>> -> memref<1x400xi32, #tpu.memory_space<vmem>>
        %dma_start3A_458 = tpu.memref_squeeze %dma_start3A_457 : memref<1x400xi32, #tpu.memory_space<vmem>> -> memref<400xi32, #tpu.memory_space<vmem>>
        %dma_start3A_459 = arith.constant 0 : i32
        %dma_start3A_460 = arith.constant 0 : i32
        %dma_start3A_461 = tpu.memref_slice %arg2[%dma_start3A_459, %dma_start3A_460] : memref<10240x64xf32, #tpu.memory_space<hbm>> -> memref<10240x64xf32, #tpu.memory_space<hbm>>
        tpu.enqueue_indirect_dma source(%dma_start3A_461 : memref<10240x64xf32, #tpu.memory_space<hbm>>) target(%arg9 : memref<400x64xf32, #tpu.memory_space<vmem>>) offsets(%dma_start3A_458 : memref<400xi32, #tpu.memory_space<vmem>>) semaphore(%arg13 : memref<!tpu.dma_semaphore, #tpu.memory_space<semaphore_mem>>)
      } else {
      }
      %eq3A_404 = arith.constant 1 : i32
      %eq3A_405 = arith.cmpi eq, %arg0, %eq3A_404 : i32
      %convert_element_type3A_406 = arith.extui %eq3A_405 : i1 to i32
      %cond3A_407 = arith.constant 0 : i32
      %cond3A_408 = arith.constant 0 : i32
      %cond3A_409 = arith.cmpi ne, %convert_element_type3A_406, %cond3A_408 : i32
      scf.if %cond3A_409 {
        %dma_start3A_456 = arith.constant 0 : i32
        %dma_start3A_457 = tpu.memref_slice %arg7[%cond3A_407, %dma_start3A_456] : memref<2x400xi32, #tpu.memory_space<vmem>> -> memref<1x400xi32, #tpu.memory_space<vmem>>
        %dma_start3A_458 = tpu.memref_squeeze %dma_start3A_457 : memref<1x400xi32, #tpu.memory_space<vmem>> -> memref<400xi32, #tpu.memory_space<vmem>>
        %dma_start3A_459 = arith.constant 0 : i32
        %dma_start3A_460 = arith.constant 0 : i32
        %dma_start3A_461 = tpu.memref_slice %arg3[%dma_start3A_459, %dma_start3A_460] : memref<10240x64xf32, #tpu.memory_space<hbm>> -> memref<10240x64xf32, #tpu.memory_space<hbm>>
        tpu.enqueue_indirect_dma source(%dma_start3A_461 : memref<10240x64xf32, #tpu.memory_space<hbm>>) target(%arg9 : memref<400x64xf32, #tpu.memory_space<vmem>>) offsets(%dma_start3A_458 : memref<400xi32, #tpu.memory_space<vmem>>) semaphore(%arg13 : memref<!tpu.dma_semaphore, #tpu.memory_space<semaphore_mem>>)
      } else {
      }
      %run_scoped3A_410 = arith.constant 1 : i32
      "tpu.region"() ({
        %run_scoped3A_456 = tpu.sem_alloc : memref<!tpu.dma_semaphore, #tpu.memory_space<semaphore_mem>>
        %dma_start3A_457 = arith.constant 0 : i32
        %dma_start3A_458 = tpu.memref_slice %arg8[%run_scoped3A_410, %dma_start3A_457] : memref<2x400xi32, #tpu.memory_space<vmem>> -> memref<1x400xi32, #tpu.memory_space<vmem>>
        %dma_start3A_459 = tpu.memref_squeeze %dma_start3A_458 : memref<1x400xi32, #tpu.memory_space<vmem>> -> memref<400xi32, #tpu.memory_space<vmem>>
        %dma_start3A_460 = arith.constant 0 : i32
        %dma_start3A_461 = arith.constant 0 : i32
        %dma_start3A_462 = tpu.memref_slice %arg12[%dma_start3A_460, %dma_start3A_461] : memref<10240x64xf32, #tpu.memory_space<vmem_shared>> -> memref<10240x64xf32, #tpu.memory_space<vmem_shared>>
        tpu.enqueue_indirect_dma source(%arg10 : memref<400x64xf32, #tpu.memory_space<vmem>>) target(%dma_start3A_462 : memref<10240x64xf32, #tpu.memory_space<vmem_shared>>) offsets(%dma_start3A_459 : memref<400xi32, #tpu.memory_space<vmem>>) semaphore(%run_scoped3A_456 : memref<!tpu.dma_semaphore, #tpu.memory_space<semaphore_mem>>) {add = true}
        %dma_wait3A_463 = arith.constant 0 : i32
        %dma_wait3A_464 = tpu.memref_slice %arg8[%run_scoped3A_410, %dma_wait3A_463] : memref<2x400xi32, #tpu.memory_space<vmem>> -> memref<1x400xi32, #tpu.memory_space<vmem>>
        %dma_wait3A_465 = tpu.memref_squeeze %dma_wait3A_464 : memref<1x400xi32, #tpu.memory_space<vmem>> -> memref<400xi32, #tpu.memory_space<vmem>>
        %dma_wait3A_466 = arith.constant 0 : i32
        %dma_wait3A_467 = arith.constant 0 : i32
        %dma_wait3A_468 = tpu.memref_slice %arg12[%dma_wait3A_466, %dma_wait3A_467] : memref<10240x64xf32, #tpu.memory_space<vmem_shared>> -> memref<10240x64xf32, #tpu.memory_space<vmem_shared>>
        tpu.wait_indirect_dma semaphore(%run_scoped3A_456 : memref<!tpu.dma_semaphore, #tpu.memory_space<semaphore_mem>>) src(%arg10 : memref<400x64xf32, #tpu.memory_space<vmem>>) dst(%dma_wait3A_468 : memref<10240x64xf32, #tpu.memory_space<vmem_shared>>)
        tpu.yield
      }) : () -> ()
      %add3A_411 = arith.constant 2 : i32
      %add3A_412 = arith.addi %add3A_346, %add3A_411 : i32
      %dma_start3A_413 = arith.constant 1 : i32
      %dma_start3A_414 = arith.constant 0 : i32
      %dma_start3A_415 = tpu.memref_slice %arg7[%dma_start3A_413, %dma_start3A_414] : memref<2x400xi32, #tpu.memory_space<vmem>> -> memref<1x400xi32, #tpu.memory_space<vmem>>
      %dma_start3A_416 = tpu.memref_squeeze %dma_start3A_415 : memref<1x400xi32, #tpu.memory_space<vmem>> -> memref<400xi32, #tpu.memory_space<vmem>>
      %dma_start3A_417 = arith.constant 0 : i32
      %dma_start3A_418 = arith.constant 0 : i32
      %dma_start3A_419 = tpu.memref_slice %arg4[%arg1, %dma_start3A_417, %dma_start3A_418] : memref<16x50x400xi32, #tpu.memory_space<hbm>> -> memref<1x50x400xi32, #tpu.memory_space<hbm>>
      %dma_start3A_420 = tpu.memref_squeeze %dma_start3A_419 : memref<1x50x400xi32, #tpu.memory_space<hbm>> -> memref<50x400xi32, #tpu.memory_space<hbm>>
      %dma_start3A_421 = arith.constant 0 : i32
      %dma_start3A_422 = tpu.memref_slice %dma_start3A_420[%add3A_412, %dma_start3A_421] : memref<50x400xi32, #tpu.memory_space<hbm>> -> memref<1x400xi32, #tpu.memory_space<hbm>>
      %dma_start3A_423 = tpu.memref_squeeze %dma_start3A_422 : memref<1x400xi32, #tpu.memory_space<hbm>> -> memref<400xi32, #tpu.memory_space<hbm>>
      %dma_start3A_424 = arith.constant 0 : i32
      %dma_start3A_425 = tpu.memref_slice %arg7[%dma_start3A_413, %dma_start3A_424] : memref<2x400xi32, #tpu.memory_space<vmem>> -> memref<1x400xi32, #tpu.memory_space<vmem>>
      %dma_start3A_426 = tpu.memref_squeeze %dma_start3A_425 : memref<1x400xi32, #tpu.memory_space<vmem>> -> memref<400xi32, #tpu.memory_space<vmem>>
      %dma_start3A_427 = arith.constant 0 : i32
      %dma_start3A_428 = arith.constant 0 : i32
      %dma_start3A_429 = tpu.memref_slice %arg4[%arg1, %dma_start3A_427, %dma_start3A_428] : memref<16x50x400xi32, #tpu.memory_space<hbm>> -> memref<1x50x400xi32, #tpu.memory_space<hbm>>
      %dma_start3A_430 = tpu.memref_squeeze %dma_start3A_429 : memref<1x50x400xi32, #tpu.memory_space<hbm>> -> memref<50x400xi32, #tpu.memory_space<hbm>>
      %dma_start3A_431 = arith.constant 0 : i32
      %dma_start3A_432 = tpu.memref_slice %dma_start3A_430[%add3A_412, %dma_start3A_431] : memref<50x400xi32, #tpu.memory_space<hbm>> -> memref<1x400xi32, #tpu.memory_space<hbm>>
      %dma_start3A_433 = tpu.memref_squeeze %dma_start3A_432 : memref<1x400xi32, #tpu.memory_space<hbm>> -> memref<400xi32, #tpu.memory_space<hbm>>
      tpu.enqueue_dma source(%dma_start3A_433 : memref<400xi32, #tpu.memory_space<hbm>>) target(%dma_start3A_426 : memref<400xi32, #tpu.memory_space<vmem>>) target_semaphore(%arg16 : memref<!tpu.dma_semaphore, #tpu.memory_space<semaphore_mem>>)
      %dma_start3A_434 = arith.constant 1 : i32
      %dma_start3A_435 = arith.constant 0 : i32
      %dma_start3A_436 = tpu.memref_slice %arg8[%dma_start3A_434, %dma_start3A_435] : memref<2x400xi32, #tpu.memory_space<vmem>> -> memref<1x400xi32, #tpu.memory_space<vmem>>
      %dma_start3A_437 = tpu.memref_squeeze %dma_start3A_436 : memref<1x400xi32, #tpu.memory_space<vmem>> -> memref<400xi32, #tpu.memory_space<vmem>>
      %dma_start3A_438 = arith.constant 0 : i32
      %dma_start3A_439 = arith.constant 0 : i32
      %dma_start3A_440 = tpu.memref_slice %arg5[%arg1, %dma_start3A_438, %dma_start3A_439] : memref<16x50x400xi32, #tpu.memory_space<hbm>> -> memref<1x50x400xi32, #tpu.memory_space<hbm>>
      %dma_start3A_441 = tpu.memref_squeeze %dma_start3A_440 : memref<1x50x400xi32, #tpu.memory_space<hbm>> -> memref<50x400xi32, #tpu.memory_space<hbm>>
      %dma_start3A_442 = arith.constant 0 : i32
      %dma_start3A_443 = tpu.memref_slice %dma_start3A_441[%add3A_412, %dma_start3A_442] : memref<50x400xi32, #tpu.memory_space<hbm>> -> memref<1x400xi32, #tpu.memory_space<hbm>>
      %dma_start3A_444 = tpu.memref_squeeze %dma_start3A_443 : memref<1x400xi32, #tpu.memory_space<hbm>> -> memref<400xi32, #tpu.memory_space<hbm>>
      %dma_start3A_445 = arith.constant 0 : i32
      %dma_start3A_446 = tpu.memref_slice %arg8[%dma_start3A_434, %dma_start3A_445] : memref<2x400xi32, #tpu.memory_space<vmem>> -> memref<1x400xi32, #tpu.memory_space<vmem>>
      %dma_start3A_447 = tpu.memref_squeeze %dma_start3A_446 : memref<1x400xi32, #tpu.memory_space<vmem>> -> memref<400xi32, #tpu.memory_space<vmem>>
      %dma_start3A_448 = arith.constant 0 : i32
      %dma_start3A_449 = arith.constant 0 : i32
      %dma_start3A_450 = tpu.memref_slice %arg5[%arg1, %dma_start3A_448, %dma_start3A_449] : memref<16x50x400xi32, #tpu.memory_space<hbm>> -> memref<1x50x400xi32, #tpu.memory_space<hbm>>
      %dma_start3A_451 = tpu.memref_squeeze %dma_start3A_450 : memref<1x50x400xi32, #tpu.memory_space<hbm>> -> memref<50x400xi32, #tpu.memory_space<hbm>>
      %dma_start3A_452 = arith.constant 0 : i32
      %dma_start3A_453 = tpu.memref_slice %dma_start3A_451[%add3A_412, %dma_start3A_452] : memref<50x400xi32, #tpu.memory_space<hbm>> -> memref<1x400xi32, #tpu.memory_space<hbm>>
      %dma_start3A_454 = tpu.memref_squeeze %dma_start3A_453 : memref<1x400xi32, #tpu.memory_space<hbm>> -> memref<400xi32, #tpu.memory_space<hbm>>
      tpu.enqueue_dma source(%dma_start3A_454 : memref<400xi32, #tpu.memory_space<hbm>>) target(%dma_start3A_447 : memref<400xi32, #tpu.memory_space<vmem>>) target_semaphore(%arg16 : memref<!tpu.dma_semaphore, #tpu.memory_space<semaphore_mem>>)
      %scan3A_455 = arith.constant 0 : i32
      scf.yield %scan3A_455 : i32
    }
    %scan3A_158 = arith.constant 24 : i32
    %dma_wait3A_159 = arith.constant 0 : i32
    %dma_wait3A_160 = arith.constant 0 : i32
    %dma_wait3A_161 = tpu.memref_slice %arg7[%dma_wait3A_159, %dma_wait3A_160] : memref<2x400xi32, #tpu.memory_space<vmem>> -> memref<1x400xi32, #tpu.memory_space<vmem>>
    %dma_wait3A_162 = tpu.memref_squeeze %dma_wait3A_161 : memref<1x400xi32, #tpu.memory_space<vmem>> -> memref<400xi32, #tpu.memory_space<vmem>>
    %dma_wait3A_163 = arith.constant 0 : i32
    %dma_wait3A_164 = arith.constant 0 : i32
    %dma_wait3A_165 = tpu.memref_slice %arg2[%dma_wait3A_163, %dma_wait3A_164] : memref<10240x64xf32, #tpu.memory_space<hbm>> -> memref<10240x64xf32, #tpu.memory_space<hbm>>
    tpu.wait_indirect_dma semaphore(%arg13 : memref<!tpu.dma_semaphore, #tpu.memory_space<semaphore_mem>>) src(%dma_wait3A_165 : memref<10240x64xf32, #tpu.memory_space<hbm>>) dst(%arg9 : memref<400x64xf32, #tpu.memory_space<vmem>>)
    %dma_wait3A_166 = arith.constant 0 : i32
    %dma_wait3A_167 = arith.constant 1 : i32
    %dma_wait3A_168 = arith.constant 0 : i32
    %dma_wait3A_169 = tpu.memref_slice %arg7[%dma_wait3A_167, %dma_wait3A_168] : memref<2x400xi32, #tpu.memory_space<vmem>> -> memref<1x400xi32, #tpu.memory_space<vmem>>
    %dma_wait3A_170 = tpu.memref_squeeze %dma_wait3A_169 : memref<1x400xi32, #tpu.memory_space<vmem>> -> memref<400xi32, #tpu.memory_space<vmem>>
    %dma_wait3A_171 = arith.constant 0 : i32
    %dma_wait3A_172 = arith.constant 0 : i32
    %dma_wait3A_173 = tpu.memref_slice %arg4[%arg1, %dma_wait3A_171, %dma_wait3A_172] : memref<16x50x400xi32, #tpu.memory_space<hbm>> -> memref<1x50x400xi32, #tpu.memory_space<hbm>>
    %dma_wait3A_174 = tpu.memref_squeeze %dma_wait3A_173 : memref<1x50x400xi32, #tpu.memory_space<hbm>> -> memref<50x400xi32, #tpu.memory_space<hbm>>
    %dma_wait3A_175 = arith.constant 0 : i32
    %dma_wait3A_176 = tpu.memref_slice %dma_wait3A_174[%dma_wait3A_166, %dma_wait3A_175] : memref<50x400xi32, #tpu.memory_space<hbm>> -> memref<1x400xi32, #tpu.memory_space<hbm>>
    %dma_wait3A_177 = tpu.memref_squeeze %dma_wait3A_176 : memref<1x400xi32, #tpu.memory_space<hbm>> -> memref<400xi32, #tpu.memory_space<hbm>>
    %dma_wait3A_178 = arith.constant 0 : i32
    %dma_wait3A_179 = tpu.memref_slice %arg7[%dma_wait3A_167, %dma_wait3A_178] : memref<2x400xi32, #tpu.memory_space<vmem>> -> memref<1x400xi32, #tpu.memory_space<vmem>>
    %dma_wait3A_180 = tpu.memref_squeeze %dma_wait3A_179 : memref<1x400xi32, #tpu.memory_space<vmem>> -> memref<400xi32, #tpu.memory_space<vmem>>
    %dma_wait3A_181 = arith.constant 0 : i32
    %dma_wait3A_182 = arith.constant 0 : i32
    %dma_wait3A_183 = tpu.memref_slice %arg4[%arg1, %dma_wait3A_181, %dma_wait3A_182] : memref<16x50x400xi32, #tpu.memory_space<hbm>> -> memref<1x50x400xi32, #tpu.memory_space<hbm>>
    %dma_wait3A_184 = tpu.memref_squeeze %dma_wait3A_183 : memref<1x50x400xi32, #tpu.memory_space<hbm>> -> memref<50x400xi32, #tpu.memory_space<hbm>>
    %dma_wait3A_185 = arith.constant 0 : i32
    %dma_wait3A_186 = tpu.memref_slice %dma_wait3A_184[%dma_wait3A_166, %dma_wait3A_185] : memref<50x400xi32, #tpu.memory_space<hbm>> -> memref<1x400xi32, #tpu.memory_space<hbm>>
    %dma_wait3A_187 = tpu.memref_squeeze %dma_wait3A_186 : memref<1x400xi32, #tpu.memory_space<hbm>> -> memref<400xi32, #tpu.memory_space<hbm>>
    tpu.wait_dma2 semaphore(%arg16 : memref<!tpu.dma_semaphore, #tpu.memory_space<semaphore_mem>>) src(%dma_wait3A_187 : memref<400xi32, #tpu.memory_space<hbm>>) dst(%dma_wait3A_180 : memref<400xi32, #tpu.memory_space<vmem>>)
    %dma_wait3A_188 = arith.constant 0 : i32
    %dma_wait3A_189 = arith.constant 1 : i32
    %dma_wait3A_190 = arith.constant 0 : i32
    %dma_wait3A_191 = tpu.memref_slice %arg8[%dma_wait3A_189, %dma_wait3A_190] : memref<2x400xi32, #tpu.memory_space<vmem>> -> memref<1x400xi32, #tpu.memory_space<vmem>>
    %dma_wait3A_192 = tpu.memref_squeeze %dma_wait3A_191 : memref<1x400xi32, #tpu.memory_space<vmem>> -> memref<400xi32, #tpu.memory_space<vmem>>
    %dma_wait3A_193 = arith.constant 0 : i32
    %dma_wait3A_194 = arith.constant 0 : i32
    %dma_wait3A_195 = tpu.memref_slice %arg5[%arg1, %dma_wait3A_193, %dma_wait3A_194] : memref<16x50x400xi32, #tpu.memory_space<hbm>> -> memref<1x50x400xi32, #tpu.memory_space<hbm>>
    %dma_wait3A_196 = tpu.memref_squeeze %dma_wait3A_195 : memref<1x50x400xi32, #tpu.memory_space<hbm>> -> memref<50x400xi32, #tpu.memory_space<hbm>>
    %dma_wait3A_197 = arith.constant 0 : i32
    %dma_wait3A_198 = tpu.memref_slice %dma_wait3A_196[%dma_wait3A_188, %dma_wait3A_197] : memref<50x400xi32, #tpu.memory_space<hbm>> -> memref<1x400xi32, #tpu.memory_space<hbm>>
    %dma_wait3A_199 = tpu.memref_squeeze %dma_wait3A_198 : memref<1x400xi32, #tpu.memory_space<hbm>> -> memref<400xi32, #tpu.memory_space<hbm>>
    %dma_wait3A_200 = arith.constant 0 : i32
    %dma_wait3A_201 = tpu.memref_slice %arg8[%dma_wait3A_189, %dma_wait3A_200] : memref<2x400xi32, #tpu.memory_space<vmem>> -> memref<1x400xi32, #tpu.memory_space<vmem>>
    %dma_wait3A_202 = tpu.memref_squeeze %dma_wait3A_201 : memref<1x400xi32, #tpu.memory_space<vmem>> -> memref<400xi32, #tpu.memory_space<vmem>>
    %dma_wait3A_203 = arith.constant 0 : i32
    %dma_wait3A_204 = arith.constant 0 : i32
    %dma_wait3A_205 = tpu.memref_slice %arg5[%arg1, %dma_wait3A_203, %dma_wait3A_204] : memref<16x50x400xi32, #tpu.memory_space<hbm>> -> memref<1x50x400xi32, #tpu.memory_space<hbm>>
    %dma_wait3A_206 = tpu.memref_squeeze %dma_wait3A_205 : memref<1x50x400xi32, #tpu.memory_space<hbm>> -> memref<50x400xi32, #tpu.memory_space<hbm>>
    %dma_wait3A_207 = arith.constant 0 : i32
    %dma_wait3A_208 = tpu.memref_slice %dma_wait3A_206[%dma_wait3A_188, %dma_wait3A_207] : memref<50x400xi32, #tpu.memory_space<hbm>> -> memref<1x400xi32, #tpu.memory_space<hbm>>
    %dma_wait3A_209 = tpu.memref_squeeze %dma_wait3A_208 : memref<1x400xi32, #tpu.memory_space<hbm>> -> memref<400xi32, #tpu.memory_space<hbm>>
    tpu.wait_dma2 semaphore(%arg16 : memref<!tpu.dma_semaphore, #tpu.memory_space<semaphore_mem>>) src(%dma_wait3A_209 : memref<400xi32, #tpu.memory_space<hbm>>) dst(%dma_wait3A_202 : memref<400xi32, #tpu.memory_space<vmem>>)
    %eq3A_210 = arith.constant 0 : i32
    %eq3A_211 = arith.cmpi eq, %arg0, %eq3A_210 : i32
    %convert_element_type3A_212 = arith.extui %eq3A_211 : i1 to i32
    %cond3A_213 = arith.constant 1 : i32
    %cond3A_214 = arith.constant 0 : i32
    %cond3A_215 = arith.cmpi ne, %convert_element_type3A_212, %cond3A_214 : i32
    scf.if %cond3A_215 {
      %dma_start3A_232 = arith.constant 0 : i32
      %dma_start3A_233 = tpu.memref_slice %arg7[%cond3A_213, %dma_start3A_232] : memref<2x400xi32, #tpu.memory_space<vmem>> -> memref<1x400xi32, #tpu.memory_space<vmem>>
      %dma_start3A_234 = tpu.memref_squeeze %dma_start3A_233 : memref<1x400xi32, #tpu.memory_space<vmem>> -> memref<400xi32, #tpu.memory_space<vmem>>
      %dma_start3A_235 = arith.constant 0 : i32
      %dma_start3A_236 = arith.constant 0 : i32
      %dma_start3A_237 = tpu.memref_slice %arg2[%dma_start3A_235, %dma_start3A_236] : memref<10240x64xf32, #tpu.memory_space<hbm>> -> memref<10240x64xf32, #tpu.memory_space<hbm>>
      tpu.enqueue_indirect_dma source(%dma_start3A_237 : memref<10240x64xf32, #tpu.memory_space<hbm>>) target(%arg10 : memref<400x64xf32, #tpu.memory_space<vmem>>) offsets(%dma_start3A_234 : memref<400xi32, #tpu.memory_space<vmem>>) semaphore(%arg14 : memref<!tpu.dma_semaphore, #tpu.memory_space<semaphore_mem>>)
    } else {
    }
    %eq3A_216 = arith.constant 1 : i32
    %eq3A_217 = arith.cmpi eq, %arg0, %eq3A_216 : i32
    %convert_element_type3A_218 = arith.extui %eq3A_217 : i1 to i32
    %cond3A_219 = arith.constant 1 : i32
    %cond3A_220 = arith.constant 0 : i32
    %cond3A_221 = arith.cmpi ne, %convert_element_type3A_218, %cond3A_220 : i32
    scf.if %cond3A_221 {
      %dma_start3A_232 = arith.constant 0 : i32
      %dma_start3A_233 = tpu.memref_slice %arg7[%cond3A_219, %dma_start3A_232] : memref<2x400xi32, #tpu.memory_space<vmem>> -> memref<1x400xi32, #tpu.memory_space<vmem>>
      %dma_start3A_234 = tpu.memref_squeeze %dma_start3A_233 : memref<1x400xi32, #tpu.memory_space<vmem>> -> memref<400xi32, #tpu.memory_space<vmem>>
      %dma_start3A_235 = arith.constant 0 : i32
      %dma_start3A_236 = arith.constant 0 : i32
      %dma_start3A_237 = tpu.memref_slice %arg3[%dma_start3A_235, %dma_start3A_236] : memref<10240x64xf32, #tpu.memory_space<hbm>> -> memref<10240x64xf32, #tpu.memory_space<hbm>>
      tpu.enqueue_indirect_dma source(%dma_start3A_237 : memref<10240x64xf32, #tpu.memory_space<hbm>>) target(%arg10 : memref<400x64xf32, #tpu.memory_space<vmem>>) offsets(%dma_start3A_234 : memref<400xi32, #tpu.memory_space<vmem>>) semaphore(%arg14 : memref<!tpu.dma_semaphore, #tpu.memory_space<semaphore_mem>>)
    } else {
    }
    %run_scoped3A = arith.constant 0 : i32
    "tpu.region"() ({
      %run_scoped3A_232 = tpu.sem_alloc : memref<!tpu.dma_semaphore, #tpu.memory_space<semaphore_mem>>
      %dma_start3A_233 = arith.constant 0 : i32
      %dma_start3A_234 = tpu.memref_slice %arg8[%run_scoped3A, %dma_start3A_233] : memref<2x400xi32, #tpu.memory_space<vmem>> -> memref<1x400xi32, #tpu.memory_space<vmem>>
      %dma_start3A_235 = tpu.memref_squeeze %dma_start3A_234 : memref<1x400xi32, #tpu.memory_space<vmem>> -> memref<400xi32, #tpu.memory_space<vmem>>
      %dma_start3A_236 = arith.constant 0 : i32
      %dma_start3A_237 = arith.constant 0 : i32
      %dma_start3A_238 = tpu.memref_slice %arg12[%dma_start3A_236, %dma_start3A_237] : memref<10240x64xf32, #tpu.memory_space<vmem_shared>> -> memref<10240x64xf32, #tpu.memory_space<vmem_shared>>
      tpu.enqueue_indirect_dma source(%arg9 : memref<400x64xf32, #tpu.memory_space<vmem>>) target(%dma_start3A_238 : memref<10240x64xf32, #tpu.memory_space<vmem_shared>>) offsets(%dma_start3A_235 : memref<400xi32, #tpu.memory_space<vmem>>) semaphore(%run_scoped3A_232 : memref<!tpu.dma_semaphore, #tpu.memory_space<semaphore_mem>>) {add = true}
      %dma_wait3A_239 = arith.constant 0 : i32
      %dma_wait3A_240 = tpu.memref_slice %arg8[%run_scoped3A, %dma_wait3A_239] : memref<2x400xi32, #tpu.memory_space<vmem>> -> memref<1x400xi32, #tpu.memory_space<vmem>>
      %dma_wait3A_241 = tpu.memref_squeeze %dma_wait3A_240 : memref<1x400xi32, #tpu.memory_space<vmem>> -> memref<400xi32, #tpu.memory_space<vmem>>
      %dma_wait3A_242 = arith.constant 0 : i32
      %dma_wait3A_243 = arith.constant 0 : i32
      %dma_wait3A_244 = tpu.memref_slice %arg12[%dma_wait3A_242, %dma_wait3A_243] : memref<10240x64xf32, #tpu.memory_space<vmem_shared>> -> memref<10240x64xf32, #tpu.memory_space<vmem_shared>>
      tpu.wait_indirect_dma semaphore(%run_scoped3A_232 : memref<!tpu.dma_semaphore, #tpu.memory_space<semaphore_mem>>) src(%arg9 : memref<400x64xf32, #tpu.memory_space<vmem>>) dst(%dma_wait3A_244 : memref<10240x64xf32, #tpu.memory_space<vmem_shared>>)
      tpu.yield
    }) : () -> ()
    %dma_wait3A_222 = arith.constant 1 : i32
    %dma_wait3A_223 = arith.constant 0 : i32
    %dma_wait3A_224 = tpu.memref_slice %arg7[%dma_wait3A_222, %dma_wait3A_223] : memref<2x400xi32, #tpu.memory_space<vmem>> -> memref<1x400xi32, #tpu.memory_space<vmem>>
    %dma_wait3A_225 = tpu.memref_squeeze %dma_wait3A_224 : memref<1x400xi32, #tpu.memory_space<vmem>> -> memref<400xi32, #tpu.memory_space<vmem>>
    %dma_wait3A_226 = arith.constant 0 : i32
    %dma_wait3A_227 = arith.constant 0 : i32
    %dma_wait3A_228 = tpu.memref_slice %arg2[%dma_wait3A_226, %dma_wait3A_227] : memref<10240x64xf32, #tpu.memory_space<hbm>> -> memref<10240x64xf32, #tpu.memory_space<hbm>>
    tpu.wait_indirect_dma semaphore(%arg14 : memref<!tpu.dma_semaphore, #tpu.memory_space<semaphore_mem>>) src(%dma_wait3A_228 : memref<10240x64xf32, #tpu.memory_space<hbm>>) dst(%arg10 : memref<400x64xf32, #tpu.memory_space<vmem>>)
    %run_scoped3A_229 = arith.constant 1 : i32
    "tpu.region"() ({
      %run_scoped3A_232 = tpu.sem_alloc : memref<!tpu.dma_semaphore, #tpu.memory_space<semaphore_mem>>
      %dma_start3A_233 = arith.constant 0 : i32
      %dma_start3A_234 = tpu.memref_slice %arg8[%run_scoped3A_229, %dma_start3A_233] : memref<2x400xi32, #tpu.memory_space<vmem>> -> memref<1x400xi32, #tpu.memory_space<vmem>>
      %dma_start3A_235 = tpu.memref_squeeze %dma_start3A_234 : memref<1x400xi32, #tpu.memory_space<vmem>> -> memref<400xi32, #tpu.memory_space<vmem>>
      %dma_start3A_236 = arith.constant 0 : i32
      %dma_start3A_237 = arith.constant 0 : i32
      %dma_start3A_238 = tpu.memref_slice %arg12[%dma_start3A_236, %dma_start3A_237] : memref<10240x64xf32, #tpu.memory_space<vmem_shared>> -> memref<10240x64xf32, #tpu.memory_space<vmem_shared>>
      tpu.enqueue_indirect_dma source(%arg10 : memref<400x64xf32, #tpu.memory_space<vmem>>) target(%dma_start3A_238 : memref<10240x64xf32, #tpu.memory_space<vmem_shared>>) offsets(%dma_start3A_235 : memref<400xi32, #tpu.memory_space<vmem>>) semaphore(%run_scoped3A_232 : memref<!tpu.dma_semaphore, #tpu.memory_space<semaphore_mem>>) {add = true}
      %dma_wait3A_239 = arith.constant 0 : i32
      %dma_wait3A_240 = tpu.memref_slice %arg8[%run_scoped3A_229, %dma_wait3A_239] : memref<2x400xi32, #tpu.memory_space<vmem>> -> memref<1x400xi32, #tpu.memory_space<vmem>>
      %dma_wait3A_241 = tpu.memref_squeeze %dma_wait3A_240 : memref<1x400xi32, #tpu.memory_space<vmem>> -> memref<400xi32, #tpu.memory_space<vmem>>
      %dma_wait3A_242 = arith.constant 0 : i32
      %dma_wait3A_243 = arith.constant 0 : i32
      %dma_wait3A_244 = tpu.memref_slice %arg12[%dma_wait3A_242, %dma_wait3A_243] : memref<10240x64xf32, #tpu.memory_space<vmem_shared>> -> memref<10240x64xf32, #tpu.memory_space<vmem_shared>>
      tpu.wait_indirect_dma semaphore(%run_scoped3A_232 : memref<!tpu.dma_semaphore, #tpu.memory_space<semaphore_mem>>) src(%arg10 : memref<400x64xf32, #tpu.memory_space<vmem>>) dst(%dma_wait3A_244 : memref<10240x64xf32, #tpu.memory_space<vmem_shared>>)
      tpu.yield
    }) : () -> ()
    %barrier3A_230 = arith.constant 0 : index
    tpu.barrier barrier_id(%barrier3A_230)
    %mul3A = arith.constant 640 : i32
    %mul3A_231 = arith.muli %arg1, %mul3A : i32
    "tpu.region"() ({
      %run_scoped3A_232 = tpu.sem_alloc : memref<!tpu.dma_semaphore, #tpu.memory_space<semaphore_mem>>
      %dma_start3A_233 = arith.constant 0 : i32
      %dma_start3A_234 = tpu.memref_slice %arg6[%arg0, %mul3A_231, %dma_start3A_233] : memref<2x10240x64xf32, #tpu.memory_space<hbm>> -> memref<1x640x64xf32, #tpu.memory_space<hbm>>
      %dma_start3A_235 = tpu.memref_squeeze %dma_start3A_234 : memref<1x640x64xf32, #tpu.memory_space<hbm>> -> memref<640x64xf32, #tpu.memory_space<hbm>>
      %dma_start3A_236 = arith.constant 0 : i32
      %dma_start3A_237 = tpu.memref_slice %arg12[%mul3A_231, %dma_start3A_236] : memref<10240x64xf32, #tpu.memory_space<vmem_shared>> -> memref<640x64xf32, #tpu.memory_space<vmem_shared>>
      tpu.enqueue_dma source(%dma_start3A_237 : memref<640x64xf32, #tpu.memory_space<vmem_shared>>) target(%dma_start3A_235 : memref<640x64xf32, #tpu.memory_space<hbm>>) target_semaphore(%run_scoped3A_232 : memref<!tpu.dma_semaphore, #tpu.memory_space<semaphore_mem>>)
      %dma_wait3A_238 = arith.constant 0 : i32
      %dma_wait3A_239 = tpu.memref_slice %arg6[%arg0, %mul3A_231, %dma_wait3A_238] : memref<2x10240x64xf32, #tpu.memory_space<hbm>> -> memref<1x640x64xf32, #tpu.memory_space<hbm>>
      %dma_wait3A_240 = tpu.memref_squeeze %dma_wait3A_239 : memref<1x640x64xf32, #tpu.memory_space<hbm>> -> memref<640x64xf32, #tpu.memory_space<hbm>>
      %dma_wait3A_241 = arith.constant 0 : i32
      %dma_wait3A_242 = tpu.memref_slice %arg12[%mul3A_231, %dma_wait3A_241] : memref<10240x64xf32, #tpu.memory_space<vmem_shared>> -> memref<640x64xf32, #tpu.memory_space<vmem_shared>>
      tpu.wait_dma2 semaphore(%run_scoped3A_232 : memref<!tpu.dma_semaphore, #tpu.memory_space<semaphore_mem>>) src(%dma_wait3A_242 : memref<640x64xf32, #tpu.memory_space<vmem_shared>>) dst(%dma_wait3A_240 : memref<640x64xf32, #tpu.memory_space<hbm>>)
      tpu.yield
    }) : () -> ()
    return
  }
}

module attributes {stable_mosaic.version = 14 : i64} {
  func.func @_m1_body(%arg0: i32, %arg1: memref<1024x128xf32, #tpu.memory_space<vmem>>, %arg2: memref<128x128xf32, #tpu.memory_space<vmem>>, %arg3: memref<1024x1xf32, #tpu.memory_space<vmem>>, %arg4: memref<1024x1xf32, #tpu.memory_space<vmem>>, %arg5: memref<1024x64xf32, #tpu.memory_space<vmem>>, %arg6: memref<1024x64xf32, #tpu.memory_space<vmem>>, %arg7: memref<1024x1xf32, #tpu.memory_space<vmem>>) attributes {dimension_semantics = [#tpu.dimension_semantics<arbitrary>], iteration_bounds = array<i64: 10>, scalar_prefetch = 0 : i64, scratch_operands = 0 : i64, tpu.core_type = #tpu.core_type<tc>, window_params = [{transform_indices = @transform_0, window_bounds = array<i64: 1024, 128>}, {pipeline_mode = #tpu.pipeline_mode<synchronous>, transform_indices = @transform_1, window_bounds = array<i64: 128, 128>}, {transform_indices = @transform_2, window_bounds = array<i64: 1024, 1>}, {transform_indices = @transform_3, window_bounds = array<i64: 1024, 1>}, {transform_indices = @transform_4, window_bounds = array<i64: 1024, 64>}, {transform_indices = @transform_5, window_bounds = array<i64: 1024, 64>}, {transform_indices = @transform_6, window_bounds = array<i64: 1024, 1>}]} {
    %get3A = arith.constant 0 : index
    %get3A_0 = arith.constant 0 : index
    %get3A_1 = vector.load %arg1[%get3A, %get3A_0] : memref<1024x128xf32, #tpu.memory_space<vmem>>, vector<1024x128xf32>
    %get3A_2 = arith.constant 0 : index
    %get3A_3 = arith.constant 0 : index
    %get3A_4 = vector.load %arg2[%get3A_2, %get3A_3] : memref<128x128xf32, #tpu.memory_space<vmem>>, vector<128x128xf32>
    %dot_general3A = arith.constant dense<0.000000e+00> : vector<1024x128xf32>
    %dot_general3A_5 = tpu.matmul %get3A_1, %get3A_4, %dot_general3A {dimension_numbers = #tpu.dot_dimension_numbers<[1], [0], [0], [1], [0, 0, 1, 1], [], []>, transpose_lhs_hint = false} : vector<1024x128xf32>, vector<128x128xf32>, vector<1024x128xf32> -> vector<1024x128xf32>
    %get3A_6 = arith.constant 0 : index
    %get3A_7 = arith.constant 0 : index
    %get3A_8 = vector.load %arg3[%get3A_6, %get3A_7] : memref<1024x1xf32, #tpu.memory_space<vmem>>, vector<1024x1xf32>
    %get3A_9 = arith.constant 0 : index
    %get3A_10 = arith.constant 0 : index
    %get3A_11 = vector.load %arg4[%get3A_9, %get3A_10] : memref<1024x1xf32, #tpu.memory_space<vmem>>, vector<1024x1xf32>
    %add3A = arith.addf %get3A_8, %get3A_11 : vector<1024x1xf32>
    %add3A_12 = arith.constant 1.000000e+00 : f32
    %add3A_13 = vector.broadcast %add3A_12 : f32 to vector<1024x1xf32>
    %add3A_14 = arith.addf %add3A, %add3A_13 : vector<1024x1xf32>
    %rsqrt3A = math.rsqrt %add3A_14 : vector<1024x1xf32>
    %mul3A = vector.broadcast %rsqrt3A : vector<1024x1xf32> to vector<1024x128xf32>
    %mul3A_15 = arith.mulf %dot_general3A_5, %mul3A : vector<1024x128xf32>
    %slice3A = vector.extract_strided_slice %mul3A_15 {offsets = [0, 0], sizes = [1024, 64], strides = [1, 1]} : vector<1024x128xf32> to vector<1024x64xf32>
    %swap3A = arith.constant 0 : index
    %swap3A_16 = arith.constant 0 : index
    %swap3A_17 = vector.load %arg5[%swap3A, %swap3A_16] : memref<1024x64xf32, #tpu.memory_space<vmem>>, vector<1024x64xf32>
    tpu.vector_store %arg5[%swap3A, %swap3A_16], %slice3A {strides = array<i32>} : memref<1024x64xf32, #tpu.memory_space<vmem>>, vector<1024x64xf32>,
    %slice3A_18 = vector.extract_strided_slice %mul3A_15 {offsets = [0, 64], sizes = [1024, 64], strides = [1, 1]} : vector<1024x128xf32> to vector<1024x64xf32>
    %swap3A_19 = arith.constant 0 : index
    %swap3A_20 = arith.constant 0 : index
    %swap3A_21 = vector.load %arg6[%swap3A_19, %swap3A_20] : memref<1024x64xf32, #tpu.memory_space<vmem>>, vector<1024x64xf32>
    tpu.vector_store %arg6[%swap3A_19, %swap3A_20], %slice3A_18 {strides = array<i32>} : memref<1024x64xf32, #tpu.memory_space<vmem>>, vector<1024x64xf32>,
    %swap3A_22 = arith.constant 0 : index
    %swap3A_23 = arith.constant 0 : index
    %swap3A_24 = vector.load %arg7[%swap3A_22, %swap3A_23] : memref<1024x1xf32, #tpu.memory_space<vmem>>, vector<1024x1xf32>
    tpu.vector_store %arg7[%swap3A_22, %swap3A_23], %rsqrt3A {strides = array<i32>} : memref<1024x1xf32, #tpu.memory_space<vmem>>, vector<1024x1xf32>,
    return
  }
  func.func @transform_0(%arg0: i32) -> (i32, i32) {
    %c0_i32 = arith.constant 0 : i32
    %c0_i32_0 = arith.constant 0 : i32
    return %arg0, %c0_i32 : i32, i32
  }
  func.func @transform_1(%arg0: i32) -> (i32, i32) {
    %c0_i32 = arith.constant 0 : i32
    %c0_i32_0 = arith.constant 0 : i32
    %c0_i32_1 = arith.constant 0 : i32
    return %c0_i32, %c0_i32_0 : i32, i32
  }
  func.func @transform_2(%arg0: i32) -> (i32, i32) {
    %c0_i32 = arith.constant 0 : i32
    %c0_i32_0 = arith.constant 0 : i32
    return %arg0, %c0_i32 : i32, i32
  }
  func.func @transform_3(%arg0: i32) -> (i32, i32) {
    %c0_i32 = arith.constant 0 : i32
    %c0_i32_0 = arith.constant 0 : i32
    return %arg0, %c0_i32 : i32, i32
  }
  func.func @transform_4(%arg0: i32) -> (i32, i32) {
    %c0_i32 = arith.constant 0 : i32
    %c0_i32_0 = arith.constant 0 : i32
    return %arg0, %c0_i32 : i32, i32
  }
  func.func @transform_5(%arg0: i32) -> (i32, i32) {
    %c0_i32 = arith.constant 0 : i32
    %c0_i32_0 = arith.constant 0 : i32
    return %arg0, %c0_i32 : i32, i32
  }
  func.func @transform_6(%arg0: i32) -> (i32, i32) {
    %c0_i32 = arith.constant 0 : i32
    %c0_i32_0 = arith.constant 0 : i32
    return %arg0, %c0_i32 : i32, i32
  }
}

module attributes {stable_mosaic.version = 14 : i64} {
  func.func @_m2_body(%arg0: i32, %arg1: memref<1024x64xf32, #tpu.memory_space<vmem>>, %arg2: memref<1024x64xf32, #tpu.memory_space<vmem>>, %arg3: memref<1024x64xf32, #tpu.memory_space<vmem>>, %arg4: memref<1024x64xf32, #tpu.memory_space<vmem>>, %arg5: memref<1024x1xf32, #tpu.memory_space<vmem>>, %arg6: memref<1x128xf32, #tpu.memory_space<vmem>>, %arg7: memref<128x64xf32, #tpu.memory_space<vmem>>, %arg8: memref<1024x64xf32, #tpu.memory_space<vmem>>) attributes {dimension_semantics = [#tpu.dimension_semantics<arbitrary>], iteration_bounds = array<i64: 10>, scalar_prefetch = 0 : i64, scratch_operands = 0 : i64, tpu.core_type = #tpu.core_type<tc>, window_params = [{transform_indices = @transform_0, window_bounds = array<i64: 1024, 64>}, {transform_indices = @transform_1, window_bounds = array<i64: 1024, 64>}, {transform_indices = @transform_2, window_bounds = array<i64: 1024, 64>}, {transform_indices = @transform_3, window_bounds = array<i64: 1024, 64>}, {transform_indices = @transform_4, window_bounds = array<i64: 1024, 1>}, {pipeline_mode = #tpu.pipeline_mode<synchronous>, transform_indices = @transform_5, window_bounds = array<i64: 1, 128>}, {pipeline_mode = #tpu.pipeline_mode<synchronous>, transform_indices = @transform_6, window_bounds = array<i64: 128, 64>}, {transform_indices = @transform_7, window_bounds = array<i64: 1024, 64>}]} {
    %get3A = arith.constant 0 : index
    %get3A_0 = arith.constant 0 : index
    %get3A_1 = vector.load %arg5[%get3A, %get3A_0] : memref<1024x1xf32, #tpu.memory_space<vmem>>, vector<1024x1xf32>
    %get3A_2 = arith.constant 0 : index
    %get3A_3 = arith.constant 0 : index
    %get3A_4 = vector.load %arg1[%get3A_2, %get3A_3] : memref<1024x64xf32, #tpu.memory_space<vmem>>, vector<1024x64xf32>
    %get3A_5 = arith.constant 0 : index
    %get3A_6 = arith.constant 0 : index
    %get3A_7 = vector.load %arg3[%get3A_5, %get3A_6] : memref<1024x64xf32, #tpu.memory_space<vmem>>, vector<1024x64xf32>
    %add3A = arith.addf %get3A_4, %get3A_7 : vector<1024x64xf32>
    %mul3A = vector.broadcast %get3A_1 : vector<1024x1xf32> to vector<1024x64xf32>
    %mul3A_8 = arith.mulf %mul3A, %add3A : vector<1024x64xf32>
    %get3A_9 = arith.constant 0 : index
    %get3A_10 = arith.constant 0 : index
    %get3A_11 = vector.load %arg6[%get3A_9, %get3A_10] : memref<1x128xf32, #tpu.memory_space<vmem>>, vector<1x64xf32>
    %add3A_12 = vector.broadcast %get3A_11 : vector<1x64xf32> to vector<1024x64xf32>
    %add3A_13 = arith.addf %mul3A_8, %add3A_12 : vector<1024x64xf32>
    %get3A_14 = arith.constant 0 : index
    %get3A_15 = arith.constant 0 : index
    %get3A_16 = vector.load %arg2[%get3A_14, %get3A_15] : memref<1024x64xf32, #tpu.memory_space<vmem>>, vector<1024x64xf32>
    %get3A_17 = arith.constant 0 : index
    %get3A_18 = arith.constant 0 : index
    %get3A_19 = vector.load %arg4[%get3A_17, %get3A_18] : memref<1024x64xf32, #tpu.memory_space<vmem>>, vector<1024x64xf32>
    %add3A_20 = arith.addf %get3A_16, %get3A_19 : vector<1024x64xf32>
    %mul3A_21 = vector.broadcast %get3A_1 : vector<1024x1xf32> to vector<1024x64xf32>
    %mul3A_22 = arith.mulf %mul3A_21, %add3A_20 : vector<1024x64xf32>
    %get3A_23 = arith.constant 0 : index
    %get3A_24 = arith.constant 64 : index
    %get3A_25 = vector.load %arg6[%get3A_23, %get3A_24] : memref<1x128xf32, #tpu.memory_space<vmem>>, vector<1x64xf32>
    %add3A_26 = vector.broadcast %get3A_25 : vector<1x64xf32> to vector<1024x64xf32>
    %add3A_27 = arith.addf %mul3A_22, %add3A_26 : vector<1024x64xf32>
    %max3A = arith.constant 0.000000e+00 : f32
    %max3A_28 = vector.broadcast %max3A : f32 to vector<1024x64xf32>
    %max3A_29 = arith.maximumf %add3A_13, %max3A_28 : vector<1024x64xf32>
    %max3A_30 = arith.constant 0.000000e+00 : f32
    %max3A_31 = vector.broadcast %max3A_30 : f32 to vector<1024x64xf32>
    %max3A_32 = arith.maximumf %add3A_27, %max3A_31 : vector<1024x64xf32>
    %concatenate3A = tpu.concatenate %max3A_29, %max3A_32 in 1 : vector<1024x64xf32>, vector<1024x64xf32> -> vector<1024x128xf32>
    %get3A_33 = arith.constant 0 : index
    %get3A_34 = arith.constant 0 : index
    %get3A_35 = vector.load %arg7[%get3A_33, %get3A_34] : memref<128x64xf32, #tpu.memory_space<vmem>>, vector<128x64xf32>
    %dot_general3A = arith.constant dense<0.000000e+00> : vector<1024x64xf32>
    %dot_general3A_36 = tpu.matmul %concatenate3A, %get3A_35, %dot_general3A {dimension_numbers = #tpu.dot_dimension_numbers<[1], [0], [0], [1], [0, 0, 1, 1], [], []>, transpose_lhs_hint = false} : vector<1024x128xf32>, vector<128x64xf32>, vector<1024x64xf32> -> vector<1024x64xf32>
    %mul3A_37 = vector.broadcast %get3A_1 : vector<1024x1xf32> to vector<1024x64xf32>
    %mul3A_38 = arith.mulf %dot_general3A_36, %mul3A_37 : vector<1024x64xf32>
    %swap3A = arith.constant 0 : index
    %swap3A_39 = arith.constant 0 : index
    %swap3A_40 = vector.load %arg8[%swap3A, %swap3A_39] : memref<1024x64xf32, #tpu.memory_space<vmem>>, vector<1024x64xf32>
    tpu.vector_store %arg8[%swap3A, %swap3A_39], %mul3A_38 {strides = array<i32>} : memref<1024x64xf32, #tpu.memory_space<vmem>>, vector<1024x64xf32>,
    return
  }
  func.func @transform_0(%arg0: i32) -> (i32, i32) {
    %c0_i32 = arith.constant 0 : i32
    %c0_i32_0 = arith.constant 0 : i32
    return %arg0, %c0_i32 : i32, i32
  }
  func.func @transform_1(%arg0: i32) -> (i32, i32) {
    %c0_i32 = arith.constant 0 : i32
    %c0_i32_0 = arith.constant 0 : i32
    return %arg0, %c0_i32 : i32, i32
  }
  func.func @transform_2(%arg0: i32) -> (i32, i32) {
    %c0_i32 = arith.constant 0 : i32
    %c0_i32_0 = arith.constant 0 : i32
    return %arg0, %c0_i32 : i32, i32
  }
  func.func @transform_3(%arg0: i32) -> (i32, i32) {
    %c0_i32 = arith.constant 0 : i32
    %c0_i32_0 = arith.constant 0 : i32
    return %arg0, %c0_i32 : i32, i32
  }
  func.func @transform_4(%arg0: i32) -> (i32, i32) {
    %c0_i32 = arith.constant 0 : i32
    %c0_i32_0 = arith.constant 0 : i32
    return %arg0, %c0_i32 : i32, i32
  }
  func.func @transform_5(%arg0: i32) -> (i32, i32) {
    %c0_i32 = arith.constant 0 : i32
    %c0_i32_0 = arith.constant 0 : i32
    %c0_i32_1 = arith.constant 0 : i32
    return %c0_i32, %c0_i32_0 : i32, i32
  }
  func.func @transform_6(%arg0: i32) -> (i32, i32) {
    %c0_i32 = arith.constant 0 : i32
    %c0_i32_0 = arith.constant 0 : i32
    %c0_i32_1 = arith.constant 0 : i32
    return %c0_i32, %c0_i32_0 : i32, i32
  }
  func.func @transform_7(%arg0: i32) -> (i32, i32) {
    %c0_i32 = arith.constant 0 : i32
    %c0_i32_0 = arith.constant 0 : i32
    return %arg0, %c0_i32 : i32, i32
  }
}

module attributes {stable_mosaic.version = 14 : i64} {
  func.func @_m3_body(%arg0: i32, %arg1: memref<1024x64xf32, #tpu.memory_space<vmem>>, %arg2: memref<1024x64xf32, #tpu.memory_space<vmem>>, %arg3: memref<1024x64xf32, #tpu.memory_space<vmem>>, %arg4: memref<1024x1xf32, #tpu.memory_space<vmem>>, %arg5: memref<1x64xf32, #tpu.memory_space<vmem>>, %arg6: memref<64x16xf32, #tpu.memory_space<vmem>>, %arg7: memref<1024x16xf32, #tpu.memory_space<vmem>>) attributes {dimension_semantics = [#tpu.dimension_semantics<arbitrary>], iteration_bounds = array<i64: 10>, scalar_prefetch = 0 : i64, scratch_operands = 0 : i64, tpu.core_type = #tpu.core_type<tc>, window_params = [{transform_indices = @transform_0, window_bounds = array<i64: 1024, 64>}, {transform_indices = @transform_1, window_bounds = array<i64: 1024, 64>}, {transform_indices = @transform_2, window_bounds = array<i64: 1024, 64>}, {transform_indices = @transform_3, window_bounds = array<i64: 1024, 1>}, {pipeline_mode = #tpu.pipeline_mode<synchronous>, transform_indices = @transform_4, window_bounds = array<i64: 1, 64>}, {pipeline_mode = #tpu.pipeline_mode<synchronous>, transform_indices = @transform_5, window_bounds = array<i64: 64, 16>}, {transform_indices = @transform_6, window_bounds = array<i64: 1024, 16>}]} {
    %get3A = arith.constant 0 : index
    %get3A_0 = arith.constant 0 : index
    %get3A_1 = vector.load %arg4[%get3A, %get3A_0] : memref<1024x1xf32, #tpu.memory_space<vmem>>, vector<1024x1xf32>
    %get3A_2 = arith.constant 0 : index
    %get3A_3 = arith.constant 0 : index
    %get3A_4 = vector.load %arg1[%get3A_2, %get3A_3] : memref<1024x64xf32, #tpu.memory_space<vmem>>, vector<1024x64xf32>
    %get3A_5 = arith.constant 0 : index
    %get3A_6 = arith.constant 0 : index
    %get3A_7 = vector.load %arg2[%get3A_5, %get3A_6] : memref<1024x64xf32, #tpu.memory_space<vmem>>, vector<1024x64xf32>
    %add3A = arith.addf %get3A_4, %get3A_7 : vector<1024x64xf32>
    %get3A_8 = arith.constant 0 : index
    %get3A_9 = arith.constant 0 : index
    %get3A_10 = vector.load %arg3[%get3A_8, %get3A_9] : memref<1024x64xf32, #tpu.memory_space<vmem>>, vector<1024x64xf32>
    %add3A_11 = arith.addf %add3A, %get3A_10 : vector<1024x64xf32>
    %mul3A = vector.broadcast %get3A_1 : vector<1024x1xf32> to vector<1024x64xf32>
    %mul3A_12 = arith.mulf %mul3A, %add3A_11 : vector<1024x64xf32>
    %get3A_13 = arith.constant 0 : index
    %get3A_14 = arith.constant 0 : index
    %get3A_15 = vector.load %arg5[%get3A_13, %get3A_14] : memref<1x64xf32, #tpu.memory_space<vmem>>, vector<1x64xf32>
    %add3A_16 = vector.broadcast %get3A_15 : vector<1x64xf32> to vector<1024x64xf32>
    %add3A_17 = arith.addf %mul3A_12, %add3A_16 : vector<1024x64xf32>
    %max3A = arith.constant 0.000000e+00 : f32
    %max3A_18 = vector.broadcast %max3A : f32 to vector<1024x64xf32>
    %max3A_19 = arith.maximumf %add3A_17, %max3A_18 : vector<1024x64xf32>
    %get3A_20 = arith.constant 0 : index
    %get3A_21 = arith.constant 0 : index
    %get3A_22 = vector.load %arg6[%get3A_20, %get3A_21] : memref<64x16xf32, #tpu.memory_space<vmem>>, vector<64x16xf32>
    %dot_general3A = arith.constant dense<0.000000e+00> : vector<1024x16xf32>
    %dot_general3A_23 = tpu.matmul %max3A_19, %get3A_22, %dot_general3A {dimension_numbers = #tpu.dot_dimension_numbers<[1], [0], [0], [1], [0, 0, 1, 1], [], []>, transpose_lhs_hint = false} : vector<1024x64xf32>, vector<64x16xf32>, vector<1024x16xf32> -> vector<1024x16xf32>
    %mul3A_24 = vector.broadcast %get3A_1 : vector<1024x1xf32> to vector<1024x16xf32>
    %mul3A_25 = arith.mulf %dot_general3A_23, %mul3A_24 : vector<1024x16xf32>
    %swap3A = arith.constant 0 : index
    %swap3A_26 = arith.constant 0 : index
    %swap3A_27 = vector.load %arg7[%swap3A, %swap3A_26] : memref<1024x16xf32, #tpu.memory_space<vmem>>, vector<1024x16xf32>
    tpu.vector_store %arg7[%swap3A, %swap3A_26], %mul3A_25 {strides = array<i32>} : memref<1024x16xf32, #tpu.memory_space<vmem>>, vector<1024x16xf32>,
    return
  }
  func.func @transform_0(%arg0: i32) -> (i32, i32) {
    %c0_i32 = arith.constant 0 : i32
    %c0_i32_0 = arith.constant 0 : i32
    return %arg0, %c0_i32 : i32, i32
  }
  func.func @transform_1(%arg0: i32) -> (i32, i32) {
    %c0_i32 = arith.constant 0 : i32
    %c0_i32_0 = arith.constant 0 : i32
    return %arg0, %c0_i32 : i32, i32
  }
  func.func @transform_2(%arg0: i32) -> (i32, i32) {
    %c0_i32 = arith.constant 0 : i32
    %c0_i32_0 = arith.constant 0 : i32
    return %arg0, %c0_i32 : i32, i32
  }
  func.func @transform_3(%arg0: i32) -> (i32, i32) {
    %c0_i32 = arith.constant 0 : i32
    %c0_i32_0 = arith.constant 0 : i32
    return %arg0, %c0_i32 : i32, i32
  }
  func.func @transform_4(%arg0: i32) -> (i32, i32) {
    %c0_i32 = arith.constant 0 : i32
    %c0_i32_0 = arith.constant 0 : i32
    %c0_i32_1 = arith.constant 0 : i32
    return %c0_i32, %c0_i32_0 : i32, i32
  }
  func.func @transform_5(%arg0: i32) -> (i32, i32) {
    %c0_i32 = arith.constant 0 : i32
    %c0_i32_0 = arith.constant 0 : i32
    %c0_i32_1 = arith.constant 0 : i32
    return %c0_i32, %c0_i32_0 : i32, i32
  }
  func.func @transform_6(%arg0: i32) -> (i32, i32) {
    %c0_i32 = arith.constant 0 : i32
    %c0_i32_0 = arith.constant 0 : i32
    return %arg0, %c0_i32 : i32, i32
  }
}

module attributes {stable_mosaic.version = 14 : i64} {
  func.func @_m4_body(%arg0: i32, %arg1: memref<1024x16xf32, #tpu.memory_space<vmem>>, %arg2: memref<1024x16xf32, #tpu.memory_space<vmem>>, %arg3: memref<1024x16xf32, #tpu.memory_space<vmem>>, %arg4: memref<1024x1xf32, #tpu.memory_space<vmem>>, %arg5: memref<1x16xf32, #tpu.memory_space<vmem>>, %arg6: memref<1024x16xf32, #tpu.memory_space<vmem>>) attributes {dimension_semantics = [#tpu.dimension_semantics<arbitrary>], iteration_bounds = array<i64: 10>, scalar_prefetch = 0 : i64, scratch_operands = 0 : i64, tpu.core_type = #tpu.core_type<tc>, window_params = [{transform_indices = @transform_0, window_bounds = array<i64: 1024, 16>}, {transform_indices = @transform_1, window_bounds = array<i64: 1024, 16>}, {transform_indices = @transform_2, window_bounds = array<i64: 1024, 16>}, {transform_indices = @transform_3, window_bounds = array<i64: 1024, 1>}, {pipeline_mode = #tpu.pipeline_mode<synchronous>, transform_indices = @transform_4, window_bounds = array<i64: 1, 16>}, {transform_indices = @transform_5, window_bounds = array<i64: 1024, 16>}]} {
    %get3A = arith.constant 0 : index
    %get3A_0 = arith.constant 0 : index
    %get3A_1 = vector.load %arg4[%get3A, %get3A_0] : memref<1024x1xf32, #tpu.memory_space<vmem>>, vector<1024x1xf32>
    %get3A_2 = arith.constant 0 : index
    %get3A_3 = arith.constant 0 : index
    %get3A_4 = vector.load %arg1[%get3A_2, %get3A_3] : memref<1024x16xf32, #tpu.memory_space<vmem>>, vector<1024x16xf32>
    %get3A_5 = arith.constant 0 : index
    %get3A_6 = arith.constant 0 : index
    %get3A_7 = vector.load %arg2[%get3A_5, %get3A_6] : memref<1024x16xf32, #tpu.memory_space<vmem>>, vector<1024x16xf32>
    %add3A = arith.addf %get3A_4, %get3A_7 : vector<1024x16xf32>
    %get3A_8 = arith.constant 0 : index
    %get3A_9 = arith.constant 0 : index
    %get3A_10 = vector.load %arg3[%get3A_8, %get3A_9] : memref<1024x16xf32, #tpu.memory_space<vmem>>, vector<1024x16xf32>
    %add3A_11 = arith.addf %add3A, %get3A_10 : vector<1024x16xf32>
    %mul3A = vector.broadcast %get3A_1 : vector<1024x1xf32> to vector<1024x16xf32>
    %mul3A_12 = arith.mulf %mul3A, %add3A_11 : vector<1024x16xf32>
    %get3A_13 = arith.constant 0 : index
    %get3A_14 = arith.constant 0 : index
    %get3A_15 = vector.load %arg5[%get3A_13, %get3A_14] : memref<1x16xf32, #tpu.memory_space<vmem>>, vector<1x16xf32>
    %add3A_16 = vector.broadcast %get3A_15 : vector<1x16xf32> to vector<1024x16xf32>
    %add3A_17 = arith.addf %mul3A_12, %add3A_16 : vector<1024x16xf32>
    %reduce_max3A = arith.constant dense<0xFF800000> : vector<1024xf32>
    %reduce_max3A_18 = vector.multi_reduction <maximumf>, %add3A_17, %reduce_max3A [1] : vector<1024x16xf32> to vector<1024xf32>
    %broadcast_in_dim3A = vector.shape_cast %reduce_max3A_18 : vector<1024xf32> to vector<1024x1xf32>
    %sub3A = vector.broadcast %broadcast_in_dim3A : vector<1024x1xf32> to vector<1024x16xf32>
    %sub3A_19 = arith.subf %add3A_17, %sub3A : vector<1024x16xf32>
    %exp3A = math.exp %sub3A_19 : vector<1024x16xf32>
    %reduce_sum3A = arith.constant dense<0.000000e+00> : vector<1024xf32>
    %reduce_sum3A_20 = vector.multi_reduction <add>, %exp3A, %reduce_sum3A [1] : vector<1024x16xf32> to vector<1024xf32>
    %broadcast_in_dim3A_21 = vector.shape_cast %reduce_sum3A_20 : vector<1024xf32> to vector<1024x1xf32>
    %log3A = math.log %broadcast_in_dim3A_21 : vector<1024x1xf32>
    %sub3A_22 = vector.broadcast %log3A : vector<1024x1xf32> to vector<1024x16xf32>
    %sub3A_23 = arith.subf %sub3A_19, %sub3A_22 : vector<1024x16xf32>
    %swap3A = arith.constant 0 : index
    %swap3A_24 = arith.constant 0 : index
    %swap3A_25 = vector.load %arg6[%swap3A, %swap3A_24] : memref<1024x16xf32, #tpu.memory_space<vmem>>, vector<1024x16xf32>
    tpu.vector_store %arg6[%swap3A, %swap3A_24], %sub3A_23 {strides = array<i32>} : memref<1024x16xf32, #tpu.memory_space<vmem>>, vector<1024x16xf32>,
    return
  }
  func.func @transform_0(%arg0: i32) -> (i32, i32) {
    %c0_i32 = arith.constant 0 : i32
    %c0_i32_0 = arith.constant 0 : i32
    return %arg0, %c0_i32 : i32, i32
  }
  func.func @transform_1(%arg0: i32) -> (i32, i32) {
    %c0_i32 = arith.constant 0 : i32
    %c0_i32_0 = arith.constant 0 : i32
    return %arg0, %c0_i32 : i32, i32
  }
  func.func @transform_2(%arg0: i32) -> (i32, i32) {
    %c0_i32 = arith.constant 0 : i32
    %c0_i32_0 = arith.constant 0 : i32
    return %arg0, %c0_i32 : i32, i32
  }
  func.func @transform_3(%arg0: i32) -> (i32, i32) {
    %c0_i32 = arith.constant 0 : i32
    %c0_i32_0 = arith.constant 0 : i32
    return %arg0, %c0_i32 : i32, i32
  }
  func.func @transform_4(%arg0: i32) -> (i32, i32) {
    %c0_i32 = arith.constant 0 : i32
    %c0_i32_0 = arith.constant 0 : i32
    %c0_i32_1 = arith.constant 0 : i32
    return %c0_i32, %c0_i32_0 : i32, i32
  }
  func.func @transform_5(%arg0: i32) -> (i32, i32) {
    %c0_i32 = arith.constant 0 : i32
    %c0_i32_0 = arith.constant 0 : i32
    return %arg0, %c0_i32 : i32, i32
  }
}

</mosaic_0001>

<sc_bundles>
// kernel: gcn_deg.3.cloned.1.call-start
scs
__scs_entry_jumppad:
0x0: {  	(pc) =	sbr.rel $0x88, $3  }
0x1: {  	(tag) =	ssettag $0x0;
	lr =	simm.s32 $0x1  }
0x2: {  	[smem:$0x3F99] =	sst lr;
	_ =	strace $0xD0000000  }
0x3: {  	_ = 	snop  }
0x4: {  	_ = 	snop  }
0x5: {  	_ = 	snop  }
0x6: {  	_ = 	snop  }
0x7: {  	_ = 	snop  }
__scs_overlays_trampoline_lowered:
0x8: {  	[smem:$0x3FA8] =	sst s0  }
0x9: {  	[smem:$0x3FA9] =	sst s1  }
0xa: {  	[smem:$0x3FAA] =	sst s2  }
0xb: {  	[smem:$0x3FAB] =	sst s3  }
0xc: {  	[smem:$0x3FAC] =	sst s4  }
0xd: {  	[smem:$0x3FAD] =	sst s5  }
0xe: {  	[smem:$0x3FAE] =	sst s6  }
0xf: {  	[smem:$0x3FAF] =	sst s7  }
0x10: {  	[smem:$0x3FB0] =	sst s8  }
0x11: {  	[smem:$0x3FB1] =	sst s9;
	s0 =	simm.s32 @!p0 $0x0  }
0x12: {  	s1 =	sld [smem:$0x3F97];
	s0 =	simm.s32 @p0 $0x1  }
0x13: {  	[smem:$0x3FB2] =	sst s0;
	s0 =	simm.s32 @!p1 $0x0  }
0x14: {  	s2 =	sld [smem:$0x3F96];
	s0 =	simm.s32 @p1 $0x1  }
0x15: {  	[smem:$0x3FB3] =	sst s0;
	s0 =	simm.s32 @!p2 $0x0  }
0x16: {  	s3 =	sld [smem:$0x3FDB];
	s0 =	simm.s32 @p2 $0x1  }
0x17: {  	s4 =	simm.s32 $0x1BF5;
	[smem:$0x3FB5] =	sst s0  }
0x18: {  	s0 =	sld [smem:$0x3F98];
	_ =	swait.ge [sflag:s4], $0x0  }
0x19: {  	s7 =	sld [smem:$0x3F99]  }
0x1a: {  	s8 =	sadd.s32 $0xFFFFE003, lr  }
0x1b: {  	s9 =	sadd.s32 $0xFFFFFEF7, lr;
	s5 =	simm.s32 $0xFFFFFFFF;
	p2 =	slt.u32 s8, $0xFFFFF086  }
0x1c: {  	p1 =	slt.u32 s9, $0xF7A;
	s5 =	simm.s32 @!p2 $0x0  }
0x1d: {  	s5 =	simm.s32 @p1 $0x1;
	p0 =	seq.s32 s7, s2  }
0x1e: {  	s7 =	smul.u32 @!p0 $0xF7A, s2;
	p2 =	seq.s32 @!p0 s5, $0x0  }
0x1f: {  	s9 =	smul.u32 $0xF7A, s1;
	s8 =	simm.s32 @!p0 $0x1BF5;
	p2 =	por !p2, p0  }
0x20: {  	[sflag:s8] =	ssyncset.s32 @!p0 $0xFFFFF086;
	s6 =	sadd.s32 @!p0 s3, s7;
	s7 =	simm.s32 @!p0 $0x108  }
0x21: {  	s3 =	sadd.s32 s3, s9;
	s6 =	sadd.s32 @!p0 $0x88, s6;
	s7 =	simm.s32 @p2 $0x1082  }
0x22: {  	[simem:s7], [sflag:s8] =	dma.local @!p0 [hbm:s6], $0xF7A  }
0x23: {  	s9 =	sor.u32 $0xD0000000, s2;
	s6 =	simm.s32 $0x108;
	_ =	swait.ge @!p0 [sflag:s8], $0x0  }
0x24: {  	s3 =	sadd.s32 $0x88, s3;
	s6 =	simm.s32 @!p1 $0x1082;
	[sflag:s4] =	ssyncset.s32 $0xFFFFF086  }
0x25: {  	[simem:s6], [sflag:s4] =	dma.local [hbm:s3], $0xF7A  }
0x26: {  	[smem:$0x3F99] =	sst s1;
	(tag) =	ssettag s2;
	_ =	strace s9  }
0x27: {  	s1 =	sld [smem:$0x3FA9]  }
0x28: {  	s2 =	sld [smem:$0x3FAA]  }
0x29: {  	s4 =	sld [smem:$0x3FAC]  }
0x2a: {  	p0 =	seq.s32 s5, $0x0;
	s5 =	sld [smem:$0x3FAD]  }
0x2b: {  	s6 =	sld [smem:$0x3FAE]  }
0x2c: {  	s7 =	sld [smem:$0x3FAF]  }
0x2d: {  	s3 =	simm.s32 $0x108;
	s8 =	sld [smem:$0x3FB0]  }
0x2e: {  	s3 =	simm.s32 @!p0 $0x1082;
	s9 =	sld [smem:$0x3FB1]  }
0x2f: {  	lr =	sadd.s32 s0, s3;
	s0 =	sld [smem:$0x3FA8]  }
0x30: {  	s3 =	sld [smem:$0x3FAB]  }
0x31: {  	[smem:$0x3FB4] =	sst s10  }
0x32: {  	s10 =	sld [smem:$0x3FB2];
	_ =	sdelay $0x3  }
0x33: {  	p0 =	seq.s32 s10, $0x1;
	s10 =	sld [smem:$0x3FB4];
	_ =	sdelay $0x3  }
0x34: {  	[smem:$0x3FB4] =	sst s10  }
0x35: {  	s10 =	sld [smem:$0x3FB3];
	_ =	sdelay $0x3  }
0x36: {  	p1 =	seq.s32 s10, $0x1;
	s10 =	sld [smem:$0x3FB4];
	_ =	sdelay $0x3  }
0x37: {  	[smem:$0x3FB4] =	sst s10  }
0x38: {  	s10 =	sld [smem:$0x3FB5]  }
0x39: {  	_ = 	snop;
	(pc) =	sbr.ind lr, $3  }
0x3a: {  	_ = 	snop  }
0x3b: {  	_ = 	snop  }
0x3c: {  	p2 =	seq.s32 s10, $0x1;
	s10 =	sld [smem:$0x3FB4]  }
0x3d: {  	_ =	shalt  }
0x3e: {  	_ =	shalt  }
0x3f: {  	_ =	shalt  }
0x40: {  	_ =	shalt  }
0x41: {  	_ =	shalt  }
0x42: {  	_ =	shalt  }
0x43: {  	_ =	shalt  }
0x44: {  	_ =	shalt  }
0x45: {  	_ =	shalt  }
0x46: {  	_ =	shalt  }
0x47: {  	_ =	shalt  }
0x48: {  	_ =	shalt  }
0x49: {  	_ =	shalt  }
0x4a: {  	_ =	shalt  }
0x4b: {  	_ =	shalt  }
0x4c: {  	_ =	shalt  }
0x4d: {  	_ =	shalt  }
0x4e: {  	_ =	shalt  }
0x4f: {  	_ =	shalt  }
0x50: {  	_ =	shalt  }
0x51: {  	_ =	shalt  }
0x52: {  	_ =	shalt  }
0x53: {  	_ =	shalt  }
0x54: {  	_ =	shalt  }
0x55: {  	_ =	shalt  }
0x56: {  	_ =	shalt  }
0x57: {  	_ =	shalt  }
0x58: {  	_ =	shalt  }
0x59: {  	_ =	shalt  }
0x5a: {  	_ =	shalt  }
0x5b: {  	_ =	shalt  }
0x5c: {  	_ =	shalt  }
0x5d: {  	_ =	shalt  }
0x5e: {  	_ =	shalt  }
0x5f: {  	_ =	shalt  }
0x60: {  	_ =	shalt  }
0x61: {  	_ =	shalt  }
0x62: {  	_ =	shalt  }
0x63: {  	_ =	shalt  }
0x64: {  	_ =	shalt  }
0x65: {  	_ =	shalt  }
0x66: {  	_ =	shalt  }
0x67: {  	_ =	shalt  }
0x68: {  	_ =	shalt  }
0x69: {  	_ =	shalt  }
0x6a: {  	_ =	shalt  }
0x6b: {  	_ =	shalt  }
0x6c: {  	_ =	shalt  }
0x6d: {  	_ =	shalt  }
0x6e: {  	_ =	shalt  }
0x6f: {  	_ =	shalt  }
0x70: {  	_ =	shalt  }
0x71: {  	_ =	shalt  }
0x72: {  	_ =	shalt  }
0x73: {  	_ =	shalt  }
0x74: {  	_ =	shalt  }
0x75: {  	_ =	shalt  }
0x76: {  	_ =	shalt  }
0x77: {  	_ =	shalt  }
0x78: {  	_ =	shalt  }
0x79: {  	_ =	shalt  }
0x7a: {  	_ =	shalt  }
0x7b: {  	_ =	shalt  }
0x7c: {  	_ =	shalt  }
0x7d: {  	_ =	shalt  }
0x7e: {  	_ =	shalt  }
0x7f: {  	_ =	shalt  }
0x80: {  	_ =	shalt  }
0x81: {  	_ =	shalt  }
0x82: {  	_ =	shalt  }
0x83: {  	_ =	shalt  }
0x84: {  	_ =	shalt  }
0x85: {  	_ =	shalt  }
0x86: {  	_ =	shalt  }
0x87: {  	_ =	shalt  }
.Lfunc_end0:
.L_simem_size_0:
called_computation_lowered:
.L_overlay_start_0:
0x88: {  	s2 =	sld [smem:$0x3FD9]  }
0x89: {  	s3 =	sld [smem:$0x3FFE];
	_ =	sdelay $0x1  }
0x8a: {  	s1 =	srdreg.scid  }
0x8b: {  	s0 =	sand.u32 $0x1, s1  }
0x8c: {  	s17 =	sshll.u32 s0, $0xA;
	s2 =	sadd.s32 s3, s2  }
0x8d: {  	s2 =	sadd.s32 s2, s17  }
0x8e: {  	[smem:$0x3FC0] =	sst s2  }
0x8f: {  	_ = 	snop  }
0x90: {  	s2 =	sld [smem:$0x3FD0];
	(tm) =	ssettm $0x1  }
0x91: {  	s18 =	sld [smem:$0x3FFB];
	_ =	sdelay $0x3  }
0x92: {  	_ =	strace s18  }
0x93: {  	s3 =	sld [smem:$0x3FFC];
	_ =	sdelay $0x3  }
0x94: {  	_ =	strace s3  }
0x95: {  	s3 =	sld [smem:$0x3FFD];
	_ =	sdelay $0x3  }
0x96: {  	_ =	strace s3  }
0x97: {  	_ =	strace $0x8FFFFFFF  }
0x98: {  	s19 =	sld [smem:$0x3FDB];
	_ =	sdelay $0x1  }
0x99: {  	s4 =	simm.s32 $_scs_section_size  }
0x9a: {  	s5 =	simm.s32 $_size__tile_overlayer_lowered;
	s6 =	simm.s32 $_tile_overlayer_lowered  }
0x9b: {  	s22 =	simm.s32 $0x1BFF;
	s21 =	sshll.u32 s6, $0x1;
	s3 =	sadd.s32 s4, s19  }
0x9c: {  	s7 =	simm.s32 $0x0;
	s20 =	sshll.u32 s5, $0x1;
	s5 =	sadd.s32 s21, s3  }
0x9d: {  	[timem:s7], [sflag:s22] =	dma.local [hbm:s5], s20  }
0x9e: {  	_ =	swait.ge [sflag:s22], s20  }
0x9f: {  	s4 =	ssub.s32 $0x0, s20;
	[sflag:s22] =	ssyncset.done $0x0  }
0xa0: {  	[sflag:s22] =	ssyncadd.s32 s4;
	_ =	sdelay $0x1  }
0xa1: {  	s23 =	simm.s32 $0x1B8B  }
0xa2: {  	_ =	swait.ge [sflag:s23], $0x1  }
0xa3: {  	[sflag:s23] =	ssyncset.done $0x0  }
0xa4: {  	s25 =	simm.s32 $0x1B8E;
	s24 =	sld [smem:$0x3FFE];
	[sflag:s23] =	ssyncadd.s32 $0xFFFFFFFF  }
0xa5: {  	s26 =	simm.s32 $execute0_lowered;
	[smem:$0x3FD2] =	sst s25  }
0xa6: {  	s5 =	sshll.u32 s26, $0x1;
	_ =	strace $0x80000046;
	[dreg:$0x1] =	wrdreg $0xFFFFFFFF  }
0xa7: {  	s28 =	simm.s32 $_size_execute0_lowered;
	s3 =	sadd.s32 s3, s5;
	[dreg:$0x0] =	wrdreg $0x0  }
0xa8: {  	s5 =	sshll.u32 s28, $0x1;
	[dreg:$0x2] =	wrdreg s3  }
0xa9: {  	[dreg:$0x3] =	wrdreg s5  }
0xaa: {  	[dreg:$0x4] =	wrdreg $0xC0  }
0xab: {  	_ =	task [dreg:s7], $0x5FFFF  }
0xac: {  	[dreg:$0x1] =	wrdreg $0xFFFFFFFF  }
0xad: {  	[dreg:$0x0] =	wrdreg $0x60  }
0xae: {  	[dreg:$0x2] =	wrdreg s24  }
0xaf: {  	[dreg:$0x3] =	wrdreg s2  }
0xb0: {  	[dreg:$0x4] =	wrdreg $0x2B200  }
0xb1: {  	[dreg:$0x5] =	wrdreg $0x9  }
0xb2: {  	_ =	task.clear_ibuf [dreg:s7], $0x6FFFF;
	_ =	strace $0x90000046  }
0xb3: {  	s29 =	simm.s32 $0x9;
	_ =	strace $0x80000048  }
0xb4: {  	_ =	swait.ge [sflag:s29], $0x1  }
0xb5: {  	[sflag:s29] =	ssyncadd.s32 $0xFFFFFFFF  }
0xb6: {  	_ =	strace $0x90000048  }
0xb7: {  	_ =	sfence  }
0xb8: {  	s30 =	sld [smem:$0x0];
	_ =	sdelay $0x2  }
0xb9: {  	s31 =	sshll.u32 s1, $0xD;
	s1 =	sshrl.u32 s1, $0x2  }
0xba: {  	s3 =	sand.u32 $0x4000, s31;
	s1 =	sadd.s32 s1, s30  }
0xbb: {  	s0 =	sor.u32 s3, s0;
	s1 =	sshll.u32 s1, $0x11  }
0xbc: {  	s0 =	sor.u32 s1, s0  }
0xbd: {  	s0 =	sadd.s32 $0x8F2B, s0  }
0xbe: {  	[sflag:s0] =	ssyncadd.remote.s32 $0x1  }
0xbf: {  	_ =	sfence.sel $0xFFFF  }
0xc0: {  	[dreg:$0x0] =	wrdreg $0xFFFFFFFF;
	(pc) =	sbr.abs _section_cstart, $3  }
0xc1: {  	[dreg:$0x1] =	wrdreg $0xFFFFFFFF  }
0xc2: {  	_ =	task.clear_ibuf [dreg:s7], $0x2FFFF;
	_ =	strace $0x9FFFFFFF  }
0xc3: {  	(tm) =	ssettm $0x7FFFFFFF  }
tec
execute0_lowered:
.L_overlay_start_1:
0x0: {  	(tag) =	ssettag $0x1  }
0x1: {  	s4 =	rddreg [dreg:$0x0]  }
0x2: {  	s6 =	rddreg [dreg:$0x1]  }
0x3: {  	s2 =	rddreg [dreg:$0x2]  }
0x4: {  	s0 =	rddreg [dreg:$0x3]  }
0x5: {  	s3 =	srdreg.scid;
	s1 =	stileid.u32  }
0x6: {  	s11 =	simm.s32 $0x2710;
	s14 =	simm.s32 $0x0;
	s5 =	sand.u32 $0x1, s3  }
0x7: {  	s7 =	sshll.u32 s1, $0x1;
	s8 =	smul.u32 $0x280, s1;
	s3 =	simm.s32 $0x0  }
0x8: {  	s12 =	sshll.u32 s1, $0x6;
	s7 =	sor.u32 s5, s7;
	s9 =	smul.u32 $0x2800, s5  }
0x9: {  	[smem:$0x7FF] =	sst s3;
	s5 =	ssub.s32 $0x2, s5;
	s7 =	smul.u32 $0x4E2, s7  }
0xa: {  	s12 =	sor.u32 $0x1C01, s12;
	_ =	strace $0x80000047;
	s10 =	sshrl.u32 s5, $0x1  }
0xb: {  	s9 =	sadd.s32 s8, s9;
	s10 =	ssub.s32 s5, s10;
	s7 =	sadd.s32 s7, s4  }
0xc: {  	s9 =	sshrl.u32 s9, $0x3;
	s4 =	sadd.s32 s8, s2;
	s8 =	simm.s32 $0x28A0  }
0xd: {  	s5 =	sadd.s32 $0xD200, s7;
	s6 =	sadd.s32 s6, s9;
	s7 =	smax.u32 s10, $0x1  }
0xe: {  	v0 =	vimm.f32 $1.000000000e+00;
	v1 =	vimm.f32 $0.0e+00;
	s9 =	simm.s32 $0x1;
	s10 =	simm.s32 $0x190;
	s13 =	sshrl.u32 s4, $0x3  }
.LBB2_1:
0xf: {  	[tilespmem:$0x2710] =	vst v0  }
0x10: {  	[tilespmem:$0x2720] =	vst v0  }
0x11: {  	[tilespmem:$0x2730] =	vst v0  }
0x12: {  	[tilespmem:$0x2740] =	vst v0  }
0x13: {  	[tilespmem:$0x2750] =	vst v0  }
0x14: {  	[tilespmem:$0x2760] =	vst v0  }
0x15: {  	[tilespmem:$0x2770] =	vst v0  }
0x16: {  	[tilespmem:$0x2780] =	vst v0  }
0x17: {  	[tilespmem:$0x2790] =	vst v0  }
0x18: {  	[tilespmem:$0x27A0] =	vst v0  }
0x19: {  	[tilespmem:$0x27B0] =	vst v0  }
0x1a: {  	[tilespmem:$0x27C0] =	vst v0  }
0x1b: {  	[tilespmem:$0x27D0] =	vst v0  }
0x1c: {  	[tilespmem:$0x27E0] =	vst v0  }
0x1d: {  	[tilespmem:$0x27F0] =	vst v0  }
0x1e: {  	[tilespmem:$0x2800] =	vst v0  }
0x1f: {  	[tilespmem:$0x2810] =	vst v0  }
0x20: {  	[tilespmem:$0x2820] =	vst v0  }
0x21: {  	[tilespmem:$0x2830] =	vst v0  }
0x22: {  	[tilespmem:$0x2840] =	vst v0  }
0x23: {  	[tilespmem:$0x2850] =	vst v0  }
0x24: {  	[tilespmem:$0x2860] =	vst v0  }
0x25: {  	[tilespmem:$0x2870] =	vst v0  }
0x26: {  	[tilespmem:$0x2880] =	vst v0  }
0x27: {  	[tilespmem:$0x2890] =	vst v0  }
0x28: {  	[tilespmem:$0x28A0] =	vst v1  }
0x29: {  	[tilespmem:$0x28B0] =	vst v1  }
0x2a: {  	[tilespmem:$0x28C0] =	vst v1  }
0x2b: {  	[tilespmem:$0x28D0] =	vst v1  }
0x2c: {  	[tilespmem:$0x28E0] =	vst v1  }
0x2d: {  	[tilespmem:$0x28F0] =	vst v1  }
0x2e: {  	[tilespmem:$0x2900] =	vst v1  }
0x2f: {  	[tilespmem:$0x2910] =	vst v1  }
0x30: {  	[tilespmem:$0x2920] =	vst v1  }
0x31: {  	[tilespmem:$0x2930] =	vst v1  }
0x32: {  	[tilespmem:$0x2940] =	vst v1  }
0x33: {  	[tilespmem:$0x2950] =	vst v1  }
0x34: {  	[tilespmem:$0x2960] =	vst v1  }
0x35: {  	[tilespmem:$0x2970] =	vst v1  }
0x36: {  	[tilespmem:$0x2980] =	vst v1  }
0x37: {  	[tilespmem:$0x2990] =	vst v1  }
0x38: {  	[tilespmem:$0x29A0] =	vst v1  }
0x39: {  	[tilespmem:$0x29B0] =	vst v1  }
0x3a: {  	[tilespmem:$0x29C0] =	vst v1  }
0x3b: {  	[tilespmem:$0x29D0] =	vst v1  }
0x3c: {  	[tilespmem:$0x29E0] =	vst v1  }
0x3d: {  	[tilespmem:$0x29F0] =	vst v1  }
0x3e: {  	[tilespmem:$0x2A00] =	vst v1  }
0x3f: {  	[tilespmem:$0x2A10] =	vst v1  }
0x40: {  	[tilespmem:$0x2A20] =	vst v1  }
0x41: {  	[tilespmem:$0x2A30] =	vst v1  }
0x42: {  	[tilespmem:$0x2A40] =	vst v1  }
0x43: {  	[tilespmem:$0x2A50] =	vst v1  }
0x44: {  	[tilespmem:$0x2A60] =	vst v1  }
0x45: {  	[tilespmem:$0x2A70] =	vst v1  }
0x46: {  	[tilespmem:$0x2A80] =	vst v1  }
0x47: {  	[tilespmem:$0x2A90] =	vst v1  }
0x48: {  	[tilespmem:$0x2AA0] =	vst v1  }
0x49: {  	[tilespmem:$0x2AB0] =	vst v1  }
0x4a: {  	[tilespmem:$0x2AC0] =	vst v1  }
0x4b: {  	[tilespmem:$0x2AD0] =	vst v1  }
0x4c: {  	[tilespmem:$0x2AE0] =	vst v1  }
0x4d: {  	[tilespmem:$0x2AF0] =	vst v1  }
0x4e: {  	[tilespmem:$0x2B00] =	vst v1  }
0x4f: {  	[tilespmem:$0x2B10] =	vst v1  }
0x50: {  	[spmem:s4] =	stream.linear.scatter [tilespmem:s8], [sflag:$0x1], $0x280, $0x38;
	[tilespmem:$0x2DA0] =	vst v63  }
0x51: {  	_ =	swait.ge [sflag:s9], $0x280  }
0x52: {  	[sflag:s9] =	ssyncset.done $0x0  }
0x53: {  	[sflag:s9] =	ssyncadd.s32 $0xFFFFFD80  }
0x54: {  	[bflag:$0x0] =	sbarrier.arrive $0xFFFF  }
0x55: {  	[tilespmem:s3], [sflag:$0x1] =	stream.linear.gather [hbm4b:s5+s3], $0x2710, $0x38;
	[tilespmem:$0x2DA0] =	vst v63  }
0x56: {  	_ =	swait.ge [sflag:s9], $0x2710  }
0x57: {  	[sflag:s9] =	ssyncset.done $0x0  }
0x58: {  	s15 =	simm.s32 $0x0;
	[sflag:s9] =	ssyncadd.s32 $0xFFFFD8F0  }
0x59: {  	[spmem:s2] =	stream.indirect.scatter.add.f32 [tilespmem:s11], [sflag:$0x1], $0x1, s15, s10, $0xb8;
	[tilespmem:$0x2DA0] =	vst v63  }
0x5a: {  	_ =	swait.ge [sflag:s9], $0x190  }
0x5b: {  	s15 =	simm.s32 $0x640;
	[sflag:s9] =	ssyncset.done $0x0  }
.LBB2_2:
0x5c: {  	s16 =	sshra.s32 s15, $0x2;
	[sflag:s9] =	ssyncadd.s32 $0xFFFFFE70;
	p0 =	sne.s32 s15, $0x9600  }
0x5d: {  	[spmem:s2] =	stream.indirect.scatter.add.f32 [tilespmem:s11], [sflag:$0x1], $0x1, s16, s10, $0xb8;
	[tilespmem:$0x2DA0] =	vst v63  }
.Ltmp0:
0x5e: {  	_ = 	snop;
	(pc) =	sbr.rel @p0 .LBB2_2-.Ltmp0, $4  }
0x5f: {  	_ = 	snop  }
0x60: {  	s15 =	sadd.s32 $0x640, s15  }
0x61: {  	_ =	swait.ge [sflag:s9], $0x190  }
0x62: {  	[sflag:s9] =	ssyncset.done $0x0  }
0x63: {  	s14 =	sadd.s32 $0x1, s14  }
0x64: {  	[sflag:s9] =	ssyncadd.s32 $0xFFFFFE70;
	p0 =	sne.s32 s14, s7  }
.Ltmp1:
0x65: {  	[bflag:$0x0] =	sbarrier.arrive $0xFFFF;
	(pc) =	sbr.rel @p0 .LBB2_1-.Ltmp1, $4  }
0x66: {  	[hbm:s6], [sflag:s12] =	dma.local [spmem:s13], $0x50  }
0x67: {  	_ =	swait.ge [sflag:s9], $0x50  }
0x68: {  	[sflag:s9] =	ssyncset.done $0x0  }
0x69: {  	[sflag:s9] =	ssyncadd.s32 $0xFFFFFFB0  }
0x6a: {  	_ =	sfence.sel $0x180000  }
0x6b: {  	[bflag:$0x0] =	sbarrier.arrive $0xFFFF  }
0x6c: {  	p0 =	sne.s32 s1, $0x0;
	_ =	strace $0x90000047  }
0x6d: {  	s0 =	sadd.s32 @!p0 $0x100000, s0;
	[bflag:$0x2] =	sbarrier.arrive $0xFFFF  }
0x6e: {  	[sflag:s0] =	ssyncadd.tile.s32 @!p0 $0x1;
	_ =	shalt  }
.Lfunc_end2:
_tile_overlayer_lowered:
.L_overlay_start_2:
0x6f: {  	(tag) =	ssettag $0x2  }
0x70: {  	s0 =	rddreg [dreg:$0x0];
	s2 =	stileid.u32  }
0x71: {  	s1 =	rddreg [dreg:$0x1];
	p0 =	sne.s32 s2, $0x0  }
0x72: {  	s3 =	rddreg [dreg:$0x2];
	[bflag:$0x3] =	sbarrier.arrive $0xFFFF;
	s2 =	simm.s32 @!p0 $0x1C01  }
0x73: {  	[timem:s3], [sflag:s2] =	dma.local @!p0 [hbm:s0], s1  }
0x74: {  	s0 =	simm.s32 @!p0 $0x1  }
0x75: {  	_ =	swait.ge @!p0 [sflag:s0], s1  }
0x76: {  	s1 =	ssub.s32 @!p0 $0x0, s1;
	[sflag:s0] =	ssyncset.done @!p0 $0x0  }
0x77: {  	[sflag:s0] =	ssyncadd.s32 @!p0 s1  }
0x78: {  	[bflag:$0x3] =	sbarrier.arrive $0xFFFF  }
0x79: {  	_ =	shalt  }

// kernel: gcn_prop1.3.cloned.1.call-start
scs
__scs_entry_jumppad:
0x0: {  	(pc) =	sbr.rel $0x88, $3  }
0x1: {  	(tag) =	ssettag $0x0;
	lr =	simm.s32 $0x1  }
0x2: {  	[smem:$0x3F99] =	sst lr;
	_ =	strace $0xD0000000  }
0x3: {  	_ = 	snop  }
0x4: {  	_ = 	snop  }
0x5: {  	_ = 	snop  }
0x6: {  	_ = 	snop  }
0x7: {  	_ = 	snop  }
__scs_overlays_trampoline_lowered:
0x8: {  	[smem:$0x3FA8] =	sst s0  }
0x9: {  	[smem:$0x3FA9] =	sst s1  }
0xa: {  	[smem:$0x3FAA] =	sst s2  }
0xb: {  	[smem:$0x3FAB] =	sst s3  }
0xc: {  	[smem:$0x3FAC] =	sst s4  }
0xd: {  	[smem:$0x3FAD] =	sst s5  }
0xe: {  	[smem:$0x3FAE] =	sst s6  }
0xf: {  	[smem:$0x3FAF] =	sst s7  }
0x10: {  	[smem:$0x3FB0] =	sst s8  }
0x11: {  	[smem:$0x3FB1] =	sst s9;
	s0 =	simm.s32 @!p0 $0x0  }
0x12: {  	s1 =	sld [smem:$0x3F97];
	s0 =	simm.s32 @p0 $0x1  }
0x13: {  	[smem:$0x3FB2] =	sst s0;
	s0 =	simm.s32 @!p1 $0x0  }
0x14: {  	s2 =	sld [smem:$0x3F96];
	s0 =	simm.s32 @p1 $0x1  }
0x15: {  	[smem:$0x3FB3] =	sst s0;
	s0 =	simm.s32 @!p2 $0x0  }
0x16: {  	s3 =	sld [smem:$0x3FDB];
	s0 =	simm.s32 @p2 $0x1  }
0x17: {  	s4 =	simm.s32 $0x1BF5;
	[smem:$0x3FB5] =	sst s0  }
0x18: {  	s0 =	sld [smem:$0x3F98];
	_ =	swait.ge [sflag:s4], $0x0  }
0x19: {  	s7 =	sld [smem:$0x3F99]  }
0x1a: {  	s8 =	sadd.s32 $0xFFFFE003, lr  }
0x1b: {  	s9 =	sadd.s32 $0xFFFFFEF7, lr;
	s5 =	simm.s32 $0xFFFFFFFF;
	p2 =	slt.u32 s8, $0xFFFFF086  }
0x1c: {  	p1 =	slt.u32 s9, $0xF7A;
	s5 =	simm.s32 @!p2 $0x0  }
0x1d: {  	s5 =	simm.s32 @p1 $0x1;
	p0 =	seq.s32 s7, s2  }
0x1e: {  	s7 =	smul.u32 @!p0 $0xF7A, s2;
	p2 =	seq.s32 @!p0 s5, $0x0  }
0x1f: {  	s9 =	smul.u32 $0xF7A, s1;
	s8 =	simm.s32 @!p0 $0x1BF5;
	p2 =	por !p2, p0  }
0x20: {  	[sflag:s8] =	ssyncset.s32 @!p0 $0xFFFFF086;
	s6 =	sadd.s32 @!p0 s3, s7;
	s7 =	simm.s32 @!p0 $0x108  }
0x21: {  	s3 =	sadd.s32 s3, s9;
	s6 =	sadd.s32 @!p0 $0x88, s6;
	s7 =	simm.s32 @p2 $0x1082  }
0x22: {  	[simem:s7], [sflag:s8] =	dma.local @!p0 [hbm:s6], $0xF7A  }
0x23: {  	s9 =	sor.u32 $0xD0000000, s2;
	s6 =	simm.s32 $0x108;
	_ =	swait.ge @!p0 [sflag:s8], $0x0  }
0x24: {  	s3 =	sadd.s32 $0x88, s3;
	s6 =	simm.s32 @!p1 $0x1082;
	[sflag:s4] =	ssyncset.s32 $0xFFFFF086  }
0x25: {  	[simem:s6], [sflag:s4] =	dma.local [hbm:s3], $0xF7A  }
0x26: {  	[smem:$0x3F99] =	sst s1;
	(tag) =	ssettag s2;
	_ =	strace s9  }
0x27: {  	s1 =	sld [smem:$0x3FA9]  }
0x28: {  	s2 =	sld [smem:$0x3FAA]  }
0x29: {  	s4 =	sld [smem:$0x3FAC]  }
0x2a: {  	p0 =	seq.s32 s5, $0x0;
	s5 =	sld [smem:$0x3FAD]  }
0x2b: {  	s6 =	sld [smem:$0x3FAE]  }
0x2c: {  	s7 =	sld [smem:$0x3FAF]  }
0x2d: {  	s3 =	simm.s32 $0x108;
	s8 =	sld [smem:$0x3FB0]  }
0x2e: {  	s3 =	simm.s32 @!p0 $0x1082;
	s9 =	sld [smem:$0x3FB1]  }
0x2f: {  	lr =	sadd.s32 s0, s3;
	s0 =	sld [smem:$0x3FA8]  }
0x30: {  	s3 =	sld [smem:$0x3FAB]  }
0x31: {  	[smem:$0x3FB4] =	sst s10  }
0x32: {  	s10 =	sld [smem:$0x3FB2];
	_ =	sdelay $0x3  }
0x33: {  	p0 =	seq.s32 s10, $0x1;
	s10 =	sld [smem:$0x3FB4];
	_ =	sdelay $0x3  }
0x34: {  	[smem:$0x3FB4] =	sst s10  }
0x35: {  	s10 =	sld [smem:$0x3FB3];
	_ =	sdelay $0x3  }
0x36: {  	p1 =	seq.s32 s10, $0x1;
	s10 =	sld [smem:$0x3FB4];
	_ =	sdelay $0x3  }
0x37: {  	[smem:$0x3FB4] =	sst s10  }
0x38: {  	s10 =	sld [smem:$0x3FB5]  }
0x39: {  	_ = 	snop;
	(pc) =	sbr.ind lr, $3  }
0x3a: {  	_ = 	snop  }
0x3b: {  	_ = 	snop  }
0x3c: {  	p2 =	seq.s32 s10, $0x1;
	s10 =	sld [smem:$0x3FB4]  }
0x3d: {  	_ =	shalt  }
0x3e: {  	_ =	shalt  }
0x3f: {  	_ =	shalt  }
0x40: {  	_ =	shalt  }
0x41: {  	_ =	shalt  }
0x42: {  	_ =	shalt  }
0x43: {  	_ =	shalt  }
0x44: {  	_ =	shalt  }
0x45: {  	_ =	shalt  }
0x46: {  	_ =	shalt  }
0x47: {  	_ =	shalt  }
0x48: {  	_ =	shalt  }
0x49: {  	_ =	shalt  }
0x4a: {  	_ =	shalt  }
0x4b: {  	_ =	shalt  }
0x4c: {  	_ =	shalt  }
0x4d: {  	_ =	shalt  }
0x4e: {  	_ =	shalt  }
0x4f: {  	_ =	shalt  }
0x50: {  	_ =	shalt  }
0x51: {  	_ =	shalt  }
0x52: {  	_ =	shalt  }
0x53: {  	_ =	shalt  }
0x54: {  	_ =	shalt  }
0x55: {  	_ =	shalt  }
0x56: {  	_ =	shalt  }
0x57: {  	_ =	shalt  }
0x58: {  	_ =	shalt  }
0x59: {  	_ =	shalt  }
0x5a: {  	_ =	shalt  }
0x5b: {  	_ =	shalt  }
0x5c: {  	_ =	shalt  }
0x5d: {  	_ =	shalt  }
0x5e: {  	_ =	shalt  }
0x5f: {  	_ =	shalt  }
0x60: {  	_ =	shalt  }
0x61: {  	_ =	shalt  }
0x62: {  	_ =	shalt  }
0x63: {  	_ =	shalt  }
0x64: {  	_ =	shalt  }
0x65: {  	_ =	shalt  }
0x66: {  	_ =	shalt  }
0x67: {  	_ =	shalt  }
0x68: {  	_ =	shalt  }
0x69: {  	_ =	shalt  }
0x6a: {  	_ =	shalt  }
0x6b: {  	_ =	shalt  }
0x6c: {  	_ =	shalt  }
0x6d: {  	_ =	shalt  }
0x6e: {  	_ =	shalt  }
0x6f: {  	_ =	shalt  }
0x70: {  	_ =	shalt  }
0x71: {  	_ =	shalt  }
0x72: {  	_ =	shalt  }
0x73: {  	_ =	shalt  }
0x74: {  	_ =	shalt  }
0x75: {  	_ =	shalt  }
0x76: {  	_ =	shalt  }
0x77: {  	_ =	shalt  }
0x78: {  	_ =	shalt  }
0x79: {  	_ =	shalt  }
0x7a: {  	_ =	shalt  }
0x7b: {  	_ =	shalt  }
0x7c: {  	_ =	shalt  }
0x7d: {  	_ =	shalt  }
0x7e: {  	_ =	shalt  }
0x7f: {  	_ =	shalt  }
0x80: {  	_ =	shalt  }
0x81: {  	_ =	shalt  }
0x82: {  	_ =	shalt  }
0x83: {  	_ =	shalt  }
0x84: {  	_ =	shalt  }
0x85: {  	_ =	shalt  }
0x86: {  	_ =	shalt  }
0x87: {  	_ =	shalt  }
.Lfunc_end0:
.L_simem_size_0:
called_computation.1_lowered:
.L_overlay_start_0:
0x88: {  	s2 =	sld [smem:$0x3FD9]  }
0x89: {  	s3 =	sld [smem:$0x3FFE];
	_ =	sdelay $0x1  }
0x8a: {  	s1 =	srdreg.scid  }
0x8b: {  	s0 =	sand.u32 $0x1, s1  }
0x8c: {  	s16 =	sshll.u32 s0, $0xA;
	s2 =	sadd.s32 s3, s2  }
0x8d: {  	s2 =	sadd.s32 s2, s16  }
0x8e: {  	[smem:$0x3FC0] =	sst s2  }
0x8f: {  	_ = 	snop  }
0x90: {  	(tm) =	ssettm $0x1  }
0x91: {  	s17 =	sld [smem:$0x3FFB];
	_ =	sdelay $0x3  }
0x92: {  	_ =	strace s17  }
0x93: {  	s2 =	sld [smem:$0x3FFC];
	_ =	sdelay $0x3  }
0x94: {  	_ =	strace s2  }
0x95: {  	s2 =	sld [smem:$0x3FFD];
	_ =	sdelay $0x3  }
0x96: {  	_ =	strace s2  }
0x97: {  	_ =	strace $0x8FFFFFFF  }
0x98: {  	s18 =	sld [smem:$0x3FDB];
	_ =	sdelay $0x1  }
0x99: {  	s19 =	simm.s32 $_scs_section_size  }
0x9a: {  	s4 =	simm.s32 $_size__tile_overlayer_lowered;
	s5 =	simm.s32 $_tile_overlayer_lowered  }
0x9b: {  	s22 =	simm.s32 $0x1BFF;
	s21 =	sshll.u32 s5, $0x1;
	s2 =	sadd.s32 s19, s18  }
0x9c: {  	s6 =	simm.s32 $0x0;
	s20 =	sshll.u32 s4, $0x1;
	s4 =	sadd.s32 s21, s2  }
0x9d: {  	[timem:s6], [sflag:s22] =	dma.local [hbm:s4], s20  }
0x9e: {  	_ =	swait.ge [sflag:s22], s20  }
0x9f: {  	s3 =	ssub.s32 $0x0, s20;
	[sflag:s22] =	ssyncset.done $0x0  }
0xa0: {  	[sflag:s22] =	ssyncadd.s32 s3;
	_ =	sdelay $0x1  }
0xa1: {  	s23 =	simm.s32 $0x1B8B  }
0xa2: {  	_ =	swait.ge [sflag:s23], $0x1  }
0xa3: {  	[sflag:s23] =	ssyncset.done $0x0  }
0xa4: {  	s25 =	simm.s32 $0x1B8E;
	s24 =	sld [smem:$0x3FFE];
	[sflag:s23] =	ssyncadd.s32 $0xFFFFFFFF  }
0xa5: {  	s26 =	simm.s32 $execute0_lowered;
	[smem:$0x3FD2] =	sst s25  }
0xa6: {  	s4 =	sshll.u32 s26, $0x1;
	_ =	strace $0x80000049;
	[dreg:$0x1] =	wrdreg $0xFFFFFFFF  }
0xa7: {  	s28 =	simm.s32 $_size_execute0_lowered;
	s2 =	sadd.s32 s2, s4;
	[dreg:$0x0] =	wrdreg $0x0  }
0xa8: {  	s4 =	sshll.u32 s28, $0x1;
	[dreg:$0x2] =	wrdreg s2  }
0xa9: {  	[dreg:$0x3] =	wrdreg s4  }
0xaa: {  	[dreg:$0x4] =	wrdreg $0xC0  }
0xab: {  	_ =	task [dreg:s6], $0x5FFFF  }
0xac: {  	[dreg:$0x1] =	wrdreg $0xFFFFFFFF  }
0xad: {  	[dreg:$0x0] =	wrdreg $0x60  }
0xae: {  	[dreg:$0x2] =	wrdreg s24  }
0xaf: {  	[dreg:$0x3] =	wrdreg $0xDE400  }
0xb0: {  	[dreg:$0x4] =	wrdreg $0x9  }
0xb1: {  	_ =	task.clear_ibuf [dreg:s6], $0x5FFFF;
	_ =	strace $0x90000049  }
0xb2: {  	s29 =	simm.s32 $0x9;
	_ =	strace $0x8000004B  }
0xb3: {  	_ =	swait.ge [sflag:s29], $0x1  }
0xb4: {  	[sflag:s29] =	ssyncadd.s32 $0xFFFFFFFF  }
0xb5: {  	_ =	strace $0x9000004B  }
0xb6: {  	_ =	sfence  }
0xb7: {  	s30 =	sld [smem:$0x0];
	_ =	sdelay $0x2  }
0xb8: {  	s31 =	sshll.u32 s1, $0xD;
	s1 =	sshrl.u32 s1, $0x2  }
0xb9: {  	s3 =	sand.u32 $0x4000, s31;
	s1 =	sadd.s32 s1, s30  }
0xba: {  	s0 =	sor.u32 s3, s0;
	s1 =	sshll.u32 s1, $0x11  }
0xbb: {  	s0 =	sor.u32 s1, s0  }
0xbc: {  	s0 =	sadd.s32 $0x8F2B, s0  }
0xbd: {  	[sflag:s0] =	ssyncadd.remote.s32 $0x1  }
0xbe: {  	_ =	sfence.sel $0xFFFF  }
0xbf: {  	[dreg:$0x0] =	wrdreg $0xFFFFFFFF;
	(pc) =	sbr.abs _section_cstart, $3  }
0xc0: {  	[dreg:$0x1] =	wrdreg $0xFFFFFFFF  }
0xc1: {  	_ =	task.clear_ibuf [dreg:s6], $0x2FFFF;
	_ =	strace $0x9FFFFFFF  }
0xc2: {  	(tm) =	ssettm $0x7FFFFFFF  }
0xc3: {  	_ =	shalt  }
tec
execute0_lowered:
.L_overlay_start_1:
0x0: {  	(tag) =	ssettag $0x1  }
0x1: {  	s0 =	rddreg [dreg:$0x0];
	s1 =	srdreg.scid  }
0x2: {  	s2 =	rddreg [dreg:$0x1];
	s6 =	stileid.u32  }
0x3: {  	s3 =	simm.s32 $0x0;
	s19 =	simm.s32 $0xCE40;
	s20 =	simm.s32 $0x5  }
0x4: {  	s21 =	simm.s32 $0x320;
	s22 =	simm.s32 $0x3;
	s23 =	simm.s32 $0x190  }
0x5: {  	s24 =	simm.s32 $0x640;
	s28 =	simm.s32 $0x1;
	s7 =	smul.u32 $0xA000, s6  }
0x6: {  	s29 =	simm.s32 $0x4;
	s30 =	simm.s32 $0x6A40;
	s5 =	smul.u32 $0x9C4, s6  }
0x7: {  	s1 =	sand.u32 $0x1, s1;
	[smem:$0x7FF] =	sst s3;
	s6 =	smul.u32 $0x28000, s6  }
0x8: {  	s31 =	simm.s32 $0x2;
	s4 =	smul.u32 $0xA0000, s1;
	_ =	strace $0x8000004A  }
0x9: {  	s25 =	ssub.s32 $0x2, s1;
	p0 =	seq.s32 s1, $0x0;
	s8 =	sadd.s32 s5, s0  }
0xa: {  	s26 =	sshrl.u32 s25, $0x1;
	s6 =	sshrl.u32 s6, $0x2;
	s4 =	sadd.s32 s7, s4  }
0xb: {  	s10 =	ssub.s32 s25, s26;
	s5 =	sadd.s32 $0x3400, s8;
	s4 =	sshrl.u32 s4, $0x3  }
0xc: {  	s25 =	smax.u32 s10, $0x1;
	s9 =	sadd.s32 s4, s0;
	s4 =	sadd.s32 s6, s2  }
0xd: {  	s6 =	sadd.s32 $0xD200, s8;
	[dreg:$0x4] =	wrdreg s25;
	s8 =	sadd.s32 $0xB7000, s9  }
0xe: {  	s9 =	sadd.s32 s7, s2;
	s26 =	sadd.s32 $0x1000, s4;
	s10 =	sadd.s32 $0x2000, s4  }
0xf: {  	s11 =	sadd.s32 $0x3000, s4;
	s12 =	sadd.s32 $0x4000, s4;
	s13 =	sadd.s32 $0x5000, s4  }
0x10: {  	s14 =	sadd.s32 $0x6000, s4;
	s7 =	simm.s32 $0xA3000;
	s15 =	sadd.s32 $0x7000, s4  }
0x11: {  	s16 =	sadd.s32 $0x8000, s4;
	s17 =	sadd.s32 $0x9000, s4;
	[dreg:$0x3] =	wrdreg s8  }
0x12: {  	[dreg:$0x5] =	wrdreg s26;
	s7 =	simm.s32 @!p0 $0x8F000;
	s25 =	sshrl.u32 s9, $0x3  }
0x13: {  	v0 =	vimm.f32 $0.0e+00;
	s26 =	simm.s32 $0x4B0;
	s18 =	sadd.s32 s7, s0;
	s0 =	simm.s32 $0x0  }
.LBB2_1:
0x14: {  	s1 =	sand.u32 $0x3F00, s3  }
0x15: {  	s7 =	sand.u32 $0x30, s3;
	s8 =	sshrl.u32 s1, $0x2  }
0x16: {  	s1 =	simm.s32 $0x40;
	s8 =	sor.u32 s7, s8;
	s7 =	simm.s32 $0x0  }
.LBB2_2:
0x17: {  	p0 =	sne.s32 s1, $0x3FC0  }
0x18: {  	[tilespmem:s8+$0xCE40] =	vst v0;
	s7 =	sadd.s32 $0x10, s7;
	s8 =	smov.u32 s1;
	s1 =	sadd.s32 $0x40, s1  }
.Ltmp0:
0x19: {  	(pc) =	sbr.rel @p0 .LBB2_2-.Ltmp0, $4  }
0x1a: {  	_ = 	snop  }
0x1b: {  	s8 =	sand.u32 $0x3F00, s8  }
0x1c: {  	s9 =	sand.u32 $0x30, s7;
	s8 =	sshrl.u32 s8, $0x2  }
0x1d: {  	s8 =	sor.u32 s9, s8  }
0x1e: {  	[tilespmem:s8+$0xCE40] =	vst v0  }
0x1f: {  	[spmem:s4] =	stream.linear.scatter [tilespmem:s19], [sflag:$0x5], $0x1000, $0x38;
	[tilespmem:$0x17E40] =	vst v63  }
0x20: {  	_ =	swait.ge [sflag:s20], $0x1000  }
0x21: {  	[sflag:s20] =	ssyncset.done $0x0  }
0x22: {  	s1 =	rddreg [dreg:$0x5];
	[sflag:s20] =	ssyncadd.s32 $0xFFFFF000  }
0x23: {  	[spmem:s1] =	stream.linear.scatter [tilespmem:s19], [sflag:$0x5], $0x1000, $0x38;
	[tilespmem:$0x17E40] =	vst v63  }
0x24: {  	_ =	swait.ge [sflag:s20], $0x1000  }
0x25: {  	[sflag:s20] =	ssyncset.done $0x0  }
0x26: {  	[sflag:s20] =	ssyncadd.s32 $0xFFFFF000  }
0x27: {  	[spmem:s10] =	stream.linear.scatter [tilespmem:s19], [sflag:$0x5], $0x1000, $0x38;
	[tilespmem:$0x17E40] =	vst v63  }
0x28: {  	_ =	swait.ge [sflag:s20], $0x1000  }
0x29: {  	[sflag:s20] =	ssyncset.done $0x0  }
0x2a: {  	[sflag:s20] =	ssyncadd.s32 $0xFFFFF000  }
0x2b: {  	[spmem:s11] =	stream.linear.scatter [tilespmem:s19], [sflag:$0x5], $0x1000, $0x38;
	[tilespmem:$0x17E40] =	vst v63  }
0x2c: {  	_ =	swait.ge [sflag:s20], $0x1000  }
0x2d: {  	[sflag:s20] =	ssyncset.done $0x0  }
0x2e: {  	[sflag:s20] =	ssyncadd.s32 $0xFFFFF000  }
0x2f: {  	[spmem:s12] =	stream.linear.scatter [tilespmem:s19], [sflag:$0x5], $0x1000, $0x38;
	[tilespmem:$0x17E40] =	vst v63  }
0x30: {  	_ =	swait.ge [sflag:s20], $0x1000  }
0x31: {  	[sflag:s20] =	ssyncset.done $0x0  }
0x32: {  	[sflag:s20] =	ssyncadd.s32 $0xFFFFF000  }
0x33: {  	[spmem:s13] =	stream.linear.scatter [tilespmem:s19], [sflag:$0x5], $0x1000, $0x38;
	[tilespmem:$0x17E40] =	vst v63  }
0x34: {  	_ =	swait.ge [sflag:s20], $0x1000  }
0x35: {  	[sflag:s20] =	ssyncset.done $0x0  }
0x36: {  	[sflag:s20] =	ssyncadd.s32 $0xFFFFF000  }
0x37: {  	[spmem:s14] =	stream.linear.scatter [tilespmem:s19], [sflag:$0x5], $0x1000, $0x38;
	[tilespmem:$0x17E40] =	vst v63  }
0x38: {  	_ =	swait.ge [sflag:s20], $0x1000  }
0x39: {  	[sflag:s20] =	ssyncset.done $0x0  }
0x3a: {  	[sflag:s20] =	ssyncadd.s32 $0xFFFFF000  }
0x3b: {  	[spmem:s15] =	stream.linear.scatter [tilespmem:s19], [sflag:$0x5], $0x1000, $0x38;
	[tilespmem:$0x17E40] =	vst v63  }
0x3c: {  	_ =	swait.ge [sflag:s20], $0x1000  }
0x3d: {  	[sflag:s20] =	ssyncset.done $0x0  }
0x3e: {  	[sflag:s20] =	ssyncadd.s32 $0xFFFFF000  }
0x3f: {  	[spmem:s16] =	stream.linear.scatter [tilespmem:s19], [sflag:$0x5], $0x1000, $0x38;
	[tilespmem:$0x17E40] =	vst v63  }
0x40: {  	_ =	swait.ge [sflag:s20], $0x1000  }
0x41: {  	[sflag:s20] =	ssyncset.done $0x0  }
0x42: {  	[sflag:s20] =	ssyncadd.s32 $0xFFFFF000  }
0x43: {  	[spmem:s17] =	stream.linear.scatter [tilespmem:s19], [sflag:$0x5], $0x1000, $0x38;
	[tilespmem:$0x17E40] =	vst v63  }
0x44: {  	_ =	swait.ge [sflag:s20], $0x1000  }
0x45: {  	[sflag:s20] =	ssyncset.done $0x0  }
0x46: {  	[sflag:s20] =	ssyncadd.s32 $0xFFFFF000  }
0x47: {  	[bflag:$0x0] =	sbarrier.arrive $0xFFFF  }
0x48: {  	[tilespmem:s3], [sflag:$0x3] =	stream.linear.gather [hbm4b:s5+s3], $0x190, $0x38;
	[tilespmem:$0x17E40] =	vst v63  }
0x49: {  	_ = 	snop  }
0x4a: {  	[tilespmem:s21], [sflag:$0x3] =	stream.linear.gather [hbm4b:s6+s3], $0x190, $0x38;
	[tilespmem:$0x17E40] =	vst v63  }
0x4b: {  	_ =	swait.ge [sflag:s22], $0x190  }
0x4c: {  	[sflag:s22] =	ssyncset.done $0x0  }
0x4d: {  	[sflag:s22] =	ssyncadd.s32 $0xFFFFFE70  }
0x4e: {  	_ =	swait.ge [sflag:s22], $0x190  }
0x4f: {  	[sflag:s22] =	ssyncset.done $0x0  }
0x50: {  	[sflag:s22] =	ssyncadd.s32 $0xFFFFFE70  }
0x51: {  	[tilespmem:s24], [sflag:$0x1] =	stream.indirect.gather [hbm4b:s18+s23], $0x40, s3, s23, $0xb8;
	[tilespmem:$0x17E40] =	vst v63  }
0x52: {  	s7 =	sadd.s32 $0x32, s5  }
0x53: {  	[tilespmem:s23], [sflag:$0x4] =	stream.linear.gather [hbm4b:s7+s3], $0x190, $0x38;
	[tilespmem:$0x17E40] =	vst v63  }
0x54: {  	s8 =	sadd.s32 $0x32, s6  }
0x55: {  	[tilespmem:s26], [sflag:$0x4] =	stream.linear.gather [hbm4b:s8+s3], $0x190, $0x38;
	[tilespmem:$0x17E40] =	vst v63  }
0x56: {  	_ =	swait.ge [sflag:s28], $0x6400  }
0x57: {  	[sflag:s28] =	ssyncset.done $0x0  }
0x58: {  	[sflag:s28] =	ssyncadd.s32 $0xFFFF9C00  }
0x59: {  	_ =	swait.ge [sflag:s29], $0x190  }
0x5a: {  	[sflag:s29] =	ssyncset.done $0x0  }
0x5b: {  	[sflag:s29] =	ssyncadd.s32 $0xFFFFFE70  }
0x5c: {  	_ =	swait.ge [sflag:s29], $0x190  }
0x5d: {  	[sflag:s29] =	ssyncset.done $0x0  }
0x5e: {  	[sflag:s29] =	ssyncadd.s32 $0xFFFFFE70  }
0x5f: {  	[tilespmem:s30], [sflag:$0x2] =	stream.indirect.gather [hbm4b:s18+s23], $0x40, s23, s23, $0xb8;
	[tilespmem:$0x17E40] =	vst v63  }
0x60: {  	_ = 	snop  }
0x61: {  	[spmem:s2] =	stream.indirect.scatter.add.f32 [tilespmem:s24], [sflag:$0x5], $0x40, s21, s23, $0xb8;
	[tilespmem:$0x17E40] =	vst v63  }
0x62: {  	_ =	swait.ge [sflag:s20], $0x6400  }
0x63: {  	s1 =	sadd.s32 $0xFFFFF6A0, s5;
	[sflag:s20] =	ssyncset.done $0x0  }
0x64: {  	s7 =	sadd.s32 $0x9C4, s1;
	s8 =	sadd.s32 $0xFFFFF6A0, s6;
	[sflag:s20] =	ssyncadd.s32 $0xFFFF9C00  }
0x65: {  	[tilespmem:s3], [sflag:$0x3] =	stream.linear.gather [hbm4b:s7+s3], $0x190, $0x38;
	[tilespmem:$0x17E40] =	vst v63  }
0x66: {  	s9 =	sadd.s32 $0x9C4, s8  }
0x67: {  	[tilespmem:s21], [sflag:$0x3] =	stream.linear.gather [hbm4b:s9+s3], $0x190, $0x38;
	[tilespmem:$0x17E40] =	vst v63  }
0x68: {  	_ =	swait.ge [sflag:s31], $0x6400  }
0x69: {  	[sflag:s31] =	ssyncset.done $0x0  }
0x6a: {  	[sflag:s31] =	ssyncadd.s32 $0xFFFF9C00  }
0x6b: {  	_ =	swait.ge [sflag:s22], $0x190  }
0x6c: {  	[sflag:s22] =	ssyncset.done $0x0  }
0x6d: {  	[sflag:s22] =	ssyncadd.s32 $0xFFFFFE70  }
0x6e: {  	_ =	swait.ge [sflag:s22], $0x190  }
0x6f: {  	[sflag:s22] =	ssyncset.done $0x0  }
0x70: {  	[sflag:s22] =	ssyncadd.s32 $0xFFFFFE70  }
0x71: {  	[tilespmem:s24], [sflag:$0x1] =	stream.indirect.gather [hbm4b:s18+s23], $0x40, s3, s23, $0xb8;
	[tilespmem:$0x17E40] =	vst v63  }
0x72: {  	_ = 	snop  }
0x73: {  	[spmem:s2] =	stream.indirect.scatter.add.f32 [tilespmem:s30], [sflag:$0x5], $0x40, s26, s23, $0xb8;
	[tilespmem:$0x17E40] =	vst v63  }
0x74: {  	_ =	swait.ge [sflag:s20], $0x6400  }
0x75: {  	[sflag:s20] =	ssyncset.done $0x0  }
0x76: {  	s1 =	sadd.s32 $0x9F6, s1;
	[sflag:s20] =	ssyncadd.s32 $0xFFFF9C00  }
0x77: {  	[tilespmem:s23], [sflag:$0x4] =	stream.linear.gather [hbm4b:s1+s3], $0x190, $0x38;
	[tilespmem:$0x17E40] =	vst v63  }
0x78: {  	s7 =	sadd.s32 $0x9F6, s8;
	s1 =	simm.s32 $0xFFFFF704  }
.LBB2_4:
0x79: {  	[tilespmem:s26], [sflag:$0x4] =	stream.linear.gather [hbm4b:s7+s3], $0x190, $0x38;
	[tilespmem:$0x17E40] =	vst v63  }
0x7a: {  	s7 =	smov.u32 s1  }
0x7b: {  	p0 =	sne.s32 s1, $0xFFFFFF9C;
	s1 =	sadd.s32 $0x64, s1;
	_ =	swait.ge [sflag:s28], $0x6400  }
0x7c: {  	[sflag:s28] =	ssyncset.done $0x0  }
0x7d: {  	[sflag:s28] =	ssyncadd.s32 $0xFFFF9C00  }
0x7e: {  	_ =	swait.ge [sflag:s29], $0x190  }
0x7f: {  	[sflag:s29] =	ssyncset.done $0x0  }
0x80: {  	[sflag:s29] =	ssyncadd.s32 $0xFFFFFE70  }
0x81: {  	_ =	swait.ge [sflag:s29], $0x190  }
0x82: {  	[sflag:s29] =	ssyncset.done $0x0  }
0x83: {  	[sflag:s29] =	ssyncadd.s32 $0xFFFFFE70  }
0x84: {  	[tilespmem:s30], [sflag:$0x2] =	stream.indirect.gather [hbm4b:s18+s23], $0x40, s23, s23, $0xb8;
	[tilespmem:$0x17E40] =	vst v63  }
0x85: {  	_ = 	snop  }
0x86: {  	[spmem:s2] =	stream.indirect.scatter.add.f32 [tilespmem:s24], [sflag:$0x5], $0x40, s21, s23, $0xb8;
	[tilespmem:$0x17E40] =	vst v63  }
0x87: {  	_ =	swait.ge [sflag:s20], $0x6400  }
0x88: {  	s8 =	sadd.s32 s7, s5;
	[sflag:s20] =	ssyncset.done $0x0  }
0x89: {  	s7 =	sadd.s32 s7, s6;
	s9 =	sadd.s32 $0x9C4, s8;
	[sflag:s20] =	ssyncadd.s32 $0xFFFF9C00  }
0x8a: {  	[tilespmem:s3], [sflag:$0x3] =	stream.linear.gather [hbm4b:s9+s3], $0x190, $0x38;
	[tilespmem:$0x17E40] =	vst v63  }
0x8b: {  	s9 =	sadd.s32 $0x9C4, s7  }
0x8c: {  	[tilespmem:s21], [sflag:$0x3] =	stream.linear.gather [hbm4b:s9+s3], $0x190, $0x38;
	[tilespmem:$0x17E40] =	vst v63  }
0x8d: {  	_ =	swait.ge [sflag:s31], $0x6400  }
0x8e: {  	[sflag:s31] =	ssyncset.done $0x0  }
0x8f: {  	[sflag:s31] =	ssyncadd.s32 $0xFFFF9C00  }
0x90: {  	_ =	swait.ge [sflag:s22], $0x190  }
0x91: {  	[sflag:s22] =	ssyncset.done $0x0  }
0x92: {  	[sflag:s22] =	ssyncadd.s32 $0xFFFFFE70  }
0x93: {  	_ =	swait.ge [sflag:s22], $0x190  }
0x94: {  	[sflag:s22] =	ssyncset.done $0x0  }
0x95: {  	[sflag:s22] =	ssyncadd.s32 $0xFFFFFE70  }
0x96: {  	[tilespmem:s24], [sflag:$0x1] =	stream.indirect.gather [hbm4b:s18+s23], $0x40, s3, s23, $0xb8;
	[tilespmem:$0x17E40] =	vst v63  }
0x97: {  	_ = 	snop  }
0x98: {  	[spmem:s2] =	stream.indirect.scatter.add.f32 [tilespmem:s30], [sflag:$0x5], $0x40, s26, s23, $0xb8;
	[tilespmem:$0x17E40] =	vst v63  }
.Ltmp1:
0x99: {  	_ =	swait.ge [sflag:s20], $0x6400;
	(pc) =	sbr.rel @p0 .LBB2_4-.Ltmp1, $4  }
0x9a: {  	[sflag:s20] =	ssyncset.done $0x0  }
0x9b: {  	s8 =	sadd.s32 $0x9F6, s8;
	[sflag:s20] =	ssyncadd.s32 $0xFFFF9C00  }
0x9c: {  	[tilespmem:s23], [sflag:$0x4] =	stream.linear.gather [hbm4b:s8+s3], $0x190, $0x38;
	[tilespmem:$0x17E40] =	vst v63  }
0x9d: {  	s7 =	sadd.s32 $0x9F6, s7  }
0x9e: {  	[tilespmem:s26], [sflag:$0x4] =	stream.linear.gather [hbm4b:s7+s3], $0x190, $0x38;
	[tilespmem:$0x17E40] =	vst v63  }
0x9f: {  	_ =	swait.ge [sflag:s28], $0x6400  }
0xa0: {  	[sflag:s28] =	ssyncset.done $0x0  }
0xa1: {  	[sflag:s28] =	ssyncadd.s32 $0xFFFF9C00  }
0xa2: {  	_ =	swait.ge [sflag:s29], $0x190  }
0xa3: {  	[sflag:s29] =	ssyncset.done $0x0  }
0xa4: {  	[sflag:s29] =	ssyncadd.s32 $0xFFFFFE70  }
0xa5: {  	_ =	swait.ge [sflag:s29], $0x190  }
0xa6: {  	[sflag:s29] =	ssyncset.done $0x0  }
0xa7: {  	[sflag:s29] =	ssyncadd.s32 $0xFFFFFE70  }
0xa8: {  	[tilespmem:s30], [sflag:$0x2] =	stream.indirect.gather [hbm4b:s18+s23], $0x40, s23, s23, $0xb8;
	[tilespmem:$0x17E40] =	vst v63  }
0xa9: {  	_ = 	snop  }
0xaa: {  	[spmem:s2] =	stream.indirect.scatter.add.f32 [tilespmem:s24], [sflag:$0x5], $0x40, s21, s23, $0xb8;
	[tilespmem:$0x17E40] =	vst v63  }
0xab: {  	_ =	swait.ge [sflag:s20], $0x6400  }
0xac: {  	[sflag:s20] =	ssyncset.done $0x0  }
0xad: {  	[sflag:s20] =	ssyncadd.s32 $0xFFFF9C00  }
0xae: {  	_ =	swait.ge [sflag:s31], $0x6400  }
0xaf: {  	[sflag:s31] =	ssyncset.done $0x0  }
0xb0: {  	[sflag:s31] =	ssyncadd.s32 $0xFFFF9C00  }
0xb1: {  	[spmem:s2] =	stream.indirect.scatter.add.f32 [tilespmem:s30], [sflag:$0x5], $0x40, s26, s23, $0xb8;
	[tilespmem:$0x17E40] =	vst v63  }
0xb2: {  	_ =	swait.ge [sflag:s20], $0x6400  }
0xb3: {  	[sflag:s20] =	ssyncset.done $0x0  }
0xb4: {  	s1 =	stileid.u32;
	[sflag:s20] =	ssyncadd.s32 $0xFFFF9C00  }
0xb5: {  	s1 =	sshll.u32 s1, $0x6;
	[bflag:$0x0] =	sbarrier.arrive $0xFFFF  }
0xb6: {  	s1 =	sor.u32 $0x1C05, s1;
	s8 =	rddreg [dreg:$0x3]  }
0xb7: {  	[hbm:s8], [sflag:s1] =	dma.local [spmem:s25], $0x1400  }
0xb8: {  	_ =	swait.ge [sflag:s20], $0x1400  }
0xb9: {  	s0 =	sadd.s32 $0x1, s0;
	s9 =	rddreg [dreg:$0x4]  }
0xba: {  	p0 =	sne.s32 s0, s9  }
.Ltmp2:
0xbb: {  	_ = 	snop;
	(pc) =	sbr.rel @p0 .LBB2_1-.Ltmp2, $3  }
0xbc: {  	_ =	sdelay $0x1  }
0xbd: {  	[sflag:s20] =	ssyncset.done $0x0  }
0xbe: {  	[sflag:s20] =	ssyncadd.s32 $0xFFFFEC00  }
0xbf: {  	_ =	sfence.sel $0x180000  }
0xc0: {  	[bflag:$0x0] =	sbarrier.arrive $0xFFFF  }
0xc1: {  	_ =	strace $0x9000004A  }
0xc2: {  	s0 =	stileid.u32;
	[bflag:$0x2] =	sbarrier.arrive $0xFFFF  }
0xc3: {  	p0 =	sne.s32 s0, $0x0;
	s0 =	rddreg [dreg:$0x2]  }
0xc4: {  	s0 =	sadd.s32 @!p0 $0x100000, s0  }
0xc5: {  	[sflag:s0] =	ssyncadd.tile.s32 @!p0 $0x1;
	_ =	shalt  }
.Lfunc_end2:
_tile_overlayer_lowered:
.L_overlay_start_2:
0xc6: {  	(tag) =	ssettag $0x2  }
0xc7: {  	s0 =	rddreg [dreg:$0x0];
	s2 =	stileid.u32  }
0xc8: {  	s1 =	rddreg [dreg:$0x1];
	p0 =	sne.s32 s2, $0x0  }
0xc9: {  	s3 =	rddreg [dreg:$0x2];
	[bflag:$0x3] =	sbarrier.arrive $0xFFFF;
	s2 =	simm.s32 @!p0 $0x1C05  }
0xca: {  	[timem:s3], [sflag:s2] =	dma.local @!p0 [hbm:s0], s1  }
0xcb: {  	s0 =	simm.s32 @!p0 $0x5  }
0xcc: {  	_ =	swait.ge @!p0 [sflag:s0], s1  }
0xcd: {  	s1 =	ssub.s32 @!p0 $0x0, s1;
	[sflag:s0] =	ssyncset.done @!p0 $0x0  }
0xce: {  	[sflag:s0] =	ssyncadd.s32 @!p0 s1  }
0xcf: {  	[bflag:$0x3] =	sbarrier.arrive $0xFFFF  }
0xd0: {  	_ =	shalt  }

// kernel: gcn_prop_16.3.cloned.1.call-start
scs
__scs_entry_jumppad:
0x0: {  	(pc) =	sbr.rel $0x88, $3  }
0x1: {  	(tag) =	ssettag $0x0;
	lr =	simm.s32 $0x1  }
0x2: {  	[smem:$0x3F99] =	sst lr;
	_ =	strace $0xD0000000  }
0x3: {  	_ = 	snop  }
0x4: {  	_ = 	snop  }
0x5: {  	_ = 	snop  }
0x6: {  	_ = 	snop  }
0x7: {  	_ = 	snop  }
__scs_overlays_trampoline_lowered:
0x8: {  	[smem:$0x3FA8] =	sst s0  }
0x9: {  	[smem:$0x3FA9] =	sst s1  }
0xa: {  	[smem:$0x3FAA] =	sst s2  }
0xb: {  	[smem:$0x3FAB] =	sst s3  }
0xc: {  	[smem:$0x3FAC] =	sst s4  }
0xd: {  	[smem:$0x3FAD] =	sst s5  }
0xe: {  	[smem:$0x3FAE] =	sst s6  }
0xf: {  	[smem:$0x3FAF] =	sst s7  }
0x10: {  	[smem:$0x3FB0] =	sst s8  }
0x11: {  	[smem:$0x3FB1] =	sst s9;
	s0 =	simm.s32 @!p0 $0x0  }
0x12: {  	s1 =	sld [smem:$0x3F97];
	s0 =	simm.s32 @p0 $0x1  }
0x13: {  	[smem:$0x3FB2] =	sst s0;
	s0 =	simm.s32 @!p1 $0x0  }
0x14: {  	s2 =	sld [smem:$0x3F96];
	s0 =	simm.s32 @p1 $0x1  }
0x15: {  	[smem:$0x3FB3] =	sst s0;
	s0 =	simm.s32 @!p2 $0x0  }
0x16: {  	s3 =	sld [smem:$0x3FDB];
	s0 =	simm.s32 @p2 $0x1  }
0x17: {  	s4 =	simm.s32 $0x1BF5;
	[smem:$0x3FB5] =	sst s0  }
0x18: {  	s0 =	sld [smem:$0x3F98];
	_ =	swait.ge [sflag:s4], $0x0  }
0x19: {  	s7 =	sld [smem:$0x3F99]  }
0x1a: {  	s8 =	sadd.s32 $0xFFFFE003, lr  }
0x1b: {  	s9 =	sadd.s32 $0xFFFFFEF7, lr;
	s5 =	simm.s32 $0xFFFFFFFF;
	p2 =	slt.u32 s8, $0xFFFFF086  }
0x1c: {  	p1 =	slt.u32 s9, $0xF7A;
	s5 =	simm.s32 @!p2 $0x0  }
0x1d: {  	s5 =	simm.s32 @p1 $0x1;
	p0 =	seq.s32 s7, s2  }
0x1e: {  	s7 =	smul.u32 @!p0 $0xF7A, s2;
	p2 =	seq.s32 @!p0 s5, $0x0  }
0x1f: {  	s9 =	smul.u32 $0xF7A, s1;
	s8 =	simm.s32 @!p0 $0x1BF5;
	p2 =	por !p2, p0  }
0x20: {  	[sflag:s8] =	ssyncset.s32 @!p0 $0xFFFFF086;
	s6 =	sadd.s32 @!p0 s3, s7;
	s7 =	simm.s32 @!p0 $0x108  }
0x21: {  	s3 =	sadd.s32 s3, s9;
	s6 =	sadd.s32 @!p0 $0x88, s6;
	s7 =	simm.s32 @p2 $0x1082  }
0x22: {  	[simem:s7], [sflag:s8] =	dma.local @!p0 [hbm:s6], $0xF7A  }
0x23: {  	s9 =	sor.u32 $0xD0000000, s2;
	s6 =	simm.s32 $0x108;
	_ =	swait.ge @!p0 [sflag:s8], $0x0  }
0x24: {  	s3 =	sadd.s32 $0x88, s3;
	s6 =	simm.s32 @!p1 $0x1082;
	[sflag:s4] =	ssyncset.s32 $0xFFFFF086  }
0x25: {  	[simem:s6], [sflag:s4] =	dma.local [hbm:s3], $0xF7A  }
0x26: {  	[smem:$0x3F99] =	sst s1;
	(tag) =	ssettag s2;
	_ =	strace s9  }
0x27: {  	s1 =	sld [smem:$0x3FA9]  }
0x28: {  	s2 =	sld [smem:$0x3FAA]  }
0x29: {  	s4 =	sld [smem:$0x3FAC]  }
0x2a: {  	p0 =	seq.s32 s5, $0x0;
	s5 =	sld [smem:$0x3FAD]  }
0x2b: {  	s6 =	sld [smem:$0x3FAE]  }
0x2c: {  	s7 =	sld [smem:$0x3FAF]  }
0x2d: {  	s3 =	simm.s32 $0x108;
	s8 =	sld [smem:$0x3FB0]  }
0x2e: {  	s3 =	simm.s32 @!p0 $0x1082;
	s9 =	sld [smem:$0x3FB1]  }
0x2f: {  	lr =	sadd.s32 s0, s3;
	s0 =	sld [smem:$0x3FA8]  }
0x30: {  	s3 =	sld [smem:$0x3FAB]  }
0x31: {  	[smem:$0x3FB4] =	sst s10  }
0x32: {  	s10 =	sld [smem:$0x3FB2];
	_ =	sdelay $0x3  }
0x33: {  	p0 =	seq.s32 s10, $0x1;
	s10 =	sld [smem:$0x3FB4];
	_ =	sdelay $0x3  }
0x34: {  	[smem:$0x3FB4] =	sst s10  }
0x35: {  	s10 =	sld [smem:$0x3FB3];
	_ =	sdelay $0x3  }
0x36: {  	p1 =	seq.s32 s10, $0x1;
	s10 =	sld [smem:$0x3FB4];
	_ =	sdelay $0x3  }
0x37: {  	[smem:$0x3FB4] =	sst s10  }
0x38: {  	s10 =	sld [smem:$0x3FB5]  }
0x39: {  	_ = 	snop;
	(pc) =	sbr.ind lr, $3  }
0x3a: {  	_ = 	snop  }
0x3b: {  	_ = 	snop  }
0x3c: {  	p2 =	seq.s32 s10, $0x1;
	s10 =	sld [smem:$0x3FB4]  }
0x3d: {  	_ =	shalt  }
0x3e: {  	_ =	shalt  }
0x3f: {  	_ =	shalt  }
0x40: {  	_ =	shalt  }
0x41: {  	_ =	shalt  }
0x42: {  	_ =	shalt  }
0x43: {  	_ =	shalt  }
0x44: {  	_ =	shalt  }
0x45: {  	_ =	shalt  }
0x46: {  	_ =	shalt  }
0x47: {  	_ =	shalt  }
0x48: {  	_ =	shalt  }
0x49: {  	_ =	shalt  }
0x4a: {  	_ =	shalt  }
0x4b: {  	_ =	shalt  }
0x4c: {  	_ =	shalt  }
0x4d: {  	_ =	shalt  }
0x4e: {  	_ =	shalt  }
0x4f: {  	_ =	shalt  }
0x50: {  	_ =	shalt  }
0x51: {  	_ =	shalt  }
0x52: {  	_ =	shalt  }
0x53: {  	_ =	shalt  }
0x54: {  	_ =	shalt  }
0x55: {  	_ =	shalt  }
0x56: {  	_ =	shalt  }
0x57: {  	_ =	shalt  }
0x58: {  	_ =	shalt  }
0x59: {  	_ =	shalt  }
0x5a: {  	_ =	shalt  }
0x5b: {  	_ =	shalt  }
0x5c: {  	_ =	shalt  }
0x5d: {  	_ =	shalt  }
0x5e: {  	_ =	shalt  }
0x5f: {  	_ =	shalt  }
0x60: {  	_ =	shalt  }
0x61: {  	_ =	shalt  }
0x62: {  	_ =	shalt  }
0x63: {  	_ =	shalt  }
0x64: {  	_ =	shalt  }
0x65: {  	_ =	shalt  }
0x66: {  	_ =	shalt  }
0x67: {  	_ =	shalt  }
0x68: {  	_ =	shalt  }
0x69: {  	_ =	shalt  }
0x6a: {  	_ =	shalt  }
0x6b: {  	_ =	shalt  }
0x6c: {  	_ =	shalt  }
0x6d: {  	_ =	shalt  }
0x6e: {  	_ =	shalt  }
0x6f: {  	_ =	shalt  }
0x70: {  	_ =	shalt  }
0x71: {  	_ =	shalt  }
0x72: {  	_ =	shalt  }
0x73: {  	_ =	shalt  }
0x74: {  	_ =	shalt  }
0x75: {  	_ =	shalt  }
0x76: {  	_ =	shalt  }
0x77: {  	_ =	shalt  }
0x78: {  	_ =	shalt  }
0x79: {  	_ =	shalt  }
0x7a: {  	_ =	shalt  }
0x7b: {  	_ =	shalt  }
0x7c: {  	_ =	shalt  }
0x7d: {  	_ =	shalt  }
0x7e: {  	_ =	shalt  }
0x7f: {  	_ =	shalt  }
0x80: {  	_ =	shalt  }
0x81: {  	_ =	shalt  }
0x82: {  	_ =	shalt  }
0x83: {  	_ =	shalt  }
0x84: {  	_ =	shalt  }
0x85: {  	_ =	shalt  }
0x86: {  	_ =	shalt  }
0x87: {  	_ =	shalt  }
.Lfunc_end0:
.L_simem_size_0:
called_computation.3_lowered:
.L_overlay_start_0:
0x88: {  	s2 =	sld [smem:$0x3FD9]  }
0x89: {  	s3 =	sld [smem:$0x3FFE];
	_ =	sdelay $0x1  }
0x8a: {  	s1 =	srdreg.scid  }
0x8b: {  	s0 =	sand.u32 $0x1, s1  }
0x8c: {  	s16 =	sshll.u32 s0, $0xA;
	s2 =	sadd.s32 s3, s2  }
0x8d: {  	s2 =	sadd.s32 s2, s16  }
0x8e: {  	[smem:$0x3FC0] =	sst s2  }
0x8f: {  	_ = 	snop  }
0x90: {  	(tm) =	ssettm $0x1  }
0x91: {  	s17 =	sld [smem:$0x3FFB];
	_ =	sdelay $0x3  }
0x92: {  	_ =	strace s17  }
0x93: {  	s2 =	sld [smem:$0x3FFC];
	_ =	sdelay $0x3  }
0x94: {  	_ =	strace s2  }
0x95: {  	s2 =	sld [smem:$0x3FFD];
	_ =	sdelay $0x3  }
0x96: {  	_ =	strace s2  }
0x97: {  	_ =	strace $0x8FFFFFFF  }
0x98: {  	s18 =	sld [smem:$0x3FDB];
	_ =	sdelay $0x1  }
0x99: {  	s19 =	simm.s32 $_scs_section_size  }
0x9a: {  	s4 =	simm.s32 $_size__tile_overlayer_lowered;
	s5 =	simm.s32 $_tile_overlayer_lowered  }
0x9b: {  	s22 =	simm.s32 $0x1BFF;
	s21 =	sshll.u32 s5, $0x1;
	s2 =	sadd.s32 s19, s18  }
0x9c: {  	s6 =	simm.s32 $0x0;
	s20 =	sshll.u32 s4, $0x1;
	s4 =	sadd.s32 s21, s2  }
0x9d: {  	[timem:s6], [sflag:s22] =	dma.local [hbm:s4], s20  }
0x9e: {  	_ =	swait.ge [sflag:s22], s20  }
0x9f: {  	s3 =	ssub.s32 $0x0, s20;
	[sflag:s22] =	ssyncset.done $0x0  }
0xa0: {  	[sflag:s22] =	ssyncadd.s32 s3;
	_ =	sdelay $0x1  }
0xa1: {  	s23 =	simm.s32 $0x1B8B  }
0xa2: {  	_ =	swait.ge [sflag:s23], $0x1  }
0xa3: {  	[sflag:s23] =	ssyncset.done $0x0  }
0xa4: {  	s25 =	simm.s32 $0x1B8E;
	s24 =	sld [smem:$0x3FFE];
	[sflag:s23] =	ssyncadd.s32 $0xFFFFFFFF  }
0xa5: {  	s26 =	simm.s32 $execute0_lowered;
	[smem:$0x3FD2] =	sst s25  }
0xa6: {  	s4 =	sshll.u32 s26, $0x1;
	_ =	strace $0x8000004F;
	[dreg:$0x1] =	wrdreg $0xFFFFFFFF  }
0xa7: {  	s28 =	simm.s32 $_size_execute0_lowered;
	s2 =	sadd.s32 s2, s4;
	[dreg:$0x0] =	wrdreg $0x0  }
0xa8: {  	s4 =	sshll.u32 s28, $0x1;
	[dreg:$0x2] =	wrdreg s2  }
0xa9: {  	[dreg:$0x3] =	wrdreg s4  }
0xaa: {  	[dreg:$0x4] =	wrdreg $0xC0  }
0xab: {  	_ =	task [dreg:s6], $0x5FFFF  }
0xac: {  	[dreg:$0x1] =	wrdreg $0xFFFFFFFF  }
0xad: {  	[dreg:$0x0] =	wrdreg $0x60  }
0xae: {  	[dreg:$0x2] =	wrdreg s24  }
0xaf: {  	[dreg:$0x3] =	wrdreg $0x3C400  }
0xb0: {  	[dreg:$0x4] =	wrdreg $0x9  }
0xb1: {  	_ =	task.clear_ibuf [dreg:s6], $0x5FFFF;
	_ =	strace $0x9000004F  }
0xb2: {  	s29 =	simm.s32 $0x9;
	_ =	strace $0x80000051  }
0xb3: {  	_ =	swait.ge [sflag:s29], $0x1  }
0xb4: {  	[sflag:s29] =	ssyncadd.s32 $0xFFFFFFFF  }
0xb5: {  	_ =	strace $0x90000051  }
0xb6: {  	_ =	sfence  }
0xb7: {  	s30 =	sld [smem:$0x0];
	_ =	sdelay $0x2  }
0xb8: {  	s31 =	sshll.u32 s1, $0xD;
	s1 =	sshrl.u32 s1, $0x2  }
0xb9: {  	s3 =	sand.u32 $0x4000, s31;
	s1 =	sadd.s32 s1, s30  }
0xba: {  	s0 =	sor.u32 s3, s0;
	s1 =	sshll.u32 s1, $0x11  }
0xbb: {  	s0 =	sor.u32 s1, s0  }
0xbc: {  	s0 =	sadd.s32 $0x8F2B, s0  }
0xbd: {  	[sflag:s0] =	ssyncadd.remote.s32 $0x1  }
0xbe: {  	_ =	sfence.sel $0xFFFF  }
0xbf: {  	[dreg:$0x0] =	wrdreg $0xFFFFFFFF;
	(pc) =	sbr.abs _section_cstart, $3  }
0xc0: {  	[dreg:$0x1] =	wrdreg $0xFFFFFFFF  }
0xc1: {  	_ =	task.clear_ibuf [dreg:s6], $0x2FFFF;
	_ =	strace $0x9FFFFFFF  }
0xc2: {  	(tm) =	ssettm $0x7FFFFFFF  }
0xc3: {  	_ =	shalt  }
tec
execute0_lowered:
.L_overlay_start_1:
0x0: {  	(tag) =	ssettag $0x1  }
0x1: {  	s0 =	srdreg.scid  }
0x2: {  	s7 =	stileid.u32;
	s5 =	rddreg [dreg:$0x0]  }
0x3: {  	s2 =	rddreg [dreg:$0x1];
	s3 =	simm.s32 $0x0;
	s19 =	simm.s32 $0x3840  }
0x4: {  	s20 =	simm.s32 $0x5;
	s21 =	simm.s32 $0x320;
	s22 =	simm.s32 $0x3  }
0x5: {  	s23 =	simm.s32 $0x190;
	s28 =	simm.s32 $0x1;
	s29 =	simm.s32 $0x4  }
0x6: {  	s30 =	simm.s32 $0x1F40;
	s31 =	simm.s32 $0x2;
	s0 =	sand.u32 $0x1, s0  }
0x7: {  	s1 =	sshll.u32 s7, $0x1;
	[smem:$0x7FF] =	sst s3;
	s8 =	smul.u32 $0x2800, s7  }
0x8: {  	s4 =	sadd.s32 $0x3F000, s5;
	s7 =	smul.u32 $0xA000, s7;
	s1 =	sor.u32 s0, s1  }
0x9: {  	s6 =	smul.u32 $0x28000, s0;
	_ =	strace $0x80000050;
	s0 =	ssub.s32 $0x2, s0  }
0xa: {  	s1 =	smul.u32 $0x4E2, s1;
	s9 =	sshrl.u32 s0, $0x1;
	s7 =	sshrl.u32 s7, $0x2  }
0xb: {  	s25 =	sadd.s32 s8, s2;
	s6 =	sadd.s32 s8, s6;
	s0 =	ssub.s32 s0, s9  }
0xc: {  	s25 =	sshrl.u32 s25, $0x3;
	s1 =	sadd.s32 s1, s5;
	s6 =	sshrl.u32 s6, $0x3  }
0xd: {  	s0 =	smax.u32 s0, $0x1;
	s10 =	sadd.s32 s6, s5;
	s5 =	sadd.s32 s7, s2  }
0xe: {  	s6 =	sadd.s32 $0x3400, s1;
	s7 =	sadd.s32 $0xD200, s1;
	[dreg:$0x4] =	wrdreg s0  }
0xf: {  	s1 =	simm.s32 $0x0;
	s24 =	sadd.s32 $0x44000, s10;
	s26 =	sadd.s32 $0x400, s5  }
0x10: {  	s11 =	sadd.s32 $0x800, s5;
	s12 =	sadd.s32 $0xC00, s5;
	s13 =	sadd.s32 $0x1000, s5  }
0x11: {  	s14 =	sadd.s32 $0x1400, s5;
	s15 =	sadd.s32 $0x1800, s5;
	s16 =	sadd.s32 $0x1C00, s5  }
0x12: {  	s17 =	sadd.s32 $0x2000, s5;
	s18 =	sadd.s32 $0x2400, s5;
	[dreg:$0x3] =	wrdreg s24  }
0x13: {  	v0 =	vimm.f32 $0.0e+00;
	[dreg:$0x5] =	wrdreg s26;
	s24 =	simm.s32 $0x640;
	s26 =	simm.s32 $0x4B0  }
.LBB2_1:
0x14: {  	s0 =	simm.s32 $0x40;
	s8 =	simm.s32 $0x0  }
.LBB2_2:
0x15: {  	p0 =	sne.s32 s0, $0xFC0;
	[tilespmem:s8+$0x3840] =	vst v0;
	s8 =	smov.u32 s0;
	s0 =	sadd.s32 $0x40, s0  }
.Ltmp0:
0x16: {  	(pc) =	sbr.rel @p0 .LBB2_2-.Ltmp0, $2  }
0x17: {  	_ =	sdelay $0x2  }
0x18: {  	s8 =	sshra.s32 s8, $0x2  }
0x19: {  	[tilespmem:s8+$0x3840] =	vst v0  }
0x1a: {  	[spmem:s5] =	stream.linear.scatter [tilespmem:s19], [sflag:$0x5], $0x400, $0x38;
	[tilespmem:$0x6440] =	vst v63  }
0x1b: {  	_ =	swait.ge [sflag:s20], $0x400  }
0x1c: {  	[sflag:s20] =	ssyncset.done $0x0  }
0x1d: {  	s0 =	rddreg [dreg:$0x5];
	[sflag:s20] =	ssyncadd.s32 $0xFFFFFC00  }
0x1e: {  	[spmem:s0] =	stream.linear.scatter [tilespmem:s19], [sflag:$0x5], $0x400, $0x38;
	[tilespmem:$0x6440] =	vst v63  }
0x1f: {  	_ =	swait.ge [sflag:s20], $0x400  }
0x20: {  	[sflag:s20] =	ssyncset.done $0x0  }
0x21: {  	[sflag:s20] =	ssyncadd.s32 $0xFFFFFC00  }
0x22: {  	[spmem:s11] =	stream.linear.scatter [tilespmem:s19], [sflag:$0x5], $0x400, $0x38;
	[tilespmem:$0x6440] =	vst v63  }
0x23: {  	_ =	swait.ge [sflag:s20], $0x400  }
0x24: {  	[sflag:s20] =	ssyncset.done $0x0  }
0x25: {  	[sflag:s20] =	ssyncadd.s32 $0xFFFFFC00  }
0x26: {  	[spmem:s12] =	stream.linear.scatter [tilespmem:s19], [sflag:$0x5], $0x400, $0x38;
	[tilespmem:$0x6440] =	vst v63  }
0x27: {  	_ =	swait.ge [sflag:s20], $0x400  }
0x28: {  	[sflag:s20] =	ssyncset.done $0x0  }
0x29: {  	[sflag:s20] =	ssyncadd.s32 $0xFFFFFC00  }
0x2a: {  	[spmem:s13] =	stream.linear.scatter [tilespmem:s19], [sflag:$0x5], $0x400, $0x38;
	[tilespmem:$0x6440] =	vst v63  }
0x2b: {  	_ =	swait.ge [sflag:s20], $0x400  }
0x2c: {  	[sflag:s20] =	ssyncset.done $0x0  }
0x2d: {  	[sflag:s20] =	ssyncadd.s32 $0xFFFFFC00  }
0x2e: {  	[spmem:s14] =	stream.linear.scatter [tilespmem:s19], [sflag:$0x5], $0x400, $0x38;
	[tilespmem:$0x6440] =	vst v63  }
0x2f: {  	_ =	swait.ge [sflag:s20], $0x400  }
0x30: {  	[sflag:s20] =	ssyncset.done $0x0  }
0x31: {  	[sflag:s20] =	ssyncadd.s32 $0xFFFFFC00  }
0x32: {  	[spmem:s15] =	stream.linear.scatter [tilespmem:s19], [sflag:$0x5], $0x400, $0x38;
	[tilespmem:$0x6440] =	vst v63  }
0x33: {  	_ =	swait.ge [sflag:s20], $0x400  }
0x34: {  	[sflag:s20] =	ssyncset.done $0x0  }
0x35: {  	[sflag:s20] =	ssyncadd.s32 $0xFFFFFC00  }
0x36: {  	[spmem:s16] =	stream.linear.scatter [tilespmem:s19], [sflag:$0x5], $0x400, $0x38;
	[tilespmem:$0x6440] =	vst v63  }
0x37: {  	_ =	swait.ge [sflag:s20], $0x400  }
0x38: {  	[sflag:s20] =	ssyncset.done $0x0  }
0x39: {  	[sflag:s20] =	ssyncadd.s32 $0xFFFFFC00  }
0x3a: {  	[spmem:s17] =	stream.linear.scatter [tilespmem:s19], [sflag:$0x5], $0x400, $0x38;
	[tilespmem:$0x6440] =	vst v63  }
0x3b: {  	_ =	swait.ge [sflag:s20], $0x400  }
0x3c: {  	[sflag:s20] =	ssyncset.done $0x0  }
0x3d: {  	[sflag:s20] =	ssyncadd.s32 $0xFFFFFC00  }
0x3e: {  	[spmem:s18] =	stream.linear.scatter [tilespmem:s19], [sflag:$0x5], $0x400, $0x38;
	[tilespmem:$0x6440] =	vst v63  }
0x3f: {  	_ =	swait.ge [sflag:s20], $0x400  }
0x40: {  	[sflag:s20] =	ssyncset.done $0x0  }
0x41: {  	[sflag:s20] =	ssyncadd.s32 $0xFFFFFC00  }
0x42: {  	[bflag:$0x0] =	sbarrier.arrive $0xFFFF  }
0x43: {  	[tilespmem:s3], [sflag:$0x3] =	stream.linear.gather [hbm4b:s6+s3], $0x190, $0x38;
	[tilespmem:$0x6440] =	vst v63  }
0x44: {  	_ = 	snop  }
0x45: {  	[tilespmem:s21], [sflag:$0x3] =	stream.linear.gather [hbm4b:s7+s3], $0x190, $0x38;
	[tilespmem:$0x6440] =	vst v63  }
0x46: {  	_ =	swait.ge [sflag:s22], $0x190  }
0x47: {  	[sflag:s22] =	ssyncset.done $0x0  }
0x48: {  	[sflag:s22] =	ssyncadd.s32 $0xFFFFFE70  }
0x49: {  	_ =	swait.ge [sflag:s22], $0x190  }
0x4a: {  	[sflag:s22] =	ssyncset.done $0x0  }
0x4b: {  	[sflag:s22] =	ssyncadd.s32 $0xFFFFFE70  }
0x4c: {  	[tilespmem:s24], [sflag:$0x1] =	stream.indirect.gather [hbm4b:s4+s23], $0x10, s3, s23, $0xb8;
	[tilespmem:$0x6440] =	vst v63  }
0x4d: {  	s8 =	sadd.s32 $0x32, s6  }
0x4e: {  	[tilespmem:s23], [sflag:$0x4] =	stream.linear.gather [hbm4b:s8+s3], $0x190, $0x38;
	[tilespmem:$0x6440] =	vst v63  }
0x4f: {  	s9 =	sadd.s32 $0x32, s7  }
0x50: {  	[tilespmem:s26], [sflag:$0x4] =	stream.linear.gather [hbm4b:s9+s3], $0x190, $0x38;
	[tilespmem:$0x6440] =	vst v63  }
0x51: {  	_ =	swait.ge [sflag:s28], $0x1900  }
0x52: {  	[sflag:s28] =	ssyncset.done $0x0  }
0x53: {  	[sflag:s28] =	ssyncadd.s32 $0xFFFFE700  }
0x54: {  	_ =	swait.ge [sflag:s29], $0x190  }
0x55: {  	[sflag:s29] =	ssyncset.done $0x0  }
0x56: {  	[sflag:s29] =	ssyncadd.s32 $0xFFFFFE70  }
0x57: {  	_ =	swait.ge [sflag:s29], $0x190  }
0x58: {  	[sflag:s29] =	ssyncset.done $0x0  }
0x59: {  	[sflag:s29] =	ssyncadd.s32 $0xFFFFFE70  }
0x5a: {  	[tilespmem:s30], [sflag:$0x2] =	stream.indirect.gather [hbm4b:s4+s23], $0x10, s23, s23, $0xb8;
	[tilespmem:$0x6440] =	vst v63  }
0x5b: {  	_ = 	snop  }
0x5c: {  	[spmem:s2] =	stream.indirect.scatter.add.f32 [tilespmem:s24], [sflag:$0x5], $0x10, s21, s23, $0xb8;
	[tilespmem:$0x6440] =	vst v63  }
0x5d: {  	_ =	swait.ge [sflag:s20], $0x1900  }
0x5e: {  	s0 =	sadd.s32 $0xFFFFFBB4, s6;
	[sflag:s20] =	ssyncset.done $0x0  }
0x5f: {  	s10 =	sadd.s32 $0x4B0, s0;
	s9 =	sadd.s32 $0xFFFFFBB4, s7;
	[sflag:s20] =	ssyncadd.s32 $0xFFFFE700  }
0x60: {  	[tilespmem:s3], [sflag:$0x3] =	stream.linear.gather [hbm4b:s10+s3], $0x190, $0x38;
	[tilespmem:$0x6440] =	vst v63  }
0x61: {  	s10 =	sadd.s32 $0x4B0, s9  }
0x62: {  	[tilespmem:s21], [sflag:$0x3] =	stream.linear.gather [hbm4b:s10+s3], $0x190, $0x38;
	[tilespmem:$0x6440] =	vst v63  }
0x63: {  	_ =	swait.ge [sflag:s31], $0x1900  }
0x64: {  	[sflag:s31] =	ssyncset.done $0x0  }
0x65: {  	[sflag:s31] =	ssyncadd.s32 $0xFFFFE700  }
0x66: {  	_ =	swait.ge [sflag:s22], $0x190  }
0x67: {  	[sflag:s22] =	ssyncset.done $0x0  }
0x68: {  	[sflag:s22] =	ssyncadd.s32 $0xFFFFFE70  }
0x69: {  	_ =	swait.ge [sflag:s22], $0x190  }
0x6a: {  	[sflag:s22] =	ssyncset.done $0x0  }
0x6b: {  	[sflag:s22] =	ssyncadd.s32 $0xFFFFFE70  }
0x6c: {  	[tilespmem:s24], [sflag:$0x1] =	stream.indirect.gather [hbm4b:s4+s23], $0x10, s3, s23, $0xb8;
	[tilespmem:$0x6440] =	vst v63  }
0x6d: {  	_ = 	snop  }
0x6e: {  	[spmem:s2] =	stream.indirect.scatter.add.f32 [tilespmem:s30], [sflag:$0x5], $0x10, s26, s23, $0xb8;
	[tilespmem:$0x6440] =	vst v63  }
0x6f: {  	_ =	swait.ge [sflag:s20], $0x1900  }
0x70: {  	[sflag:s20] =	ssyncset.done $0x0  }
0x71: {  	s0 =	sadd.s32 $0x4E2, s0;
	[sflag:s20] =	ssyncadd.s32 $0xFFFFE700  }
0x72: {  	[tilespmem:s23], [sflag:$0x4] =	stream.linear.gather [hbm4b:s0+s3], $0x190, $0x38;
	[tilespmem:$0x6440] =	vst v63  }
0x73: {  	s8 =	sadd.s32 $0x4E2, s9;
	s0 =	simm.s32 $0xFFFFFC18  }
.LBB2_4:
0x74: {  	[tilespmem:s26], [sflag:$0x4] =	stream.linear.gather [hbm4b:s8+s3], $0x190, $0x38;
	[tilespmem:$0x6440] =	vst v63  }
0x75: {  	s8 =	smov.u32 s0  }
0x76: {  	p0 =	sne.s32 s0, $0xFFFFFF9C;
	s0 =	sadd.s32 $0x64, s0;
	_ =	swait.ge [sflag:s28], $0x1900  }
0x77: {  	[sflag:s28] =	ssyncset.done $0x0  }
0x78: {  	[sflag:s28] =	ssyncadd.s32 $0xFFFFE700  }
0x79: {  	_ =	swait.ge [sflag:s29], $0x190  }
0x7a: {  	[sflag:s29] =	ssyncset.done $0x0  }
0x7b: {  	[sflag:s29] =	ssyncadd.s32 $0xFFFFFE70  }
0x7c: {  	_ =	swait.ge [sflag:s29], $0x190  }
0x7d: {  	[sflag:s29] =	ssyncset.done $0x0  }
0x7e: {  	[sflag:s29] =	ssyncadd.s32 $0xFFFFFE70  }
0x7f: {  	[tilespmem:s30], [sflag:$0x2] =	stream.indirect.gather [hbm4b:s4+s23], $0x10, s23, s23, $0xb8;
	[tilespmem:$0x6440] =	vst v63  }
0x80: {  	_ = 	snop  }
0x81: {  	[spmem:s2] =	stream.indirect.scatter.add.f32 [tilespmem:s24], [sflag:$0x5], $0x10, s21, s23, $0xb8;
	[tilespmem:$0x6440] =	vst v63  }
0x82: {  	_ =	swait.ge [sflag:s20], $0x1900  }
0x83: {  	s9 =	sadd.s32 s8, s6;
	[sflag:s20] =	ssyncset.done $0x0  }
0x84: {  	s8 =	sadd.s32 s8, s7;
	s10 =	sadd.s32 $0x4B0, s9;
	[sflag:s20] =	ssyncadd.s32 $0xFFFFE700  }
0x85: {  	[tilespmem:s3], [sflag:$0x3] =	stream.linear.gather [hbm4b:s10+s3], $0x190, $0x38;
	[tilespmem:$0x6440] =	vst v63  }
0x86: {  	s10 =	sadd.s32 $0x4B0, s8  }
0x87: {  	[tilespmem:s21], [sflag:$0x3] =	stream.linear.gather [hbm4b:s10+s3], $0x190, $0x38;
	[tilespmem:$0x6440] =	vst v63  }
0x88: {  	_ =	swait.ge [sflag:s31], $0x1900  }
0x89: {  	[sflag:s31] =	ssyncset.done $0x0  }
0x8a: {  	[sflag:s31] =	ssyncadd.s32 $0xFFFFE700  }
0x8b: {  	_ =	swait.ge [sflag:s22], $0x190  }
0x8c: {  	[sflag:s22] =	ssyncset.done $0x0  }
0x8d: {  	[sflag:s22] =	ssyncadd.s32 $0xFFFFFE70  }
0x8e: {  	_ =	swait.ge [sflag:s22], $0x190  }
0x8f: {  	[sflag:s22] =	ssyncset.done $0x0  }
0x90: {  	[sflag:s22] =	ssyncadd.s32 $0xFFFFFE70  }
0x91: {  	[tilespmem:s24], [sflag:$0x1] =	stream.indirect.gather [hbm4b:s4+s23], $0x10, s3, s23, $0xb8;
	[tilespmem:$0x6440] =	vst v63  }
0x92: {  	_ = 	snop  }
0x93: {  	[spmem:s2] =	stream.indirect.scatter.add.f32 [tilespmem:s30], [sflag:$0x5], $0x10, s26, s23, $0xb8;
	[tilespmem:$0x6440] =	vst v63  }
.Ltmp1:
0x94: {  	_ =	swait.ge [sflag:s20], $0x1900;
	(pc) =	sbr.rel @p0 .LBB2_4-.Ltmp1, $4  }
0x95: {  	[sflag:s20] =	ssyncset.done $0x0  }
0x96: {  	s9 =	sadd.s32 $0x4E2, s9;
	[sflag:s20] =	ssyncadd.s32 $0xFFFFE700  }
0x97: {  	[tilespmem:s23], [sflag:$0x4] =	stream.linear.gather [hbm4b:s9+s3], $0x190, $0x38;
	[tilespmem:$0x6440] =	vst v63  }
0x98: {  	s8 =	sadd.s32 $0x4E2, s8  }
0x99: {  	[tilespmem:s26], [sflag:$0x4] =	stream.linear.gather [hbm4b:s8+s3], $0x190, $0x38;
	[tilespmem:$0x6440] =	vst v63  }
0x9a: {  	_ =	swait.ge [sflag:s28], $0x1900  }
0x9b: {  	[sflag:s28] =	ssyncset.done $0x0  }
0x9c: {  	[sflag:s28] =	ssyncadd.s32 $0xFFFFE700  }
0x9d: {  	_ =	swait.ge [sflag:s29], $0x190  }
0x9e: {  	[sflag:s29] =	ssyncset.done $0x0  }
0x9f: {  	[sflag:s29] =	ssyncadd.s32 $0xFFFFFE70  }
0xa0: {  	_ =	swait.ge [sflag:s29], $0x190  }
0xa1: {  	[sflag:s29] =	ssyncset.done $0x0  }
0xa2: {  	[sflag:s29] =	ssyncadd.s32 $0xFFFFFE70  }
0xa3: {  	[tilespmem:s30], [sflag:$0x2] =	stream.indirect.gather [hbm4b:s4+s23], $0x10, s23, s23, $0xb8;
	[tilespmem:$0x6440] =	vst v63  }
0xa4: {  	_ = 	snop  }
0xa5: {  	[spmem:s2] =	stream.indirect.scatter.add.f32 [tilespmem:s24], [sflag:$0x5], $0x10, s21, s23, $0xb8;
	[tilespmem:$0x6440] =	vst v63  }
0xa6: {  	_ =	swait.ge [sflag:s20], $0x1900  }
0xa7: {  	[sflag:s20] =	ssyncset.done $0x0  }
0xa8: {  	s0 =	sadd.s32 $0x4B0, s6;
	[sflag:s20] =	ssyncadd.s32 $0xFFFFE700  }
0xa9: {  	[tilespmem:s3], [sflag:$0x3] =	stream.linear.gather [hbm4b:s0+s3], $0x190, $0x38;
	[tilespmem:$0x6440] =	vst v63  }
0xaa: {  	s10 =	sadd.s32 $0x4B0, s7  }
0xab: {  	[tilespmem:s21], [sflag:$0x3] =	stream.linear.gather [hbm4b:s10+s3], $0x190, $0x38;
	[tilespmem:$0x6440] =	vst v63  }
0xac: {  	_ =	swait.ge [sflag:s31], $0x1900  }
0xad: {  	[sflag:s31] =	ssyncset.done $0x0  }
0xae: {  	[sflag:s31] =	ssyncadd.s32 $0xFFFFE700  }
0xaf: {  	_ =	swait.ge [sflag:s22], $0x190  }
0xb0: {  	[sflag:s22] =	ssyncset.done $0x0  }
0xb1: {  	[sflag:s22] =	ssyncadd.s32 $0xFFFFFE70  }
0xb2: {  	_ =	swait.ge [sflag:s22], $0x190  }
0xb3: {  	[sflag:s22] =	ssyncset.done $0x0  }
0xb4: {  	[sflag:s22] =	ssyncadd.s32 $0xFFFFFE70  }
0xb5: {  	[tilespmem:s24], [sflag:$0x1] =	stream.indirect.gather [hbm4b:s4+s23], $0x10, s3, s23, $0xb8;
	[tilespmem:$0x6440] =	vst v63  }
0xb6: {  	_ = 	snop  }
0xb7: {  	[spmem:s2] =	stream.indirect.scatter.add.f32 [tilespmem:s30], [sflag:$0x5], $0x10, s26, s23, $0xb8;
	[tilespmem:$0x6440] =	vst v63  }
0xb8: {  	_ =	swait.ge [sflag:s20], $0x1900  }
0xb9: {  	[sflag:s20] =	ssyncset.done $0x0  }
0xba: {  	[sflag:s20] =	ssyncadd.s32 $0xFFFFE700  }
0xbb: {  	_ =	swait.ge [sflag:s28], $0x1900  }
0xbc: {  	[sflag:s28] =	ssyncset.done $0x0  }
0xbd: {  	[sflag:s28] =	ssyncadd.s32 $0xFFFFE700  }
0xbe: {  	[spmem:s2] =	stream.indirect.scatter.add.f32 [tilespmem:s24], [sflag:$0x5], $0x10, s21, s23, $0xb8;
	[tilespmem:$0x6440] =	vst v63  }
0xbf: {  	_ =	swait.ge [sflag:s20], $0x1900  }
0xc0: {  	[sflag:s20] =	ssyncset.done $0x0  }
0xc1: {  	s8 =	stileid.u32;
	[sflag:s20] =	ssyncadd.s32 $0xFFFFE700  }
0xc2: {  	s0 =	sshll.u32 s8, $0x6;
	[bflag:$0x0] =	sbarrier.arrive $0xFFFF  }
0xc3: {  	s0 =	sor.u32 $0x1C05, s0;
	s9 =	rddreg [dreg:$0x3]  }
0xc4: {  	[hbm:s9], [sflag:s0] =	dma.local [spmem:s25], $0x500  }
0xc5: {  	_ =	swait.ge [sflag:s20], $0x500  }
0xc6: {  	s1 =	sadd.s32 $0x1, s1;
	s10 =	rddreg [dreg:$0x4]  }
0xc7: {  	p0 =	sne.s32 s1, s10  }
.Ltmp2:
0xc8: {  	_ = 	snop;
	(pc) =	sbr.rel @p0 .LBB2_1-.Ltmp2, $3  }
0xc9: {  	_ =	sdelay $0x1  }
0xca: {  	[sflag:s20] =	ssyncset.done $0x0  }
0xcb: {  	[sflag:s20] =	ssyncadd.s32 $0xFFFFFB00  }
0xcc: {  	_ =	sfence.sel $0x180000  }
0xcd: {  	[bflag:$0x0] =	sbarrier.arrive $0xFFFF  }
0xce: {  	_ =	strace $0x90000050  }
0xcf: {  	s0 =	stileid.u32;
	[bflag:$0x2] =	sbarrier.arrive $0xFFFF  }
0xd0: {  	p0 =	sne.s32 s0, $0x0;
	s0 =	rddreg [dreg:$0x2]  }
0xd1: {  	s0 =	sadd.s32 @!p0 $0x100000, s0  }
0xd2: {  	[sflag:s0] =	ssyncadd.tile.s32 @!p0 $0x1;
	_ =	shalt  }
.Lfunc_end2:
_tile_overlayer_lowered:
.L_overlay_start_2:
0xd3: {  	(tag) =	ssettag $0x2  }
0xd4: {  	s0 =	rddreg [dreg:$0x0];
	s2 =	stileid.u32  }
0xd5: {  	s1 =	rddreg [dreg:$0x1];
	p0 =	sne.s32 s2, $0x0  }
0xd6: {  	s3 =	rddreg [dreg:$0x2];
	[bflag:$0x3] =	sbarrier.arrive $0xFFFF;
	s2 =	simm.s32 @!p0 $0x1C05  }
0xd7: {  	[timem:s3], [sflag:s2] =	dma.local @!p0 [hbm:s0], s1  }
0xd8: {  	s0 =	simm.s32 @!p0 $0x5  }
0xd9: {  	_ =	swait.ge @!p0 [sflag:s0], s1  }
0xda: {  	s1 =	ssub.s32 @!p0 $0x0, s1;
	[sflag:s0] =	ssyncset.done @!p0 $0x0  }
0xdb: {  	[sflag:s0] =	ssyncadd.s32 @!p0 s1  }
0xdc: {  	[bflag:$0x3] =	sbarrier.arrive $0xFFFF  }
0xdd: {  	_ =	shalt  }

// kernel: gcn_prop_64.3.cloned.1.call-start
scs
__scs_entry_jumppad:
0x0: {  	(pc) =	sbr.rel $0x88, $3  }
0x1: {  	(tag) =	ssettag $0x0;
	lr =	simm.s32 $0x1  }
0x2: {  	[smem:$0x3F99] =	sst lr;
	_ =	strace $0xD0000000  }
0x3: {  	_ = 	snop  }
0x4: {  	_ = 	snop  }
0x5: {  	_ = 	snop  }
0x6: {  	_ = 	snop  }
0x7: {  	_ = 	snop  }
__scs_overlays_trampoline_lowered:
0x8: {  	[smem:$0x3FA8] =	sst s0  }
0x9: {  	[smem:$0x3FA9] =	sst s1  }
0xa: {  	[smem:$0x3FAA] =	sst s2  }
0xb: {  	[smem:$0x3FAB] =	sst s3  }
0xc: {  	[smem:$0x3FAC] =	sst s4  }
0xd: {  	[smem:$0x3FAD] =	sst s5  }
0xe: {  	[smem:$0x3FAE] =	sst s6  }
0xf: {  	[smem:$0x3FAF] =	sst s7  }
0x10: {  	[smem:$0x3FB0] =	sst s8  }
0x11: {  	[smem:$0x3FB1] =	sst s9;
	s0 =	simm.s32 @!p0 $0x0  }
0x12: {  	s1 =	sld [smem:$0x3F97];
	s0 =	simm.s32 @p0 $0x1  }
0x13: {  	[smem:$0x3FB2] =	sst s0;
	s0 =	simm.s32 @!p1 $0x0  }
0x14: {  	s2 =	sld [smem:$0x3F96];
	s0 =	simm.s32 @p1 $0x1  }
0x15: {  	[smem:$0x3FB3] =	sst s0;
	s0 =	simm.s32 @!p2 $0x0  }
0x16: {  	s3 =	sld [smem:$0x3FDB];
	s0 =	simm.s32 @p2 $0x1  }
0x17: {  	s4 =	simm.s32 $0x1BF5;
	[smem:$0x3FB5] =	sst s0  }
0x18: {  	s0 =	sld [smem:$0x3F98];
	_ =	swait.ge [sflag:s4], $0x0  }
0x19: {  	s7 =	sld [smem:$0x3F99]  }
0x1a: {  	s8 =	sadd.s32 $0xFFFFE003, lr  }
0x1b: {  	s9 =	sadd.s32 $0xFFFFFEF7, lr;
	s5 =	simm.s32 $0xFFFFFFFF;
	p2 =	slt.u32 s8, $0xFFFFF086  }
0x1c: {  	p1 =	slt.u32 s9, $0xF7A;
	s5 =	simm.s32 @!p2 $0x0  }
0x1d: {  	s5 =	simm.s32 @p1 $0x1;
	p0 =	seq.s32 s7, s2  }
0x1e: {  	s7 =	smul.u32 @!p0 $0xF7A, s2;
	p2 =	seq.s32 @!p0 s5, $0x0  }
0x1f: {  	s9 =	smul.u32 $0xF7A, s1;
	s8 =	simm.s32 @!p0 $0x1BF5;
	p2 =	por !p2, p0  }
0x20: {  	[sflag:s8] =	ssyncset.s32 @!p0 $0xFFFFF086;
	s6 =	sadd.s32 @!p0 s3, s7;
	s7 =	simm.s32 @!p0 $0x108  }
0x21: {  	s3 =	sadd.s32 s3, s9;
	s6 =	sadd.s32 @!p0 $0x88, s6;
	s7 =	simm.s32 @p2 $0x1082  }
0x22: {  	[simem:s7], [sflag:s8] =	dma.local @!p0 [hbm:s6], $0xF7A  }
0x23: {  	s9 =	sor.u32 $0xD0000000, s2;
	s6 =	simm.s32 $0x108;
	_ =	swait.ge @!p0 [sflag:s8], $0x0  }
0x24: {  	s3 =	sadd.s32 $0x88, s3;
	s6 =	simm.s32 @!p1 $0x1082;
	[sflag:s4] =	ssyncset.s32 $0xFFFFF086  }
0x25: {  	[simem:s6], [sflag:s4] =	dma.local [hbm:s3], $0xF7A  }
0x26: {  	[smem:$0x3F99] =	sst s1;
	(tag) =	ssettag s2;
	_ =	strace s9  }
0x27: {  	s1 =	sld [smem:$0x3FA9]  }
0x28: {  	s2 =	sld [smem:$0x3FAA]  }
0x29: {  	s4 =	sld [smem:$0x3FAC]  }
0x2a: {  	p0 =	seq.s32 s5, $0x0;
	s5 =	sld [smem:$0x3FAD]  }
0x2b: {  	s6 =	sld [smem:$0x3FAE]  }
0x2c: {  	s7 =	sld [smem:$0x3FAF]  }
0x2d: {  	s3 =	simm.s32 $0x108;
	s8 =	sld [smem:$0x3FB0]  }
0x2e: {  	s3 =	simm.s32 @!p0 $0x1082;
	s9 =	sld [smem:$0x3FB1]  }
0x2f: {  	lr =	sadd.s32 s0, s3;
	s0 =	sld [smem:$0x3FA8]  }
0x30: {  	s3 =	sld [smem:$0x3FAB]  }
0x31: {  	[smem:$0x3FB4] =	sst s10  }
0x32: {  	s10 =	sld [smem:$0x3FB2];
	_ =	sdelay $0x3  }
0x33: {  	p0 =	seq.s32 s10, $0x1;
	s10 =	sld [smem:$0x3FB4];
	_ =	sdelay $0x3  }
0x34: {  	[smem:$0x3FB4] =	sst s10  }
0x35: {  	s10 =	sld [smem:$0x3FB3];
	_ =	sdelay $0x3  }
0x36: {  	p1 =	seq.s32 s10, $0x1;
	s10 =	sld [smem:$0x3FB4];
	_ =	sdelay $0x3  }
0x37: {  	[smem:$0x3FB4] =	sst s10  }
0x38: {  	s10 =	sld [smem:$0x3FB5]  }
0x39: {  	_ = 	snop;
	(pc) =	sbr.ind lr, $3  }
0x3a: {  	_ = 	snop  }
0x3b: {  	_ = 	snop  }
0x3c: {  	p2 =	seq.s32 s10, $0x1;
	s10 =	sld [smem:$0x3FB4]  }
0x3d: {  	_ =	shalt  }
0x3e: {  	_ =	shalt  }
0x3f: {  	_ =	shalt  }
0x40: {  	_ =	shalt  }
0x41: {  	_ =	shalt  }
0x42: {  	_ =	shalt  }
0x43: {  	_ =	shalt  }
0x44: {  	_ =	shalt  }
0x45: {  	_ =	shalt  }
0x46: {  	_ =	shalt  }
0x47: {  	_ =	shalt  }
0x48: {  	_ =	shalt  }
0x49: {  	_ =	shalt  }
0x4a: {  	_ =	shalt  }
0x4b: {  	_ =	shalt  }
0x4c: {  	_ =	shalt  }
0x4d: {  	_ =	shalt  }
0x4e: {  	_ =	shalt  }
0x4f: {  	_ =	shalt  }
0x50: {  	_ =	shalt  }
0x51: {  	_ =	shalt  }
0x52: {  	_ =	shalt  }
0x53: {  	_ =	shalt  }
0x54: {  	_ =	shalt  }
0x55: {  	_ =	shalt  }
0x56: {  	_ =	shalt  }
0x57: {  	_ =	shalt  }
0x58: {  	_ =	shalt  }
0x59: {  	_ =	shalt  }
0x5a: {  	_ =	shalt  }
0x5b: {  	_ =	shalt  }
0x5c: {  	_ =	shalt  }
0x5d: {  	_ =	shalt  }
0x5e: {  	_ =	shalt  }
0x5f: {  	_ =	shalt  }
0x60: {  	_ =	shalt  }
0x61: {  	_ =	shalt  }
0x62: {  	_ =	shalt  }
0x63: {  	_ =	shalt  }
0x64: {  	_ =	shalt  }
0x65: {  	_ =	shalt  }
0x66: {  	_ =	shalt  }
0x67: {  	_ =	shalt  }
0x68: {  	_ =	shalt  }
0x69: {  	_ =	shalt  }
0x6a: {  	_ =	shalt  }
0x6b: {  	_ =	shalt  }
0x6c: {  	_ =	shalt  }
0x6d: {  	_ =	shalt  }
0x6e: {  	_ =	shalt  }
0x6f: {  	_ =	shalt  }
0x70: {  	_ =	shalt  }
0x71: {  	_ =	shalt  }
0x72: {  	_ =	shalt  }
0x73: {  	_ =	shalt  }
0x74: {  	_ =	shalt  }
0x75: {  	_ =	shalt  }
0x76: {  	_ =	shalt  }
0x77: {  	_ =	shalt  }
0x78: {  	_ =	shalt  }
0x79: {  	_ =	shalt  }
0x7a: {  	_ =	shalt  }
0x7b: {  	_ =	shalt  }
0x7c: {  	_ =	shalt  }
0x7d: {  	_ =	shalt  }
0x7e: {  	_ =	shalt  }
0x7f: {  	_ =	shalt  }
0x80: {  	_ =	shalt  }
0x81: {  	_ =	shalt  }
0x82: {  	_ =	shalt  }
0x83: {  	_ =	shalt  }
0x84: {  	_ =	shalt  }
0x85: {  	_ =	shalt  }
0x86: {  	_ =	shalt  }
0x87: {  	_ =	shalt  }
.Lfunc_end0:
.L_simem_size_0:
called_computation.2_lowered:
.L_overlay_start_0:
0x88: {  	s2 =	sld [smem:$0x3FD9]  }
0x89: {  	s3 =	sld [smem:$0x3FFE];
	_ =	sdelay $0x1  }
0x8a: {  	s1 =	srdreg.scid  }
0x8b: {  	s0 =	sand.u32 $0x1, s1  }
0x8c: {  	s16 =	sshll.u32 s0, $0xA;
	s2 =	sadd.s32 s3, s2  }
0x8d: {  	s2 =	sadd.s32 s2, s16  }
0x8e: {  	[smem:$0x3FC0] =	sst s2  }
0x8f: {  	_ = 	snop  }
0x90: {  	(tm) =	ssettm $0x1  }
0x91: {  	s17 =	sld [smem:$0x3FFB];
	_ =	sdelay $0x3  }
0x92: {  	_ =	strace s17  }
0x93: {  	s2 =	sld [smem:$0x3FFC];
	_ =	sdelay $0x3  }
0x94: {  	_ =	strace s2  }
0x95: {  	s2 =	sld [smem:$0x3FFD];
	_ =	sdelay $0x3  }
0x96: {  	_ =	strace s2  }
0x97: {  	_ =	strace $0x8FFFFFFF  }
0x98: {  	s18 =	sld [smem:$0x3FDB];
	_ =	sdelay $0x1  }
0x99: {  	s19 =	simm.s32 $_scs_section_size  }
0x9a: {  	s4 =	simm.s32 $_size__tile_overlayer_lowered;
	s5 =	simm.s32 $_tile_overlayer_lowered  }
0x9b: {  	s22 =	simm.s32 $0x1BFF;
	s21 =	sshll.u32 s5, $0x1;
	s2 =	sadd.s32 s19, s18  }
0x9c: {  	s6 =	simm.s32 $0x0;
	s20 =	sshll.u32 s4, $0x1;
	s4 =	sadd.s32 s21, s2  }
0x9d: {  	[timem:s6], [sflag:s22] =	dma.local [hbm:s4], s20  }
0x9e: {  	_ =	swait.ge [sflag:s22], s20  }
0x9f: {  	s3 =	ssub.s32 $0x0, s20;
	[sflag:s22] =	ssyncset.done $0x0  }
0xa0: {  	[sflag:s22] =	ssyncadd.s32 s3;
	_ =	sdelay $0x1  }
0xa1: {  	s23 =	simm.s32 $0x1B8B  }
0xa2: {  	_ =	swait.ge [sflag:s23], $0x1  }
0xa3: {  	[sflag:s23] =	ssyncset.done $0x0  }
0xa4: {  	s25 =	simm.s32 $0x1B8E;
	s24 =	sld [smem:$0x3FFE];
	[sflag:s23] =	ssyncadd.s32 $0xFFFFFFFF  }
0xa5: {  	s26 =	simm.s32 $execute0_lowered;
	[smem:$0x3FD2] =	sst s25  }
0xa6: {  	s4 =	sshll.u32 s26, $0x1;
	_ =	strace $0x8000004C;
	[dreg:$0x1] =	wrdreg $0xFFFFFFFF  }
0xa7: {  	s28 =	simm.s32 $_size_execute0_lowered;
	s2 =	sadd.s32 s2, s4;
	[dreg:$0x0] =	wrdreg $0x0  }
0xa8: {  	s4 =	sshll.u32 s28, $0x1;
	[dreg:$0x2] =	wrdreg s2  }
0xa9: {  	[dreg:$0x3] =	wrdreg s4  }
0xaa: {  	[dreg:$0x4] =	wrdreg $0xC0  }
0xab: {  	_ =	task [dreg:s6], $0x5FFFF  }
0xac: {  	[dreg:$0x1] =	wrdreg $0xFFFFFFFF  }
0xad: {  	[dreg:$0x0] =	wrdreg $0x60  }
0xae: {  	[dreg:$0x2] =	wrdreg s24  }
0xaf: {  	[dreg:$0x3] =	wrdreg $0xDE400  }
0xb0: {  	[dreg:$0x4] =	wrdreg $0x9  }
0xb1: {  	_ =	task.clear_ibuf [dreg:s6], $0x5FFFF;
	_ =	strace $0x9000004C  }
0xb2: {  	s29 =	simm.s32 $0x9;
	_ =	strace $0x8000004E  }
0xb3: {  	_ =	swait.ge [sflag:s29], $0x1  }
0xb4: {  	[sflag:s29] =	ssyncadd.s32 $0xFFFFFFFF  }
0xb5: {  	_ =	strace $0x9000004E  }
0xb6: {  	_ =	sfence  }
0xb7: {  	s30 =	sld [smem:$0x0];
	_ =	sdelay $0x2  }
0xb8: {  	s31 =	sshll.u32 s1, $0xD;
	s1 =	sshrl.u32 s1, $0x2  }
0xb9: {  	s3 =	sand.u32 $0x4000, s31;
	s1 =	sadd.s32 s1, s30  }
0xba: {  	s0 =	sor.u32 s3, s0;
	s1 =	sshll.u32 s1, $0x11  }
0xbb: {  	s0 =	sor.u32 s1, s0  }
0xbc: {  	s0 =	sadd.s32 $0x8F2B, s0  }
0xbd: {  	[sflag:s0] =	ssyncadd.remote.s32 $0x1  }
0xbe: {  	_ =	sfence.sel $0xFFFF  }
0xbf: {  	[dreg:$0x0] =	wrdreg $0xFFFFFFFF;
	(pc) =	sbr.abs _section_cstart, $3  }
0xc0: {  	[dreg:$0x1] =	wrdreg $0xFFFFFFFF  }
0xc1: {  	_ =	task.clear_ibuf [dreg:s6], $0x2FFFF;
	_ =	strace $0x9FFFFFFF  }
0xc2: {  	(tm) =	ssettm $0x7FFFFFFF  }
0xc3: {  	_ =	shalt  }
tec
execute0_lowered:
.L_overlay_start_1:
0x0: {  	(tag) =	ssettag $0x1  }
0x1: {  	s0 =	srdreg.scid  }
0x2: {  	s7 =	stileid.u32;
	s5 =	rddreg [dreg:$0x0]  }
0x3: {  	s2 =	rddreg [dreg:$0x1];
	s3 =	simm.s32 $0x0;
	s19 =	simm.s32 $0xCE40  }
0x4: {  	s20 =	simm.s32 $0x5;
	s21 =	simm.s32 $0x320;
	s22 =	simm.s32 $0x3  }
0x5: {  	s23 =	simm.s32 $0x190;
	s28 =	simm.s32 $0x1;
	s29 =	simm.s32 $0x4  }
0x6: {  	s30 =	simm.s32 $0x6A40;
	s31 =	simm.s32 $0x2;
	s0 =	sand.u32 $0x1, s0  }
0x7: {  	s1 =	sshll.u32 s7, $0x1;
	[smem:$0x7FF] =	sst s3;
	s8 =	smul.u32 $0xA000, s7  }
0x8: {  	s4 =	sadd.s32 $0x3F000, s5;
	s7 =	smul.u32 $0x28000, s7;
	s1 =	sor.u32 s0, s1  }
0x9: {  	s6 =	smul.u32 $0xA0000, s0;
	_ =	strace $0x8000004D;
	s0 =	ssub.s32 $0x2, s0  }
0xa: {  	s1 =	smul.u32 $0x4E2, s1;
	s9 =	sshrl.u32 s0, $0x1;
	s7 =	sshrl.u32 s7, $0x2  }
0xb: {  	s25 =	sadd.s32 s8, s2;
	s6 =	sadd.s32 s8, s6;
	s0 =	ssub.s32 s0, s9  }
0xc: {  	s25 =	sshrl.u32 s25, $0x3;
	s1 =	sadd.s32 s1, s5;
	s6 =	sshrl.u32 s6, $0x3  }
0xd: {  	s0 =	smax.u32 s0, $0x1;
	s10 =	sadd.s32 s6, s5;
	s5 =	sadd.s32 s7, s2  }
0xe: {  	s6 =	sadd.s32 $0x3400, s1;
	s7 =	sadd.s32 $0xD200, s1;
	[dreg:$0x4] =	wrdreg s0  }
0xf: {  	s1 =	simm.s32 $0x0;
	s24 =	sadd.s32 $0x53000, s10;
	s26 =	sadd.s32 $0x1000, s5  }
0x10: {  	s11 =	sadd.s32 $0x2000, s5;
	s12 =	sadd.s32 $0x3000, s5;
	s13 =	sadd.s32 $0x4000, s5  }
0x11: {  	s14 =	sadd.s32 $0x5000, s5;
	s15 =	sadd.s32 $0x6000, s5;
	s16 =	sadd.s32 $0x7000, s5  }
0x12: {  	s17 =	sadd.s32 $0x8000, s5;
	s18 =	sadd.s32 $0x9000, s5;
	[dreg:$0x3] =	wrdreg s24  }
0x13: {  	v0 =	vimm.f32 $0.0e+00;
	[dreg:$0x5] =	wrdreg s26;
	s24 =	simm.s32 $0x640;
	s26 =	simm.s32 $0x4B0  }
.LBB2_1:
0x14: {  	s0 =	sand.u32 $0x3F00, s3  }
0x15: {  	s8 =	sand.u32 $0x30, s3;
	s9 =	sshrl.u32 s0, $0x2  }
0x16: {  	s0 =	simm.s32 $0x40;
	s9 =	sor.u32 s8, s9;
	s8 =	simm.s32 $0x0  }
.LBB2_2:
0x17: {  	p0 =	sne.s32 s0, $0x3FC0  }
0x18: {  	[tilespmem:s9+$0xCE40] =	vst v0;
	s8 =	sadd.s32 $0x10, s8;
	s9 =	smov.u32 s0;
	s0 =	sadd.s32 $0x40, s0  }
.Ltmp0:
0x19: {  	(pc) =	sbr.rel @p0 .LBB2_2-.Ltmp0, $4  }
0x1a: {  	_ = 	snop  }
0x1b: {  	s9 =	sand.u32 $0x3F00, s9  }
0x1c: {  	s10 =	sand.u32 $0x30, s8;
	s9 =	sshrl.u32 s9, $0x2  }
0x1d: {  	s9 =	sor.u32 s10, s9  }
0x1e: {  	[tilespmem:s9+$0xCE40] =	vst v0  }
0x1f: {  	[spmem:s5] =	stream.linear.scatter [tilespmem:s19], [sflag:$0x5], $0x1000, $0x38;
	[tilespmem:$0x17E40] =	vst v63  }
0x20: {  	_ =	swait.ge [sflag:s20], $0x1000  }
0x21: {  	[sflag:s20] =	ssyncset.done $0x0  }
0x22: {  	s0 =	rddreg [dreg:$0x5];
	[sflag:s20] =	ssyncadd.s32 $0xFFFFF000  }
0x23: {  	[spmem:s0] =	stream.linear.scatter [tilespmem:s19], [sflag:$0x5], $0x1000, $0x38;
	[tilespmem:$0x17E40] =	vst v63  }
0x24: {  	_ =	swait.ge [sflag:s20], $0x1000  }
0x25: {  	[sflag:s20] =	ssyncset.done $0x0  }
0x26: {  	[sflag:s20] =	ssyncadd.s32 $0xFFFFF000  }
0x27: {  	[spmem:s11] =	stream.linear.scatter [tilespmem:s19], [sflag:$0x5], $0x1000, $0x38;
	[tilespmem:$0x17E40] =	vst v63  }
0x28: {  	_ =	swait.ge [sflag:s20], $0x1000  }
0x29: {  	[sflag:s20] =	ssyncset.done $0x0  }
0x2a: {  	[sflag:s20] =	ssyncadd.s32 $0xFFFFF000  }
0x2b: {  	[spmem:s12] =	stream.linear.scatter [tilespmem:s19], [sflag:$0x5], $0x1000, $0x38;
	[tilespmem:$0x17E40] =	vst v63  }
0x2c: {  	_ =	swait.ge [sflag:s20], $0x1000  }
0x2d: {  	[sflag:s20] =	ssyncset.done $0x0  }
0x2e: {  	[sflag:s20] =	ssyncadd.s32 $0xFFFFF000  }
0x2f: {  	[spmem:s13] =	stream.linear.scatter [tilespmem:s19], [sflag:$0x5], $0x1000, $0x38;
	[tilespmem:$0x17E40] =	vst v63  }
0x30: {  	_ =	swait.ge [sflag:s20], $0x1000  }
0x31: {  	[sflag:s20] =	ssyncset.done $0x0  }
0x32: {  	[sflag:s20] =	ssyncadd.s32 $0xFFFFF000  }
0x33: {  	[spmem:s14] =	stream.linear.scatter [tilespmem:s19], [sflag:$0x5], $0x1000, $0x38;
	[tilespmem:$0x17E40] =	vst v63  }
0x34: {  	_ =	swait.ge [sflag:s20], $0x1000  }
0x35: {  	[sflag:s20] =	ssyncset.done $0x0  }
0x36: {  	[sflag:s20] =	ssyncadd.s32 $0xFFFFF000  }
0x37: {  	[spmem:s15] =	stream.linear.scatter [tilespmem:s19], [sflag:$0x5], $0x1000, $0x38;
	[tilespmem:$0x17E40] =	vst v63  }
0x38: {  	_ =	swait.ge [sflag:s20], $0x1000  }
0x39: {  	[sflag:s20] =	ssyncset.done $0x0  }
0x3a: {  	[sflag:s20] =	ssyncadd.s32 $0xFFFFF000  }
0x3b: {  	[spmem:s16] =	stream.linear.scatter [tilespmem:s19], [sflag:$0x5], $0x1000, $0x38;
	[tilespmem:$0x17E40] =	vst v63  }
0x3c: {  	_ =	swait.ge [sflag:s20], $0x1000  }
0x3d: {  	[sflag:s20] =	ssyncset.done $0x0  }
0x3e: {  	[sflag:s20] =	ssyncadd.s32 $0xFFFFF000  }
0x3f: {  	[spmem:s17] =	stream.linear.scatter [tilespmem:s19], [sflag:$0x5], $0x1000, $0x38;
	[tilespmem:$0x17E40] =	vst v63  }
0x40: {  	_ =	swait.ge [sflag:s20], $0x1000  }
0x41: {  	[sflag:s20] =	ssyncset.done $0x0  }
0x42: {  	[sflag:s20] =	ssyncadd.s32 $0xFFFFF000  }
0x43: {  	[spmem:s18] =	stream.linear.scatter [tilespmem:s19], [sflag:$0x5], $0x1000, $0x38;
	[tilespmem:$0x17E40] =	vst v63  }
0x44: {  	_ =	swait.ge [sflag:s20], $0x1000  }
0x45: {  	[sflag:s20] =	ssyncset.done $0x0  }
0x46: {  	[sflag:s20] =	ssyncadd.s32 $0xFFFFF000  }
0x47: {  	[bflag:$0x0] =	sbarrier.arrive $0xFFFF  }
0x48: {  	[tilespmem:s3], [sflag:$0x3] =	stream.linear.gather [hbm4b:s6+s3], $0x190, $0x38;
	[tilespmem:$0x17E40] =	vst v63  }
0x49: {  	_ = 	snop  }
0x4a: {  	[tilespmem:s21], [sflag:$0x3] =	stream.linear.gather [hbm4b:s7+s3], $0x190, $0x38;
	[tilespmem:$0x17E40] =	vst v63  }
0x4b: {  	_ =	swait.ge [sflag:s22], $0x190  }
0x4c: {  	[sflag:s22] =	ssyncset.done $0x0  }
0x4d: {  	[sflag:s22] =	ssyncadd.s32 $0xFFFFFE70  }
0x4e: {  	_ =	swait.ge [sflag:s22], $0x190  }
0x4f: {  	[sflag:s22] =	ssyncset.done $0x0  }
0x50: {  	[sflag:s22] =	ssyncadd.s32 $0xFFFFFE70  }
0x51: {  	[tilespmem:s24], [sflag:$0x1] =	stream.indirect.gather [hbm4b:s4+s23], $0x40, s3, s23, $0xb8;
	[tilespmem:$0x17E40] =	vst v63  }
0x52: {  	s8 =	sadd.s32 $0x32, s6  }
0x53: {  	[tilespmem:s23], [sflag:$0x4] =	stream.linear.gather [hbm4b:s8+s3], $0x190, $0x38;
	[tilespmem:$0x17E40] =	vst v63  }
0x54: {  	s9 =	sadd.s32 $0x32, s7  }
0x55: {  	[tilespmem:s26], [sflag:$0x4] =	stream.linear.gather [hbm4b:s9+s3], $0x190, $0x38;
	[tilespmem:$0x17E40] =	vst v63  }
0x56: {  	_ =	swait.ge [sflag:s28], $0x6400  }
0x57: {  	[sflag:s28] =	ssyncset.done $0x0  }
0x58: {  	[sflag:s28] =	ssyncadd.s32 $0xFFFF9C00  }
0x59: {  	_ =	swait.ge [sflag:s29], $0x190  }
0x5a: {  	[sflag:s29] =	ssyncset.done $0x0  }
0x5b: {  	[sflag:s29] =	ssyncadd.s32 $0xFFFFFE70  }
0x5c: {  	_ =	swait.ge [sflag:s29], $0x190  }
0x5d: {  	[sflag:s29] =	ssyncset.done $0x0  }
0x5e: {  	[sflag:s29] =	ssyncadd.s32 $0xFFFFFE70  }
0x5f: {  	[tilespmem:s30], [sflag:$0x2] =	stream.indirect.gather [hbm4b:s4+s23], $0x40, s23, s23, $0xb8;
	[tilespmem:$0x17E40] =	vst v63  }
0x60: {  	_ = 	snop  }
0x61: {  	[spmem:s2] =	stream.indirect.scatter.add.f32 [tilespmem:s24], [sflag:$0x5], $0x40, s21, s23, $0xb8;
	[tilespmem:$0x17E40] =	vst v63  }
0x62: {  	_ =	swait.ge [sflag:s20], $0x6400  }
0x63: {  	s0 =	sadd.s32 $0xFFFFFBB4, s6;
	[sflag:s20] =	ssyncset.done $0x0  }
0x64: {  	s8 =	sadd.s32 $0x4B0, s0;
	s9 =	sadd.s32 $0xFFFFFBB4, s7;
	[sflag:s20] =	ssyncadd.s32 $0xFFFF9C00  }
0x65: {  	[tilespmem:s3], [sflag:$0x3] =	stream.linear.gather [hbm4b:s8+s3], $0x190, $0x38;
	[tilespmem:$0x17E40] =	vst v63  }
0x66: {  	s10 =	sadd.s32 $0x4B0, s9  }
0x67: {  	[tilespmem:s21], [sflag:$0x3] =	stream.linear.gather [hbm4b:s10+s3], $0x190, $0x38;
	[tilespmem:$0x17E40] =	vst v63  }
0x68: {  	_ =	swait.ge [sflag:s31], $0x6400  }
0x69: {  	[sflag:s31] =	ssyncset.done $0x0  }
0x6a: {  	[sflag:s31] =	ssyncadd.s32 $0xFFFF9C00  }
0x6b: {  	_ =	swait.ge [sflag:s22], $0x190  }
0x6c: {  	[sflag:s22] =	ssyncset.done $0x0  }
0x6d: {  	[sflag:s22] =	ssyncadd.s32 $0xFFFFFE70  }
0x6e: {  	_ =	swait.ge [sflag:s22], $0x190  }
0x6f: {  	[sflag:s22] =	ssyncset.done $0x0  }
0x70: {  	[sflag:s22] =	ssyncadd.s32 $0xFFFFFE70  }
0x71: {  	[tilespmem:s24], [sflag:$0x1] =	stream.indirect.gather [hbm4b:s4+s23], $0x40, s3, s23, $0xb8;
	[tilespmem:$0x17E40] =	vst v63  }
0x72: {  	_ = 	snop  }
0x73: {  	[spmem:s2] =	stream.indirect.scatter.add.f32 [tilespmem:s30], [sflag:$0x5], $0x40, s26, s23, $0xb8;
	[tilespmem:$0x17E40] =	vst v63  }
0x74: {  	_ =	swait.ge [sflag:s20], $0x6400  }
0x75: {  	[sflag:s20] =	ssyncset.done $0x0  }
0x76: {  	s0 =	sadd.s32 $0x4E2, s0;
	[sflag:s20] =	ssyncadd.s32 $0xFFFF9C00  }
0x77: {  	[tilespmem:s23], [sflag:$0x4] =	stream.linear.gather [hbm4b:s0+s3], $0x190, $0x38;
	[tilespmem:$0x17E40] =	vst v63  }
0x78: {  	s8 =	sadd.s32 $0x4E2, s9;
	s0 =	simm.s32 $0xFFFFFC18  }
.LBB2_4:
0x79: {  	[tilespmem:s26], [sflag:$0x4] =	stream.linear.gather [hbm4b:s8+s3], $0x190, $0x38;
	[tilespmem:$0x17E40] =	vst v63  }
0x7a: {  	s8 =	smov.u32 s0  }
0x7b: {  	p0 =	sne.s32 s0, $0xFFFFFF9C;
	s0 =	sadd.s32 $0x64, s0;
	_ =	swait.ge [sflag:s28], $0x6400  }
0x7c: {  	[sflag:s28] =	ssyncset.done $0x0  }
0x7d: {  	[sflag:s28] =	ssyncadd.s32 $0xFFFF9C00  }
0x7e: {  	_ =	swait.ge [sflag:s29], $0x190  }
0x7f: {  	[sflag:s29] =	ssyncset.done $0x0  }
0x80: {  	[sflag:s29] =	ssyncadd.s32 $0xFFFFFE70  }
0x81: {  	_ =	swait.ge [sflag:s29], $0x190  }
0x82: {  	[sflag:s29] =	ssyncset.done $0x0  }
0x83: {  	[sflag:s29] =	ssyncadd.s32 $0xFFFFFE70  }
0x84: {  	[tilespmem:s30], [sflag:$0x2] =	stream.indirect.gather [hbm4b:s4+s23], $0x40, s23, s23, $0xb8;
	[tilespmem:$0x17E40] =	vst v63  }
0x85: {  	_ = 	snop  }
0x86: {  	[spmem:s2] =	stream.indirect.scatter.add.f32 [tilespmem:s24], [sflag:$0x5], $0x40, s21, s23, $0xb8;
	[tilespmem:$0x17E40] =	vst v63  }
0x87: {  	_ =	swait.ge [sflag:s20], $0x6400  }
0x88: {  	s9 =	sadd.s32 s8, s6;
	[sflag:s20] =	ssyncset.done $0x0  }
0x89: {  	s8 =	sadd.s32 s8, s7;
	s10 =	sadd.s32 $0x4B0, s9;
	[sflag:s20] =	ssyncadd.s32 $0xFFFF9C00  }
0x8a: {  	[tilespmem:s3], [sflag:$0x3] =	stream.linear.gather [hbm4b:s10+s3], $0x190, $0x38;
	[tilespmem:$0x17E40] =	vst v63  }
0x8b: {  	s10 =	sadd.s32 $0x4B0, s8  }
0x8c: {  	[tilespmem:s21], [sflag:$0x3] =	stream.linear.gather [hbm4b:s10+s3], $0x190, $0x38;
	[tilespmem:$0x17E40] =	vst v63  }
0x8d: {  	_ =	swait.ge [sflag:s31], $0x6400  }
0x8e: {  	[sflag:s31] =	ssyncset.done $0x0  }
0x8f: {  	[sflag:s31] =	ssyncadd.s32 $0xFFFF9C00  }
0x90: {  	_ =	swait.ge [sflag:s22], $0x190  }
0x91: {  	[sflag:s22] =	ssyncset.done $0x0  }
0x92: {  	[sflag:s22] =	ssyncadd.s32 $0xFFFFFE70  }
0x93: {  	_ =	swait.ge [sflag:s22], $0x190  }
0x94: {  	[sflag:s22] =	ssyncset.done $0x0  }
0x95: {  	[sflag:s22] =	ssyncadd.s32 $0xFFFFFE70  }
0x96: {  	[tilespmem:s24], [sflag:$0x1] =	stream.indirect.gather [hbm4b:s4+s23], $0x40, s3, s23, $0xb8;
	[tilespmem:$0x17E40] =	vst v63  }
0x97: {  	_ = 	snop  }
0x98: {  	[spmem:s2] =	stream.indirect.scatter.add.f32 [tilespmem:s30], [sflag:$0x5], $0x40, s26, s23, $0xb8;
	[tilespmem:$0x17E40] =	vst v63  }
.Ltmp1:
0x99: {  	_ =	swait.ge [sflag:s20], $0x6400;
	(pc) =	sbr.rel @p0 .LBB2_4-.Ltmp1, $4  }
0x9a: {  	[sflag:s20] =	ssyncset.done $0x0  }
0x9b: {  	s9 =	sadd.s32 $0x4E2, s9;
	[sflag:s20] =	ssyncadd.s32 $0xFFFF9C00  }
0x9c: {  	[tilespmem:s23], [sflag:$0x4] =	stream.linear.gather [hbm4b:s9+s3], $0x190, $0x38;
	[tilespmem:$0x17E40] =	vst v63  }
0x9d: {  	s8 =	sadd.s32 $0x4E2, s8  }
0x9e: {  	[tilespmem:s26], [sflag:$0x4] =	stream.linear.gather [hbm4b:s8+s3], $0x190, $0x38;
	[tilespmem:$0x17E40] =	vst v63  }
0x9f: {  	_ =	swait.ge [sflag:s28], $0x6400  }
0xa0: {  	[sflag:s28] =	ssyncset.done $0x0  }
0xa1: {  	[sflag:s28] =	ssyncadd.s32 $0xFFFF9C00  }
0xa2: {  	_ =	swait.ge [sflag:s29], $0x190  }
0xa3: {  	[sflag:s29] =	ssyncset.done $0x0  }
0xa4: {  	[sflag:s29] =	ssyncadd.s32 $0xFFFFFE70  }
0xa5: {  	_ =	swait.ge [sflag:s29], $0x190  }
0xa6: {  	[sflag:s29] =	ssyncset.done $0x0  }
0xa7: {  	[sflag:s29] =	ssyncadd.s32 $0xFFFFFE70  }
0xa8: {  	[tilespmem:s30], [sflag:$0x2] =	stream.indirect.gather [hbm4b:s4+s23], $0x40, s23, s23, $0xb8;
	[tilespmem:$0x17E40] =	vst v63  }
0xa9: {  	_ = 	snop  }
0xaa: {  	[spmem:s2] =	stream.indirect.scatter.add.f32 [tilespmem:s24], [sflag:$0x5], $0x40, s21, s23, $0xb8;
	[tilespmem:$0x17E40] =	vst v63  }
0xab: {  	_ =	swait.ge [sflag:s20], $0x6400  }
0xac: {  	[sflag:s20] =	ssyncset.done $0x0  }
0xad: {  	s0 =	sadd.s32 $0x4B0, s6;
	[sflag:s20] =	ssyncadd.s32 $0xFFFF9C00  }
0xae: {  	[tilespmem:s3], [sflag:$0x3] =	stream.linear.gather [hbm4b:s0+s3], $0x190, $0x38;
	[tilespmem:$0x17E40] =	vst v63  }
0xaf: {  	s10 =	sadd.s32 $0x4B0, s7  }
0xb0: {  	[tilespmem:s21], [sflag:$0x3] =	stream.linear.gather [hbm4b:s10+s3], $0x190, $0x38;
	[tilespmem:$0x17E40] =	vst v63  }
0xb1: {  	_ =	swait.ge [sflag:s31], $0x6400  }
0xb2: {  	[sflag:s31] =	ssyncset.done $0x0  }
0xb3: {  	[sflag:s31] =	ssyncadd.s32 $0xFFFF9C00  }
0xb4: {  	_ =	swait.ge [sflag:s22], $0x190  }
0xb5: {  	[sflag:s22] =	ssyncset.done $0x0  }
0xb6: {  	[sflag:s22] =	ssyncadd.s32 $0xFFFFFE70  }
0xb7: {  	_ =	swait.ge [sflag:s22], $0x190  }
0xb8: {  	[sflag:s22] =	ssyncset.done $0x0  }
0xb9: {  	[sflag:s22] =	ssyncadd.s32 $0xFFFFFE70  }
0xba: {  	[tilespmem:s24], [sflag:$0x1] =	stream.indirect.gather [hbm4b:s4+s23], $0x40, s3, s23, $0xb8;
	[tilespmem:$0x17E40] =	vst v63  }
0xbb: {  	_ = 	snop  }
0xbc: {  	[spmem:s2] =	stream.indirect.scatter.add.f32 [tilespmem:s30], [sflag:$0x5], $0x40, s26, s23, $0xb8;
	[tilespmem:$0x17E40] =	vst v63  }
0xbd: {  	_ =	swait.ge [sflag:s20], $0x6400  }
0xbe: {  	[sflag:s20] =	ssyncset.done $0x0  }
0xbf: {  	[sflag:s20] =	ssyncadd.s32 $0xFFFF9C00  }
0xc0: {  	_ =	swait.ge [sflag:s28], $0x6400  }
0xc1: {  	[sflag:s28] =	ssyncset.done $0x0  }
0xc2: {  	[sflag:s28] =	ssyncadd.s32 $0xFFFF9C00  }
0xc3: {  	[spmem:s2] =	stream.indirect.scatter.add.f32 [tilespmem:s24], [sflag:$0x5], $0x40, s21, s23, $0xb8;
	[tilespmem:$0x17E40] =	vst v63  }
0xc4: {  	_ =	swait.ge [sflag:s20], $0x6400  }
0xc5: {  	[sflag:s20] =	ssyncset.done $0x0  }
0xc6: {  	s8 =	stileid.u32;
	[sflag:s20] =	ssyncadd.s32 $0xFFFF9C00  }
0xc7: {  	s0 =	sshll.u32 s8, $0x6;
	[bflag:$0x0] =	sbarrier.arrive $0xFFFF  }
0xc8: {  	s0 =	sor.u32 $0x1C05, s0;
	s9 =	rddreg [dreg:$0x3]  }
0xc9: {  	[hbm:s9], [sflag:s0] =	dma.local [spmem:s25], $0x1400  }
0xca: {  	_ =	swait.ge [sflag:s20], $0x1400  }
0xcb: {  	s1 =	sadd.s32 $0x1, s1;
	s10 =	rddreg [dreg:$0x4]  }
0xcc: {  	p0 =	sne.s32 s1, s10  }
.Ltmp2:
0xcd: {  	_ = 	snop;
	(pc) =	sbr.rel @p0 .LBB2_1-.Ltmp2, $3  }
0xce: {  	_ =	sdelay $0x1  }
0xcf: {  	[sflag:s20] =	ssyncset.done $0x0  }
0xd0: {  	[sflag:s20] =	ssyncadd.s32 $0xFFFFEC00  }
0xd1: {  	_ =	sfence.sel $0x180000  }
0xd2: {  	[bflag:$0x0] =	sbarrier.arrive $0xFFFF  }
0xd3: {  	_ =	strace $0x9000004D  }
0xd4: {  	s0 =	stileid.u32;
	[bflag:$0x2] =	sbarrier.arrive $0xFFFF  }
0xd5: {  	p0 =	sne.s32 s0, $0x0;
	s0 =	rddreg [dreg:$0x2]  }
0xd6: {  	s0 =	sadd.s32 @!p0 $0x100000, s0  }
0xd7: {  	[sflag:s0] =	ssyncadd.tile.s32 @!p0 $0x1;
	_ =	shalt  }
.Lfunc_end2:
_tile_overlayer_lowered:
.L_overlay_start_2:
0xd8: {  	(tag) =	ssettag $0x2  }
0xd9: {  	s0 =	rddreg [dreg:$0x0];
	s2 =	stileid.u32  }
0xda: {  	s1 =	rddreg [dreg:$0x1];
	p0 =	sne.s32 s2, $0x0  }
0xdb: {  	s3 =	rddreg [dreg:$0x2];
	[bflag:$0x3] =	sbarrier.arrive $0xFFFF;
	s2 =	simm.s32 @!p0 $0x1C05  }
0xdc: {  	[timem:s3], [sflag:s2] =	dma.local @!p0 [hbm:s0], s1  }
0xdd: {  	s0 =	simm.s32 @!p0 $0x5  }
0xde: {  	_ =	swait.ge @!p0 [sflag:s0], s1  }
0xdf: {  	s1 =	ssub.s32 @!p0 $0x0, s1;
	[sflag:s0] =	ssyncset.done @!p0 $0x0  }
0xe0: {  	[sflag:s0] =	ssyncadd.s32 @!p0 s1  }
0xe1: {  	[bflag:$0x3] =	sbarrier.arrive $0xFFFF  }
0xe2: {  	_ =	shalt  }

</sc_bundles>
